<compile_context>
chip_gen: v7x
topology: tpu7x:2x2x1
jax: 0.10.2.dev20260603
libtpu: 0.0.44.dev20260713+nightly
codegen_flags: <defaults>
</compile_context>

<pallas_src>
import functools
import math

import jax
import jax.numpy as jnp
from jax import lax
from jax.experimental import pallas as pl
from jax.experimental.pallas import tpu as pltpu
from jax.experimental.pallas import tpu_sc as plsc

NC = 2
NS = 16
NW = NC * NS
N_TOK = 4096 * 200
PER_W = N_TOK // NW
CHUNK = 128
NCH = PER_W // CHUNK
IDX_ROWS = PER_W // 128
D_MODEL = 64
UNROLL = 4


def _rsqrt(y):
    i = lax.bitcast_convert_type(y, jnp.int32)
    i = jnp.int32(0x5F3759DF) - lax.shift_right_arithmetic(i, 1)
    r = lax.bitcast_convert_type(i, jnp.float32)
    for _ in range(2):
        r = r * (1.5 - 0.5 * y * r * r)
    return r


def _body(x_r, tab_r, gb_r, out_r,
          idxv, rows0, rows1, outb0, outb1, gbv,
          sem_g0, sem_g1, sem_o0, sem_o1):
    wid = lax.axis_index("s") * NC + lax.axis_index("c")
    pltpu.sync_copy(x_r.at[wid], idxv)
    pltpu.sync_copy(gb_r, gbv)
    wbase = wid * PER_W
    gs = [gbv[0, pl.ds(j * 16, 16)] for j in range(4)]
    bs = [gbv[0, pl.ds(64 + j * 16, 16)] for j in range(4)]

    rows = (rows0, rows1)
    outs = (outb0, outb1)
    sgs = (sem_g0, sem_g1)
    sos = (sem_o0, sem_o1)

    def issue_gather(k, b):
        pltpu.async_copy(tab_r.at[idxv.at[k]], rows[b], sgs[b])

    def wait_gather(b):
        pltpu.make_async_copy(tab_r.at[pl.ds(0, 128)], rows[b],
                              sgs[b]).wait()

    def issue_out(k, b):
        pltpu.async_copy(outs[b], out_r.at[pl.ds(wbase + k * CHUNK, CHUNK)],
                         sos[b])

    def wait_out(b):
        pltpu.make_async_copy(outs[b], out_r.at[pl.ds(wbase, CHUNK)],
                              sos[b]).wait()

    def tokens(ti, k, rb=None, ob=None):
        for u in range(UNROLL):
            t = UNROLL * ti + u
            vs = [rb[t, pl.ds(j * 16, 16)] for j in range(4)]
            s4 = (vs[0] + vs[1]) + (vs[2] + vs[3])
            q4 = (vs[0] * vs[0] + vs[1] * vs[1]) + (vs[2] * vs[2]
                                                    + vs[3] * vs[3])
            mean = lax.broadcast_in_dim(jnp.sum(s4), (16,), ()) * (1.0 / 64)
            qv = lax.broadcast_in_dim(jnp.sum(q4), (16,), ()) * (1.0 / 64)
            rq = _rsqrt(qv - mean * mean + 1e-5)
            for j in range(4):
                o = (vs[j] - mean) * (gs[j] * rq) + bs[j]
                ob[t, pl.ds(j * 16, 16)] = o
        return k

    def compute(k, b):
        lax.fori_loop(0, CHUNK // UNROLL,
                      functools.partial(tokens, rb=rows[b], ob=outs[b]), k)

    issue_gather(0, 0)
    issue_gather(1, 1)
    for k in (0, 1):
        b = k & 1
        wait_gather(b)
        compute(k, b)
        issue_out(k, b)
        issue_gather(k + 2, b)

    def middle(j, _):
        for b in range(2):
            k = 2 * j + b
            wait_gather(b)
            wait_out(b)
            compute(k, b)
            issue_out(k, b)
            issue_gather(k + 2, b)
        return _

    lax.fori_loop(1, NCH // 2 - 1, middle, 0)

    for k in (NCH - 2, NCH - 1):
        b = k & 1
        wait_gather(b)
        wait_out(b)
        compute(k, b)
        issue_out(k, b)
    wait_out(0)
    wait_out(1)


_mesh = plsc.VectorSubcoreMesh(core_axis_name="c", subcore_axis_name="s",
                               num_cores=NC, num_subcores=NS)

_sc_call = functools.partial(
    pl.kernel,
    out_type=jax.ShapeDtypeStruct((N_TOK, D_MODEL), jnp.float32),
    mesh=_mesh,
    compiler_params=pltpu.CompilerParams(
        needs_layout_passes=False, use_tc_tiling_on_sc=True),
    scratch_types=[
        pltpu.VMEM((IDX_ROWS, 128), jnp.int32),
        pltpu.VMEM((CHUNK, 128), jnp.float32),
        pltpu.VMEM((CHUNK, 128), jnp.float32),
        pltpu.VMEM((CHUNK, D_MODEL), jnp.float32),
        pltpu.VMEM((CHUNK, D_MODEL), jnp.float32),
        pltpu.VMEM((1, 128), jnp.float32),
        pltpu.SemaphoreType.DMA,
        pltpu.SemaphoreType.DMA,
        pltpu.SemaphoreType.DMA,
        pltpu.SemaphoreType.DMA,
    ],
)(_body)


def kernel(x, token_table, type_table, ln_gamma, ln_beta):
    scale = math.sqrt(D_MODEL)
    xr = x.reshape(NW, IDX_ROWS, 128)
    nrows = token_table.shape[0]
    ids = lax.iota(jnp.int32, nrows)[:, None]
    type_rows = jnp.zeros((nrows, 8), jnp.float32)
    for i, lo in enumerate((0, 50000, 60000, 80000)):
        type_rows = jnp.where(
            (ids >= lo), jnp.broadcast_to(type_table[i], (nrows, 8)),
            type_rows)
    table128 = jnp.concatenate(
        [token_table, type_rows, jnp.zeros((nrows, 64), jnp.float32)], axis=1)
    g_b = jnp.concatenate([ln_gamma, ln_beta]).reshape(1, 128) * scale
    out = _sc_call(xr, table128, g_b)
    return out.reshape(4096, 200, D_MODEL)

# --- scband reference (transcript-rebuilt; emitter-appended) ---
"""Pipeline reference for scband-musical-embedding-33715493274183 (READ-ONLY COPY).

The authoritative reference and input builder live on the scoring server;
editing this copy changes nothing except your own understanding.
"""

import jax, jax.numpy as jnp
import numpy as np
import math

VOCAB = 100000
D_MODEL = 64
N_TYPES = 4
TYPE_RANGES = [(0, 50000), (50000, 60000), (60000, 80000), (80000, 100000)]


def setup_inputs(seed: int = 0) -> dict:
    key = jax.random.key(seed)
    k1, k2, k3 = jax.random.split(key, 3)
    x = jax.random.randint(k1, (4096, 200), 0, VOCAB)
    token_table = jax.random.normal(k2, (VOCAB, D_MODEL - 8), dtype=jnp.float32) * math.sqrt(2.0 / (D_MODEL - 8))
    type_table = jax.random.normal(k3, (N_TYPES, 8), dtype=jnp.float32) * math.sqrt(2.0 / 8)
    ln_gamma = jnp.ones((D_MODEL,), dtype=jnp.float32)
    ln_beta = jnp.zeros((D_MODEL,), dtype=jnp.float32)
    return {"x": x, "token_table": token_table, "type_table": type_table, "ln_gamma": ln_gamma, "ln_beta": ln_beta}


def _token_type_indices(x):
    # vectorized equivalent of the per-token _get_token_type loop
    type_idx = jnp.zeros_like(x)
    for i, (start, end) in enumerate(TYPE_RANGES):
        type_idx = jnp.where((x >= start) & (x < end), i, type_idx)
    return type_idx


def reference(x, token_table, type_table, ln_gamma, ln_beta):
    token_emb = jnp.take(token_table, x, axis=0)                # [B, S, d_model-8] gather
    type_idx = _token_type_indices(x)
    type_emb = jnp.take(type_table, type_idx, axis=0)           # [B, S, 8] gather
    combined = jnp.concatenate([token_emb, type_emb], axis=-1)  # [B, S, d_model]
    mean = jnp.mean(combined, axis=-1, keepdims=True)
    var = jnp.var(combined, axis=-1, keepdims=True)
    normed = (combined - mean) / jnp.sqrt(var + 1e-5)
    out = normed * ln_gamma + ln_beta
    # dropout is identity in eval mode
    return out * math.sqrt(D_MODEL)

if __name__ == "__main__":
    import jax
    _d = setup_inputs()
    print(jax.jit(kernel)(*tuple(_d.values())))

</pallas_src>

<mosaic_0001>
#map = affine_map<(d0, d1) -> (0, 0, 0)>
#map1 = affine_map<(d0, d1) -> (0, 0)>
module attributes {stable_mosaic.version = 14 : i64} {
  func.func @_body(%arg0: i32, %arg1: i32, %arg2: memref<32x200x128xi32, #tpu.memory_space<hbm>>, %arg3: memref<100000x128xf32, #tpu.memory_space<hbm>>, %arg4: memref<1x128xf32, #tpu.memory_space<hbm>>, %arg5: memref<819200x64xf32, #tpu.memory_space<hbm>>, %arg6: memref<200x128xi32, #tpu.memory_space<vmem>>, %arg7: memref<128x128xf32, #tpu.memory_space<vmem>>, %arg8: memref<128x128xf32, #tpu.memory_space<vmem>>, %arg9: memref<128x64xf32, #tpu.memory_space<vmem>>, %arg10: memref<128x64xf32, #tpu.memory_space<vmem>>, %arg11: memref<1x128xf32, #tpu.memory_space<vmem>>, %arg12: memref<!tpu.dma_semaphore, #tpu.memory_space<semaphore_mem>>, %arg13: memref<!tpu.dma_semaphore, #tpu.memory_space<semaphore_mem>>, %arg14: memref<!tpu.dma_semaphore, #tpu.memory_space<semaphore_mem>>, %arg15: memref<!tpu.dma_semaphore, #tpu.memory_space<semaphore_mem>>) attributes {dimension_semantics = [#tpu.dimension_semantics<core_parallel>, #tpu.dimension_semantics<subcore_parallel>], iteration_bounds = array<i64: 2, 16>, scalar_prefetch = 0 : i64, scratch_operands = 10 : i64, tpu.core_type = #tpu.core_type<sc_vector_subcore>, window_params = [{transform_indices = #map}, {transform_indices = #map1}, {transform_indices = #map1}, {transform_indices = #map1}]} {
    %mul3A = arith.constant 2 : i32
    %mul3A_0 = arith.muli %arg1, %mul3A : i32
    %add3A = arith.addi %mul3A_0, %arg0 : i32
    "tpu.region"() ({
      %run_scoped3A = tpu.sem_alloc : memref<!tpu.dma_semaphore, #tpu.memory_space<semaphore_mem>>
      %dma_start3A_153 = arith.constant 0 : i32
      %dma_start3A_154 = arith.constant 0 : i32
      %dma_start3A_155 = tpu.memref_slice %arg2[%add3A, %dma_start3A_153, %dma_start3A_154] : memref<32x200x128xi32, #tpu.memory_space<hbm>> -> memref<1x200x128xi32, #tpu.memory_space<hbm>>
      %dma_start3A_156 = tpu.memref_squeeze %dma_start3A_155 : memref<1x200x128xi32, #tpu.memory_space<hbm>> -> memref<200x128xi32, #tpu.memory_space<hbm>>
      %dma_start3A_157 = arith.constant 0 : i32
      %dma_start3A_158 = arith.constant 0 : i32
      %dma_start3A_159 = tpu.memref_slice %arg2[%add3A, %dma_start3A_157, %dma_start3A_158] : memref<32x200x128xi32, #tpu.memory_space<hbm>> -> memref<1x200x128xi32, #tpu.memory_space<hbm>>
      %dma_start3A_160 = tpu.memref_squeeze %dma_start3A_159 : memref<1x200x128xi32, #tpu.memory_space<hbm>> -> memref<200x128xi32, #tpu.memory_space<hbm>>
      tpu.enqueue_dma source(%dma_start3A_160 : memref<200x128xi32, #tpu.memory_space<hbm>>) target(%arg6 : memref<200x128xi32, #tpu.memory_space<vmem>>) target_semaphore(%run_scoped3A : memref<!tpu.dma_semaphore, #tpu.memory_space<semaphore_mem>>)
      %dma_wait3A_161 = arith.constant 0 : i32
      %dma_wait3A_162 = arith.constant 0 : i32
      %dma_wait3A_163 = tpu.memref_slice %arg2[%add3A, %dma_wait3A_161, %dma_wait3A_162] : memref<32x200x128xi32, #tpu.memory_space<hbm>> -> memref<1x200x128xi32, #tpu.memory_space<hbm>>
      %dma_wait3A_164 = tpu.memref_squeeze %dma_wait3A_163 : memref<1x200x128xi32, #tpu.memory_space<hbm>> -> memref<200x128xi32, #tpu.memory_space<hbm>>
      %dma_wait3A_165 = arith.constant 0 : i32
      %dma_wait3A_166 = arith.constant 0 : i32
      %dma_wait3A_167 = tpu.memref_slice %arg2[%add3A, %dma_wait3A_165, %dma_wait3A_166] : memref<32x200x128xi32, #tpu.memory_space<hbm>> -> memref<1x200x128xi32, #tpu.memory_space<hbm>>
      %dma_wait3A_168 = tpu.memref_squeeze %dma_wait3A_167 : memref<1x200x128xi32, #tpu.memory_space<hbm>> -> memref<200x128xi32, #tpu.memory_space<hbm>>
      tpu.wait_dma2 semaphore(%run_scoped3A : memref<!tpu.dma_semaphore, #tpu.memory_space<semaphore_mem>>) src(%dma_wait3A_168 : memref<200x128xi32, #tpu.memory_space<hbm>>) dst(%arg6 : memref<200x128xi32, #tpu.memory_space<vmem>>)
      tpu.yield
    }) : () -> ()
    "tpu.region"() ({
      %run_scoped3A = tpu.sem_alloc : memref<!tpu.dma_semaphore, #tpu.memory_space<semaphore_mem>>
      tpu.enqueue_dma source(%arg4 : memref<1x128xf32, #tpu.memory_space<hbm>>) target(%arg11 : memref<1x128xf32, #tpu.memory_space<vmem>>) target_semaphore(%run_scoped3A : memref<!tpu.dma_semaphore, #tpu.memory_space<semaphore_mem>>)
      tpu.wait_dma2 semaphore(%run_scoped3A : memref<!tpu.dma_semaphore, #tpu.memory_space<semaphore_mem>>) src(%arg4 : memref<1x128xf32, #tpu.memory_space<hbm>>) dst(%arg11 : memref<1x128xf32, #tpu.memory_space<vmem>>)
      tpu.yield
    }) : () -> ()
    %mul3A_1 = arith.constant 25600 : i32
    %mul3A_2 = arith.muli %add3A, %mul3A_1 : i32
    %get3A = arith.constant 0 : i32
    %get3A_3 = arith.index_cast %get3A : i32 to index
    %get3A_4 = arith.constant 0 : index
    %get3A_5 = tpu.vector_load %arg11[%get3A_3, %get3A_4] {strides = array<i32>} : memref<1x128xf32, #tpu.memory_space<vmem>>, vector<16xf32>,
    %get3A_6 = arith.constant 0 : i32
    %get3A_7 = arith.index_cast %get3A_6 : i32 to index
    %get3A_8 = arith.constant 16 : index
    %get3A_9 = tpu.vector_load %arg11[%get3A_7, %get3A_8] {strides = array<i32>} : memref<1x128xf32, #tpu.memory_space<vmem>>, vector<16xf32>,
    %get3A_10 = arith.constant 0 : i32
    %get3A_11 = arith.index_cast %get3A_10 : i32 to index
    %get3A_12 = arith.constant 32 : index
    %get3A_13 = tpu.vector_load %arg11[%get3A_11, %get3A_12] {strides = array<i32>} : memref<1x128xf32, #tpu.memory_space<vmem>>, vector<16xf32>,
    %get3A_14 = arith.constant 0 : i32
    %get3A_15 = arith.index_cast %get3A_14 : i32 to index
    %get3A_16 = arith.constant 48 : index
    %get3A_17 = tpu.vector_load %arg11[%get3A_15, %get3A_16] {strides = array<i32>} : memref<1x128xf32, #tpu.memory_space<vmem>>, vector<16xf32>,
    %get3A_18 = arith.constant 0 : i32
    %get3A_19 = arith.index_cast %get3A_18 : i32 to index
    %get3A_20 = arith.constant 64 : index
    %get3A_21 = tpu.vector_load %arg11[%get3A_19, %get3A_20] {strides = array<i32>} : memref<1x128xf32, #tpu.memory_space<vmem>>, vector<16xf32>,
    %get3A_22 = arith.constant 0 : i32
    %get3A_23 = arith.index_cast %get3A_22 : i32 to index
    %get3A_24 = arith.constant 80 : index
    %get3A_25 = tpu.vector_load %arg11[%get3A_23, %get3A_24] {strides = array<i32>} : memref<1x128xf32, #tpu.memory_space<vmem>>, vector<16xf32>,
    %get3A_26 = arith.constant 0 : i32
    %get3A_27 = arith.index_cast %get3A_26 : i32 to index
    %get3A_28 = arith.constant 96 : index
    %get3A_29 = tpu.vector_load %arg11[%get3A_27, %get3A_28] {strides = array<i32>} : memref<1x128xf32, #tpu.memory_space<vmem>>, vector<16xf32>,
    %get3A_30 = arith.constant 0 : i32
    %get3A_31 = arith.index_cast %get3A_30 : i32 to index
    %get3A_32 = arith.constant 112 : index
    %get3A_33 = tpu.vector_load %arg11[%get3A_31, %get3A_32] {strides = array<i32>} : memref<1x128xf32, #tpu.memory_space<vmem>>, vector<16xf32>,
    %dma_start3A = arith.constant 0 : i32
    %dma_start3A_34 = arith.constant 0 : i32
    %dma_start3A_35 = tpu.memref_slice %arg6[%dma_start3A, %dma_start3A_34] : memref<200x128xi32, #tpu.memory_space<vmem>> -> memref<1x128xi32, #tpu.memory_space<vmem>>
    %dma_start3A_36 = tpu.memref_squeeze %dma_start3A_35 : memref<1x128xi32, #tpu.memory_space<vmem>> -> memref<128xi32, #tpu.memory_space<vmem>>
    %dma_start3A_37 = arith.constant 0 : i32
    %dma_start3A_38 = arith.constant 0 : i32
    %dma_start3A_39 = tpu.memref_slice %arg3[%dma_start3A_37, %dma_start3A_38] : memref<100000x128xf32, #tpu.memory_space<hbm>> -> memref<100000x128xf32, #tpu.memory_space<hbm>>
    tpu.enqueue_indirect_dma source(%dma_start3A_39 : memref<100000x128xf32, #tpu.memory_space<hbm>>) target(%arg7 : memref<128x128xf32, #tpu.memory_space<vmem>>) offsets(%dma_start3A_36 : memref<128xi32, #tpu.memory_space<vmem>>) semaphore(%arg12 : memref<!tpu.dma_semaphore, #tpu.memory_space<semaphore_mem>>)
    %dma_start3A_40 = arith.constant 1 : i32
    %dma_start3A_41 = arith.constant 0 : i32
    %dma_start3A_42 = tpu.memref_slice %arg6[%dma_start3A_40, %dma_start3A_41] : memref<200x128xi32, #tpu.memory_space<vmem>> -> memref<1x128xi32, #tpu.memory_space<vmem>>
    %dma_start3A_43 = tpu.memref_squeeze %dma_start3A_42 : memref<1x128xi32, #tpu.memory_space<vmem>> -> memref<128xi32, #tpu.memory_space<vmem>>
    %dma_start3A_44 = arith.constant 0 : i32
    %dma_start3A_45 = arith.constant 0 : i32
    %dma_start3A_46 = tpu.memref_slice %arg3[%dma_start3A_44, %dma_start3A_45] : memref<100000x128xf32, #tpu.memory_space<hbm>> -> memref<100000x128xf32, #tpu.memory_space<hbm>>
    tpu.enqueue_indirect_dma source(%dma_start3A_46 : memref<100000x128xf32, #tpu.memory_space<hbm>>) target(%arg8 : memref<128x128xf32, #tpu.memory_space<vmem>>) offsets(%dma_start3A_43 : memref<128xi32, #tpu.memory_space<vmem>>) semaphore(%arg13 : memref<!tpu.dma_semaphore, #tpu.memory_space<semaphore_mem>>)
    %dma_wait3A = arith.constant 0 : i32
    %dma_wait3A_47 = arith.constant 0 : i32
    %dma_wait3A_48 = tpu.memref_slice %arg3[%dma_wait3A, %dma_wait3A_47] : memref<100000x128xf32, #tpu.memory_space<hbm>> -> memref<128x128xf32, #tpu.memory_space<hbm>>
    %dma_wait3A_49 = arith.constant 0 : i32
    %dma_wait3A_50 = arith.constant 0 : i32
    %dma_wait3A_51 = tpu.memref_slice %arg3[%dma_wait3A_49, %dma_wait3A_50] : memref<100000x128xf32, #tpu.memory_space<hbm>> -> memref<128x128xf32, #tpu.memory_space<hbm>>
    tpu.wait_dma2 semaphore(%arg12 : memref<!tpu.dma_semaphore, #tpu.memory_space<semaphore_mem>>) src(%dma_wait3A_51 : memref<128x128xf32, #tpu.memory_space<hbm>>) dst(%arg7 : memref<128x128xf32, #tpu.memory_space<vmem>>)
    %scan3A = arith.constant 0 : i32
    %scan3A_52 = arith.constant 0 : i32
    %scan3A_53 = arith.constant 32 : i32
    %scan3A_54 = arith.addi %scan3A_52, %scan3A_53 : i32
    %scan3A_55 = arith.constant 1 : i32
    scf.for %scan3A_153 = %scan3A_52 to %scan3A_54 step %scan3A_55  : i32 {
      %mul3A_154 = arith.constant 4 : i32
      %mul3A_155 = arith.muli %mul3A_154, %scan3A_153 : i32
      %add3A_156 = arith.constant 0 : i32
      %add3A_157 = arith.addi %mul3A_155, %add3A_156 : i32
      %get3A_158 = arith.index_cast %add3A_157 : i32 to index
      %get3A_159 = arith.constant 0 : index
      %get3A_160 = tpu.vector_load %arg7[%get3A_158, %get3A_159] {strides = array<i32>} : memref<128x128xf32, #tpu.memory_space<vmem>>, vector<16xf32>,
      %get3A_161 = arith.index_cast %add3A_157 : i32 to index
      %get3A_162 = arith.constant 16 : index
      %get3A_163 = tpu.vector_load %arg7[%get3A_161, %get3A_162] {strides = array<i32>} : memref<128x128xf32, #tpu.memory_space<vmem>>, vector<16xf32>,
      %get3A_164 = arith.index_cast %add3A_157 : i32 to index
      %get3A_165 = arith.constant 32 : index
      %get3A_166 = tpu.vector_load %arg7[%get3A_164, %get3A_165] {strides = array<i32>} : memref<128x128xf32, #tpu.memory_space<vmem>>, vector<16xf32>,
      %get3A_167 = arith.index_cast %add3A_157 : i32 to index
      %get3A_168 = arith.constant 48 : index
      %get3A_169 = tpu.vector_load %arg7[%get3A_167, %get3A_168] {strides = array<i32>} : memref<128x128xf32, #tpu.memory_space<vmem>>, vector<16xf32>,
      %add3A_170 = arith.addf %get3A_160, %get3A_163 : vector<16xf32>
      %add3A_171 = arith.addf %get3A_166, %get3A_169 : vector<16xf32>
      %add3A_172 = arith.addf %add3A_170, %add3A_171 : vector<16xf32>
      %mul3A_173 = arith.mulf %get3A_160, %get3A_160 : vector<16xf32>
      %mul3A_174 = arith.mulf %get3A_163, %get3A_163 : vector<16xf32>
      %add3A_175 = arith.addf %mul3A_173, %mul3A_174 : vector<16xf32>
      %mul3A_176 = arith.mulf %get3A_166, %get3A_166 : vector<16xf32>
      %mul3A_177 = arith.mulf %get3A_169, %get3A_169 : vector<16xf32>
      %add3A_178 = arith.addf %mul3A_176, %mul3A_177 : vector<16xf32>
      %add3A_179 = arith.addf %add3A_175, %add3A_178 : vector<16xf32>
      %reduce_sum3A = arith.constant true
      %reduce_sum3A_180 = vector.broadcast %reduce_sum3A : i1 to vector<16xi1>
      %reduce_sum3A_181 = tpu.scan <sum>, %add3A_172 masked %reduce_sum3A_180 : vector<16xf32>, vector<16xi1> -> vector<16xf32>
      %reduce_sum3A_182 = vector.extract %reduce_sum3A_181[15] : f32 from vector<16xf32>
      %broadcast_in_dim3A = vector.broadcast %reduce_sum3A_182 : f32 to vector<16xf32>
      %mul3A_183 = arith.constant 1.562500e-02 : f32
      %mul3A_184 = vector.broadcast %mul3A_183 : f32 to vector<16xf32>
      %mul3A_185 = arith.mulf %broadcast_in_dim3A, %mul3A_184 : vector<16xf32>
      %reduce_sum3A_186 = arith.constant true
      %reduce_sum3A_187 = vector.broadcast %reduce_sum3A_186 : i1 to vector<16xi1>
      %reduce_sum3A_188 = tpu.scan <sum>, %add3A_179 masked %reduce_sum3A_187 : vector<16xf32>, vector<16xi1> -> vector<16xf32>
      %reduce_sum3A_189 = vector.extract %reduce_sum3A_188[15] : f32 from vector<16xf32>
      %broadcast_in_dim3A_190 = vector.broadcast %reduce_sum3A_189 : f32 to vector<16xf32>
      %mul3A_191 = arith.constant 1.562500e-02 : f32
      %mul3A_192 = vector.broadcast %mul3A_191 : f32 to vector<16xf32>
      %mul3A_193 = arith.mulf %broadcast_in_dim3A_190, %mul3A_192 : vector<16xf32>
      %mul3A_194 = arith.mulf %mul3A_185, %mul3A_185 : vector<16xf32>
      %sub3A = arith.subf %mul3A_193, %mul3A_194 : vector<16xf32>
      %add3A_195 = arith.constant 9.99999974E-6 : f32
      %add3A_196 = vector.broadcast %add3A_195 : f32 to vector<16xf32>
      %add3A_197 = arith.addf %sub3A, %add3A_196 : vector<16xf32>
      %bitcast_convert_type3A = tpu.bitcast %add3A_197 : vector<16xf32> -> vector<16xi32>
      %shift_right_arithmetic3A = arith.constant 1 : i32
      %shift_right_arithmetic3A_198 = vector.broadcast %shift_right_arithmetic3A : i32 to vector<16xi32>
      %shift_right_arithmetic3A_199 = arith.shrsi %bitcast_convert_type3A, %shift_right_arithmetic3A_198 : vector<16xi32>
      %sub3A_200 = arith.constant 1597463007 : i32
      %sub3A_201 = vector.broadcast %sub3A_200 : i32 to vector<16xi32>
      %sub3A_202 = arith.subi %sub3A_201, %shift_right_arithmetic3A_199 : vector<16xi32>
      %bitcast_convert_type3A_203 = tpu.bitcast %sub3A_202 : vector<16xi32> -> vector<16xf32>
      %mul3A_204 = arith.constant 5.000000e-01 : f32
      %mul3A_205 = vector.broadcast %mul3A_204 : f32 to vector<16xf32>
      %mul3A_206 = arith.mulf %mul3A_205, %add3A_197 : vector<16xf32>
      %mul3A_207 = arith.mulf %mul3A_206, %bitcast_convert_type3A_203 : vector<16xf32>
      %mul3A_208 = arith.mulf %mul3A_207, %bitcast_convert_type3A_203 : vector<16xf32>
      %sub3A_209 = arith.constant 1.500000e+00 : f32
      %sub3A_210 = vector.broadcast %sub3A_209 : f32 to vector<16xf32>
      %sub3A_211 = arith.subf %sub3A_210, %mul3A_208 : vector<16xf32>
      %mul3A_212 = arith.mulf %bitcast_convert_type3A_203, %sub3A_211 : vector<16xf32>
      %mul3A_213 = arith.constant 5.000000e-01 : f32
      %mul3A_214 = vector.broadcast %mul3A_213 : f32 to vector<16xf32>
      %mul3A_215 = arith.mulf %mul3A_214, %add3A_197 : vector<16xf32>
      %mul3A_216 = arith.mulf %mul3A_215, %mul3A_212 : vector<16xf32>
      %mul3A_217 = arith.mulf %mul3A_216, %mul3A_212 : vector<16xf32>
      %sub3A_218 = arith.constant 1.500000e+00 : f32
      %sub3A_219 = vector.broadcast %sub3A_218 : f32 to vector<16xf32>
      %sub3A_220 = arith.subf %sub3A_219, %mul3A_217 : vector<16xf32>
      %mul3A_221 = arith.mulf %mul3A_212, %sub3A_220 : vector<16xf32>
      %sub3A_222 = arith.subf %get3A_160, %mul3A_185 : vector<16xf32>
      %mul3A_223 = arith.mulf %get3A_5, %mul3A_221 : vector<16xf32>
      %mul3A_224 = arith.mulf %sub3A_222, %mul3A_223 : vector<16xf32>
      %add3A_225 = arith.addf %mul3A_224, %get3A_21 : vector<16xf32>
      %swap3A = arith.index_cast %add3A_157 : i32 to index
      %swap3A_226 = arith.constant 0 : index
      %swap3A_227 = tpu.vector_load %arg9[%swap3A, %swap3A_226] {strides = array<i32>} : memref<128x64xf32, #tpu.memory_space<vmem>>, vector<16xf32>,
      tpu.vector_store %arg9[%swap3A, %swap3A_226], %add3A_225 {strides = array<i32>} : memref<128x64xf32, #tpu.memory_space<vmem>>, vector<16xf32>,
      %sub3A_228 = arith.subf %get3A_163, %mul3A_185 : vector<16xf32>
      %mul3A_229 = arith.mulf %get3A_9, %mul3A_221 : vector<16xf32>
      %mul3A_230 = arith.mulf %sub3A_228, %mul3A_229 : vector<16xf32>
      %add3A_231 = arith.addf %mul3A_230, %get3A_25 : vector<16xf32>
      %swap3A_232 = arith.index_cast %add3A_157 : i32 to index
      %swap3A_233 = arith.constant 16 : index
      %swap3A_234 = tpu.vector_load %arg9[%swap3A_232, %swap3A_233] {strides = array<i32>} : memref<128x64xf32, #tpu.memory_space<vmem>>, vector<16xf32>,
      tpu.vector_store %arg9[%swap3A_232, %swap3A_233], %add3A_231 {strides = array<i32>} : memref<128x64xf32, #tpu.memory_space<vmem>>, vector<16xf32>,
      %sub3A_235 = arith.subf %get3A_166, %mul3A_185 : vector<16xf32>
      %mul3A_236 = arith.mulf %get3A_13, %mul3A_221 : vector<16xf32>
      %mul3A_237 = arith.mulf %sub3A_235, %mul3A_236 : vector<16xf32>
      %add3A_238 = arith.addf %mul3A_237, %get3A_29 : vector<16xf32>
      %swap3A_239 = arith.index_cast %add3A_157 : i32 to index
      %swap3A_240 = arith.constant 32 : index
      %swap3A_241 = tpu.vector_load %arg9[%swap3A_239, %swap3A_240] {strides = array<i32>} : memref<128x64xf32, #tpu.memory_space<vmem>>, vector<16xf32>,
      tpu.vector_store %arg9[%swap3A_239, %swap3A_240], %add3A_238 {strides = array<i32>} : memref<128x64xf32, #tpu.memory_space<vmem>>, vector<16xf32>,
      %sub3A_242 = arith.subf %get3A_169, %mul3A_185 : vector<16xf32>
      %mul3A_243 = arith.mulf %get3A_17, %mul3A_221 : vector<16xf32>
      %mul3A_244 = arith.mulf %sub3A_242, %mul3A_243 : vector<16xf32>
      %add3A_245 = arith.addf %mul3A_244, %get3A_33 : vector<16xf32>
      %swap3A_246 = arith.index_cast %add3A_157 : i32 to index
      %swap3A_247 = arith.constant 48 : index
      %swap3A_248 = tpu.vector_load %arg9[%swap3A_246, %swap3A_247] {strides = array<i32>} : memref<128x64xf32, #tpu.memory_space<vmem>>, vector<16xf32>,
      tpu.vector_store %arg9[%swap3A_246, %swap3A_247], %add3A_245 {strides = array<i32>} : memref<128x64xf32, #tpu.memory_space<vmem>>, vector<16xf32>,
      %mul3A_249 = arith.constant 4 : i32
      %mul3A_250 = arith.muli %mul3A_249, %scan3A_153 : i32
      %add3A_251 = arith.constant 1 : i32
      %add3A_252 = arith.addi %mul3A_250, %add3A_251 : i32
      %get3A_253 = arith.index_cast %add3A_252 : i32 to index
      %get3A_254 = arith.constant 0 : index
      %get3A_255 = tpu.vector_load %arg7[%get3A_253, %get3A_254] {strides = array<i32>} : memref<128x128xf32, #tpu.memory_space<vmem>>, vector<16xf32>,
      %get3A_256 = arith.index_cast %add3A_252 : i32 to index
      %get3A_257 = arith.constant 16 : index
      %get3A_258 = tpu.vector_load %arg7[%get3A_256, %get3A_257] {strides = array<i32>} : memref<128x128xf32, #tpu.memory_space<vmem>>, vector<16xf32>,
      %get3A_259 = arith.index_cast %add3A_252 : i32 to index
      %get3A_260 = arith.constant 32 : index
      %get3A_261 = tpu.vector_load %arg7[%get3A_259, %get3A_260] {strides = array<i32>} : memref<128x128xf32, #tpu.memory_space<vmem>>, vector<16xf32>,
      %get3A_262 = arith.index_cast %add3A_252 : i32 to index
      %get3A_263 = arith.constant 48 : index
      %get3A_264 = tpu.vector_load %arg7[%get3A_262, %get3A_263] {strides = array<i32>} : memref<128x128xf32, #tpu.memory_space<vmem>>, vector<16xf32>,
      %add3A_265 = arith.addf %get3A_255, %get3A_258 : vector<16xf32>
      %add3A_266 = arith.addf %get3A_261, %get3A_264 : vector<16xf32>
      %add3A_267 = arith.addf %add3A_265, %add3A_266 : vector<16xf32>
      %mul3A_268 = arith.mulf %get3A_255, %get3A_255 : vector<16xf32>
      %mul3A_269 = arith.mulf %get3A_258, %get3A_258 : vector<16xf32>
      %add3A_270 = arith.addf %mul3A_268, %mul3A_269 : vector<16xf32>
      %mul3A_271 = arith.mulf %get3A_261, %get3A_261 : vector<16xf32>
      %mul3A_272 = arith.mulf %get3A_264, %get3A_264 : vector<16xf32>
      %add3A_273 = arith.addf %mul3A_271, %mul3A_272 : vector<16xf32>
      %add3A_274 = arith.addf %add3A_270, %add3A_273 : vector<16xf32>
      %reduce_sum3A_275 = arith.constant true
      %reduce_sum3A_276 = vector.broadcast %reduce_sum3A_275 : i1 to vector<16xi1>
      %reduce_sum3A_277 = tpu.scan <sum>, %add3A_267 masked %reduce_sum3A_276 : vector<16xf32>, vector<16xi1> -> vector<16xf32>
      %reduce_sum3A_278 = vector.extract %reduce_sum3A_277[15] : f32 from vector<16xf32>
      %broadcast_in_dim3A_279 = vector.broadcast %reduce_sum3A_278 : f32 to vector<16xf32>
      %mul3A_280 = arith.constant 1.562500e-02 : f32
      %mul3A_281 = vector.broadcast %mul3A_280 : f32 to vector<16xf32>
      %mul3A_282 = arith.mulf %broadcast_in_dim3A_279, %mul3A_281 : vector<16xf32>
      %reduce_sum3A_283 = arith.constant true
      %reduce_sum3A_284 = vector.broadcast %reduce_sum3A_283 : i1 to vector<16xi1>
      %reduce_sum3A_285 = tpu.scan <sum>, %add3A_274 masked %reduce_sum3A_284 : vector<16xf32>, vector<16xi1> -> vector<16xf32>
      %reduce_sum3A_286 = vector.extract %reduce_sum3A_285[15] : f32 from vector<16xf32>
      %broadcast_in_dim3A_287 = vector.broadcast %reduce_sum3A_286 : f32 to vector<16xf32>
      %mul3A_288 = arith.constant 1.562500e-02 : f32
      %mul3A_289 = vector.broadcast %mul3A_288 : f32 to vector<16xf32>
      %mul3A_290 = arith.mulf %broadcast_in_dim3A_287, %mul3A_289 : vector<16xf32>
      %mul3A_291 = arith.mulf %mul3A_282, %mul3A_282 : vector<16xf32>
      %sub3A_292 = arith.subf %mul3A_290, %mul3A_291 : vector<16xf32>
      %add3A_293 = arith.constant 9.99999974E-6 : f32
      %add3A_294 = vector.broadcast %add3A_293 : f32 to vector<16xf32>
      %add3A_295 = arith.addf %sub3A_292, %add3A_294 : vector<16xf32>
      %bitcast_convert_type3A_296 = tpu.bitcast %add3A_295 : vector<16xf32> -> vector<16xi32>
      %shift_right_arithmetic3A_297 = arith.constant 1 : i32
      %shift_right_arithmetic3A_298 = vector.broadcast %shift_right_arithmetic3A_297 : i32 to vector<16xi32>
      %shift_right_arithmetic3A_299 = arith.shrsi %bitcast_convert_type3A_296, %shift_right_arithmetic3A_298 : vector<16xi32>
      %sub3A_300 = arith.constant 1597463007 : i32
      %sub3A_301 = vector.broadcast %sub3A_300 : i32 to vector<16xi32>
      %sub3A_302 = arith.subi %sub3A_301, %shift_right_arithmetic3A_299 : vector<16xi32>
      %bitcast_convert_type3A_303 = tpu.bitcast %sub3A_302 : vector<16xi32> -> vector<16xf32>
      %mul3A_304 = arith.constant 5.000000e-01 : f32
      %mul3A_305 = vector.broadcast %mul3A_304 : f32 to vector<16xf32>
      %mul3A_306 = arith.mulf %mul3A_305, %add3A_295 : vector<16xf32>
      %mul3A_307 = arith.mulf %mul3A_306, %bitcast_convert_type3A_303 : vector<16xf32>
      %mul3A_308 = arith.mulf %mul3A_307, %bitcast_convert_type3A_303 : vector<16xf32>
      %sub3A_309 = arith.constant 1.500000e+00 : f32
      %sub3A_310 = vector.broadcast %sub3A_309 : f32 to vector<16xf32>
      %sub3A_311 = arith.subf %sub3A_310, %mul3A_308 : vector<16xf32>
      %mul3A_312 = arith.mulf %bitcast_convert_type3A_303, %sub3A_311 : vector<16xf32>
      %mul3A_313 = arith.constant 5.000000e-01 : f32
      %mul3A_314 = vector.broadcast %mul3A_313 : f32 to vector<16xf32>
      %mul3A_315 = arith.mulf %mul3A_314, %add3A_295 : vector<16xf32>
      %mul3A_316 = arith.mulf %mul3A_315, %mul3A_312 : vector<16xf32>
      %mul3A_317 = arith.mulf %mul3A_316, %mul3A_312 : vector<16xf32>
      %sub3A_318 = arith.constant 1.500000e+00 : f32
      %sub3A_319 = vector.broadcast %sub3A_318 : f32 to vector<16xf32>
      %sub3A_320 = arith.subf %sub3A_319, %mul3A_317 : vector<16xf32>
      %mul3A_321 = arith.mulf %mul3A_312, %sub3A_320 : vector<16xf32>
      %sub3A_322 = arith.subf %get3A_255, %mul3A_282 : vector<16xf32>
      %mul3A_323 = arith.mulf %get3A_5, %mul3A_321 : vector<16xf32>
      %mul3A_324 = arith.mulf %sub3A_322, %mul3A_323 : vector<16xf32>
      %add3A_325 = arith.addf %mul3A_324, %get3A_21 : vector<16xf32>
      %swap3A_326 = arith.index_cast %add3A_252 : i32 to index
      %swap3A_327 = arith.constant 0 : index
      %swap3A_328 = tpu.vector_load %arg9[%swap3A_326, %swap3A_327] {strides = array<i32>} : memref<128x64xf32, #tpu.memory_space<vmem>>, vector<16xf32>,
      tpu.vector_store %arg9[%swap3A_326, %swap3A_327], %add3A_325 {strides = array<i32>} : memref<128x64xf32, #tpu.memory_space<vmem>>, vector<16xf32>,
      %sub3A_329 = arith.subf %get3A_258, %mul3A_282 : vector<16xf32>
      %mul3A_330 = arith.mulf %get3A_9, %mul3A_321 : vector<16xf32>
      %mul3A_331 = arith.mulf %sub3A_329, %mul3A_330 : vector<16xf32>
      %add3A_332 = arith.addf %mul3A_331, %get3A_25 : vector<16xf32>
      %swap3A_333 = arith.index_cast %add3A_252 : i32 to index
      %swap3A_334 = arith.constant 16 : index
      %swap3A_335 = tpu.vector_load %arg9[%swap3A_333, %swap3A_334] {strides = array<i32>} : memref<128x64xf32, #tpu.memory_space<vmem>>, vector<16xf32>,
      tpu.vector_store %arg9[%swap3A_333, %swap3A_334], %add3A_332 {strides = array<i32>} : memref<128x64xf32, #tpu.memory_space<vmem>>, vector<16xf32>,
      %sub3A_336 = arith.subf %get3A_261, %mul3A_282 : vector<16xf32>
      %mul3A_337 = arith.mulf %get3A_13, %mul3A_321 : vector<16xf32>
      %mul3A_338 = arith.mulf %sub3A_336, %mul3A_337 : vector<16xf32>
      %add3A_339 = arith.addf %mul3A_338, %get3A_29 : vector<16xf32>
      %swap3A_340 = arith.index_cast %add3A_252 : i32 to index
      %swap3A_341 = arith.constant 32 : index
      %swap3A_342 = tpu.vector_load %arg9[%swap3A_340, %swap3A_341] {strides = array<i32>} : memref<128x64xf32, #tpu.memory_space<vmem>>, vector<16xf32>,
      tpu.vector_store %arg9[%swap3A_340, %swap3A_341], %add3A_339 {strides = array<i32>} : memref<128x64xf32, #tpu.memory_space<vmem>>, vector<16xf32>,
      %sub3A_343 = arith.subf %get3A_264, %mul3A_282 : vector<16xf32>
      %mul3A_344 = arith.mulf %get3A_17, %mul3A_321 : vector<16xf32>
      %mul3A_345 = arith.mulf %sub3A_343, %mul3A_344 : vector<16xf32>
      %add3A_346 = arith.addf %mul3A_345, %get3A_33 : vector<16xf32>
      %swap3A_347 = arith.index_cast %add3A_252 : i32 to index
      %swap3A_348 = arith.constant 48 : index
      %swap3A_349 = tpu.vector_load %arg9[%swap3A_347, %swap3A_348] {strides = array<i32>} : memref<128x64xf32, #tpu.memory_space<vmem>>, vector<16xf32>,
      tpu.vector_store %arg9[%swap3A_347, %swap3A_348], %add3A_346 {strides = array<i32>} : memref<128x64xf32, #tpu.memory_space<vmem>>, vector<16xf32>,
      %mul3A_350 = arith.constant 4 : i32
      %mul3A_351 = arith.muli %mul3A_350, %scan3A_153 : i32
      %add3A_352 = arith.constant 2 : i32
      %add3A_353 = arith.addi %mul3A_351, %add3A_352 : i32
      %get3A_354 = arith.index_cast %add3A_353 : i32 to index
      %get3A_355 = arith.constant 0 : index
      %get3A_356 = tpu.vector_load %arg7[%get3A_354, %get3A_355] {strides = array<i32>} : memref<128x128xf32, #tpu.memory_space<vmem>>, vector<16xf32>,
      %get3A_357 = arith.index_cast %add3A_353 : i32 to index
      %get3A_358 = arith.constant 16 : index
      %get3A_359 = tpu.vector_load %arg7[%get3A_357, %get3A_358] {strides = array<i32>} : memref<128x128xf32, #tpu.memory_space<vmem>>, vector<16xf32>,
      %get3A_360 = arith.index_cast %add3A_353 : i32 to index
      %get3A_361 = arith.constant 32 : index
      %get3A_362 = tpu.vector_load %arg7[%get3A_360, %get3A_361] {strides = array<i32>} : memref<128x128xf32, #tpu.memory_space<vmem>>, vector<16xf32>,
      %get3A_363 = arith.index_cast %add3A_353 : i32 to index
      %get3A_364 = arith.constant 48 : index
      %get3A_365 = tpu.vector_load %arg7[%get3A_363, %get3A_364] {strides = array<i32>} : memref<128x128xf32, #tpu.memory_space<vmem>>, vector<16xf32>,
      %add3A_366 = arith.addf %get3A_356, %get3A_359 : vector<16xf32>
      %add3A_367 = arith.addf %get3A_362, %get3A_365 : vector<16xf32>
      %add3A_368 = arith.addf %add3A_366, %add3A_367 : vector<16xf32>
      %mul3A_369 = arith.mulf %get3A_356, %get3A_356 : vector<16xf32>
      %mul3A_370 = arith.mulf %get3A_359, %get3A_359 : vector<16xf32>
      %add3A_371 = arith.addf %mul3A_369, %mul3A_370 : vector<16xf32>
      %mul3A_372 = arith.mulf %get3A_362, %get3A_362 : vector<16xf32>
      %mul3A_373 = arith.mulf %get3A_365, %get3A_365 : vector<16xf32>
      %add3A_374 = arith.addf %mul3A_372, %mul3A_373 : vector<16xf32>
      %add3A_375 = arith.addf %add3A_371, %add3A_374 : vector<16xf32>
      %reduce_sum3A_376 = arith.constant true
      %reduce_sum3A_377 = vector.broadcast %reduce_sum3A_376 : i1 to vector<16xi1>
      %reduce_sum3A_378 = tpu.scan <sum>, %add3A_368 masked %reduce_sum3A_377 : vector<16xf32>, vector<16xi1> -> vector<16xf32>
      %reduce_sum3A_379 = vector.extract %reduce_sum3A_378[15] : f32 from vector<16xf32>
      %broadcast_in_dim3A_380 = vector.broadcast %reduce_sum3A_379 : f32 to vector<16xf32>
      %mul3A_381 = arith.constant 1.562500e-02 : f32
      %mul3A_382 = vector.broadcast %mul3A_381 : f32 to vector<16xf32>
      %mul3A_383 = arith.mulf %broadcast_in_dim3A_380, %mul3A_382 : vector<16xf32>
      %reduce_sum3A_384 = arith.constant true
      %reduce_sum3A_385 = vector.broadcast %reduce_sum3A_384 : i1 to vector<16xi1>
      %reduce_sum3A_386 = tpu.scan <sum>, %add3A_375 masked %reduce_sum3A_385 : vector<16xf32>, vector<16xi1> -> vector<16xf32>
      %reduce_sum3A_387 = vector.extract %reduce_sum3A_386[15] : f32 from vector<16xf32>
      %broadcast_in_dim3A_388 = vector.broadcast %reduce_sum3A_387 : f32 to vector<16xf32>
      %mul3A_389 = arith.constant 1.562500e-02 : f32
      %mul3A_390 = vector.broadcast %mul3A_389 : f32 to vector<16xf32>
      %mul3A_391 = arith.mulf %broadcast_in_dim3A_388, %mul3A_390 : vector<16xf32>
      %mul3A_392 = arith.mulf %mul3A_383, %mul3A_383 : vector<16xf32>
      %sub3A_393 = arith.subf %mul3A_391, %mul3A_392 : vector<16xf32>
      %add3A_394 = arith.constant 9.99999974E-6 : f32
      %add3A_395 = vector.broadcast %add3A_394 : f32 to vector<16xf32>
      %add3A_396 = arith.addf %sub3A_393, %add3A_395 : vector<16xf32>
      %bitcast_convert_type3A_397 = tpu.bitcast %add3A_396 : vector<16xf32> -> vector<16xi32>
      %shift_right_arithmetic3A_398 = arith.constant 1 : i32
      %shift_right_arithmetic3A_399 = vector.broadcast %shift_right_arithmetic3A_398 : i32 to vector<16xi32>
      %shift_right_arithmetic3A_400 = arith.shrsi %bitcast_convert_type3A_397, %shift_right_arithmetic3A_399 : vector<16xi32>
      %sub3A_401 = arith.constant 1597463007 : i32
      %sub3A_402 = vector.broadcast %sub3A_401 : i32 to vector<16xi32>
      %sub3A_403 = arith.subi %sub3A_402, %shift_right_arithmetic3A_400 : vector<16xi32>
      %bitcast_convert_type3A_404 = tpu.bitcast %sub3A_403 : vector<16xi32> -> vector<16xf32>
      %mul3A_405 = arith.constant 5.000000e-01 : f32
      %mul3A_406 = vector.broadcast %mul3A_405 : f32 to vector<16xf32>
      %mul3A_407 = arith.mulf %mul3A_406, %add3A_396 : vector<16xf32>
      %mul3A_408 = arith.mulf %mul3A_407, %bitcast_convert_type3A_404 : vector<16xf32>
      %mul3A_409 = arith.mulf %mul3A_408, %bitcast_convert_type3A_404 : vector<16xf32>
      %sub3A_410 = arith.constant 1.500000e+00 : f32
      %sub3A_411 = vector.broadcast %sub3A_410 : f32 to vector<16xf32>
      %sub3A_412 = arith.subf %sub3A_411, %mul3A_409 : vector<16xf32>
      %mul3A_413 = arith.mulf %bitcast_convert_type3A_404, %sub3A_412 : vector<16xf32>
      %mul3A_414 = arith.constant 5.000000e-01 : f32
      %mul3A_415 = vector.broadcast %mul3A_414 : f32 to vector<16xf32>
      %mul3A_416 = arith.mulf %mul3A_415, %add3A_396 : vector<16xf32>
      %mul3A_417 = arith.mulf %mul3A_416, %mul3A_413 : vector<16xf32>
      %mul3A_418 = arith.mulf %mul3A_417, %mul3A_413 : vector<16xf32>
      %sub3A_419 = arith.constant 1.500000e+00 : f32
      %sub3A_420 = vector.broadcast %sub3A_419 : f32 to vector<16xf32>
      %sub3A_421 = arith.subf %sub3A_420, %mul3A_418 : vector<16xf32>
      %mul3A_422 = arith.mulf %mul3A_413, %sub3A_421 : vector<16xf32>
      %sub3A_423 = arith.subf %get3A_356, %mul3A_383 : vector<16xf32>
      %mul3A_424 = arith.mulf %get3A_5, %mul3A_422 : vector<16xf32>
      %mul3A_425 = arith.mulf %sub3A_423, %mul3A_424 : vector<16xf32>
      %add3A_426 = arith.addf %mul3A_425, %get3A_21 : vector<16xf32>
      %swap3A_427 = arith.index_cast %add3A_353 : i32 to index
      %swap3A_428 = arith.constant 0 : index
      %swap3A_429 = tpu.vector_load %arg9[%swap3A_427, %swap3A_428] {strides = array<i32>} : memref<128x64xf32, #tpu.memory_space<vmem>>, vector<16xf32>,
      tpu.vector_store %arg9[%swap3A_427, %swap3A_428], %add3A_426 {strides = array<i32>} : memref<128x64xf32, #tpu.memory_space<vmem>>, vector<16xf32>,
      %sub3A_430 = arith.subf %get3A_359, %mul3A_383 : vector<16xf32>
      %mul3A_431 = arith.mulf %get3A_9, %mul3A_422 : vector<16xf32>
      %mul3A_432 = arith.mulf %sub3A_430, %mul3A_431 : vector<16xf32>
      %add3A_433 = arith.addf %mul3A_432, %get3A_25 : vector<16xf32>
      %swap3A_434 = arith.index_cast %add3A_353 : i32 to index
      %swap3A_435 = arith.constant 16 : index
      %swap3A_436 = tpu.vector_load %arg9[%swap3A_434, %swap3A_435] {strides = array<i32>} : memref<128x64xf32, #tpu.memory_space<vmem>>, vector<16xf32>,
      tpu.vector_store %arg9[%swap3A_434, %swap3A_435], %add3A_433 {strides = array<i32>} : memref<128x64xf32, #tpu.memory_space<vmem>>, vector<16xf32>,
      %sub3A_437 = arith.subf %get3A_362, %mul3A_383 : vector<16xf32>
      %mul3A_438 = arith.mulf %get3A_13, %mul3A_422 : vector<16xf32>
      %mul3A_439 = arith.mulf %sub3A_437, %mul3A_438 : vector<16xf32>
      %add3A_440 = arith.addf %mul3A_439, %get3A_29 : vector<16xf32>
      %swap3A_441 = arith.index_cast %add3A_353 : i32 to index
      %swap3A_442 = arith.constant 32 : index
      %swap3A_443 = tpu.vector_load %arg9[%swap3A_441, %swap3A_442] {strides = array<i32>} : memref<128x64xf32, #tpu.memory_space<vmem>>, vector<16xf32>,
      tpu.vector_store %arg9[%swap3A_441, %swap3A_442], %add3A_440 {strides = array<i32>} : memref<128x64xf32, #tpu.memory_space<vmem>>, vector<16xf32>,
      %sub3A_444 = arith.subf %get3A_365, %mul3A_383 : vector<16xf32>
      %mul3A_445 = arith.mulf %get3A_17, %mul3A_422 : vector<16xf32>
      %mul3A_446 = arith.mulf %sub3A_444, %mul3A_445 : vector<16xf32>
      %add3A_447 = arith.addf %mul3A_446, %get3A_33 : vector<16xf32>
      %swap3A_448 = arith.index_cast %add3A_353 : i32 to index
      %swap3A_449 = arith.constant 48 : index
      %swap3A_450 = tpu.vector_load %arg9[%swap3A_448, %swap3A_449] {strides = array<i32>} : memref<128x64xf32, #tpu.memory_space<vmem>>, vector<16xf32>,
      tpu.vector_store %arg9[%swap3A_448, %swap3A_449], %add3A_447 {strides = array<i32>} : memref<128x64xf32, #tpu.memory_space<vmem>>, vector<16xf32>,
      %mul3A_451 = arith.constant 4 : i32
      %mul3A_452 = arith.muli %mul3A_451, %scan3A_153 : i32
      %add3A_453 = arith.constant 3 : i32
      %add3A_454 = arith.addi %mul3A_452, %add3A_453 : i32
      %get3A_455 = arith.index_cast %add3A_454 : i32 to index
      %get3A_456 = arith.constant 0 : index
      %get3A_457 = tpu.vector_load %arg7[%get3A_455, %get3A_456] {strides = array<i32>} : memref<128x128xf32, #tpu.memory_space<vmem>>, vector<16xf32>,
      %get3A_458 = arith.index_cast %add3A_454 : i32 to index
      %get3A_459 = arith.constant 16 : index
      %get3A_460 = tpu.vector_load %arg7[%get3A_458, %get3A_459] {strides = array<i32>} : memref<128x128xf32, #tpu.memory_space<vmem>>, vector<16xf32>,
      %get3A_461 = arith.index_cast %add3A_454 : i32 to index
      %get3A_462 = arith.constant 32 : index
      %get3A_463 = tpu.vector_load %arg7[%get3A_461, %get3A_462] {strides = array<i32>} : memref<128x128xf32, #tpu.memory_space<vmem>>, vector<16xf32>,
      %get3A_464 = arith.index_cast %add3A_454 : i32 to index
      %get3A_465 = arith.constant 48 : index
      %get3A_466 = tpu.vector_load %arg7[%get3A_464, %get3A_465] {strides = array<i32>} : memref<128x128xf32, #tpu.memory_space<vmem>>, vector<16xf32>,
      %add3A_467 = arith.addf %get3A_457, %get3A_460 : vector<16xf32>
      %add3A_468 = arith.addf %get3A_463, %get3A_466 : vector<16xf32>
      %add3A_469 = arith.addf %add3A_467, %add3A_468 : vector<16xf32>
      %mul3A_470 = arith.mulf %get3A_457, %get3A_457 : vector<16xf32>
      %mul3A_471 = arith.mulf %get3A_460, %get3A_460 : vector<16xf32>
      %add3A_472 = arith.addf %mul3A_470, %mul3A_471 : vector<16xf32>
      %mul3A_473 = arith.mulf %get3A_463, %get3A_463 : vector<16xf32>
      %mul3A_474 = arith.mulf %get3A_466, %get3A_466 : vector<16xf32>
      %add3A_475 = arith.addf %mul3A_473, %mul3A_474 : vector<16xf32>
      %add3A_476 = arith.addf %add3A_472, %add3A_475 : vector<16xf32>
      %reduce_sum3A_477 = arith.constant true
      %reduce_sum3A_478 = vector.broadcast %reduce_sum3A_477 : i1 to vector<16xi1>
      %reduce_sum3A_479 = tpu.scan <sum>, %add3A_469 masked %reduce_sum3A_478 : vector<16xf32>, vector<16xi1> -> vector<16xf32>
      %reduce_sum3A_480 = vector.extract %reduce_sum3A_479[15] : f32 from vector<16xf32>
      %broadcast_in_dim3A_481 = vector.broadcast %reduce_sum3A_480 : f32 to vector<16xf32>
      %mul3A_482 = arith.constant 1.562500e-02 : f32
      %mul3A_483 = vector.broadcast %mul3A_482 : f32 to vector<16xf32>
      %mul3A_484 = arith.mulf %broadcast_in_dim3A_481, %mul3A_483 : vector<16xf32>
      %reduce_sum3A_485 = arith.constant true
      %reduce_sum3A_486 = vector.broadcast %reduce_sum3A_485 : i1 to vector<16xi1>
      %reduce_sum3A_487 = tpu.scan <sum>, %add3A_476 masked %reduce_sum3A_486 : vector<16xf32>, vector<16xi1> -> vector<16xf32>
      %reduce_sum3A_488 = vector.extract %reduce_sum3A_487[15] : f32 from vector<16xf32>
      %broadcast_in_dim3A_489 = vector.broadcast %reduce_sum3A_488 : f32 to vector<16xf32>
      %mul3A_490 = arith.constant 1.562500e-02 : f32
      %mul3A_491 = vector.broadcast %mul3A_490 : f32 to vector<16xf32>
      %mul3A_492 = arith.mulf %broadcast_in_dim3A_489, %mul3A_491 : vector<16xf32>
      %mul3A_493 = arith.mulf %mul3A_484, %mul3A_484 : vector<16xf32>
      %sub3A_494 = arith.subf %mul3A_492, %mul3A_493 : vector<16xf32>
      %add3A_495 = arith.constant 9.99999974E-6 : f32
      %add3A_496 = vector.broadcast %add3A_495 : f32 to vector<16xf32>
      %add3A_497 = arith.addf %sub3A_494, %add3A_496 : vector<16xf32>
      %bitcast_convert_type3A_498 = tpu.bitcast %add3A_497 : vector<16xf32> -> vector<16xi32>
      %shift_right_arithmetic3A_499 = arith.constant 1 : i32
      %shift_right_arithmetic3A_500 = vector.broadcast %shift_right_arithmetic3A_499 : i32 to vector<16xi32>
      %shift_right_arithmetic3A_501 = arith.shrsi %bitcast_convert_type3A_498, %shift_right_arithmetic3A_500 : vector<16xi32>
      %sub3A_502 = arith.constant 1597463007 : i32
      %sub3A_503 = vector.broadcast %sub3A_502 : i32 to vector<16xi32>
      %sub3A_504 = arith.subi %sub3A_503, %shift_right_arithmetic3A_501 : vector<16xi32>
      %bitcast_convert_type3A_505 = tpu.bitcast %sub3A_504 : vector<16xi32> -> vector<16xf32>
      %mul3A_506 = arith.constant 5.000000e-01 : f32
      %mul3A_507 = vector.broadcast %mul3A_506 : f32 to vector<16xf32>
      %mul3A_508 = arith.mulf %mul3A_507, %add3A_497 : vector<16xf32>
      %mul3A_509 = arith.mulf %mul3A_508, %bitcast_convert_type3A_505 : vector<16xf32>
      %mul3A_510 = arith.mulf %mul3A_509, %bitcast_convert_type3A_505 : vector<16xf32>
      %sub3A_511 = arith.constant 1.500000e+00 : f32
      %sub3A_512 = vector.broadcast %sub3A_511 : f32 to vector<16xf32>
      %sub3A_513 = arith.subf %sub3A_512, %mul3A_510 : vector<16xf32>
      %mul3A_514 = arith.mulf %bitcast_convert_type3A_505, %sub3A_513 : vector<16xf32>
      %mul3A_515 = arith.constant 5.000000e-01 : f32
      %mul3A_516 = vector.broadcast %mul3A_515 : f32 to vector<16xf32>
      %mul3A_517 = arith.mulf %mul3A_516, %add3A_497 : vector<16xf32>
      %mul3A_518 = arith.mulf %mul3A_517, %mul3A_514 : vector<16xf32>
      %mul3A_519 = arith.mulf %mul3A_518, %mul3A_514 : vector<16xf32>
      %sub3A_520 = arith.constant 1.500000e+00 : f32
      %sub3A_521 = vector.broadcast %sub3A_520 : f32 to vector<16xf32>
      %sub3A_522 = arith.subf %sub3A_521, %mul3A_519 : vector<16xf32>
      %mul3A_523 = arith.mulf %mul3A_514, %sub3A_522 : vector<16xf32>
      %sub3A_524 = arith.subf %get3A_457, %mul3A_484 : vector<16xf32>
      %mul3A_525 = arith.mulf %get3A_5, %mul3A_523 : vector<16xf32>
      %mul3A_526 = arith.mulf %sub3A_524, %mul3A_525 : vector<16xf32>
      %add3A_527 = arith.addf %mul3A_526, %get3A_21 : vector<16xf32>
      %swap3A_528 = arith.index_cast %add3A_454 : i32 to index
      %swap3A_529 = arith.constant 0 : index
      %swap3A_530 = tpu.vector_load %arg9[%swap3A_528, %swap3A_529] {strides = array<i32>} : memref<128x64xf32, #tpu.memory_space<vmem>>, vector<16xf32>,
      tpu.vector_store %arg9[%swap3A_528, %swap3A_529], %add3A_527 {strides = array<i32>} : memref<128x64xf32, #tpu.memory_space<vmem>>, vector<16xf32>,
      %sub3A_531 = arith.subf %get3A_460, %mul3A_484 : vector<16xf32>
      %mul3A_532 = arith.mulf %get3A_9, %mul3A_523 : vector<16xf32>
      %mul3A_533 = arith.mulf %sub3A_531, %mul3A_532 : vector<16xf32>
      %add3A_534 = arith.addf %mul3A_533, %get3A_25 : vector<16xf32>
      %swap3A_535 = arith.index_cast %add3A_454 : i32 to index
      %swap3A_536 = arith.constant 16 : index
      %swap3A_537 = tpu.vector_load %arg9[%swap3A_535, %swap3A_536] {strides = array<i32>} : memref<128x64xf32, #tpu.memory_space<vmem>>, vector<16xf32>,
      tpu.vector_store %arg9[%swap3A_535, %swap3A_536], %add3A_534 {strides = array<i32>} : memref<128x64xf32, #tpu.memory_space<vmem>>, vector<16xf32>,
      %sub3A_538 = arith.subf %get3A_463, %mul3A_484 : vector<16xf32>
      %mul3A_539 = arith.mulf %get3A_13, %mul3A_523 : vector<16xf32>
      %mul3A_540 = arith.mulf %sub3A_538, %mul3A_539 : vector<16xf32>
      %add3A_541 = arith.addf %mul3A_540, %get3A_29 : vector<16xf32>
      %swap3A_542 = arith.index_cast %add3A_454 : i32 to index
      %swap3A_543 = arith.constant 32 : index
      %swap3A_544 = tpu.vector_load %arg9[%swap3A_542, %swap3A_543] {strides = array<i32>} : memref<128x64xf32, #tpu.memory_space<vmem>>, vector<16xf32>,
      tpu.vector_store %arg9[%swap3A_542, %swap3A_543], %add3A_541 {strides = array<i32>} : memref<128x64xf32, #tpu.memory_space<vmem>>, vector<16xf32>,
      %sub3A_545 = arith.subf %get3A_466, %mul3A_484 : vector<16xf32>
      %mul3A_546 = arith.mulf %get3A_17, %mul3A_523 : vector<16xf32>
      %mul3A_547 = arith.mulf %sub3A_545, %mul3A_546 : vector<16xf32>
      %add3A_548 = arith.addf %mul3A_547, %get3A_33 : vector<16xf32>
      %swap3A_549 = arith.index_cast %add3A_454 : i32 to index
      %swap3A_550 = arith.constant 48 : index
      %swap3A_551 = tpu.vector_load %arg9[%swap3A_549, %swap3A_550] {strides = array<i32>} : memref<128x64xf32, #tpu.memory_space<vmem>>, vector<16xf32>,
      tpu.vector_store %arg9[%swap3A_549, %swap3A_550], %add3A_548 {strides = array<i32>} : memref<128x64xf32, #tpu.memory_space<vmem>>, vector<16xf32>,
    }
    %scan3A_56 = arith.constant 32 : i32
    %add3A_57 = arith.constant 0 : i32
    %add3A_58 = arith.addi %mul3A_2, %add3A_57 : i32
    %dma_start3A_59 = arith.constant 0 : i32
    %dma_start3A_60 = tpu.memref_slice %arg5[%add3A_58, %dma_start3A_59] : memref<819200x64xf32, #tpu.memory_space<hbm>> -> memref<128x64xf32, #tpu.memory_space<hbm>>
    %dma_start3A_61 = arith.constant 0 : i32
    %dma_start3A_62 = tpu.memref_slice %arg5[%add3A_58, %dma_start3A_61] : memref<819200x64xf32, #tpu.memory_space<hbm>> -> memref<128x64xf32, #tpu.memory_space<hbm>>
    tpu.enqueue_dma source(%arg9 : memref<128x64xf32, #tpu.memory_space<vmem>>) target(%dma_start3A_62 : memref<128x64xf32, #tpu.memory_space<hbm>>) target_semaphore(%arg14 : memref<!tpu.dma_semaphore, #tpu.memory_space<semaphore_mem>>)
    %dma_start3A_63 = arith.constant 2 : i32
    %dma_start3A_64 = arith.constant 0 : i32
    %dma_start3A_65 = tpu.memref_slice %arg6[%dma_start3A_63, %dma_start3A_64] : memref<200x128xi32, #tpu.memory_space<vmem>> -> memref<1x128xi32, #tpu.memory_space<vmem>>
    %dma_start3A_66 = tpu.memref_squeeze %dma_start3A_65 : memref<1x128xi32, #tpu.memory_space<vmem>> -> memref<128xi32, #tpu.memory_space<vmem>>
    %dma_start3A_67 = arith.constant 0 : i32
    %dma_start3A_68 = arith.constant 0 : i32
    %dma_start3A_69 = tpu.memref_slice %arg3[%dma_start3A_67, %dma_start3A_68] : memref<100000x128xf32, #tpu.memory_space<hbm>> -> memref<100000x128xf32, #tpu.memory_space<hbm>>
    tpu.enqueue_indirect_dma source(%dma_start3A_69 : memref<100000x128xf32, #tpu.memory_space<hbm>>) target(%arg7 : memref<128x128xf32, #tpu.memory_space<vmem>>) offsets(%dma_start3A_66 : memref<128xi32, #tpu.memory_space<vmem>>) semaphore(%arg12 : memref<!tpu.dma_semaphore, #tpu.memory_space<semaphore_mem>>)
    %dma_wait3A_70 = arith.constant 0 : i32
    %dma_wait3A_71 = arith.constant 0 : i32
    %dma_wait3A_72 = tpu.memref_slice %arg3[%dma_wait3A_70, %dma_wait3A_71] : memref<100000x128xf32, #tpu.memory_space<hbm>> -> memref<128x128xf32, #tpu.memory_space<hbm>>
    %dma_wait3A_73 = arith.constant 0 : i32
    %dma_wait3A_74 = arith.constant 0 : i32
    %dma_wait3A_75 = tpu.memref_slice %arg3[%dma_wait3A_73, %dma_wait3A_74] : memref<100000x128xf32, #tpu.memory_space<hbm>> -> memref<128x128xf32, #tpu.memory_space<hbm>>
    tpu.wait_dma2 semaphore(%arg13 : memref<!tpu.dma_semaphore, #tpu.memory_space<semaphore_mem>>) src(%dma_wait3A_75 : memref<128x128xf32, #tpu.memory_space<hbm>>) dst(%arg8 : memref<128x128xf32, #tpu.memory_space<vmem>>)
    %scan3A_76 = arith.constant 1 : i32
    %scan3A_77 = arith.constant 0 : i32
    %scan3A_78 = arith.constant 32 : i32
    %scan3A_79 = arith.addi %scan3A_77, %scan3A_78 : i32
    %scan3A_80 = arith.constant 1 : i32
    scf.for %scan3A_153 = %scan3A_77 to %scan3A_79 step %scan3A_80  : i32 {
      %mul3A_154 = arith.constant 4 : i32
      %mul3A_155 = arith.muli %mul3A_154, %scan3A_153 : i32
      %add3A_156 = arith.constant 0 : i32
      %add3A_157 = arith.addi %mul3A_155, %add3A_156 : i32
      %get3A_158 = arith.index_cast %add3A_157 : i32 to index
      %get3A_159 = arith.constant 0 : index
      %get3A_160 = tpu.vector_load %arg8[%get3A_158, %get3A_159] {strides = array<i32>} : memref<128x128xf32, #tpu.memory_space<vmem>>, vector<16xf32>,
      %get3A_161 = arith.index_cast %add3A_157 : i32 to index
      %get3A_162 = arith.constant 16 : index
      %get3A_163 = tpu.vector_load %arg8[%get3A_161, %get3A_162] {strides = array<i32>} : memref<128x128xf32, #tpu.memory_space<vmem>>, vector<16xf32>,
      %get3A_164 = arith.index_cast %add3A_157 : i32 to index
      %get3A_165 = arith.constant 32 : index
      %get3A_166 = tpu.vector_load %arg8[%get3A_164, %get3A_165] {strides = array<i32>} : memref<128x128xf32, #tpu.memory_space<vmem>>, vector<16xf32>,
      %get3A_167 = arith.index_cast %add3A_157 : i32 to index
      %get3A_168 = arith.constant 48 : index
      %get3A_169 = tpu.vector_load %arg8[%get3A_167, %get3A_168] {strides = array<i32>} : memref<128x128xf32, #tpu.memory_space<vmem>>, vector<16xf32>,
      %add3A_170 = arith.addf %get3A_160, %get3A_163 : vector<16xf32>
      %add3A_171 = arith.addf %get3A_166, %get3A_169 : vector<16xf32>
      %add3A_172 = arith.addf %add3A_170, %add3A_171 : vector<16xf32>
      %mul3A_173 = arith.mulf %get3A_160, %get3A_160 : vector<16xf32>
      %mul3A_174 = arith.mulf %get3A_163, %get3A_163 : vector<16xf32>
      %add3A_175 = arith.addf %mul3A_173, %mul3A_174 : vector<16xf32>
      %mul3A_176 = arith.mulf %get3A_166, %get3A_166 : vector<16xf32>
      %mul3A_177 = arith.mulf %get3A_169, %get3A_169 : vector<16xf32>
      %add3A_178 = arith.addf %mul3A_176, %mul3A_177 : vector<16xf32>
      %add3A_179 = arith.addf %add3A_175, %add3A_178 : vector<16xf32>
      %reduce_sum3A = arith.constant true
      %reduce_sum3A_180 = vector.broadcast %reduce_sum3A : i1 to vector<16xi1>
      %reduce_sum3A_181 = tpu.scan <sum>, %add3A_172 masked %reduce_sum3A_180 : vector<16xf32>, vector<16xi1> -> vector<16xf32>
      %reduce_sum3A_182 = vector.extract %reduce_sum3A_181[15] : f32 from vector<16xf32>
      %broadcast_in_dim3A = vector.broadcast %reduce_sum3A_182 : f32 to vector<16xf32>
      %mul3A_183 = arith.constant 1.562500e-02 : f32
      %mul3A_184 = vector.broadcast %mul3A_183 : f32 to vector<16xf32>
      %mul3A_185 = arith.mulf %broadcast_in_dim3A, %mul3A_184 : vector<16xf32>
      %reduce_sum3A_186 = arith.constant true
      %reduce_sum3A_187 = vector.broadcast %reduce_sum3A_186 : i1 to vector<16xi1>
      %reduce_sum3A_188 = tpu.scan <sum>, %add3A_179 masked %reduce_sum3A_187 : vector<16xf32>, vector<16xi1> -> vector<16xf32>
      %reduce_sum3A_189 = vector.extract %reduce_sum3A_188[15] : f32 from vector<16xf32>
      %broadcast_in_dim3A_190 = vector.broadcast %reduce_sum3A_189 : f32 to vector<16xf32>
      %mul3A_191 = arith.constant 1.562500e-02 : f32
      %mul3A_192 = vector.broadcast %mul3A_191 : f32 to vector<16xf32>
      %mul3A_193 = arith.mulf %broadcast_in_dim3A_190, %mul3A_192 : vector<16xf32>
      %mul3A_194 = arith.mulf %mul3A_185, %mul3A_185 : vector<16xf32>
      %sub3A = arith.subf %mul3A_193, %mul3A_194 : vector<16xf32>
      %add3A_195 = arith.constant 9.99999974E-6 : f32
      %add3A_196 = vector.broadcast %add3A_195 : f32 to vector<16xf32>
      %add3A_197 = arith.addf %sub3A, %add3A_196 : vector<16xf32>
      %bitcast_convert_type3A = tpu.bitcast %add3A_197 : vector<16xf32> -> vector<16xi32>
      %shift_right_arithmetic3A = arith.constant 1 : i32
      %shift_right_arithmetic3A_198 = vector.broadcast %shift_right_arithmetic3A : i32 to vector<16xi32>
      %shift_right_arithmetic3A_199 = arith.shrsi %bitcast_convert_type3A, %shift_right_arithmetic3A_198 : vector<16xi32>
      %sub3A_200 = arith.constant 1597463007 : i32
      %sub3A_201 = vector.broadcast %sub3A_200 : i32 to vector<16xi32>
      %sub3A_202 = arith.subi %sub3A_201, %shift_right_arithmetic3A_199 : vector<16xi32>
      %bitcast_convert_type3A_203 = tpu.bitcast %sub3A_202 : vector<16xi32> -> vector<16xf32>
      %mul3A_204 = arith.constant 5.000000e-01 : f32
      %mul3A_205 = vector.broadcast %mul3A_204 : f32 to vector<16xf32>
      %mul3A_206 = arith.mulf %mul3A_205, %add3A_197 : vector<16xf32>
      %mul3A_207 = arith.mulf %mul3A_206, %bitcast_convert_type3A_203 : vector<16xf32>
      %mul3A_208 = arith.mulf %mul3A_207, %bitcast_convert_type3A_203 : vector<16xf32>
      %sub3A_209 = arith.constant 1.500000e+00 : f32
      %sub3A_210 = vector.broadcast %sub3A_209 : f32 to vector<16xf32>
      %sub3A_211 = arith.subf %sub3A_210, %mul3A_208 : vector<16xf32>
      %mul3A_212 = arith.mulf %bitcast_convert_type3A_203, %sub3A_211 : vector<16xf32>
      %mul3A_213 = arith.constant 5.000000e-01 : f32
      %mul3A_214 = vector.broadcast %mul3A_213 : f32 to vector<16xf32>
      %mul3A_215 = arith.mulf %mul3A_214, %add3A_197 : vector<16xf32>
      %mul3A_216 = arith.mulf %mul3A_215, %mul3A_212 : vector<16xf32>
      %mul3A_217 = arith.mulf %mul3A_216, %mul3A_212 : vector<16xf32>
      %sub3A_218 = arith.constant 1.500000e+00 : f32
      %sub3A_219 = vector.broadcast %sub3A_218 : f32 to vector<16xf32>
      %sub3A_220 = arith.subf %sub3A_219, %mul3A_217 : vector<16xf32>
      %mul3A_221 = arith.mulf %mul3A_212, %sub3A_220 : vector<16xf32>
      %sub3A_222 = arith.subf %get3A_160, %mul3A_185 : vector<16xf32>
      %mul3A_223 = arith.mulf %get3A_5, %mul3A_221 : vector<16xf32>
      %mul3A_224 = arith.mulf %sub3A_222, %mul3A_223 : vector<16xf32>
      %add3A_225 = arith.addf %mul3A_224, %get3A_21 : vector<16xf32>
      %swap3A = arith.index_cast %add3A_157 : i32 to index
      %swap3A_226 = arith.constant 0 : index
      %swap3A_227 = tpu.vector_load %arg10[%swap3A, %swap3A_226] {strides = array<i32>} : memref<128x64xf32, #tpu.memory_space<vmem>>, vector<16xf32>,
      tpu.vector_store %arg10[%swap3A, %swap3A_226], %add3A_225 {strides = array<i32>} : memref<128x64xf32, #tpu.memory_space<vmem>>, vector<16xf32>,
      %sub3A_228 = arith.subf %get3A_163, %mul3A_185 : vector<16xf32>
      %mul3A_229 = arith.mulf %get3A_9, %mul3A_221 : vector<16xf32>
      %mul3A_230 = arith.mulf %sub3A_228, %mul3A_229 : vector<16xf32>
      %add3A_231 = arith.addf %mul3A_230, %get3A_25 : vector<16xf32>
      %swap3A_232 = arith.index_cast %add3A_157 : i32 to index
      %swap3A_233 = arith.constant 16 : index
      %swap3A_234 = tpu.vector_load %arg10[%swap3A_232, %swap3A_233] {strides = array<i32>} : memref<128x64xf32, #tpu.memory_space<vmem>>, vector<16xf32>,
      tpu.vector_store %arg10[%swap3A_232, %swap3A_233], %add3A_231 {strides = array<i32>} : memref<128x64xf32, #tpu.memory_space<vmem>>, vector<16xf32>,
      %sub3A_235 = arith.subf %get3A_166, %mul3A_185 : vector<16xf32>
      %mul3A_236 = arith.mulf %get3A_13, %mul3A_221 : vector<16xf32>
      %mul3A_237 = arith.mulf %sub3A_235, %mul3A_236 : vector<16xf32>
      %add3A_238 = arith.addf %mul3A_237, %get3A_29 : vector<16xf32>
      %swap3A_239 = arith.index_cast %add3A_157 : i32 to index
      %swap3A_240 = arith.constant 32 : index
      %swap3A_241 = tpu.vector_load %arg10[%swap3A_239, %swap3A_240] {strides = array<i32>} : memref<128x64xf32, #tpu.memory_space<vmem>>, vector<16xf32>,
      tpu.vector_store %arg10[%swap3A_239, %swap3A_240], %add3A_238 {strides = array<i32>} : memref<128x64xf32, #tpu.memory_space<vmem>>, vector<16xf32>,
      %sub3A_242 = arith.subf %get3A_169, %mul3A_185 : vector<16xf32>
      %mul3A_243 = arith.mulf %get3A_17, %mul3A_221 : vector<16xf32>
      %mul3A_244 = arith.mulf %sub3A_242, %mul3A_243 : vector<16xf32>
      %add3A_245 = arith.addf %mul3A_244, %get3A_33 : vector<16xf32>
      %swap3A_246 = arith.index_cast %add3A_157 : i32 to index
      %swap3A_247 = arith.constant 48 : index
      %swap3A_248 = tpu.vector_load %arg10[%swap3A_246, %swap3A_247] {strides = array<i32>} : memref<128x64xf32, #tpu.memory_space<vmem>>, vector<16xf32>,
      tpu.vector_store %arg10[%swap3A_246, %swap3A_247], %add3A_245 {strides = array<i32>} : memref<128x64xf32, #tpu.memory_space<vmem>>, vector<16xf32>,
      %mul3A_249 = arith.constant 4 : i32
      %mul3A_250 = arith.muli %mul3A_249, %scan3A_153 : i32
      %add3A_251 = arith.constant 1 : i32
      %add3A_252 = arith.addi %mul3A_250, %add3A_251 : i32
      %get3A_253 = arith.index_cast %add3A_252 : i32 to index
      %get3A_254 = arith.constant 0 : index
      %get3A_255 = tpu.vector_load %arg8[%get3A_253, %get3A_254] {strides = array<i32>} : memref<128x128xf32, #tpu.memory_space<vmem>>, vector<16xf32>,
      %get3A_256 = arith.index_cast %add3A_252 : i32 to index
      %get3A_257 = arith.constant 16 : index
      %get3A_258 = tpu.vector_load %arg8[%get3A_256, %get3A_257] {strides = array<i32>} : memref<128x128xf32, #tpu.memory_space<vmem>>, vector<16xf32>,
      %get3A_259 = arith.index_cast %add3A_252 : i32 to index
      %get3A_260 = arith.constant 32 : index
      %get3A_261 = tpu.vector_load %arg8[%get3A_259, %get3A_260] {strides = array<i32>} : memref<128x128xf32, #tpu.memory_space<vmem>>, vector<16xf32>,
      %get3A_262 = arith.index_cast %add3A_252 : i32 to index
      %get3A_263 = arith.constant 48 : index
      %get3A_264 = tpu.vector_load %arg8[%get3A_262, %get3A_263] {strides = array<i32>} : memref<128x128xf32, #tpu.memory_space<vmem>>, vector<16xf32>,
      %add3A_265 = arith.addf %get3A_255, %get3A_258 : vector<16xf32>
      %add3A_266 = arith.addf %get3A_261, %get3A_264 : vector<16xf32>
      %add3A_267 = arith.addf %add3A_265, %add3A_266 : vector<16xf32>
      %mul3A_268 = arith.mulf %get3A_255, %get3A_255 : vector<16xf32>
      %mul3A_269 = arith.mulf %get3A_258, %get3A_258 : vector<16xf32>
      %add3A_270 = arith.addf %mul3A_268, %mul3A_269 : vector<16xf32>
      %mul3A_271 = arith.mulf %get3A_261, %get3A_261 : vector<16xf32>
      %mul3A_272 = arith.mulf %get3A_264, %get3A_264 : vector<16xf32>
      %add3A_273 = arith.addf %mul3A_271, %mul3A_272 : vector<16xf32>
      %add3A_274 = arith.addf %add3A_270, %add3A_273 : vector<16xf32>
      %reduce_sum3A_275 = arith.constant true
      %reduce_sum3A_276 = vector.broadcast %reduce_sum3A_275 : i1 to vector<16xi1>
      %reduce_sum3A_277 = tpu.scan <sum>, %add3A_267 masked %reduce_sum3A_276 : vector<16xf32>, vector<16xi1> -> vector<16xf32>
      %reduce_sum3A_278 = vector.extract %reduce_sum3A_277[15] : f32 from vector<16xf32>
      %broadcast_in_dim3A_279 = vector.broadcast %reduce_sum3A_278 : f32 to vector<16xf32>
      %mul3A_280 = arith.constant 1.562500e-02 : f32
      %mul3A_281 = vector.broadcast %mul3A_280 : f32 to vector<16xf32>
      %mul3A_282 = arith.mulf %broadcast_in_dim3A_279, %mul3A_281 : vector<16xf32>
      %reduce_sum3A_283 = arith.constant true
      %reduce_sum3A_284 = vector.broadcast %reduce_sum3A_283 : i1 to vector<16xi1>
      %reduce_sum3A_285 = tpu.scan <sum>, %add3A_274 masked %reduce_sum3A_284 : vector<16xf32>, vector<16xi1> -> vector<16xf32>
      %reduce_sum3A_286 = vector.extract %reduce_sum3A_285[15] : f32 from vector<16xf32>
      %broadcast_in_dim3A_287 = vector.broadcast %reduce_sum3A_286 : f32 to vector<16xf32>
      %mul3A_288 = arith.constant 1.562500e-02 : f32
      %mul3A_289 = vector.broadcast %mul3A_288 : f32 to vector<16xf32>
      %mul3A_290 = arith.mulf %broadcast_in_dim3A_287, %mul3A_289 : vector<16xf32>
      %mul3A_291 = arith.mulf %mul3A_282, %mul3A_282 : vector<16xf32>
      %sub3A_292 = arith.subf %mul3A_290, %mul3A_291 : vector<16xf32>
      %add3A_293 = arith.constant 9.99999974E-6 : f32
      %add3A_294 = vector.broadcast %add3A_293 : f32 to vector<16xf32>
      %add3A_295 = arith.addf %sub3A_292, %add3A_294 : vector<16xf32>
      %bitcast_convert_type3A_296 = tpu.bitcast %add3A_295 : vector<16xf32> -> vector<16xi32>
      %shift_right_arithmetic3A_297 = arith.constant 1 : i32
      %shift_right_arithmetic3A_298 = vector.broadcast %shift_right_arithmetic3A_297 : i32 to vector<16xi32>
      %shift_right_arithmetic3A_299 = arith.shrsi %bitcast_convert_type3A_296, %shift_right_arithmetic3A_298 : vector<16xi32>
      %sub3A_300 = arith.constant 1597463007 : i32
      %sub3A_301 = vector.broadcast %sub3A_300 : i32 to vector<16xi32>
      %sub3A_302 = arith.subi %sub3A_301, %shift_right_arithmetic3A_299 : vector<16xi32>
      %bitcast_convert_type3A_303 = tpu.bitcast %sub3A_302 : vector<16xi32> -> vector<16xf32>
      %mul3A_304 = arith.constant 5.000000e-01 : f32
      %mul3A_305 = vector.broadcast %mul3A_304 : f32 to vector<16xf32>
      %mul3A_306 = arith.mulf %mul3A_305, %add3A_295 : vector<16xf32>
      %mul3A_307 = arith.mulf %mul3A_306, %bitcast_convert_type3A_303 : vector<16xf32>
      %mul3A_308 = arith.mulf %mul3A_307, %bitcast_convert_type3A_303 : vector<16xf32>
      %sub3A_309 = arith.constant 1.500000e+00 : f32
      %sub3A_310 = vector.broadcast %sub3A_309 : f32 to vector<16xf32>
      %sub3A_311 = arith.subf %sub3A_310, %mul3A_308 : vector<16xf32>
      %mul3A_312 = arith.mulf %bitcast_convert_type3A_303, %sub3A_311 : vector<16xf32>
      %mul3A_313 = arith.constant 5.000000e-01 : f32
      %mul3A_314 = vector.broadcast %mul3A_313 : f32 to vector<16xf32>
      %mul3A_315 = arith.mulf %mul3A_314, %add3A_295 : vector<16xf32>
      %mul3A_316 = arith.mulf %mul3A_315, %mul3A_312 : vector<16xf32>
      %mul3A_317 = arith.mulf %mul3A_316, %mul3A_312 : vector<16xf32>
      %sub3A_318 = arith.constant 1.500000e+00 : f32
      %sub3A_319 = vector.broadcast %sub3A_318 : f32 to vector<16xf32>
      %sub3A_320 = arith.subf %sub3A_319, %mul3A_317 : vector<16xf32>
      %mul3A_321 = arith.mulf %mul3A_312, %sub3A_320 : vector<16xf32>
      %sub3A_322 = arith.subf %get3A_255, %mul3A_282 : vector<16xf32>
      %mul3A_323 = arith.mulf %get3A_5, %mul3A_321 : vector<16xf32>
      %mul3A_324 = arith.mulf %sub3A_322, %mul3A_323 : vector<16xf32>
      %add3A_325 = arith.addf %mul3A_324, %get3A_21 : vector<16xf32>
      %swap3A_326 = arith.index_cast %add3A_252 : i32 to index
      %swap3A_327 = arith.constant 0 : index
      %swap3A_328 = tpu.vector_load %arg10[%swap3A_326, %swap3A_327] {strides = array<i32>} : memref<128x64xf32, #tpu.memory_space<vmem>>, vector<16xf32>,
      tpu.vector_store %arg10[%swap3A_326, %swap3A_327], %add3A_325 {strides = array<i32>} : memref<128x64xf32, #tpu.memory_space<vmem>>, vector<16xf32>,
      %sub3A_329 = arith.subf %get3A_258, %mul3A_282 : vector<16xf32>
      %mul3A_330 = arith.mulf %get3A_9, %mul3A_321 : vector<16xf32>
      %mul3A_331 = arith.mulf %sub3A_329, %mul3A_330 : vector<16xf32>
      %add3A_332 = arith.addf %mul3A_331, %get3A_25 : vector<16xf32>
      %swap3A_333 = arith.index_cast %add3A_252 : i32 to index
      %swap3A_334 = arith.constant 16 : index
      %swap3A_335 = tpu.vector_load %arg10[%swap3A_333, %swap3A_334] {strides = array<i32>} : memref<128x64xf32, #tpu.memory_space<vmem>>, vector<16xf32>,
      tpu.vector_store %arg10[%swap3A_333, %swap3A_334], %add3A_332 {strides = array<i32>} : memref<128x64xf32, #tpu.memory_space<vmem>>, vector<16xf32>,
      %sub3A_336 = arith.subf %get3A_261, %mul3A_282 : vector<16xf32>
      %mul3A_337 = arith.mulf %get3A_13, %mul3A_321 : vector<16xf32>
      %mul3A_338 = arith.mulf %sub3A_336, %mul3A_337 : vector<16xf32>
      %add3A_339 = arith.addf %mul3A_338, %get3A_29 : vector<16xf32>
      %swap3A_340 = arith.index_cast %add3A_252 : i32 to index
      %swap3A_341 = arith.constant 32 : index
      %swap3A_342 = tpu.vector_load %arg10[%swap3A_340, %swap3A_341] {strides = array<i32>} : memref<128x64xf32, #tpu.memory_space<vmem>>, vector<16xf32>,
      tpu.vector_store %arg10[%swap3A_340, %swap3A_341], %add3A_339 {strides = array<i32>} : memref<128x64xf32, #tpu.memory_space<vmem>>, vector<16xf32>,
      %sub3A_343 = arith.subf %get3A_264, %mul3A_282 : vector<16xf32>
      %mul3A_344 = arith.mulf %get3A_17, %mul3A_321 : vector<16xf32>
      %mul3A_345 = arith.mulf %sub3A_343, %mul3A_344 : vector<16xf32>
      %add3A_346 = arith.addf %mul3A_345, %get3A_33 : vector<16xf32>
      %swap3A_347 = arith.index_cast %add3A_252 : i32 to index
      %swap3A_348 = arith.constant 48 : index
      %swap3A_349 = tpu.vector_load %arg10[%swap3A_347, %swap3A_348] {strides = array<i32>} : memref<128x64xf32, #tpu.memory_space<vmem>>, vector<16xf32>,
      tpu.vector_store %arg10[%swap3A_347, %swap3A_348], %add3A_346 {strides = array<i32>} : memref<128x64xf32, #tpu.memory_space<vmem>>, vector<16xf32>,
      %mul3A_350 = arith.constant 4 : i32
      %mul3A_351 = arith.muli %mul3A_350, %scan3A_153 : i32
      %add3A_352 = arith.constant 2 : i32
      %add3A_353 = arith.addi %mul3A_351, %add3A_352 : i32
      %get3A_354 = arith.index_cast %add3A_353 : i32 to index
      %get3A_355 = arith.constant 0 : index
      %get3A_356 = tpu.vector_load %arg8[%get3A_354, %get3A_355] {strides = array<i32>} : memref<128x128xf32, #tpu.memory_space<vmem>>, vector<16xf32>,
      %get3A_357 = arith.index_cast %add3A_353 : i32 to index
      %get3A_358 = arith.constant 16 : index
      %get3A_359 = tpu.vector_load %arg8[%get3A_357, %get3A_358] {strides = array<i32>} : memref<128x128xf32, #tpu.memory_space<vmem>>, vector<16xf32>,
      %get3A_360 = arith.index_cast %add3A_353 : i32 to index
      %get3A_361 = arith.constant 32 : index
      %get3A_362 = tpu.vector_load %arg8[%get3A_360, %get3A_361] {strides = array<i32>} : memref<128x128xf32, #tpu.memory_space<vmem>>, vector<16xf32>,
      %get3A_363 = arith.index_cast %add3A_353 : i32 to index
      %get3A_364 = arith.constant 48 : index
      %get3A_365 = tpu.vector_load %arg8[%get3A_363, %get3A_364] {strides = array<i32>} : memref<128x128xf32, #tpu.memory_space<vmem>>, vector<16xf32>,
      %add3A_366 = arith.addf %get3A_356, %get3A_359 : vector<16xf32>
      %add3A_367 = arith.addf %get3A_362, %get3A_365 : vector<16xf32>
      %add3A_368 = arith.addf %add3A_366, %add3A_367 : vector<16xf32>
      %mul3A_369 = arith.mulf %get3A_356, %get3A_356 : vector<16xf32>
      %mul3A_370 = arith.mulf %get3A_359, %get3A_359 : vector<16xf32>
      %add3A_371 = arith.addf %mul3A_369, %mul3A_370 : vector<16xf32>
      %mul3A_372 = arith.mulf %get3A_362, %get3A_362 : vector<16xf32>
      %mul3A_373 = arith.mulf %get3A_365, %get3A_365 : vector<16xf32>
      %add3A_374 = arith.addf %mul3A_372, %mul3A_373 : vector<16xf32>
      %add3A_375 = arith.addf %add3A_371, %add3A_374 : vector<16xf32>
      %reduce_sum3A_376 = arith.constant true
      %reduce_sum3A_377 = vector.broadcast %reduce_sum3A_376 : i1 to vector<16xi1>
      %reduce_sum3A_378 = tpu.scan <sum>, %add3A_368 masked %reduce_sum3A_377 : vector<16xf32>, vector<16xi1> -> vector<16xf32>
      %reduce_sum3A_379 = vector.extract %reduce_sum3A_378[15] : f32 from vector<16xf32>
      %broadcast_in_dim3A_380 = vector.broadcast %reduce_sum3A_379 : f32 to vector<16xf32>
      %mul3A_381 = arith.constant 1.562500e-02 : f32
      %mul3A_382 = vector.broadcast %mul3A_381 : f32 to vector<16xf32>
      %mul3A_383 = arith.mulf %broadcast_in_dim3A_380, %mul3A_382 : vector<16xf32>
      %reduce_sum3A_384 = arith.constant true
      %reduce_sum3A_385 = vector.broadcast %reduce_sum3A_384 : i1 to vector<16xi1>
      %reduce_sum3A_386 = tpu.scan <sum>, %add3A_375 masked %reduce_sum3A_385 : vector<16xf32>, vector<16xi1> -> vector<16xf32>
      %reduce_sum3A_387 = vector.extract %reduce_sum3A_386[15] : f32 from vector<16xf32>
      %broadcast_in_dim3A_388 = vector.broadcast %reduce_sum3A_387 : f32 to vector<16xf32>
      %mul3A_389 = arith.constant 1.562500e-02 : f32
      %mul3A_390 = vector.broadcast %mul3A_389 : f32 to vector<16xf32>
      %mul3A_391 = arith.mulf %broadcast_in_dim3A_388, %mul3A_390 : vector<16xf32>
      %mul3A_392 = arith.mulf %mul3A_383, %mul3A_383 : vector<16xf32>
      %sub3A_393 = arith.subf %mul3A_391, %mul3A_392 : vector<16xf32>
      %add3A_394 = arith.constant 9.99999974E-6 : f32
      %add3A_395 = vector.broadcast %add3A_394 : f32 to vector<16xf32>
      %add3A_396 = arith.addf %sub3A_393, %add3A_395 : vector<16xf32>
      %bitcast_convert_type3A_397 = tpu.bitcast %add3A_396 : vector<16xf32> -> vector<16xi32>
      %shift_right_arithmetic3A_398 = arith.constant 1 : i32
      %shift_right_arithmetic3A_399 = vector.broadcast %shift_right_arithmetic3A_398 : i32 to vector<16xi32>
      %shift_right_arithmetic3A_400 = arith.shrsi %bitcast_convert_type3A_397, %shift_right_arithmetic3A_399 : vector<16xi32>
      %sub3A_401 = arith.constant 1597463007 : i32
      %sub3A_402 = vector.broadcast %sub3A_401 : i32 to vector<16xi32>
      %sub3A_403 = arith.subi %sub3A_402, %shift_right_arithmetic3A_400 : vector<16xi32>
      %bitcast_convert_type3A_404 = tpu.bitcast %sub3A_403 : vector<16xi32> -> vector<16xf32>
      %mul3A_405 = arith.constant 5.000000e-01 : f32
      %mul3A_406 = vector.broadcast %mul3A_405 : f32 to vector<16xf32>
      %mul3A_407 = arith.mulf %mul3A_406, %add3A_396 : vector<16xf32>
      %mul3A_408 = arith.mulf %mul3A_407, %bitcast_convert_type3A_404 : vector<16xf32>
      %mul3A_409 = arith.mulf %mul3A_408, %bitcast_convert_type3A_404 : vector<16xf32>
      %sub3A_410 = arith.constant 1.500000e+00 : f32
      %sub3A_411 = vector.broadcast %sub3A_410 : f32 to vector<16xf32>
      %sub3A_412 = arith.subf %sub3A_411, %mul3A_409 : vector<16xf32>
      %mul3A_413 = arith.mulf %bitcast_convert_type3A_404, %sub3A_412 : vector<16xf32>
      %mul3A_414 = arith.constant 5.000000e-01 : f32
      %mul3A_415 = vector.broadcast %mul3A_414 : f32 to vector<16xf32>
      %mul3A_416 = arith.mulf %mul3A_415, %add3A_396 : vector<16xf32>
      %mul3A_417 = arith.mulf %mul3A_416, %mul3A_413 : vector<16xf32>
      %mul3A_418 = arith.mulf %mul3A_417, %mul3A_413 : vector<16xf32>
      %sub3A_419 = arith.constant 1.500000e+00 : f32
      %sub3A_420 = vector.broadcast %sub3A_419 : f32 to vector<16xf32>
      %sub3A_421 = arith.subf %sub3A_420, %mul3A_418 : vector<16xf32>
      %mul3A_422 = arith.mulf %mul3A_413, %sub3A_421 : vector<16xf32>
      %sub3A_423 = arith.subf %get3A_356, %mul3A_383 : vector<16xf32>
      %mul3A_424 = arith.mulf %get3A_5, %mul3A_422 : vector<16xf32>
      %mul3A_425 = arith.mulf %sub3A_423, %mul3A_424 : vector<16xf32>
      %add3A_426 = arith.addf %mul3A_425, %get3A_21 : vector<16xf32>
      %swap3A_427 = arith.index_cast %add3A_353 : i32 to index
      %swap3A_428 = arith.constant 0 : index
      %swap3A_429 = tpu.vector_load %arg10[%swap3A_427, %swap3A_428] {strides = array<i32>} : memref<128x64xf32, #tpu.memory_space<vmem>>, vector<16xf32>,
      tpu.vector_store %arg10[%swap3A_427, %swap3A_428], %add3A_426 {strides = array<i32>} : memref<128x64xf32, #tpu.memory_space<vmem>>, vector<16xf32>,
      %sub3A_430 = arith.subf %get3A_359, %mul3A_383 : vector<16xf32>
      %mul3A_431 = arith.mulf %get3A_9, %mul3A_422 : vector<16xf32>
      %mul3A_432 = arith.mulf %sub3A_430, %mul3A_431 : vector<16xf32>
      %add3A_433 = arith.addf %mul3A_432, %get3A_25 : vector<16xf32>
      %swap3A_434 = arith.index_cast %add3A_353 : i32 to index
      %swap3A_435 = arith.constant 16 : index
      %swap3A_436 = tpu.vector_load %arg10[%swap3A_434, %swap3A_435] {strides = array<i32>} : memref<128x64xf32, #tpu.memory_space<vmem>>, vector<16xf32>,
      tpu.vector_store %arg10[%swap3A_434, %swap3A_435], %add3A_433 {strides = array<i32>} : memref<128x64xf32, #tpu.memory_space<vmem>>, vector<16xf32>,
      %sub3A_437 = arith.subf %get3A_362, %mul3A_383 : vector<16xf32>
      %mul3A_438 = arith.mulf %get3A_13, %mul3A_422 : vector<16xf32>
      %mul3A_439 = arith.mulf %sub3A_437, %mul3A_438 : vector<16xf32>
      %add3A_440 = arith.addf %mul3A_439, %get3A_29 : vector<16xf32>
      %swap3A_441 = arith.index_cast %add3A_353 : i32 to index
      %swap3A_442 = arith.constant 32 : index
      %swap3A_443 = tpu.vector_load %arg10[%swap3A_441, %swap3A_442] {strides = array<i32>} : memref<128x64xf32, #tpu.memory_space<vmem>>, vector<16xf32>,
      tpu.vector_store %arg10[%swap3A_441, %swap3A_442], %add3A_440 {strides = array<i32>} : memref<128x64xf32, #tpu.memory_space<vmem>>, vector<16xf32>,
      %sub3A_444 = arith.subf %get3A_365, %mul3A_383 : vector<16xf32>
      %mul3A_445 = arith.mulf %get3A_17, %mul3A_422 : vector<16xf32>
      %mul3A_446 = arith.mulf %sub3A_444, %mul3A_445 : vector<16xf32>
      %add3A_447 = arith.addf %mul3A_446, %get3A_33 : vector<16xf32>
      %swap3A_448 = arith.index_cast %add3A_353 : i32 to index
      %swap3A_449 = arith.constant 48 : index
      %swap3A_450 = tpu.vector_load %arg10[%swap3A_448, %swap3A_449] {strides = array<i32>} : memref<128x64xf32, #tpu.memory_space<vmem>>, vector<16xf32>,
      tpu.vector_store %arg10[%swap3A_448, %swap3A_449], %add3A_447 {strides = array<i32>} : memref<128x64xf32, #tpu.memory_space<vmem>>, vector<16xf32>,
      %mul3A_451 = arith.constant 4 : i32
      %mul3A_452 = arith.muli %mul3A_451, %scan3A_153 : i32
      %add3A_453 = arith.constant 3 : i32
      %add3A_454 = arith.addi %mul3A_452, %add3A_453 : i32
      %get3A_455 = arith.index_cast %add3A_454 : i32 to index
      %get3A_456 = arith.constant 0 : index
      %get3A_457 = tpu.vector_load %arg8[%get3A_455, %get3A_456] {strides = array<i32>} : memref<128x128xf32, #tpu.memory_space<vmem>>, vector<16xf32>,
      %get3A_458 = arith.index_cast %add3A_454 : i32 to index
      %get3A_459 = arith.constant 16 : index
      %get3A_460 = tpu.vector_load %arg8[%get3A_458, %get3A_459] {strides = array<i32>} : memref<128x128xf32, #tpu.memory_space<vmem>>, vector<16xf32>,
      %get3A_461 = arith.index_cast %add3A_454 : i32 to index
      %get3A_462 = arith.constant 32 : index
      %get3A_463 = tpu.vector_load %arg8[%get3A_461, %get3A_462] {strides = array<i32>} : memref<128x128xf32, #tpu.memory_space<vmem>>, vector<16xf32>,
      %get3A_464 = arith.index_cast %add3A_454 : i32 to index
      %get3A_465 = arith.constant 48 : index
      %get3A_466 = tpu.vector_load %arg8[%get3A_464, %get3A_465] {strides = array<i32>} : memref<128x128xf32, #tpu.memory_space<vmem>>, vector<16xf32>,
      %add3A_467 = arith.addf %get3A_457, %get3A_460 : vector<16xf32>
      %add3A_468 = arith.addf %get3A_463, %get3A_466 : vector<16xf32>
      %add3A_469 = arith.addf %add3A_467, %add3A_468 : vector<16xf32>
      %mul3A_470 = arith.mulf %get3A_457, %get3A_457 : vector<16xf32>
      %mul3A_471 = arith.mulf %get3A_460, %get3A_460 : vector<16xf32>
      %add3A_472 = arith.addf %mul3A_470, %mul3A_471 : vector<16xf32>
      %mul3A_473 = arith.mulf %get3A_463, %get3A_463 : vector<16xf32>
      %mul3A_474 = arith.mulf %get3A_466, %get3A_466 : vector<16xf32>
      %add3A_475 = arith.addf %mul3A_473, %mul3A_474 : vector<16xf32>
      %add3A_476 = arith.addf %add3A_472, %add3A_475 : vector<16xf32>
      %reduce_sum3A_477 = arith.constant true
      %reduce_sum3A_478 = vector.broadcast %reduce_sum3A_477 : i1 to vector<16xi1>
      %reduce_sum3A_479 = tpu.scan <sum>, %add3A_469 masked %reduce_sum3A_478 : vector<16xf32>, vector<16xi1> -> vector<16xf32>
      %reduce_sum3A_480 = vector.extract %reduce_sum3A_479[15] : f32 from vector<16xf32>
      %broadcast_in_dim3A_481 = vector.broadcast %reduce_sum3A_480 : f32 to vector<16xf32>
      %mul3A_482 = arith.constant 1.562500e-02 : f32
      %mul3A_483 = vector.broadcast %mul3A_482 : f32 to vector<16xf32>
      %mul3A_484 = arith.mulf %broadcast_in_dim3A_481, %mul3A_483 : vector<16xf32>
      %reduce_sum3A_485 = arith.constant true
      %reduce_sum3A_486 = vector.broadcast %reduce_sum3A_485 : i1 to vector<16xi1>
      %reduce_sum3A_487 = tpu.scan <sum>, %add3A_476 masked %reduce_sum3A_486 : vector<16xf32>, vector<16xi1> -> vector<16xf32>
      %reduce_sum3A_488 = vector.extract %reduce_sum3A_487[15] : f32 from vector<16xf32>
      %broadcast_in_dim3A_489 = vector.broadcast %reduce_sum3A_488 : f32 to vector<16xf32>
      %mul3A_490 = arith.constant 1.562500e-02 : f32
      %mul3A_491 = vector.broadcast %mul3A_490 : f32 to vector<16xf32>
      %mul3A_492 = arith.mulf %broadcast_in_dim3A_489, %mul3A_491 : vector<16xf32>
      %mul3A_493 = arith.mulf %mul3A_484, %mul3A_484 : vector<16xf32>
      %sub3A_494 = arith.subf %mul3A_492, %mul3A_493 : vector<16xf32>
      %add3A_495 = arith.constant 9.99999974E-6 : f32
      %add3A_496 = vector.broadcast %add3A_495 : f32 to vector<16xf32>
      %add3A_497 = arith.addf %sub3A_494, %add3A_496 : vector<16xf32>
      %bitcast_convert_type3A_498 = tpu.bitcast %add3A_497 : vector<16xf32> -> vector<16xi32>
      %shift_right_arithmetic3A_499 = arith.constant 1 : i32
      %shift_right_arithmetic3A_500 = vector.broadcast %shift_right_arithmetic3A_499 : i32 to vector<16xi32>
      %shift_right_arithmetic3A_501 = arith.shrsi %bitcast_convert_type3A_498, %shift_right_arithmetic3A_500 : vector<16xi32>
      %sub3A_502 = arith.constant 1597463007 : i32
      %sub3A_503 = vector.broadcast %sub3A_502 : i32 to vector<16xi32>
      %sub3A_504 = arith.subi %sub3A_503, %shift_right_arithmetic3A_501 : vector<16xi32>
      %bitcast_convert_type3A_505 = tpu.bitcast %sub3A_504 : vector<16xi32> -> vector<16xf32>
      %mul3A_506 = arith.constant 5.000000e-01 : f32
      %mul3A_507 = vector.broadcast %mul3A_506 : f32 to vector<16xf32>
      %mul3A_508 = arith.mulf %mul3A_507, %add3A_497 : vector<16xf32>
      %mul3A_509 = arith.mulf %mul3A_508, %bitcast_convert_type3A_505 : vector<16xf32>
      %mul3A_510 = arith.mulf %mul3A_509, %bitcast_convert_type3A_505 : vector<16xf32>
      %sub3A_511 = arith.constant 1.500000e+00 : f32
      %sub3A_512 = vector.broadcast %sub3A_511 : f32 to vector<16xf32>
      %sub3A_513 = arith.subf %sub3A_512, %mul3A_510 : vector<16xf32>
      %mul3A_514 = arith.mulf %bitcast_convert_type3A_505, %sub3A_513 : vector<16xf32>
      %mul3A_515 = arith.constant 5.000000e-01 : f32
      %mul3A_516 = vector.broadcast %mul3A_515 : f32 to vector<16xf32>
      %mul3A_517 = arith.mulf %mul3A_516, %add3A_497 : vector<16xf32>
      %mul3A_518 = arith.mulf %mul3A_517, %mul3A_514 : vector<16xf32>
      %mul3A_519 = arith.mulf %mul3A_518, %mul3A_514 : vector<16xf32>
      %sub3A_520 = arith.constant 1.500000e+00 : f32
      %sub3A_521 = vector.broadcast %sub3A_520 : f32 to vector<16xf32>
      %sub3A_522 = arith.subf %sub3A_521, %mul3A_519 : vector<16xf32>
      %mul3A_523 = arith.mulf %mul3A_514, %sub3A_522 : vector<16xf32>
      %sub3A_524 = arith.subf %get3A_457, %mul3A_484 : vector<16xf32>
      %mul3A_525 = arith.mulf %get3A_5, %mul3A_523 : vector<16xf32>
      %mul3A_526 = arith.mulf %sub3A_524, %mul3A_525 : vector<16xf32>
      %add3A_527 = arith.addf %mul3A_526, %get3A_21 : vector<16xf32>
      %swap3A_528 = arith.index_cast %add3A_454 : i32 to index
      %swap3A_529 = arith.constant 0 : index
      %swap3A_530 = tpu.vector_load %arg10[%swap3A_528, %swap3A_529] {strides = array<i32>} : memref<128x64xf32, #tpu.memory_space<vmem>>, vector<16xf32>,
      tpu.vector_store %arg10[%swap3A_528, %swap3A_529], %add3A_527 {strides = array<i32>} : memref<128x64xf32, #tpu.memory_space<vmem>>, vector<16xf32>,
      %sub3A_531 = arith.subf %get3A_460, %mul3A_484 : vector<16xf32>
      %mul3A_532 = arith.mulf %get3A_9, %mul3A_523 : vector<16xf32>
      %mul3A_533 = arith.mulf %sub3A_531, %mul3A_532 : vector<16xf32>
      %add3A_534 = arith.addf %mul3A_533, %get3A_25 : vector<16xf32>
      %swap3A_535 = arith.index_cast %add3A_454 : i32 to index
      %swap3A_536 = arith.constant 16 : index
      %swap3A_537 = tpu.vector_load %arg10[%swap3A_535, %swap3A_536] {strides = array<i32>} : memref<128x64xf32, #tpu.memory_space<vmem>>, vector<16xf32>,
      tpu.vector_store %arg10[%swap3A_535, %swap3A_536], %add3A_534 {strides = array<i32>} : memref<128x64xf32, #tpu.memory_space<vmem>>, vector<16xf32>,
      %sub3A_538 = arith.subf %get3A_463, %mul3A_484 : vector<16xf32>
      %mul3A_539 = arith.mulf %get3A_13, %mul3A_523 : vector<16xf32>
      %mul3A_540 = arith.mulf %sub3A_538, %mul3A_539 : vector<16xf32>
      %add3A_541 = arith.addf %mul3A_540, %get3A_29 : vector<16xf32>
      %swap3A_542 = arith.index_cast %add3A_454 : i32 to index
      %swap3A_543 = arith.constant 32 : index
      %swap3A_544 = tpu.vector_load %arg10[%swap3A_542, %swap3A_543] {strides = array<i32>} : memref<128x64xf32, #tpu.memory_space<vmem>>, vector<16xf32>,
      tpu.vector_store %arg10[%swap3A_542, %swap3A_543], %add3A_541 {strides = array<i32>} : memref<128x64xf32, #tpu.memory_space<vmem>>, vector<16xf32>,
      %sub3A_545 = arith.subf %get3A_466, %mul3A_484 : vector<16xf32>
      %mul3A_546 = arith.mulf %get3A_17, %mul3A_523 : vector<16xf32>
      %mul3A_547 = arith.mulf %sub3A_545, %mul3A_546 : vector<16xf32>
      %add3A_548 = arith.addf %mul3A_547, %get3A_33 : vector<16xf32>
      %swap3A_549 = arith.index_cast %add3A_454 : i32 to index
      %swap3A_550 = arith.constant 48 : index
      %swap3A_551 = tpu.vector_load %arg10[%swap3A_549, %swap3A_550] {strides = array<i32>} : memref<128x64xf32, #tpu.memory_space<vmem>>, vector<16xf32>,
      tpu.vector_store %arg10[%swap3A_549, %swap3A_550], %add3A_548 {strides = array<i32>} : memref<128x64xf32, #tpu.memory_space<vmem>>, vector<16xf32>,
    }
    %scan3A_81 = arith.constant 32 : i32
    %add3A_82 = arith.constant 128 : i32
    %add3A_83 = arith.addi %mul3A_2, %add3A_82 : i32
    %dma_start3A_84 = arith.constant 0 : i32
    %dma_start3A_85 = tpu.memref_slice %arg5[%add3A_83, %dma_start3A_84] : memref<819200x64xf32, #tpu.memory_space<hbm>> -> memref<128x64xf32, #tpu.memory_space<hbm>>
    %dma_start3A_86 = arith.constant 0 : i32
    %dma_start3A_87 = tpu.memref_slice %arg5[%add3A_83, %dma_start3A_86] : memref<819200x64xf32, #tpu.memory_space<hbm>> -> memref<128x64xf32, #tpu.memory_space<hbm>>
    tpu.enqueue_dma source(%arg10 : memref<128x64xf32, #tpu.memory_space<vmem>>) target(%dma_start3A_87 : memref<128x64xf32, #tpu.memory_space<hbm>>) target_semaphore(%arg15 : memref<!tpu.dma_semaphore, #tpu.memory_space<semaphore_mem>>)
    %dma_start3A_88 = arith.constant 3 : i32
    %dma_start3A_89 = arith.constant 0 : i32
    %dma_start3A_90 = tpu.memref_slice %arg6[%dma_start3A_88, %dma_start3A_89] : memref<200x128xi32, #tpu.memory_space<vmem>> -> memref<1x128xi32, #tpu.memory_space<vmem>>
    %dma_start3A_91 = tpu.memref_squeeze %dma_start3A_90 : memref<1x128xi32, #tpu.memory_space<vmem>> -> memref<128xi32, #tpu.memory_space<vmem>>
    %dma_start3A_92 = arith.constant 0 : i32
    %dma_start3A_93 = arith.constant 0 : i32
    %dma_start3A_94 = tpu.memref_slice %arg3[%dma_start3A_92, %dma_start3A_93] : memref<100000x128xf32, #tpu.memory_space<hbm>> -> memref<100000x128xf32, #tpu.memory_space<hbm>>
    tpu.enqueue_indirect_dma source(%dma_start3A_94 : memref<100000x128xf32, #tpu.memory_space<hbm>>) target(%arg8 : memref<128x128xf32, #tpu.memory_space<vmem>>) offsets(%dma_start3A_91 : memref<128xi32, #tpu.memory_space<vmem>>) semaphore(%arg13 : memref<!tpu.dma_semaphore, #tpu.memory_space<semaphore_mem>>)
    %scan3A_95 = arith.constant 0 : i32
    %scan3A_96 = arith.constant 1 : i32
    %scan3A_97 = arith.constant 98 : i32
    %scan3A_98 = arith.addi %scan3A_96, %scan3A_97 : i32
    %scan3A_99 = arith.constant 1 : i32
    scf.for %scan3A_153 = %scan3A_96 to %scan3A_98 step %scan3A_99  : i32 {
      %mul3A_154 = arith.constant 2 : i32
      %mul3A_155 = arith.muli %mul3A_154, %scan3A_153 : i32
      %add3A_156 = arith.constant 0 : i32
      %add3A_157 = arith.addi %mul3A_155, %add3A_156 : i32
      %dma_wait3A_158 = arith.constant 0 : i32
      %dma_wait3A_159 = arith.constant 0 : i32
      %dma_wait3A_160 = tpu.memref_slice %arg3[%dma_wait3A_158, %dma_wait3A_159] : memref<100000x128xf32, #tpu.memory_space<hbm>> -> memref<128x128xf32, #tpu.memory_space<hbm>>
      %dma_wait3A_161 = arith.constant 0 : i32
      %dma_wait3A_162 = arith.constant 0 : i32
      %dma_wait3A_163 = tpu.memref_slice %arg3[%dma_wait3A_161, %dma_wait3A_162] : memref<100000x128xf32, #tpu.memory_space<hbm>> -> memref<128x128xf32, #tpu.memory_space<hbm>>
      tpu.wait_dma2 semaphore(%arg12 : memref<!tpu.dma_semaphore, #tpu.memory_space<semaphore_mem>>) src(%dma_wait3A_163 : memref<128x128xf32, #tpu.memory_space<hbm>>) dst(%arg7 : memref<128x128xf32, #tpu.memory_space<vmem>>)
      %dma_wait3A_164 = arith.constant 0 : i32
      %dma_wait3A_165 = tpu.memref_slice %arg5[%mul3A_2, %dma_wait3A_164] : memref<819200x64xf32, #tpu.memory_space<hbm>> -> memref<128x64xf32, #tpu.memory_space<hbm>>
      %dma_wait3A_166 = arith.constant 0 : i32
      %dma_wait3A_167 = tpu.memref_slice %arg5[%mul3A_2, %dma_wait3A_166] : memref<819200x64xf32, #tpu.memory_space<hbm>> -> memref<128x64xf32, #tpu.memory_space<hbm>>
      tpu.wait_dma2 semaphore(%arg14 : memref<!tpu.dma_semaphore, #tpu.memory_space<semaphore_mem>>) src(%arg9 : memref<128x64xf32, #tpu.memory_space<vmem>>) dst(%dma_wait3A_167 : memref<128x64xf32, #tpu.memory_space<hbm>>)
      %scan3A_168 = arith.constant 0 : i32
      %scan3A_169 = arith.constant 32 : i32
      %scan3A_170 = arith.addi %scan3A_168, %scan3A_169 : i32
      %scan3A_171 = arith.constant 1 : i32
      scf.for %scan3A_222 = %scan3A_168 to %scan3A_170 step %scan3A_171  : i32 {
        %mul3A_223 = arith.constant 4 : i32
        %mul3A_224 = arith.muli %mul3A_223, %scan3A_222 : i32
        %add3A_225 = arith.constant 0 : i32
        %add3A_226 = arith.addi %mul3A_224, %add3A_225 : i32
        %get3A_227 = arith.index_cast %add3A_226 : i32 to index
        %get3A_228 = arith.constant 0 : index
        %get3A_229 = tpu.vector_load %arg7[%get3A_227, %get3A_228] {strides = array<i32>} : memref<128x128xf32, #tpu.memory_space<vmem>>, vector<16xf32>,
        %get3A_230 = arith.index_cast %add3A_226 : i32 to index
        %get3A_231 = arith.constant 16 : index
        %get3A_232 = tpu.vector_load %arg7[%get3A_230, %get3A_231] {strides = array<i32>} : memref<128x128xf32, #tpu.memory_space<vmem>>, vector<16xf32>,
        %get3A_233 = arith.index_cast %add3A_226 : i32 to index
        %get3A_234 = arith.constant 32 : index
        %get3A_235 = tpu.vector_load %arg7[%get3A_233, %get3A_234] {strides = array<i32>} : memref<128x128xf32, #tpu.memory_space<vmem>>, vector<16xf32>,
        %get3A_236 = arith.index_cast %add3A_226 : i32 to index
        %get3A_237 = arith.constant 48 : index
        %get3A_238 = tpu.vector_load %arg7[%get3A_236, %get3A_237] {strides = array<i32>} : memref<128x128xf32, #tpu.memory_space<vmem>>, vector<16xf32>,
        %add3A_239 = arith.addf %get3A_229, %get3A_232 : vector<16xf32>
        %add3A_240 = arith.addf %get3A_235, %get3A_238 : vector<16xf32>
        %add3A_241 = arith.addf %add3A_239, %add3A_240 : vector<16xf32>
        %mul3A_242 = arith.mulf %get3A_229, %get3A_229 : vector<16xf32>
        %mul3A_243 = arith.mulf %get3A_232, %get3A_232 : vector<16xf32>
        %add3A_244 = arith.addf %mul3A_242, %mul3A_243 : vector<16xf32>
        %mul3A_245 = arith.mulf %get3A_235, %get3A_235 : vector<16xf32>
        %mul3A_246 = arith.mulf %get3A_238, %get3A_238 : vector<16xf32>
        %add3A_247 = arith.addf %mul3A_245, %mul3A_246 : vector<16xf32>
        %add3A_248 = arith.addf %add3A_244, %add3A_247 : vector<16xf32>
        %reduce_sum3A = arith.constant true
        %reduce_sum3A_249 = vector.broadcast %reduce_sum3A : i1 to vector<16xi1>
        %reduce_sum3A_250 = tpu.scan <sum>, %add3A_241 masked %reduce_sum3A_249 : vector<16xf32>, vector<16xi1> -> vector<16xf32>
        %reduce_sum3A_251 = vector.extract %reduce_sum3A_250[15] : f32 from vector<16xf32>
        %broadcast_in_dim3A = vector.broadcast %reduce_sum3A_251 : f32 to vector<16xf32>
        %mul3A_252 = arith.constant 1.562500e-02 : f32
        %mul3A_253 = vector.broadcast %mul3A_252 : f32 to vector<16xf32>
        %mul3A_254 = arith.mulf %broadcast_in_dim3A, %mul3A_253 : vector<16xf32>
        %reduce_sum3A_255 = arith.constant true
        %reduce_sum3A_256 = vector.broadcast %reduce_sum3A_255 : i1 to vector<16xi1>
        %reduce_sum3A_257 = tpu.scan <sum>, %add3A_248 masked %reduce_sum3A_256 : vector<16xf32>, vector<16xi1> -> vector<16xf32>
        %reduce_sum3A_258 = vector.extract %reduce_sum3A_257[15] : f32 from vector<16xf32>
        %broadcast_in_dim3A_259 = vector.broadcast %reduce_sum3A_258 : f32 to vector<16xf32>
        %mul3A_260 = arith.constant 1.562500e-02 : f32
        %mul3A_261 = vector.broadcast %mul3A_260 : f32 to vector<16xf32>
        %mul3A_262 = arith.mulf %broadcast_in_dim3A_259, %mul3A_261 : vector<16xf32>
        %mul3A_263 = arith.mulf %mul3A_254, %mul3A_254 : vector<16xf32>
        %sub3A = arith.subf %mul3A_262, %mul3A_263 : vector<16xf32>
        %add3A_264 = arith.constant 9.99999974E-6 : f32
        %add3A_265 = vector.broadcast %add3A_264 : f32 to vector<16xf32>
        %add3A_266 = arith.addf %sub3A, %add3A_265 : vector<16xf32>
        %bitcast_convert_type3A = tpu.bitcast %add3A_266 : vector<16xf32> -> vector<16xi32>
        %shift_right_arithmetic3A = arith.constant 1 : i32
        %shift_right_arithmetic3A_267 = vector.broadcast %shift_right_arithmetic3A : i32 to vector<16xi32>
        %shift_right_arithmetic3A_268 = arith.shrsi %bitcast_convert_type3A, %shift_right_arithmetic3A_267 : vector<16xi32>
        %sub3A_269 = arith.constant 1597463007 : i32
        %sub3A_270 = vector.broadcast %sub3A_269 : i32 to vector<16xi32>
        %sub3A_271 = arith.subi %sub3A_270, %shift_right_arithmetic3A_268 : vector<16xi32>
        %bitcast_convert_type3A_272 = tpu.bitcast %sub3A_271 : vector<16xi32> -> vector<16xf32>
        %mul3A_273 = arith.constant 5.000000e-01 : f32
        %mul3A_274 = vector.broadcast %mul3A_273 : f32 to vector<16xf32>
        %mul3A_275 = arith.mulf %mul3A_274, %add3A_266 : vector<16xf32>
        %mul3A_276 = arith.mulf %mul3A_275, %bitcast_convert_type3A_272 : vector<16xf32>
        %mul3A_277 = arith.mulf %mul3A_276, %bitcast_convert_type3A_272 : vector<16xf32>
        %sub3A_278 = arith.constant 1.500000e+00 : f32
        %sub3A_279 = vector.broadcast %sub3A_278 : f32 to vector<16xf32>
        %sub3A_280 = arith.subf %sub3A_279, %mul3A_277 : vector<16xf32>
        %mul3A_281 = arith.mulf %bitcast_convert_type3A_272, %sub3A_280 : vector<16xf32>
        %mul3A_282 = arith.constant 5.000000e-01 : f32
        %mul3A_283 = vector.broadcast %mul3A_282 : f32 to vector<16xf32>
        %mul3A_284 = arith.mulf %mul3A_283, %add3A_266 : vector<16xf32>
        %mul3A_285 = arith.mulf %mul3A_284, %mul3A_281 : vector<16xf32>
        %mul3A_286 = arith.mulf %mul3A_285, %mul3A_281 : vector<16xf32>
        %sub3A_287 = arith.constant 1.500000e+00 : f32
        %sub3A_288 = vector.broadcast %sub3A_287 : f32 to vector<16xf32>
        %sub3A_289 = arith.subf %sub3A_288, %mul3A_286 : vector<16xf32>
        %mul3A_290 = arith.mulf %mul3A_281, %sub3A_289 : vector<16xf32>
        %sub3A_291 = arith.subf %get3A_229, %mul3A_254 : vector<16xf32>
        %mul3A_292 = arith.mulf %get3A_5, %mul3A_290 : vector<16xf32>
        %mul3A_293 = arith.mulf %sub3A_291, %mul3A_292 : vector<16xf32>
        %add3A_294 = arith.addf %mul3A_293, %get3A_21 : vector<16xf32>
        %swap3A = arith.index_cast %add3A_226 : i32 to index
        %swap3A_295 = arith.constant 0 : index
        %swap3A_296 = tpu.vector_load %arg9[%swap3A, %swap3A_295] {strides = array<i32>} : memref<128x64xf32, #tpu.memory_space<vmem>>, vector<16xf32>,
        tpu.vector_store %arg9[%swap3A, %swap3A_295], %add3A_294 {strides = array<i32>} : memref<128x64xf32, #tpu.memory_space<vmem>>, vector<16xf32>,
        %sub3A_297 = arith.subf %get3A_232, %mul3A_254 : vector<16xf32>
        %mul3A_298 = arith.mulf %get3A_9, %mul3A_290 : vector<16xf32>
        %mul3A_299 = arith.mulf %sub3A_297, %mul3A_298 : vector<16xf32>
        %add3A_300 = arith.addf %mul3A_299, %get3A_25 : vector<16xf32>
        %swap3A_301 = arith.index_cast %add3A_226 : i32 to index
        %swap3A_302 = arith.constant 16 : index
        %swap3A_303 = tpu.vector_load %arg9[%swap3A_301, %swap3A_302] {strides = array<i32>} : memref<128x64xf32, #tpu.memory_space<vmem>>, vector<16xf32>,
        tpu.vector_store %arg9[%swap3A_301, %swap3A_302], %add3A_300 {strides = array<i32>} : memref<128x64xf32, #tpu.memory_space<vmem>>, vector<16xf32>,
        %sub3A_304 = arith.subf %get3A_235, %mul3A_254 : vector<16xf32>
        %mul3A_305 = arith.mulf %get3A_13, %mul3A_290 : vector<16xf32>
        %mul3A_306 = arith.mulf %sub3A_304, %mul3A_305 : vector<16xf32>
        %add3A_307 = arith.addf %mul3A_306, %get3A_29 : vector<16xf32>
        %swap3A_308 = arith.index_cast %add3A_226 : i32 to index
        %swap3A_309 = arith.constant 32 : index
        %swap3A_310 = tpu.vector_load %arg9[%swap3A_308, %swap3A_309] {strides = array<i32>} : memref<128x64xf32, #tpu.memory_space<vmem>>, vector<16xf32>,
        tpu.vector_store %arg9[%swap3A_308, %swap3A_309], %add3A_307 {strides = array<i32>} : memref<128x64xf32, #tpu.memory_space<vmem>>, vector<16xf32>,
        %sub3A_311 = arith.subf %get3A_238, %mul3A_254 : vector<16xf32>
        %mul3A_312 = arith.mulf %get3A_17, %mul3A_290 : vector<16xf32>
        %mul3A_313 = arith.mulf %sub3A_311, %mul3A_312 : vector<16xf32>
        %add3A_314 = arith.addf %mul3A_313, %get3A_33 : vector<16xf32>
        %swap3A_315 = arith.index_cast %add3A_226 : i32 to index
        %swap3A_316 = arith.constant 48 : index
        %swap3A_317 = tpu.vector_load %arg9[%swap3A_315, %swap3A_316] {strides = array<i32>} : memref<128x64xf32, #tpu.memory_space<vmem>>, vector<16xf32>,
        tpu.vector_store %arg9[%swap3A_315, %swap3A_316], %add3A_314 {strides = array<i32>} : memref<128x64xf32, #tpu.memory_space<vmem>>, vector<16xf32>,
        %mul3A_318 = arith.constant 4 : i32
        %mul3A_319 = arith.muli %mul3A_318, %scan3A_222 : i32
        %add3A_320 = arith.constant 1 : i32
        %add3A_321 = arith.addi %mul3A_319, %add3A_320 : i32
        %get3A_322 = arith.index_cast %add3A_321 : i32 to index
        %get3A_323 = arith.constant 0 : index
        %get3A_324 = tpu.vector_load %arg7[%get3A_322, %get3A_323] {strides = array<i32>} : memref<128x128xf32, #tpu.memory_space<vmem>>, vector<16xf32>,
        %get3A_325 = arith.index_cast %add3A_321 : i32 to index
        %get3A_326 = arith.constant 16 : index
        %get3A_327 = tpu.vector_load %arg7[%get3A_325, %get3A_326] {strides = array<i32>} : memref<128x128xf32, #tpu.memory_space<vmem>>, vector<16xf32>,
        %get3A_328 = arith.index_cast %add3A_321 : i32 to index
        %get3A_329 = arith.constant 32 : index
        %get3A_330 = tpu.vector_load %arg7[%get3A_328, %get3A_329] {strides = array<i32>} : memref<128x128xf32, #tpu.memory_space<vmem>>, vector<16xf32>,
        %get3A_331 = arith.index_cast %add3A_321 : i32 to index
        %get3A_332 = arith.constant 48 : index
        %get3A_333 = tpu.vector_load %arg7[%get3A_331, %get3A_332] {strides = array<i32>} : memref<128x128xf32, #tpu.memory_space<vmem>>, vector<16xf32>,
        %add3A_334 = arith.addf %get3A_324, %get3A_327 : vector<16xf32>
        %add3A_335 = arith.addf %get3A_330, %get3A_333 : vector<16xf32>
        %add3A_336 = arith.addf %add3A_334, %add3A_335 : vector<16xf32>
        %mul3A_337 = arith.mulf %get3A_324, %get3A_324 : vector<16xf32>
        %mul3A_338 = arith.mulf %get3A_327, %get3A_327 : vector<16xf32>
        %add3A_339 = arith.addf %mul3A_337, %mul3A_338 : vector<16xf32>
        %mul3A_340 = arith.mulf %get3A_330, %get3A_330 : vector<16xf32>
        %mul3A_341 = arith.mulf %get3A_333, %get3A_333 : vector<16xf32>
        %add3A_342 = arith.addf %mul3A_340, %mul3A_341 : vector<16xf32>
        %add3A_343 = arith.addf %add3A_339, %add3A_342 : vector<16xf32>
        %reduce_sum3A_344 = arith.constant true
        %reduce_sum3A_345 = vector.broadcast %reduce_sum3A_344 : i1 to vector<16xi1>
        %reduce_sum3A_346 = tpu.scan <sum>, %add3A_336 masked %reduce_sum3A_345 : vector<16xf32>, vector<16xi1> -> vector<16xf32>
        %reduce_sum3A_347 = vector.extract %reduce_sum3A_346[15] : f32 from vector<16xf32>
        %broadcast_in_dim3A_348 = vector.broadcast %reduce_sum3A_347 : f32 to vector<16xf32>
        %mul3A_349 = arith.constant 1.562500e-02 : f32
        %mul3A_350 = vector.broadcast %mul3A_349 : f32 to vector<16xf32>
        %mul3A_351 = arith.mulf %broadcast_in_dim3A_348, %mul3A_350 : vector<16xf32>
        %reduce_sum3A_352 = arith.constant true
        %reduce_sum3A_353 = vector.broadcast %reduce_sum3A_352 : i1 to vector<16xi1>
        %reduce_sum3A_354 = tpu.scan <sum>, %add3A_343 masked %reduce_sum3A_353 : vector<16xf32>, vector<16xi1> -> vector<16xf32>
        %reduce_sum3A_355 = vector.extract %reduce_sum3A_354[15] : f32 from vector<16xf32>
        %broadcast_in_dim3A_356 = vector.broadcast %reduce_sum3A_355 : f32 to vector<16xf32>
        %mul3A_357 = arith.constant 1.562500e-02 : f32
        %mul3A_358 = vector.broadcast %mul3A_357 : f32 to vector<16xf32>
        %mul3A_359 = arith.mulf %broadcast_in_dim3A_356, %mul3A_358 : vector<16xf32>
        %mul3A_360 = arith.mulf %mul3A_351, %mul3A_351 : vector<16xf32>
        %sub3A_361 = arith.subf %mul3A_359, %mul3A_360 : vector<16xf32>
        %add3A_362 = arith.constant 9.99999974E-6 : f32
        %add3A_363 = vector.broadcast %add3A_362 : f32 to vector<16xf32>
        %add3A_364 = arith.addf %sub3A_361, %add3A_363 : vector<16xf32>
        %bitcast_convert_type3A_365 = tpu.bitcast %add3A_364 : vector<16xf32> -> vector<16xi32>
        %shift_right_arithmetic3A_366 = arith.constant 1 : i32
        %shift_right_arithmetic3A_367 = vector.broadcast %shift_right_arithmetic3A_366 : i32 to vector<16xi32>
        %shift_right_arithmetic3A_368 = arith.shrsi %bitcast_convert_type3A_365, %shift_right_arithmetic3A_367 : vector<16xi32>
        %sub3A_369 = arith.constant 1597463007 : i32
        %sub3A_370 = vector.broadcast %sub3A_369 : i32 to vector<16xi32>
        %sub3A_371 = arith.subi %sub3A_370, %shift_right_arithmetic3A_368 : vector<16xi32>
        %bitcast_convert_type3A_372 = tpu.bitcast %sub3A_371 : vector<16xi32> -> vector<16xf32>
        %mul3A_373 = arith.constant 5.000000e-01 : f32
        %mul3A_374 = vector.broadcast %mul3A_373 : f32 to vector<16xf32>
        %mul3A_375 = arith.mulf %mul3A_374, %add3A_364 : vector<16xf32>
        %mul3A_376 = arith.mulf %mul3A_375, %bitcast_convert_type3A_372 : vector<16xf32>
        %mul3A_377 = arith.mulf %mul3A_376, %bitcast_convert_type3A_372 : vector<16xf32>
        %sub3A_378 = arith.constant 1.500000e+00 : f32
        %sub3A_379 = vector.broadcast %sub3A_378 : f32 to vector<16xf32>
        %sub3A_380 = arith.subf %sub3A_379, %mul3A_377 : vector<16xf32>
        %mul3A_381 = arith.mulf %bitcast_convert_type3A_372, %sub3A_380 : vector<16xf32>
        %mul3A_382 = arith.constant 5.000000e-01 : f32
        %mul3A_383 = vector.broadcast %mul3A_382 : f32 to vector<16xf32>
        %mul3A_384 = arith.mulf %mul3A_383, %add3A_364 : vector<16xf32>
        %mul3A_385 = arith.mulf %mul3A_384, %mul3A_381 : vector<16xf32>
        %mul3A_386 = arith.mulf %mul3A_385, %mul3A_381 : vector<16xf32>
        %sub3A_387 = arith.constant 1.500000e+00 : f32
        %sub3A_388 = vector.broadcast %sub3A_387 : f32 to vector<16xf32>
        %sub3A_389 = arith.subf %sub3A_388, %mul3A_386 : vector<16xf32>
        %mul3A_390 = arith.mulf %mul3A_381, %sub3A_389 : vector<16xf32>
        %sub3A_391 = arith.subf %get3A_324, %mul3A_351 : vector<16xf32>
        %mul3A_392 = arith.mulf %get3A_5, %mul3A_390 : vector<16xf32>
        %mul3A_393 = arith.mulf %sub3A_391, %mul3A_392 : vector<16xf32>
        %add3A_394 = arith.addf %mul3A_393, %get3A_21 : vector<16xf32>
        %swap3A_395 = arith.index_cast %add3A_321 : i32 to index
        %swap3A_396 = arith.constant 0 : index
        %swap3A_397 = tpu.vector_load %arg9[%swap3A_395, %swap3A_396] {strides = array<i32>} : memref<128x64xf32, #tpu.memory_space<vmem>>, vector<16xf32>,
        tpu.vector_store %arg9[%swap3A_395, %swap3A_396], %add3A_394 {strides = array<i32>} : memref<128x64xf32, #tpu.memory_space<vmem>>, vector<16xf32>,
        %sub3A_398 = arith.subf %get3A_327, %mul3A_351 : vector<16xf32>
        %mul3A_399 = arith.mulf %get3A_9, %mul3A_390 : vector<16xf32>
        %mul3A_400 = arith.mulf %sub3A_398, %mul3A_399 : vector<16xf32>
        %add3A_401 = arith.addf %mul3A_400, %get3A_25 : vector<16xf32>
        %swap3A_402 = arith.index_cast %add3A_321 : i32 to index
        %swap3A_403 = arith.constant 16 : index
        %swap3A_404 = tpu.vector_load %arg9[%swap3A_402, %swap3A_403] {strides = array<i32>} : memref<128x64xf32, #tpu.memory_space<vmem>>, vector<16xf32>,
        tpu.vector_store %arg9[%swap3A_402, %swap3A_403], %add3A_401 {strides = array<i32>} : memref<128x64xf32, #tpu.memory_space<vmem>>, vector<16xf32>,
        %sub3A_405 = arith.subf %get3A_330, %mul3A_351 : vector<16xf32>
        %mul3A_406 = arith.mulf %get3A_13, %mul3A_390 : vector<16xf32>
        %mul3A_407 = arith.mulf %sub3A_405, %mul3A_406 : vector<16xf32>
        %add3A_408 = arith.addf %mul3A_407, %get3A_29 : vector<16xf32>
        %swap3A_409 = arith.index_cast %add3A_321 : i32 to index
        %swap3A_410 = arith.constant 32 : index
        %swap3A_411 = tpu.vector_load %arg9[%swap3A_409, %swap3A_410] {strides = array<i32>} : memref<128x64xf32, #tpu.memory_space<vmem>>, vector<16xf32>,
        tpu.vector_store %arg9[%swap3A_409, %swap3A_410], %add3A_408 {strides = array<i32>} : memref<128x64xf32, #tpu.memory_space<vmem>>, vector<16xf32>,
        %sub3A_412 = arith.subf %get3A_333, %mul3A_351 : vector<16xf32>
        %mul3A_413 = arith.mulf %get3A_17, %mul3A_390 : vector<16xf32>
        %mul3A_414 = arith.mulf %sub3A_412, %mul3A_413 : vector<16xf32>
        %add3A_415 = arith.addf %mul3A_414, %get3A_33 : vector<16xf32>
        %swap3A_416 = arith.index_cast %add3A_321 : i32 to index
        %swap3A_417 = arith.constant 48 : index
        %swap3A_418 = tpu.vector_load %arg9[%swap3A_416, %swap3A_417] {strides = array<i32>} : memref<128x64xf32, #tpu.memory_space<vmem>>, vector<16xf32>,
        tpu.vector_store %arg9[%swap3A_416, %swap3A_417], %add3A_415 {strides = array<i32>} : memref<128x64xf32, #tpu.memory_space<vmem>>, vector<16xf32>,
        %mul3A_419 = arith.constant 4 : i32
        %mul3A_420 = arith.muli %mul3A_419, %scan3A_222 : i32
        %add3A_421 = arith.constant 2 : i32
        %add3A_422 = arith.addi %mul3A_420, %add3A_421 : i32
        %get3A_423 = arith.index_cast %add3A_422 : i32 to index
        %get3A_424 = arith.constant 0 : index
        %get3A_425 = tpu.vector_load %arg7[%get3A_423, %get3A_424] {strides = array<i32>} : memref<128x128xf32, #tpu.memory_space<vmem>>, vector<16xf32>,
        %get3A_426 = arith.index_cast %add3A_422 : i32 to index
        %get3A_427 = arith.constant 16 : index
        %get3A_428 = tpu.vector_load %arg7[%get3A_426, %get3A_427] {strides = array<i32>} : memref<128x128xf32, #tpu.memory_space<vmem>>, vector<16xf32>,
        %get3A_429 = arith.index_cast %add3A_422 : i32 to index
        %get3A_430 = arith.constant 32 : index
        %get3A_431 = tpu.vector_load %arg7[%get3A_429, %get3A_430] {strides = array<i32>} : memref<128x128xf32, #tpu.memory_space<vmem>>, vector<16xf32>,
        %get3A_432 = arith.index_cast %add3A_422 : i32 to index
        %get3A_433 = arith.constant 48 : index
        %get3A_434 = tpu.vector_load %arg7[%get3A_432, %get3A_433] {strides = array<i32>} : memref<128x128xf32, #tpu.memory_space<vmem>>, vector<16xf32>,
        %add3A_435 = arith.addf %get3A_425, %get3A_428 : vector<16xf32>
        %add3A_436 = arith.addf %get3A_431, %get3A_434 : vector<16xf32>
        %add3A_437 = arith.addf %add3A_435, %add3A_436 : vector<16xf32>
        %mul3A_438 = arith.mulf %get3A_425, %get3A_425 : vector<16xf32>
        %mul3A_439 = arith.mulf %get3A_428, %get3A_428 : vector<16xf32>
        %add3A_440 = arith.addf %mul3A_438, %mul3A_439 : vector<16xf32>
        %mul3A_441 = arith.mulf %get3A_431, %get3A_431 : vector<16xf32>
        %mul3A_442 = arith.mulf %get3A_434, %get3A_434 : vector<16xf32>
        %add3A_443 = arith.addf %mul3A_441, %mul3A_442 : vector<16xf32>
        %add3A_444 = arith.addf %add3A_440, %add3A_443 : vector<16xf32>
        %reduce_sum3A_445 = arith.constant true
        %reduce_sum3A_446 = vector.broadcast %reduce_sum3A_445 : i1 to vector<16xi1>
        %reduce_sum3A_447 = tpu.scan <sum>, %add3A_437 masked %reduce_sum3A_446 : vector<16xf32>, vector<16xi1> -> vector<16xf32>
        %reduce_sum3A_448 = vector.extract %reduce_sum3A_447[15] : f32 from vector<16xf32>
        %broadcast_in_dim3A_449 = vector.broadcast %reduce_sum3A_448 : f32 to vector<16xf32>
        %mul3A_450 = arith.constant 1.562500e-02 : f32
        %mul3A_451 = vector.broadcast %mul3A_450 : f32 to vector<16xf32>
        %mul3A_452 = arith.mulf %broadcast_in_dim3A_449, %mul3A_451 : vector<16xf32>
        %reduce_sum3A_453 = arith.constant true
        %reduce_sum3A_454 = vector.broadcast %reduce_sum3A_453 : i1 to vector<16xi1>
        %reduce_sum3A_455 = tpu.scan <sum>, %add3A_444 masked %reduce_sum3A_454 : vector<16xf32>, vector<16xi1> -> vector<16xf32>
        %reduce_sum3A_456 = vector.extract %reduce_sum3A_455[15] : f32 from vector<16xf32>
        %broadcast_in_dim3A_457 = vector.broadcast %reduce_sum3A_456 : f32 to vector<16xf32>
        %mul3A_458 = arith.constant 1.562500e-02 : f32
        %mul3A_459 = vector.broadcast %mul3A_458 : f32 to vector<16xf32>
        %mul3A_460 = arith.mulf %broadcast_in_dim3A_457, %mul3A_459 : vector<16xf32>
        %mul3A_461 = arith.mulf %mul3A_452, %mul3A_452 : vector<16xf32>
        %sub3A_462 = arith.subf %mul3A_460, %mul3A_461 : vector<16xf32>
        %add3A_463 = arith.constant 9.99999974E-6 : f32
        %add3A_464 = vector.broadcast %add3A_463 : f32 to vector<16xf32>
        %add3A_465 = arith.addf %sub3A_462, %add3A_464 : vector<16xf32>
        %bitcast_convert_type3A_466 = tpu.bitcast %add3A_465 : vector<16xf32> -> vector<16xi32>
        %shift_right_arithmetic3A_467 = arith.constant 1 : i32
        %shift_right_arithmetic3A_468 = vector.broadcast %shift_right_arithmetic3A_467 : i32 to vector<16xi32>
        %shift_right_arithmetic3A_469 = arith.shrsi %bitcast_convert_type3A_466, %shift_right_arithmetic3A_468 : vector<16xi32>
        %sub3A_470 = arith.constant 1597463007 : i32
        %sub3A_471 = vector.broadcast %sub3A_470 : i32 to vector<16xi32>
        %sub3A_472 = arith.subi %sub3A_471, %shift_right_arithmetic3A_469 : vector<16xi32>
        %bitcast_convert_type3A_473 = tpu.bitcast %sub3A_472 : vector<16xi32> -> vector<16xf32>
        %mul3A_474 = arith.constant 5.000000e-01 : f32
        %mul3A_475 = vector.broadcast %mul3A_474 : f32 to vector<16xf32>
        %mul3A_476 = arith.mulf %mul3A_475, %add3A_465 : vector<16xf32>
        %mul3A_477 = arith.mulf %mul3A_476, %bitcast_convert_type3A_473 : vector<16xf32>
        %mul3A_478 = arith.mulf %mul3A_477, %bitcast_convert_type3A_473 : vector<16xf32>
        %sub3A_479 = arith.constant 1.500000e+00 : f32
        %sub3A_480 = vector.broadcast %sub3A_479 : f32 to vector<16xf32>
        %sub3A_481 = arith.subf %sub3A_480, %mul3A_478 : vector<16xf32>
        %mul3A_482 = arith.mulf %bitcast_convert_type3A_473, %sub3A_481 : vector<16xf32>
        %mul3A_483 = arith.constant 5.000000e-01 : f32
        %mul3A_484 = vector.broadcast %mul3A_483 : f32 to vector<16xf32>
        %mul3A_485 = arith.mulf %mul3A_484, %add3A_465 : vector<16xf32>
        %mul3A_486 = arith.mulf %mul3A_485, %mul3A_482 : vector<16xf32>
        %mul3A_487 = arith.mulf %mul3A_486, %mul3A_482 : vector<16xf32>
        %sub3A_488 = arith.constant 1.500000e+00 : f32
        %sub3A_489 = vector.broadcast %sub3A_488 : f32 to vector<16xf32>
        %sub3A_490 = arith.subf %sub3A_489, %mul3A_487 : vector<16xf32>
        %mul3A_491 = arith.mulf %mul3A_482, %sub3A_490 : vector<16xf32>
        %sub3A_492 = arith.subf %get3A_425, %mul3A_452 : vector<16xf32>
        %mul3A_493 = arith.mulf %get3A_5, %mul3A_491 : vector<16xf32>
        %mul3A_494 = arith.mulf %sub3A_492, %mul3A_493 : vector<16xf32>
        %add3A_495 = arith.addf %mul3A_494, %get3A_21 : vector<16xf32>
        %swap3A_496 = arith.index_cast %add3A_422 : i32 to index
        %swap3A_497 = arith.constant 0 : index
        %swap3A_498 = tpu.vector_load %arg9[%swap3A_496, %swap3A_497] {strides = array<i32>} : memref<128x64xf32, #tpu.memory_space<vmem>>, vector<16xf32>,
        tpu.vector_store %arg9[%swap3A_496, %swap3A_497], %add3A_495 {strides = array<i32>} : memref<128x64xf32, #tpu.memory_space<vmem>>, vector<16xf32>,
        %sub3A_499 = arith.subf %get3A_428, %mul3A_452 : vector<16xf32>
        %mul3A_500 = arith.mulf %get3A_9, %mul3A_491 : vector<16xf32>
        %mul3A_501 = arith.mulf %sub3A_499, %mul3A_500 : vector<16xf32>
        %add3A_502 = arith.addf %mul3A_501, %get3A_25 : vector<16xf32>
        %swap3A_503 = arith.index_cast %add3A_422 : i32 to index
        %swap3A_504 = arith.constant 16 : index
        %swap3A_505 = tpu.vector_load %arg9[%swap3A_503, %swap3A_504] {strides = array<i32>} : memref<128x64xf32, #tpu.memory_space<vmem>>, vector<16xf32>,
        tpu.vector_store %arg9[%swap3A_503, %swap3A_504], %add3A_502 {strides = array<i32>} : memref<128x64xf32, #tpu.memory_space<vmem>>, vector<16xf32>,
        %sub3A_506 = arith.subf %get3A_431, %mul3A_452 : vector<16xf32>
        %mul3A_507 = arith.mulf %get3A_13, %mul3A_491 : vector<16xf32>
        %mul3A_508 = arith.mulf %sub3A_506, %mul3A_507 : vector<16xf32>
        %add3A_509 = arith.addf %mul3A_508, %get3A_29 : vector<16xf32>
        %swap3A_510 = arith.index_cast %add3A_422 : i32 to index
        %swap3A_511 = arith.constant 32 : index
        %swap3A_512 = tpu.vector_load %arg9[%swap3A_510, %swap3A_511] {strides = array<i32>} : memref<128x64xf32, #tpu.memory_space<vmem>>, vector<16xf32>,
        tpu.vector_store %arg9[%swap3A_510, %swap3A_511], %add3A_509 {strides = array<i32>} : memref<128x64xf32, #tpu.memory_space<vmem>>, vector<16xf32>,
        %sub3A_513 = arith.subf %get3A_434, %mul3A_452 : vector<16xf32>
        %mul3A_514 = arith.mulf %get3A_17, %mul3A_491 : vector<16xf32>
        %mul3A_515 = arith.mulf %sub3A_513, %mul3A_514 : vector<16xf32>
        %add3A_516 = arith.addf %mul3A_515, %get3A_33 : vector<16xf32>
        %swap3A_517 = arith.index_cast %add3A_422 : i32 to index
        %swap3A_518 = arith.constant 48 : index
        %swap3A_519 = tpu.vector_load %arg9[%swap3A_517, %swap3A_518] {strides = array<i32>} : memref<128x64xf32, #tpu.memory_space<vmem>>, vector<16xf32>,
        tpu.vector_store %arg9[%swap3A_517, %swap3A_518], %add3A_516 {strides = array<i32>} : memref<128x64xf32, #tpu.memory_space<vmem>>, vector<16xf32>,
        %mul3A_520 = arith.constant 4 : i32
        %mul3A_521 = arith.muli %mul3A_520, %scan3A_222 : i32
        %add3A_522 = arith.constant 3 : i32
        %add3A_523 = arith.addi %mul3A_521, %add3A_522 : i32
        %get3A_524 = arith.index_cast %add3A_523 : i32 to index
        %get3A_525 = arith.constant 0 : index
        %get3A_526 = tpu.vector_load %arg7[%get3A_524, %get3A_525] {strides = array<i32>} : memref<128x128xf32, #tpu.memory_space<vmem>>, vector<16xf32>,
        %get3A_527 = arith.index_cast %add3A_523 : i32 to index
        %get3A_528 = arith.constant 16 : index
        %get3A_529 = tpu.vector_load %arg7[%get3A_527, %get3A_528] {strides = array<i32>} : memref<128x128xf32, #tpu.memory_space<vmem>>, vector<16xf32>,
        %get3A_530 = arith.index_cast %add3A_523 : i32 to index
        %get3A_531 = arith.constant 32 : index
        %get3A_532 = tpu.vector_load %arg7[%get3A_530, %get3A_531] {strides = array<i32>} : memref<128x128xf32, #tpu.memory_space<vmem>>, vector<16xf32>,
        %get3A_533 = arith.index_cast %add3A_523 : i32 to index
        %get3A_534 = arith.constant 48 : index
        %get3A_535 = tpu.vector_load %arg7[%get3A_533, %get3A_534] {strides = array<i32>} : memref<128x128xf32, #tpu.memory_space<vmem>>, vector<16xf32>,
        %add3A_536 = arith.addf %get3A_526, %get3A_529 : vector<16xf32>
        %add3A_537 = arith.addf %get3A_532, %get3A_535 : vector<16xf32>
        %add3A_538 = arith.addf %add3A_536, %add3A_537 : vector<16xf32>
        %mul3A_539 = arith.mulf %get3A_526, %get3A_526 : vector<16xf32>
        %mul3A_540 = arith.mulf %get3A_529, %get3A_529 : vector<16xf32>
        %add3A_541 = arith.addf %mul3A_539, %mul3A_540 : vector<16xf32>
        %mul3A_542 = arith.mulf %get3A_532, %get3A_532 : vector<16xf32>
        %mul3A_543 = arith.mulf %get3A_535, %get3A_535 : vector<16xf32>
        %add3A_544 = arith.addf %mul3A_542, %mul3A_543 : vector<16xf32>
        %add3A_545 = arith.addf %add3A_541, %add3A_544 : vector<16xf32>
        %reduce_sum3A_546 = arith.constant true
        %reduce_sum3A_547 = vector.broadcast %reduce_sum3A_546 : i1 to vector<16xi1>
        %reduce_sum3A_548 = tpu.scan <sum>, %add3A_538 masked %reduce_sum3A_547 : vector<16xf32>, vector<16xi1> -> vector<16xf32>
        %reduce_sum3A_549 = vector.extract %reduce_sum3A_548[15] : f32 from vector<16xf32>
        %broadcast_in_dim3A_550 = vector.broadcast %reduce_sum3A_549 : f32 to vector<16xf32>
        %mul3A_551 = arith.constant 1.562500e-02 : f32
        %mul3A_552 = vector.broadcast %mul3A_551 : f32 to vector<16xf32>
        %mul3A_553 = arith.mulf %broadcast_in_dim3A_550, %mul3A_552 : vector<16xf32>
        %reduce_sum3A_554 = arith.constant true
        %reduce_sum3A_555 = vector.broadcast %reduce_sum3A_554 : i1 to vector<16xi1>
        %reduce_sum3A_556 = tpu.scan <sum>, %add3A_545 masked %reduce_sum3A_555 : vector<16xf32>, vector<16xi1> -> vector<16xf32>
        %reduce_sum3A_557 = vector.extract %reduce_sum3A_556[15] : f32 from vector<16xf32>
        %broadcast_in_dim3A_558 = vector.broadcast %reduce_sum3A_557 : f32 to vector<16xf32>
        %mul3A_559 = arith.constant 1.562500e-02 : f32
        %mul3A_560 = vector.broadcast %mul3A_559 : f32 to vector<16xf32>
        %mul3A_561 = arith.mulf %broadcast_in_dim3A_558, %mul3A_560 : vector<16xf32>
        %mul3A_562 = arith.mulf %mul3A_553, %mul3A_553 : vector<16xf32>
        %sub3A_563 = arith.subf %mul3A_561, %mul3A_562 : vector<16xf32>
        %add3A_564 = arith.constant 9.99999974E-6 : f32
        %add3A_565 = vector.broadcast %add3A_564 : f32 to vector<16xf32>
        %add3A_566 = arith.addf %sub3A_563, %add3A_565 : vector<16xf32>
        %bitcast_convert_type3A_567 = tpu.bitcast %add3A_566 : vector<16xf32> -> vector<16xi32>
        %shift_right_arithmetic3A_568 = arith.constant 1 : i32
        %shift_right_arithmetic3A_569 = vector.broadcast %shift_right_arithmetic3A_568 : i32 to vector<16xi32>
        %shift_right_arithmetic3A_570 = arith.shrsi %bitcast_convert_type3A_567, %shift_right_arithmetic3A_569 : vector<16xi32>
        %sub3A_571 = arith.constant 1597463007 : i32
        %sub3A_572 = vector.broadcast %sub3A_571 : i32 to vector<16xi32>
        %sub3A_573 = arith.subi %sub3A_572, %shift_right_arithmetic3A_570 : vector<16xi32>
        %bitcast_convert_type3A_574 = tpu.bitcast %sub3A_573 : vector<16xi32> -> vector<16xf32>
        %mul3A_575 = arith.constant 5.000000e-01 : f32
        %mul3A_576 = vector.broadcast %mul3A_575 : f32 to vector<16xf32>
        %mul3A_577 = arith.mulf %mul3A_576, %add3A_566 : vector<16xf32>
        %mul3A_578 = arith.mulf %mul3A_577, %bitcast_convert_type3A_574 : vector<16xf32>
        %mul3A_579 = arith.mulf %mul3A_578, %bitcast_convert_type3A_574 : vector<16xf32>
        %sub3A_580 = arith.constant 1.500000e+00 : f32
        %sub3A_581 = vector.broadcast %sub3A_580 : f32 to vector<16xf32>
        %sub3A_582 = arith.subf %sub3A_581, %mul3A_579 : vector<16xf32>
        %mul3A_583 = arith.mulf %bitcast_convert_type3A_574, %sub3A_582 : vector<16xf32>
        %mul3A_584 = arith.constant 5.000000e-01 : f32
        %mul3A_585 = vector.broadcast %mul3A_584 : f32 to vector<16xf32>
        %mul3A_586 = arith.mulf %mul3A_585, %add3A_566 : vector<16xf32>
        %mul3A_587 = arith.mulf %mul3A_586, %mul3A_583 : vector<16xf32>
        %mul3A_588 = arith.mulf %mul3A_587, %mul3A_583 : vector<16xf32>
        %sub3A_589 = arith.constant 1.500000e+00 : f32
        %sub3A_590 = vector.broadcast %sub3A_589 : f32 to vector<16xf32>
        %sub3A_591 = arith.subf %sub3A_590, %mul3A_588 : vector<16xf32>
        %mul3A_592 = arith.mulf %mul3A_583, %sub3A_591 : vector<16xf32>
        %sub3A_593 = arith.subf %get3A_526, %mul3A_553 : vector<16xf32>
        %mul3A_594 = arith.mulf %get3A_5, %mul3A_592 : vector<16xf32>
        %mul3A_595 = arith.mulf %sub3A_593, %mul3A_594 : vector<16xf32>
        %add3A_596 = arith.addf %mul3A_595, %get3A_21 : vector<16xf32>
        %swap3A_597 = arith.index_cast %add3A_523 : i32 to index
        %swap3A_598 = arith.constant 0 : index
        %swap3A_599 = tpu.vector_load %arg9[%swap3A_597, %swap3A_598] {strides = array<i32>} : memref<128x64xf32, #tpu.memory_space<vmem>>, vector<16xf32>,
        tpu.vector_store %arg9[%swap3A_597, %swap3A_598], %add3A_596 {strides = array<i32>} : memref<128x64xf32, #tpu.memory_space<vmem>>, vector<16xf32>,
        %sub3A_600 = arith.subf %get3A_529, %mul3A_553 : vector<16xf32>
        %mul3A_601 = arith.mulf %get3A_9, %mul3A_592 : vector<16xf32>
        %mul3A_602 = arith.mulf %sub3A_600, %mul3A_601 : vector<16xf32>
        %add3A_603 = arith.addf %mul3A_602, %get3A_25 : vector<16xf32>
        %swap3A_604 = arith.index_cast %add3A_523 : i32 to index
        %swap3A_605 = arith.constant 16 : index
        %swap3A_606 = tpu.vector_load %arg9[%swap3A_604, %swap3A_605] {strides = array<i32>} : memref<128x64xf32, #tpu.memory_space<vmem>>, vector<16xf32>,
        tpu.vector_store %arg9[%swap3A_604, %swap3A_605], %add3A_603 {strides = array<i32>} : memref<128x64xf32, #tpu.memory_space<vmem>>, vector<16xf32>,
        %sub3A_607 = arith.subf %get3A_532, %mul3A_553 : vector<16xf32>
        %mul3A_608 = arith.mulf %get3A_13, %mul3A_592 : vector<16xf32>
        %mul3A_609 = arith.mulf %sub3A_607, %mul3A_608 : vector<16xf32>
        %add3A_610 = arith.addf %mul3A_609, %get3A_29 : vector<16xf32>
        %swap3A_611 = arith.index_cast %add3A_523 : i32 to index
        %swap3A_612 = arith.constant 32 : index
        %swap3A_613 = tpu.vector_load %arg9[%swap3A_611, %swap3A_612] {strides = array<i32>} : memref<128x64xf32, #tpu.memory_space<vmem>>, vector<16xf32>,
        tpu.vector_store %arg9[%swap3A_611, %swap3A_612], %add3A_610 {strides = array<i32>} : memref<128x64xf32, #tpu.memory_space<vmem>>, vector<16xf32>,
        %sub3A_614 = arith.subf %get3A_535, %mul3A_553 : vector<16xf32>
        %mul3A_615 = arith.mulf %get3A_17, %mul3A_592 : vector<16xf32>
        %mul3A_616 = arith.mulf %sub3A_614, %mul3A_615 : vector<16xf32>
        %add3A_617 = arith.addf %mul3A_616, %get3A_33 : vector<16xf32>
        %swap3A_618 = arith.index_cast %add3A_523 : i32 to index
        %swap3A_619 = arith.constant 48 : index
        %swap3A_620 = tpu.vector_load %arg9[%swap3A_618, %swap3A_619] {strides = array<i32>} : memref<128x64xf32, #tpu.memory_space<vmem>>, vector<16xf32>,
        tpu.vector_store %arg9[%swap3A_618, %swap3A_619], %add3A_617 {strides = array<i32>} : memref<128x64xf32, #tpu.memory_space<vmem>>, vector<16xf32>,
      }
      %scan3A_172 = arith.constant 32 : i32
      %mul3A_173 = arith.constant 128 : i32
      %mul3A_174 = arith.muli %add3A_157, %mul3A_173 : i32
      %add3A_175 = arith.addi %mul3A_2, %mul3A_174 : i32
      %dma_start3A_176 = arith.constant 0 : i32
      %dma_start3A_177 = tpu.memref_slice %arg5[%add3A_175, %dma_start3A_176] : memref<819200x64xf32, #tpu.memory_space<hbm>> -> memref<128x64xf32, #tpu.memory_space<hbm>>
      %dma_start3A_178 = arith.constant 0 : i32
      %dma_start3A_179 = tpu.memref_slice %arg5[%add3A_175, %dma_start3A_178] : memref<819200x64xf32, #tpu.memory_space<hbm>> -> memref<128x64xf32, #tpu.memory_space<hbm>>
      tpu.enqueue_dma source(%arg9 : memref<128x64xf32, #tpu.memory_space<vmem>>) target(%dma_start3A_179 : memref<128x64xf32, #tpu.memory_space<hbm>>) target_semaphore(%arg14 : memref<!tpu.dma_semaphore, #tpu.memory_space<semaphore_mem>>)
      %add3A_180 = arith.constant 2 : i32
      %add3A_181 = arith.addi %add3A_157, %add3A_180 : i32
      %dma_start3A_182 = arith.constant 0 : i32
      %dma_start3A_183 = tpu.memref_slice %arg6[%add3A_181, %dma_start3A_182] : memref<200x128xi32, #tpu.memory_space<vmem>> -> memref<1x128xi32, #tpu.memory_space<vmem>>
      %dma_start3A_184 = tpu.memref_squeeze %dma_start3A_183 : memref<1x128xi32, #tpu.memory_space<vmem>> -> memref<128xi32, #tpu.memory_space<vmem>>
      %dma_start3A_185 = arith.constant 0 : i32
      %dma_start3A_186 = arith.constant 0 : i32
      %dma_start3A_187 = tpu.memref_slice %arg3[%dma_start3A_185, %dma_start3A_186] : memref<100000x128xf32, #tpu.memory_space<hbm>> -> memref<100000x128xf32, #tpu.memory_space<hbm>>
      tpu.enqueue_indirect_dma source(%dma_start3A_187 : memref<100000x128xf32, #tpu.memory_space<hbm>>) target(%arg7 : memref<128x128xf32, #tpu.memory_space<vmem>>) offsets(%dma_start3A_184 : memref<128xi32, #tpu.memory_space<vmem>>) semaphore(%arg12 : memref<!tpu.dma_semaphore, #tpu.memory_space<semaphore_mem>>)
      %mul3A_188 = arith.constant 2 : i32
      %mul3A_189 = arith.muli %mul3A_188, %scan3A_153 : i32
      %add3A_190 = arith.constant 1 : i32
      %add3A_191 = arith.addi %mul3A_189, %add3A_190 : i32
      %dma_wait3A_192 = arith.constant 0 : i32
      %dma_wait3A_193 = arith.constant 0 : i32
      %dma_wait3A_194 = tpu.memref_slice %arg3[%dma_wait3A_192, %dma_wait3A_193] : memref<100000x128xf32, #tpu.memory_space<hbm>> -> memref<128x128xf32, #tpu.memory_space<hbm>>
      %dma_wait3A_195 = arith.constant 0 : i32
      %dma_wait3A_196 = arith.constant 0 : i32
      %dma_wait3A_197 = tpu.memref_slice %arg3[%dma_wait3A_195, %dma_wait3A_196] : memref<100000x128xf32, #tpu.memory_space<hbm>> -> memref<128x128xf32, #tpu.memory_space<hbm>>
      tpu.wait_dma2 semaphore(%arg13 : memref<!tpu.dma_semaphore, #tpu.memory_space<semaphore_mem>>) src(%dma_wait3A_197 : memref<128x128xf32, #tpu.memory_space<hbm>>) dst(%arg8 : memref<128x128xf32, #tpu.memory_space<vmem>>)
      %dma_wait3A_198 = arith.constant 0 : i32
      %dma_wait3A_199 = tpu.memref_slice %arg5[%mul3A_2, %dma_wait3A_198] : memref<819200x64xf32, #tpu.memory_space<hbm>> -> memref<128x64xf32, #tpu.memory_space<hbm>>
      %dma_wait3A_200 = arith.constant 0 : i32
      %dma_wait3A_201 = tpu.memref_slice %arg5[%mul3A_2, %dma_wait3A_200] : memref<819200x64xf32, #tpu.memory_space<hbm>> -> memref<128x64xf32, #tpu.memory_space<hbm>>
      tpu.wait_dma2 semaphore(%arg15 : memref<!tpu.dma_semaphore, #tpu.memory_space<semaphore_mem>>) src(%arg10 : memref<128x64xf32, #tpu.memory_space<vmem>>) dst(%dma_wait3A_201 : memref<128x64xf32, #tpu.memory_space<hbm>>)
      %scan3A_202 = arith.constant 0 : i32
      %scan3A_203 = arith.constant 32 : i32
      %scan3A_204 = arith.addi %scan3A_202, %scan3A_203 : i32
      %scan3A_205 = arith.constant 1 : i32
      scf.for %scan3A_222 = %scan3A_202 to %scan3A_204 step %scan3A_205  : i32 {
        %mul3A_223 = arith.constant 4 : i32
        %mul3A_224 = arith.muli %mul3A_223, %scan3A_222 : i32
        %add3A_225 = arith.constant 0 : i32
        %add3A_226 = arith.addi %mul3A_224, %add3A_225 : i32
        %get3A_227 = arith.index_cast %add3A_226 : i32 to index
        %get3A_228 = arith.constant 0 : index
        %get3A_229 = tpu.vector_load %arg8[%get3A_227, %get3A_228] {strides = array<i32>} : memref<128x128xf32, #tpu.memory_space<vmem>>, vector<16xf32>,
        %get3A_230 = arith.index_cast %add3A_226 : i32 to index
        %get3A_231 = arith.constant 16 : index
        %get3A_232 = tpu.vector_load %arg8[%get3A_230, %get3A_231] {strides = array<i32>} : memref<128x128xf32, #tpu.memory_space<vmem>>, vector<16xf32>,
        %get3A_233 = arith.index_cast %add3A_226 : i32 to index
        %get3A_234 = arith.constant 32 : index
        %get3A_235 = tpu.vector_load %arg8[%get3A_233, %get3A_234] {strides = array<i32>} : memref<128x128xf32, #tpu.memory_space<vmem>>, vector<16xf32>,
        %get3A_236 = arith.index_cast %add3A_226 : i32 to index
        %get3A_237 = arith.constant 48 : index
        %get3A_238 = tpu.vector_load %arg8[%get3A_236, %get3A_237] {strides = array<i32>} : memref<128x128xf32, #tpu.memory_space<vmem>>, vector<16xf32>,
        %add3A_239 = arith.addf %get3A_229, %get3A_232 : vector<16xf32>
        %add3A_240 = arith.addf %get3A_235, %get3A_238 : vector<16xf32>
        %add3A_241 = arith.addf %add3A_239, %add3A_240 : vector<16xf32>
        %mul3A_242 = arith.mulf %get3A_229, %get3A_229 : vector<16xf32>
        %mul3A_243 = arith.mulf %get3A_232, %get3A_232 : vector<16xf32>
        %add3A_244 = arith.addf %mul3A_242, %mul3A_243 : vector<16xf32>
        %mul3A_245 = arith.mulf %get3A_235, %get3A_235 : vector<16xf32>
        %mul3A_246 = arith.mulf %get3A_238, %get3A_238 : vector<16xf32>
        %add3A_247 = arith.addf %mul3A_245, %mul3A_246 : vector<16xf32>
        %add3A_248 = arith.addf %add3A_244, %add3A_247 : vector<16xf32>
        %reduce_sum3A = arith.constant true
        %reduce_sum3A_249 = vector.broadcast %reduce_sum3A : i1 to vector<16xi1>
        %reduce_sum3A_250 = tpu.scan <sum>, %add3A_241 masked %reduce_sum3A_249 : vector<16xf32>, vector<16xi1> -> vector<16xf32>
        %reduce_sum3A_251 = vector.extract %reduce_sum3A_250[15] : f32 from vector<16xf32>
        %broadcast_in_dim3A = vector.broadcast %reduce_sum3A_251 : f32 to vector<16xf32>
        %mul3A_252 = arith.constant 1.562500e-02 : f32
        %mul3A_253 = vector.broadcast %mul3A_252 : f32 to vector<16xf32>
        %mul3A_254 = arith.mulf %broadcast_in_dim3A, %mul3A_253 : vector<16xf32>
        %reduce_sum3A_255 = arith.constant true
        %reduce_sum3A_256 = vector.broadcast %reduce_sum3A_255 : i1 to vector<16xi1>
        %reduce_sum3A_257 = tpu.scan <sum>, %add3A_248 masked %reduce_sum3A_256 : vector<16xf32>, vector<16xi1> -> vector<16xf32>
        %reduce_sum3A_258 = vector.extract %reduce_sum3A_257[15] : f32 from vector<16xf32>
        %broadcast_in_dim3A_259 = vector.broadcast %reduce_sum3A_258 : f32 to vector<16xf32>
        %mul3A_260 = arith.constant 1.562500e-02 : f32
        %mul3A_261 = vector.broadcast %mul3A_260 : f32 to vector<16xf32>
        %mul3A_262 = arith.mulf %broadcast_in_dim3A_259, %mul3A_261 : vector<16xf32>
        %mul3A_263 = arith.mulf %mul3A_254, %mul3A_254 : vector<16xf32>
        %sub3A = arith.subf %mul3A_262, %mul3A_263 : vector<16xf32>
        %add3A_264 = arith.constant 9.99999974E-6 : f32
        %add3A_265 = vector.broadcast %add3A_264 : f32 to vector<16xf32>
        %add3A_266 = arith.addf %sub3A, %add3A_265 : vector<16xf32>
        %bitcast_convert_type3A = tpu.bitcast %add3A_266 : vector<16xf32> -> vector<16xi32>
        %shift_right_arithmetic3A = arith.constant 1 : i32
        %shift_right_arithmetic3A_267 = vector.broadcast %shift_right_arithmetic3A : i32 to vector<16xi32>
        %shift_right_arithmetic3A_268 = arith.shrsi %bitcast_convert_type3A, %shift_right_arithmetic3A_267 : vector<16xi32>
        %sub3A_269 = arith.constant 1597463007 : i32
        %sub3A_270 = vector.broadcast %sub3A_269 : i32 to vector<16xi32>
        %sub3A_271 = arith.subi %sub3A_270, %shift_right_arithmetic3A_268 : vector<16xi32>
        %bitcast_convert_type3A_272 = tpu.bitcast %sub3A_271 : vector<16xi32> -> vector<16xf32>
        %mul3A_273 = arith.constant 5.000000e-01 : f32
        %mul3A_274 = vector.broadcast %mul3A_273 : f32 to vector<16xf32>
        %mul3A_275 = arith.mulf %mul3A_274, %add3A_266 : vector<16xf32>
        %mul3A_276 = arith.mulf %mul3A_275, %bitcast_convert_type3A_272 : vector<16xf32>
        %mul3A_277 = arith.mulf %mul3A_276, %bitcast_convert_type3A_272 : vector<16xf32>
        %sub3A_278 = arith.constant 1.500000e+00 : f32
        %sub3A_279 = vector.broadcast %sub3A_278 : f32 to vector<16xf32>
        %sub3A_280 = arith.subf %sub3A_279, %mul3A_277 : vector<16xf32>
        %mul3A_281 = arith.mulf %bitcast_convert_type3A_272, %sub3A_280 : vector<16xf32>
        %mul3A_282 = arith.constant 5.000000e-01 : f32
        %mul3A_283 = vector.broadcast %mul3A_282 : f32 to vector<16xf32>
        %mul3A_284 = arith.mulf %mul3A_283, %add3A_266 : vector<16xf32>
        %mul3A_285 = arith.mulf %mul3A_284, %mul3A_281 : vector<16xf32>
        %mul3A_286 = arith.mulf %mul3A_285, %mul3A_281 : vector<16xf32>
        %sub3A_287 = arith.constant 1.500000e+00 : f32
        %sub3A_288 = vector.broadcast %sub3A_287 : f32 to vector<16xf32>
        %sub3A_289 = arith.subf %sub3A_288, %mul3A_286 : vector<16xf32>
        %mul3A_290 = arith.mulf %mul3A_281, %sub3A_289 : vector<16xf32>
        %sub3A_291 = arith.subf %get3A_229, %mul3A_254 : vector<16xf32>
        %mul3A_292 = arith.mulf %get3A_5, %mul3A_290 : vector<16xf32>
        %mul3A_293 = arith.mulf %sub3A_291, %mul3A_292 : vector<16xf32>
        %add3A_294 = arith.addf %mul3A_293, %get3A_21 : vector<16xf32>
        %swap3A = arith.index_cast %add3A_226 : i32 to index
        %swap3A_295 = arith.constant 0 : index
        %swap3A_296 = tpu.vector_load %arg10[%swap3A, %swap3A_295] {strides = array<i32>} : memref<128x64xf32, #tpu.memory_space<vmem>>, vector<16xf32>,
        tpu.vector_store %arg10[%swap3A, %swap3A_295], %add3A_294 {strides = array<i32>} : memref<128x64xf32, #tpu.memory_space<vmem>>, vector<16xf32>,
        %sub3A_297 = arith.subf %get3A_232, %mul3A_254 : vector<16xf32>
        %mul3A_298 = arith.mulf %get3A_9, %mul3A_290 : vector<16xf32>
        %mul3A_299 = arith.mulf %sub3A_297, %mul3A_298 : vector<16xf32>
        %add3A_300 = arith.addf %mul3A_299, %get3A_25 : vector<16xf32>
        %swap3A_301 = arith.index_cast %add3A_226 : i32 to index
        %swap3A_302 = arith.constant 16 : index
        %swap3A_303 = tpu.vector_load %arg10[%swap3A_301, %swap3A_302] {strides = array<i32>} : memref<128x64xf32, #tpu.memory_space<vmem>>, vector<16xf32>,
        tpu.vector_store %arg10[%swap3A_301, %swap3A_302], %add3A_300 {strides = array<i32>} : memref<128x64xf32, #tpu.memory_space<vmem>>, vector<16xf32>,
        %sub3A_304 = arith.subf %get3A_235, %mul3A_254 : vector<16xf32>
        %mul3A_305 = arith.mulf %get3A_13, %mul3A_290 : vector<16xf32>
        %mul3A_306 = arith.mulf %sub3A_304, %mul3A_305 : vector<16xf32>
        %add3A_307 = arith.addf %mul3A_306, %get3A_29 : vector<16xf32>
        %swap3A_308 = arith.index_cast %add3A_226 : i32 to index
        %swap3A_309 = arith.constant 32 : index
        %swap3A_310 = tpu.vector_load %arg10[%swap3A_308, %swap3A_309] {strides = array<i32>} : memref<128x64xf32, #tpu.memory_space<vmem>>, vector<16xf32>,
        tpu.vector_store %arg10[%swap3A_308, %swap3A_309], %add3A_307 {strides = array<i32>} : memref<128x64xf32, #tpu.memory_space<vmem>>, vector<16xf32>,
        %sub3A_311 = arith.subf %get3A_238, %mul3A_254 : vector<16xf32>
        %mul3A_312 = arith.mulf %get3A_17, %mul3A_290 : vector<16xf32>
        %mul3A_313 = arith.mulf %sub3A_311, %mul3A_312 : vector<16xf32>
        %add3A_314 = arith.addf %mul3A_313, %get3A_33 : vector<16xf32>
        %swap3A_315 = arith.index_cast %add3A_226 : i32 to index
        %swap3A_316 = arith.constant 48 : index
        %swap3A_317 = tpu.vector_load %arg10[%swap3A_315, %swap3A_316] {strides = array<i32>} : memref<128x64xf32, #tpu.memory_space<vmem>>, vector<16xf32>,
        tpu.vector_store %arg10[%swap3A_315, %swap3A_316], %add3A_314 {strides = array<i32>} : memref<128x64xf32, #tpu.memory_space<vmem>>, vector<16xf32>,
        %mul3A_318 = arith.constant 4 : i32
        %mul3A_319 = arith.muli %mul3A_318, %scan3A_222 : i32
        %add3A_320 = arith.constant 1 : i32
        %add3A_321 = arith.addi %mul3A_319, %add3A_320 : i32
        %get3A_322 = arith.index_cast %add3A_321 : i32 to index
        %get3A_323 = arith.constant 0 : index
        %get3A_324 = tpu.vector_load %arg8[%get3A_322, %get3A_323] {strides = array<i32>} : memref<128x128xf32, #tpu.memory_space<vmem>>, vector<16xf32>,
        %get3A_325 = arith.index_cast %add3A_321 : i32 to index
        %get3A_326 = arith.constant 16 : index
        %get3A_327 = tpu.vector_load %arg8[%get3A_325, %get3A_326] {strides = array<i32>} : memref<128x128xf32, #tpu.memory_space<vmem>>, vector<16xf32>,
        %get3A_328 = arith.index_cast %add3A_321 : i32 to index
        %get3A_329 = arith.constant 32 : index
        %get3A_330 = tpu.vector_load %arg8[%get3A_328, %get3A_329] {strides = array<i32>} : memref<128x128xf32, #tpu.memory_space<vmem>>, vector<16xf32>,
        %get3A_331 = arith.index_cast %add3A_321 : i32 to index
        %get3A_332 = arith.constant 48 : index
        %get3A_333 = tpu.vector_load %arg8[%get3A_331, %get3A_332] {strides = array<i32>} : memref<128x128xf32, #tpu.memory_space<vmem>>, vector<16xf32>,
        %add3A_334 = arith.addf %get3A_324, %get3A_327 : vector<16xf32>
        %add3A_335 = arith.addf %get3A_330, %get3A_333 : vector<16xf32>
        %add3A_336 = arith.addf %add3A_334, %add3A_335 : vector<16xf32>
        %mul3A_337 = arith.mulf %get3A_324, %get3A_324 : vector<16xf32>
        %mul3A_338 = arith.mulf %get3A_327, %get3A_327 : vector<16xf32>
        %add3A_339 = arith.addf %mul3A_337, %mul3A_338 : vector<16xf32>
        %mul3A_340 = arith.mulf %get3A_330, %get3A_330 : vector<16xf32>
        %mul3A_341 = arith.mulf %get3A_333, %get3A_333 : vector<16xf32>
        %add3A_342 = arith.addf %mul3A_340, %mul3A_341 : vector<16xf32>
        %add3A_343 = arith.addf %add3A_339, %add3A_342 : vector<16xf32>
        %reduce_sum3A_344 = arith.constant true
        %reduce_sum3A_345 = vector.broadcast %reduce_sum3A_344 : i1 to vector<16xi1>
        %reduce_sum3A_346 = tpu.scan <sum>, %add3A_336 masked %reduce_sum3A_345 : vector<16xf32>, vector<16xi1> -> vector<16xf32>
        %reduce_sum3A_347 = vector.extract %reduce_sum3A_346[15] : f32 from vector<16xf32>
        %broadcast_in_dim3A_348 = vector.broadcast %reduce_sum3A_347 : f32 to vector<16xf32>
        %mul3A_349 = arith.constant 1.562500e-02 : f32
        %mul3A_350 = vector.broadcast %mul3A_349 : f32 to vector<16xf32>
        %mul3A_351 = arith.mulf %broadcast_in_dim3A_348, %mul3A_350 : vector<16xf32>
        %reduce_sum3A_352 = arith.constant true
        %reduce_sum3A_353 = vector.broadcast %reduce_sum3A_352 : i1 to vector<16xi1>
        %reduce_sum3A_354 = tpu.scan <sum>, %add3A_343 masked %reduce_sum3A_353 : vector<16xf32>, vector<16xi1> -> vector<16xf32>
        %reduce_sum3A_355 = vector.extract %reduce_sum3A_354[15] : f32 from vector<16xf32>
        %broadcast_in_dim3A_356 = vector.broadcast %reduce_sum3A_355 : f32 to vector<16xf32>
        %mul3A_357 = arith.constant 1.562500e-02 : f32
        %mul3A_358 = vector.broadcast %mul3A_357 : f32 to vector<16xf32>
        %mul3A_359 = arith.mulf %broadcast_in_dim3A_356, %mul3A_358 : vector<16xf32>
        %mul3A_360 = arith.mulf %mul3A_351, %mul3A_351 : vector<16xf32>
        %sub3A_361 = arith.subf %mul3A_359, %mul3A_360 : vector<16xf32>
        %add3A_362 = arith.constant 9.99999974E-6 : f32
        %add3A_363 = vector.broadcast %add3A_362 : f32 to vector<16xf32>
        %add3A_364 = arith.addf %sub3A_361, %add3A_363 : vector<16xf32>
        %bitcast_convert_type3A_365 = tpu.bitcast %add3A_364 : vector<16xf32> -> vector<16xi32>
        %shift_right_arithmetic3A_366 = arith.constant 1 : i32
        %shift_right_arithmetic3A_367 = vector.broadcast %shift_right_arithmetic3A_366 : i32 to vector<16xi32>
        %shift_right_arithmetic3A_368 = arith.shrsi %bitcast_convert_type3A_365, %shift_right_arithmetic3A_367 : vector<16xi32>
        %sub3A_369 = arith.constant 1597463007 : i32
        %sub3A_370 = vector.broadcast %sub3A_369 : i32 to vector<16xi32>
        %sub3A_371 = arith.subi %sub3A_370, %shift_right_arithmetic3A_368 : vector<16xi32>
        %bitcast_convert_type3A_372 = tpu.bitcast %sub3A_371 : vector<16xi32> -> vector<16xf32>
        %mul3A_373 = arith.constant 5.000000e-01 : f32
        %mul3A_374 = vector.broadcast %mul3A_373 : f32 to vector<16xf32>
        %mul3A_375 = arith.mulf %mul3A_374, %add3A_364 : vector<16xf32>
        %mul3A_376 = arith.mulf %mul3A_375, %bitcast_convert_type3A_372 : vector<16xf32>
        %mul3A_377 = arith.mulf %mul3A_376, %bitcast_convert_type3A_372 : vector<16xf32>
        %sub3A_378 = arith.constant 1.500000e+00 : f32
        %sub3A_379 = vector.broadcast %sub3A_378 : f32 to vector<16xf32>
        %sub3A_380 = arith.subf %sub3A_379, %mul3A_377 : vector<16xf32>
        %mul3A_381 = arith.mulf %bitcast_convert_type3A_372, %sub3A_380 : vector<16xf32>
        %mul3A_382 = arith.constant 5.000000e-01 : f32
        %mul3A_383 = vector.broadcast %mul3A_382 : f32 to vector<16xf32>
        %mul3A_384 = arith.mulf %mul3A_383, %add3A_364 : vector<16xf32>
        %mul3A_385 = arith.mulf %mul3A_384, %mul3A_381 : vector<16xf32>
        %mul3A_386 = arith.mulf %mul3A_385, %mul3A_381 : vector<16xf32>
        %sub3A_387 = arith.constant 1.500000e+00 : f32
        %sub3A_388 = vector.broadcast %sub3A_387 : f32 to vector<16xf32>
        %sub3A_389 = arith.subf %sub3A_388, %mul3A_386 : vector<16xf32>
        %mul3A_390 = arith.mulf %mul3A_381, %sub3A_389 : vector<16xf32>
        %sub3A_391 = arith.subf %get3A_324, %mul3A_351 : vector<16xf32>
        %mul3A_392 = arith.mulf %get3A_5, %mul3A_390 : vector<16xf32>
        %mul3A_393 = arith.mulf %sub3A_391, %mul3A_392 : vector<16xf32>
        %add3A_394 = arith.addf %mul3A_393, %get3A_21 : vector<16xf32>
        %swap3A_395 = arith.index_cast %add3A_321 : i32 to index
        %swap3A_396 = arith.constant 0 : index
        %swap3A_397 = tpu.vector_load %arg10[%swap3A_395, %swap3A_396] {strides = array<i32>} : memref<128x64xf32, #tpu.memory_space<vmem>>, vector<16xf32>,
        tpu.vector_store %arg10[%swap3A_395, %swap3A_396], %add3A_394 {strides = array<i32>} : memref<128x64xf32, #tpu.memory_space<vmem>>, vector<16xf32>,
        %sub3A_398 = arith.subf %get3A_327, %mul3A_351 : vector<16xf32>
        %mul3A_399 = arith.mulf %get3A_9, %mul3A_390 : vector<16xf32>
        %mul3A_400 = arith.mulf %sub3A_398, %mul3A_399 : vector<16xf32>
        %add3A_401 = arith.addf %mul3A_400, %get3A_25 : vector<16xf32>
        %swap3A_402 = arith.index_cast %add3A_321 : i32 to index
        %swap3A_403 = arith.constant 16 : index
        %swap3A_404 = tpu.vector_load %arg10[%swap3A_402, %swap3A_403] {strides = array<i32>} : memref<128x64xf32, #tpu.memory_space<vmem>>, vector<16xf32>,
        tpu.vector_store %arg10[%swap3A_402, %swap3A_403], %add3A_401 {strides = array<i32>} : memref<128x64xf32, #tpu.memory_space<vmem>>, vector<16xf32>,
        %sub3A_405 = arith.subf %get3A_330, %mul3A_351 : vector<16xf32>
        %mul3A_406 = arith.mulf %get3A_13, %mul3A_390 : vector<16xf32>
        %mul3A_407 = arith.mulf %sub3A_405, %mul3A_406 : vector<16xf32>
        %add3A_408 = arith.addf %mul3A_407, %get3A_29 : vector<16xf32>
        %swap3A_409 = arith.index_cast %add3A_321 : i32 to index
        %swap3A_410 = arith.constant 32 : index
        %swap3A_411 = tpu.vector_load %arg10[%swap3A_409, %swap3A_410] {strides = array<i32>} : memref<128x64xf32, #tpu.memory_space<vmem>>, vector<16xf32>,
        tpu.vector_store %arg10[%swap3A_409, %swap3A_410], %add3A_408 {strides = array<i32>} : memref<128x64xf32, #tpu.memory_space<vmem>>, vector<16xf32>,
        %sub3A_412 = arith.subf %get3A_333, %mul3A_351 : vector<16xf32>
        %mul3A_413 = arith.mulf %get3A_17, %mul3A_390 : vector<16xf32>
        %mul3A_414 = arith.mulf %sub3A_412, %mul3A_413 : vector<16xf32>
        %add3A_415 = arith.addf %mul3A_414, %get3A_33 : vector<16xf32>
        %swap3A_416 = arith.index_cast %add3A_321 : i32 to index
        %swap3A_417 = arith.constant 48 : index
        %swap3A_418 = tpu.vector_load %arg10[%swap3A_416, %swap3A_417] {strides = array<i32>} : memref<128x64xf32, #tpu.memory_space<vmem>>, vector<16xf32>,
        tpu.vector_store %arg10[%swap3A_416, %swap3A_417], %add3A_415 {strides = array<i32>} : memref<128x64xf32, #tpu.memory_space<vmem>>, vector<16xf32>,
        %mul3A_419 = arith.constant 4 : i32
        %mul3A_420 = arith.muli %mul3A_419, %scan3A_222 : i32
        %add3A_421 = arith.constant 2 : i32
        %add3A_422 = arith.addi %mul3A_420, %add3A_421 : i32
        %get3A_423 = arith.index_cast %add3A_422 : i32 to index
        %get3A_424 = arith.constant 0 : index
        %get3A_425 = tpu.vector_load %arg8[%get3A_423, %get3A_424] {strides = array<i32>} : memref<128x128xf32, #tpu.memory_space<vmem>>, vector<16xf32>,
        %get3A_426 = arith.index_cast %add3A_422 : i32 to index
        %get3A_427 = arith.constant 16 : index
        %get3A_428 = tpu.vector_load %arg8[%get3A_426, %get3A_427] {strides = array<i32>} : memref<128x128xf32, #tpu.memory_space<vmem>>, vector<16xf32>,
        %get3A_429 = arith.index_cast %add3A_422 : i32 to index
        %get3A_430 = arith.constant 32 : index
        %get3A_431 = tpu.vector_load %arg8[%get3A_429, %get3A_430] {strides = array<i32>} : memref<128x128xf32, #tpu.memory_space<vmem>>, vector<16xf32>,
        %get3A_432 = arith.index_cast %add3A_422 : i32 to index
        %get3A_433 = arith.constant 48 : index
        %get3A_434 = tpu.vector_load %arg8[%get3A_432, %get3A_433] {strides = array<i32>} : memref<128x128xf32, #tpu.memory_space<vmem>>, vector<16xf32>,
        %add3A_435 = arith.addf %get3A_425, %get3A_428 : vector<16xf32>
        %add3A_436 = arith.addf %get3A_431, %get3A_434 : vector<16xf32>
        %add3A_437 = arith.addf %add3A_435, %add3A_436 : vector<16xf32>
        %mul3A_438 = arith.mulf %get3A_425, %get3A_425 : vector<16xf32>
        %mul3A_439 = arith.mulf %get3A_428, %get3A_428 : vector<16xf32>
        %add3A_440 = arith.addf %mul3A_438, %mul3A_439 : vector<16xf32>
        %mul3A_441 = arith.mulf %get3A_431, %get3A_431 : vector<16xf32>
        %mul3A_442 = arith.mulf %get3A_434, %get3A_434 : vector<16xf32>
        %add3A_443 = arith.addf %mul3A_441, %mul3A_442 : vector<16xf32>
        %add3A_444 = arith.addf %add3A_440, %add3A_443 : vector<16xf32>
        %reduce_sum3A_445 = arith.constant true
        %reduce_sum3A_446 = vector.broadcast %reduce_sum3A_445 : i1 to vector<16xi1>
        %reduce_sum3A_447 = tpu.scan <sum>, %add3A_437 masked %reduce_sum3A_446 : vector<16xf32>, vector<16xi1> -> vector<16xf32>
        %reduce_sum3A_448 = vector.extract %reduce_sum3A_447[15] : f32 from vector<16xf32>
        %broadcast_in_dim3A_449 = vector.broadcast %reduce_sum3A_448 : f32 to vector<16xf32>
        %mul3A_450 = arith.constant 1.562500e-02 : f32
        %mul3A_451 = vector.broadcast %mul3A_450 : f32 to vector<16xf32>
        %mul3A_452 = arith.mulf %broadcast_in_dim3A_449, %mul3A_451 : vector<16xf32>
        %reduce_sum3A_453 = arith.constant true
        %reduce_sum3A_454 = vector.broadcast %reduce_sum3A_453 : i1 to vector<16xi1>
        %reduce_sum3A_455 = tpu.scan <sum>, %add3A_444 masked %reduce_sum3A_454 : vector<16xf32>, vector<16xi1> -> vector<16xf32>
        %reduce_sum3A_456 = vector.extract %reduce_sum3A_455[15] : f32 from vector<16xf32>
        %broadcast_in_dim3A_457 = vector.broadcast %reduce_sum3A_456 : f32 to vector<16xf32>
        %mul3A_458 = arith.constant 1.562500e-02 : f32
        %mul3A_459 = vector.broadcast %mul3A_458 : f32 to vector<16xf32>
        %mul3A_460 = arith.mulf %broadcast_in_dim3A_457, %mul3A_459 : vector<16xf32>
        %mul3A_461 = arith.mulf %mul3A_452, %mul3A_452 : vector<16xf32>
        %sub3A_462 = arith.subf %mul3A_460, %mul3A_461 : vector<16xf32>
        %add3A_463 = arith.constant 9.99999974E-6 : f32
        %add3A_464 = vector.broadcast %add3A_463 : f32 to vector<16xf32>
        %add3A_465 = arith.addf %sub3A_462, %add3A_464 : vector<16xf32>
        %bitcast_convert_type3A_466 = tpu.bitcast %add3A_465 : vector<16xf32> -> vector<16xi32>
        %shift_right_arithmetic3A_467 = arith.constant 1 : i32
        %shift_right_arithmetic3A_468 = vector.broadcast %shift_right_arithmetic3A_467 : i32 to vector<16xi32>
        %shift_right_arithmetic3A_469 = arith.shrsi %bitcast_convert_type3A_466, %shift_right_arithmetic3A_468 : vector<16xi32>
        %sub3A_470 = arith.constant 1597463007 : i32
        %sub3A_471 = vector.broadcast %sub3A_470 : i32 to vector<16xi32>
        %sub3A_472 = arith.subi %sub3A_471, %shift_right_arithmetic3A_469 : vector<16xi32>
        %bitcast_convert_type3A_473 = tpu.bitcast %sub3A_472 : vector<16xi32> -> vector<16xf32>
        %mul3A_474 = arith.constant 5.000000e-01 : f32
        %mul3A_475 = vector.broadcast %mul3A_474 : f32 to vector<16xf32>
        %mul3A_476 = arith.mulf %mul3A_475, %add3A_465 : vector<16xf32>
        %mul3A_477 = arith.mulf %mul3A_476, %bitcast_convert_type3A_473 : vector<16xf32>
        %mul3A_478 = arith.mulf %mul3A_477, %bitcast_convert_type3A_473 : vector<16xf32>
        %sub3A_479 = arith.constant 1.500000e+00 : f32
        %sub3A_480 = vector.broadcast %sub3A_479 : f32 to vector<16xf32>
        %sub3A_481 = arith.subf %sub3A_480, %mul3A_478 : vector<16xf32>
        %mul3A_482 = arith.mulf %bitcast_convert_type3A_473, %sub3A_481 : vector<16xf32>
        %mul3A_483 = arith.constant 5.000000e-01 : f32
        %mul3A_484 = vector.broadcast %mul3A_483 : f32 to vector<16xf32>
        %mul3A_485 = arith.mulf %mul3A_484, %add3A_465 : vector<16xf32>
        %mul3A_486 = arith.mulf %mul3A_485, %mul3A_482 : vector<16xf32>
        %mul3A_487 = arith.mulf %mul3A_486, %mul3A_482 : vector<16xf32>
        %sub3A_488 = arith.constant 1.500000e+00 : f32
        %sub3A_489 = vector.broadcast %sub3A_488 : f32 to vector<16xf32>
        %sub3A_490 = arith.subf %sub3A_489, %mul3A_487 : vector<16xf32>
        %mul3A_491 = arith.mulf %mul3A_482, %sub3A_490 : vector<16xf32>
        %sub3A_492 = arith.subf %get3A_425, %mul3A_452 : vector<16xf32>
        %mul3A_493 = arith.mulf %get3A_5, %mul3A_491 : vector<16xf32>
        %mul3A_494 = arith.mulf %sub3A_492, %mul3A_493 : vector<16xf32>
        %add3A_495 = arith.addf %mul3A_494, %get3A_21 : vector<16xf32>
        %swap3A_496 = arith.index_cast %add3A_422 : i32 to index
        %swap3A_497 = arith.constant 0 : index
        %swap3A_498 = tpu.vector_load %arg10[%swap3A_496, %swap3A_497] {strides = array<i32>} : memref<128x64xf32, #tpu.memory_space<vmem>>, vector<16xf32>,
        tpu.vector_store %arg10[%swap3A_496, %swap3A_497], %add3A_495 {strides = array<i32>} : memref<128x64xf32, #tpu.memory_space<vmem>>, vector<16xf32>,
        %sub3A_499 = arith.subf %get3A_428, %mul3A_452 : vector<16xf32>
        %mul3A_500 = arith.mulf %get3A_9, %mul3A_491 : vector<16xf32>
        %mul3A_501 = arith.mulf %sub3A_499, %mul3A_500 : vector<16xf32>
        %add3A_502 = arith.addf %mul3A_501, %get3A_25 : vector<16xf32>
        %swap3A_503 = arith.index_cast %add3A_422 : i32 to index
        %swap3A_504 = arith.constant 16 : index
        %swap3A_505 = tpu.vector_load %arg10[%swap3A_503, %swap3A_504] {strides = array<i32>} : memref<128x64xf32, #tpu.memory_space<vmem>>, vector<16xf32>,
        tpu.vector_store %arg10[%swap3A_503, %swap3A_504], %add3A_502 {strides = array<i32>} : memref<128x64xf32, #tpu.memory_space<vmem>>, vector<16xf32>,
        %sub3A_506 = arith.subf %get3A_431, %mul3A_452 : vector<16xf32>
        %mul3A_507 = arith.mulf %get3A_13, %mul3A_491 : vector<16xf32>
        %mul3A_508 = arith.mulf %sub3A_506, %mul3A_507 : vector<16xf32>
        %add3A_509 = arith.addf %mul3A_508, %get3A_29 : vector<16xf32>
        %swap3A_510 = arith.index_cast %add3A_422 : i32 to index
        %swap3A_511 = arith.constant 32 : index
        %swap3A_512 = tpu.vector_load %arg10[%swap3A_510, %swap3A_511] {strides = array<i32>} : memref<128x64xf32, #tpu.memory_space<vmem>>, vector<16xf32>,
        tpu.vector_store %arg10[%swap3A_510, %swap3A_511], %add3A_509 {strides = array<i32>} : memref<128x64xf32, #tpu.memory_space<vmem>>, vector<16xf32>,
        %sub3A_513 = arith.subf %get3A_434, %mul3A_452 : vector<16xf32>
        %mul3A_514 = arith.mulf %get3A_17, %mul3A_491 : vector<16xf32>
        %mul3A_515 = arith.mulf %sub3A_513, %mul3A_514 : vector<16xf32>
        %add3A_516 = arith.addf %mul3A_515, %get3A_33 : vector<16xf32>
        %swap3A_517 = arith.index_cast %add3A_422 : i32 to index
        %swap3A_518 = arith.constant 48 : index
        %swap3A_519 = tpu.vector_load %arg10[%swap3A_517, %swap3A_518] {strides = array<i32>} : memref<128x64xf32, #tpu.memory_space<vmem>>, vector<16xf32>,
        tpu.vector_store %arg10[%swap3A_517, %swap3A_518], %add3A_516 {strides = array<i32>} : memref<128x64xf32, #tpu.memory_space<vmem>>, vector<16xf32>,
        %mul3A_520 = arith.constant 4 : i32
        %mul3A_521 = arith.muli %mul3A_520, %scan3A_222 : i32
        %add3A_522 = arith.constant 3 : i32
        %add3A_523 = arith.addi %mul3A_521, %add3A_522 : i32
        %get3A_524 = arith.index_cast %add3A_523 : i32 to index
        %get3A_525 = arith.constant 0 : index
        %get3A_526 = tpu.vector_load %arg8[%get3A_524, %get3A_525] {strides = array<i32>} : memref<128x128xf32, #tpu.memory_space<vmem>>, vector<16xf32>,
        %get3A_527 = arith.index_cast %add3A_523 : i32 to index
        %get3A_528 = arith.constant 16 : index
        %get3A_529 = tpu.vector_load %arg8[%get3A_527, %get3A_528] {strides = array<i32>} : memref<128x128xf32, #tpu.memory_space<vmem>>, vector<16xf32>,
        %get3A_530 = arith.index_cast %add3A_523 : i32 to index
        %get3A_531 = arith.constant 32 : index
        %get3A_532 = tpu.vector_load %arg8[%get3A_530, %get3A_531] {strides = array<i32>} : memref<128x128xf32, #tpu.memory_space<vmem>>, vector<16xf32>,
        %get3A_533 = arith.index_cast %add3A_523 : i32 to index
        %get3A_534 = arith.constant 48 : index
        %get3A_535 = tpu.vector_load %arg8[%get3A_533, %get3A_534] {strides = array<i32>} : memref<128x128xf32, #tpu.memory_space<vmem>>, vector<16xf32>,
        %add3A_536 = arith.addf %get3A_526, %get3A_529 : vector<16xf32>
        %add3A_537 = arith.addf %get3A_532, %get3A_535 : vector<16xf32>
        %add3A_538 = arith.addf %add3A_536, %add3A_537 : vector<16xf32>
        %mul3A_539 = arith.mulf %get3A_526, %get3A_526 : vector<16xf32>
        %mul3A_540 = arith.mulf %get3A_529, %get3A_529 : vector<16xf32>
        %add3A_541 = arith.addf %mul3A_539, %mul3A_540 : vector<16xf32>
        %mul3A_542 = arith.mulf %get3A_532, %get3A_532 : vector<16xf32>
        %mul3A_543 = arith.mulf %get3A_535, %get3A_535 : vector<16xf32>
        %add3A_544 = arith.addf %mul3A_542, %mul3A_543 : vector<16xf32>
        %add3A_545 = arith.addf %add3A_541, %add3A_544 : vector<16xf32>
        %reduce_sum3A_546 = arith.constant true
        %reduce_sum3A_547 = vector.broadcast %reduce_sum3A_546 : i1 to vector<16xi1>
        %reduce_sum3A_548 = tpu.scan <sum>, %add3A_538 masked %reduce_sum3A_547 : vector<16xf32>, vector<16xi1> -> vector<16xf32>
        %reduce_sum3A_549 = vector.extract %reduce_sum3A_548[15] : f32 from vector<16xf32>
        %broadcast_in_dim3A_550 = vector.broadcast %reduce_sum3A_549 : f32 to vector<16xf32>
        %mul3A_551 = arith.constant 1.562500e-02 : f32
        %mul3A_552 = vector.broadcast %mul3A_551 : f32 to vector<16xf32>
        %mul3A_553 = arith.mulf %broadcast_in_dim3A_550, %mul3A_552 : vector<16xf32>
        %reduce_sum3A_554 = arith.constant true
        %reduce_sum3A_555 = vector.broadcast %reduce_sum3A_554 : i1 to vector<16xi1>
        %reduce_sum3A_556 = tpu.scan <sum>, %add3A_545 masked %reduce_sum3A_555 : vector<16xf32>, vector<16xi1> -> vector<16xf32>
        %reduce_sum3A_557 = vector.extract %reduce_sum3A_556[15] : f32 from vector<16xf32>
        %broadcast_in_dim3A_558 = vector.broadcast %reduce_sum3A_557 : f32 to vector<16xf32>
        %mul3A_559 = arith.constant 1.562500e-02 : f32
        %mul3A_560 = vector.broadcast %mul3A_559 : f32 to vector<16xf32>
        %mul3A_561 = arith.mulf %broadcast_in_dim3A_558, %mul3A_560 : vector<16xf32>
        %mul3A_562 = arith.mulf %mul3A_553, %mul3A_553 : vector<16xf32>
        %sub3A_563 = arith.subf %mul3A_561, %mul3A_562 : vector<16xf32>
        %add3A_564 = arith.constant 9.99999974E-6 : f32
        %add3A_565 = vector.broadcast %add3A_564 : f32 to vector<16xf32>
        %add3A_566 = arith.addf %sub3A_563, %add3A_565 : vector<16xf32>
        %bitcast_convert_type3A_567 = tpu.bitcast %add3A_566 : vector<16xf32> -> vector<16xi32>
        %shift_right_arithmetic3A_568 = arith.constant 1 : i32
        %shift_right_arithmetic3A_569 = vector.broadcast %shift_right_arithmetic3A_568 : i32 to vector<16xi32>
        %shift_right_arithmetic3A_570 = arith.shrsi %bitcast_convert_type3A_567, %shift_right_arithmetic3A_569 : vector<16xi32>
        %sub3A_571 = arith.constant 1597463007 : i32
        %sub3A_572 = vector.broadcast %sub3A_571 : i32 to vector<16xi32>
        %sub3A_573 = arith.subi %sub3A_572, %shift_right_arithmetic3A_570 : vector<16xi32>
        %bitcast_convert_type3A_574 = tpu.bitcast %sub3A_573 : vector<16xi32> -> vector<16xf32>
        %mul3A_575 = arith.constant 5.000000e-01 : f32
        %mul3A_576 = vector.broadcast %mul3A_575 : f32 to vector<16xf32>
        %mul3A_577 = arith.mulf %mul3A_576, %add3A_566 : vector<16xf32>
        %mul3A_578 = arith.mulf %mul3A_577, %bitcast_convert_type3A_574 : vector<16xf32>
        %mul3A_579 = arith.mulf %mul3A_578, %bitcast_convert_type3A_574 : vector<16xf32>
        %sub3A_580 = arith.constant 1.500000e+00 : f32
        %sub3A_581 = vector.broadcast %sub3A_580 : f32 to vector<16xf32>
        %sub3A_582 = arith.subf %sub3A_581, %mul3A_579 : vector<16xf32>
        %mul3A_583 = arith.mulf %bitcast_convert_type3A_574, %sub3A_582 : vector<16xf32>
        %mul3A_584 = arith.constant 5.000000e-01 : f32
        %mul3A_585 = vector.broadcast %mul3A_584 : f32 to vector<16xf32>
        %mul3A_586 = arith.mulf %mul3A_585, %add3A_566 : vector<16xf32>
        %mul3A_587 = arith.mulf %mul3A_586, %mul3A_583 : vector<16xf32>
        %mul3A_588 = arith.mulf %mul3A_587, %mul3A_583 : vector<16xf32>
        %sub3A_589 = arith.constant 1.500000e+00 : f32
        %sub3A_590 = vector.broadcast %sub3A_589 : f32 to vector<16xf32>
        %sub3A_591 = arith.subf %sub3A_590, %mul3A_588 : vector<16xf32>
        %mul3A_592 = arith.mulf %mul3A_583, %sub3A_591 : vector<16xf32>
        %sub3A_593 = arith.subf %get3A_526, %mul3A_553 : vector<16xf32>
        %mul3A_594 = arith.mulf %get3A_5, %mul3A_592 : vector<16xf32>
        %mul3A_595 = arith.mulf %sub3A_593, %mul3A_594 : vector<16xf32>
        %add3A_596 = arith.addf %mul3A_595, %get3A_21 : vector<16xf32>
        %swap3A_597 = arith.index_cast %add3A_523 : i32 to index
        %swap3A_598 = arith.constant 0 : index
        %swap3A_599 = tpu.vector_load %arg10[%swap3A_597, %swap3A_598] {strides = array<i32>} : memref<128x64xf32, #tpu.memory_space<vmem>>, vector<16xf32>,
        tpu.vector_store %arg10[%swap3A_597, %swap3A_598], %add3A_596 {strides = array<i32>} : memref<128x64xf32, #tpu.memory_space<vmem>>, vector<16xf32>,
        %sub3A_600 = arith.subf %get3A_529, %mul3A_553 : vector<16xf32>
        %mul3A_601 = arith.mulf %get3A_9, %mul3A_592 : vector<16xf32>
        %mul3A_602 = arith.mulf %sub3A_600, %mul3A_601 : vector<16xf32>
        %add3A_603 = arith.addf %mul3A_602, %get3A_25 : vector<16xf32>
        %swap3A_604 = arith.index_cast %add3A_523 : i32 to index
        %swap3A_605 = arith.constant 16 : index
        %swap3A_606 = tpu.vector_load %arg10[%swap3A_604, %swap3A_605] {strides = array<i32>} : memref<128x64xf32, #tpu.memory_space<vmem>>, vector<16xf32>,
        tpu.vector_store %arg10[%swap3A_604, %swap3A_605], %add3A_603 {strides = array<i32>} : memref<128x64xf32, #tpu.memory_space<vmem>>, vector<16xf32>,
        %sub3A_607 = arith.subf %get3A_532, %mul3A_553 : vector<16xf32>
        %mul3A_608 = arith.mulf %get3A_13, %mul3A_592 : vector<16xf32>
        %mul3A_609 = arith.mulf %sub3A_607, %mul3A_608 : vector<16xf32>
        %add3A_610 = arith.addf %mul3A_609, %get3A_29 : vector<16xf32>
        %swap3A_611 = arith.index_cast %add3A_523 : i32 to index
        %swap3A_612 = arith.constant 32 : index
        %swap3A_613 = tpu.vector_load %arg10[%swap3A_611, %swap3A_612] {strides = array<i32>} : memref<128x64xf32, #tpu.memory_space<vmem>>, vector<16xf32>,
        tpu.vector_store %arg10[%swap3A_611, %swap3A_612], %add3A_610 {strides = array<i32>} : memref<128x64xf32, #tpu.memory_space<vmem>>, vector<16xf32>,
        %sub3A_614 = arith.subf %get3A_535, %mul3A_553 : vector<16xf32>
        %mul3A_615 = arith.mulf %get3A_17, %mul3A_592 : vector<16xf32>
        %mul3A_616 = arith.mulf %sub3A_614, %mul3A_615 : vector<16xf32>
        %add3A_617 = arith.addf %mul3A_616, %get3A_33 : vector<16xf32>
        %swap3A_618 = arith.index_cast %add3A_523 : i32 to index
        %swap3A_619 = arith.constant 48 : index
        %swap3A_620 = tpu.vector_load %arg10[%swap3A_618, %swap3A_619] {strides = array<i32>} : memref<128x64xf32, #tpu.memory_space<vmem>>, vector<16xf32>,
        tpu.vector_store %arg10[%swap3A_618, %swap3A_619], %add3A_617 {strides = array<i32>} : memref<128x64xf32, #tpu.memory_space<vmem>>, vector<16xf32>,
      }
      %scan3A_206 = arith.constant 32 : i32
      %mul3A_207 = arith.constant 128 : i32
      %mul3A_208 = arith.muli %add3A_191, %mul3A_207 : i32
      %add3A_209 = arith.addi %mul3A_2, %mul3A_208 : i32
      %dma_start3A_210 = arith.constant 0 : i32
      %dma_start3A_211 = tpu.memref_slice %arg5[%add3A_209, %dma_start3A_210] : memref<819200x64xf32, #tpu.memory_space<hbm>> -> memref<128x64xf32, #tpu.memory_space<hbm>>
      %dma_start3A_212 = arith.constant 0 : i32
      %dma_start3A_213 = tpu.memref_slice %arg5[%add3A_209, %dma_start3A_212] : memref<819200x64xf32, #tpu.memory_space<hbm>> -> memref<128x64xf32, #tpu.memory_space<hbm>>
      tpu.enqueue_dma source(%arg10 : memref<128x64xf32, #tpu.memory_space<vmem>>) target(%dma_start3A_213 : memref<128x64xf32, #tpu.memory_space<hbm>>) target_semaphore(%arg15 : memref<!tpu.dma_semaphore, #tpu.memory_space<semaphore_mem>>)
      %add3A_214 = arith.constant 2 : i32
      %add3A_215 = arith.addi %add3A_191, %add3A_214 : i32
      %dma_start3A_216 = arith.constant 0 : i32
      %dma_start3A_217 = tpu.memref_slice %arg6[%add3A_215, %dma_start3A_216] : memref<200x128xi32, #tpu.memory_space<vmem>> -> memref<1x128xi32, #tpu.memory_space<vmem>>
      %dma_start3A_218 = tpu.memref_squeeze %dma_start3A_217 : memref<1x128xi32, #tpu.memory_space<vmem>> -> memref<128xi32, #tpu.memory_space<vmem>>
      %dma_start3A_219 = arith.constant 0 : i32
      %dma_start3A_220 = arith.constant 0 : i32
      %dma_start3A_221 = tpu.memref_slice %arg3[%dma_start3A_219, %dma_start3A_220] : memref<100000x128xf32, #tpu.memory_space<hbm>> -> memref<100000x128xf32, #tpu.memory_space<hbm>>
      tpu.enqueue_indirect_dma source(%dma_start3A_221 : memref<100000x128xf32, #tpu.memory_space<hbm>>) target(%arg8 : memref<128x128xf32, #tpu.memory_space<vmem>>) offsets(%dma_start3A_218 : memref<128xi32, #tpu.memory_space<vmem>>) semaphore(%arg13 : memref<!tpu.dma_semaphore, #tpu.memory_space<semaphore_mem>>)
    }
    %scan3A_100 = arith.constant 98 : i32
    %dma_wait3A_101 = arith.constant 0 : i32
    %dma_wait3A_102 = arith.constant 0 : i32
    %dma_wait3A_103 = tpu.memref_slice %arg3[%dma_wait3A_101, %dma_wait3A_102] : memref<100000x128xf32, #tpu.memory_space<hbm>> -> memref<128x128xf32, #tpu.memory_space<hbm>>
    %dma_wait3A_104 = arith.constant 0 : i32
    %dma_wait3A_105 = arith.constant 0 : i32
    %dma_wait3A_106 = tpu.memref_slice %arg3[%dma_wait3A_104, %dma_wait3A_105] : memref<100000x128xf32, #tpu.memory_space<hbm>> -> memref<128x128xf32, #tpu.memory_space<hbm>>
    tpu.wait_dma2 semaphore(%arg12 : memref<!tpu.dma_semaphore, #tpu.memory_space<semaphore_mem>>) src(%dma_wait3A_106 : memref<128x128xf32, #tpu.memory_space<hbm>>) dst(%arg7 : memref<128x128xf32, #tpu.memory_space<vmem>>)
    %dma_wait3A_107 = arith.constant 0 : i32
    %dma_wait3A_108 = tpu.memref_slice %arg5[%mul3A_2, %dma_wait3A_107] : memref<819200x64xf32, #tpu.memory_space<hbm>> -> memref<128x64xf32, #tpu.memory_space<hbm>>
    %dma_wait3A_109 = arith.constant 0 : i32
    %dma_wait3A_110 = tpu.memref_slice %arg5[%mul3A_2, %dma_wait3A_109] : memref<819200x64xf32, #tpu.memory_space<hbm>> -> memref<128x64xf32, #tpu.memory_space<hbm>>
    tpu.wait_dma2 semaphore(%arg14 : memref<!tpu.dma_semaphore, #tpu.memory_space<semaphore_mem>>) src(%arg9 : memref<128x64xf32, #tpu.memory_space<vmem>>) dst(%dma_wait3A_110 : memref<128x64xf32, #tpu.memory_space<hbm>>)
    %scan3A_111 = arith.constant 198 : i32
    %scan3A_112 = arith.constant 0 : i32
    %scan3A_113 = arith.constant 32 : i32
    %scan3A_114 = arith.addi %scan3A_112, %scan3A_113 : i32
    %scan3A_115 = arith.constant 1 : i32
    scf.for %scan3A_153 = %scan3A_112 to %scan3A_114 step %scan3A_115  : i32 {
      %mul3A_154 = arith.constant 4 : i32
      %mul3A_155 = arith.muli %mul3A_154, %scan3A_153 : i32
      %add3A_156 = arith.constant 0 : i32
      %add3A_157 = arith.addi %mul3A_155, %add3A_156 : i32
      %get3A_158 = arith.index_cast %add3A_157 : i32 to index
      %get3A_159 = arith.constant 0 : index
      %get3A_160 = tpu.vector_load %arg7[%get3A_158, %get3A_159] {strides = array<i32>} : memref<128x128xf32, #tpu.memory_space<vmem>>, vector<16xf32>,
      %get3A_161 = arith.index_cast %add3A_157 : i32 to index
      %get3A_162 = arith.constant 16 : index
      %get3A_163 = tpu.vector_load %arg7[%get3A_161, %get3A_162] {strides = array<i32>} : memref<128x128xf32, #tpu.memory_space<vmem>>, vector<16xf32>,
      %get3A_164 = arith.index_cast %add3A_157 : i32 to index
      %get3A_165 = arith.constant 32 : index
      %get3A_166 = tpu.vector_load %arg7[%get3A_164, %get3A_165] {strides = array<i32>} : memref<128x128xf32, #tpu.memory_space<vmem>>, vector<16xf32>,
      %get3A_167 = arith.index_cast %add3A_157 : i32 to index
      %get3A_168 = arith.constant 48 : index
      %get3A_169 = tpu.vector_load %arg7[%get3A_167, %get3A_168] {strides = array<i32>} : memref<128x128xf32, #tpu.memory_space<vmem>>, vector<16xf32>,
      %add3A_170 = arith.addf %get3A_160, %get3A_163 : vector<16xf32>
      %add3A_171 = arith.addf %get3A_166, %get3A_169 : vector<16xf32>
      %add3A_172 = arith.addf %add3A_170, %add3A_171 : vector<16xf32>
      %mul3A_173 = arith.mulf %get3A_160, %get3A_160 : vector<16xf32>
      %mul3A_174 = arith.mulf %get3A_163, %get3A_163 : vector<16xf32>
      %add3A_175 = arith.addf %mul3A_173, %mul3A_174 : vector<16xf32>
      %mul3A_176 = arith.mulf %get3A_166, %get3A_166 : vector<16xf32>
      %mul3A_177 = arith.mulf %get3A_169, %get3A_169 : vector<16xf32>
      %add3A_178 = arith.addf %mul3A_176, %mul3A_177 : vector<16xf32>
      %add3A_179 = arith.addf %add3A_175, %add3A_178 : vector<16xf32>
      %reduce_sum3A = arith.constant true
      %reduce_sum3A_180 = vector.broadcast %reduce_sum3A : i1 to vector<16xi1>
      %reduce_sum3A_181 = tpu.scan <sum>, %add3A_172 masked %reduce_sum3A_180 : vector<16xf32>, vector<16xi1> -> vector<16xf32>
      %reduce_sum3A_182 = vector.extract %reduce_sum3A_181[15] : f32 from vector<16xf32>
      %broadcast_in_dim3A = vector.broadcast %reduce_sum3A_182 : f32 to vector<16xf32>
      %mul3A_183 = arith.constant 1.562500e-02 : f32
      %mul3A_184 = vector.broadcast %mul3A_183 : f32 to vector<16xf32>
      %mul3A_185 = arith.mulf %broadcast_in_dim3A, %mul3A_184 : vector<16xf32>
      %reduce_sum3A_186 = arith.constant true
      %reduce_sum3A_187 = vector.broadcast %reduce_sum3A_186 : i1 to vector<16xi1>
      %reduce_sum3A_188 = tpu.scan <sum>, %add3A_179 masked %reduce_sum3A_187 : vector<16xf32>, vector<16xi1> -> vector<16xf32>
      %reduce_sum3A_189 = vector.extract %reduce_sum3A_188[15] : f32 from vector<16xf32>
      %broadcast_in_dim3A_190 = vector.broadcast %reduce_sum3A_189 : f32 to vector<16xf32>
      %mul3A_191 = arith.constant 1.562500e-02 : f32
      %mul3A_192 = vector.broadcast %mul3A_191 : f32 to vector<16xf32>
      %mul3A_193 = arith.mulf %broadcast_in_dim3A_190, %mul3A_192 : vector<16xf32>
      %mul3A_194 = arith.mulf %mul3A_185, %mul3A_185 : vector<16xf32>
      %sub3A = arith.subf %mul3A_193, %mul3A_194 : vector<16xf32>
      %add3A_195 = arith.constant 9.99999974E-6 : f32
      %add3A_196 = vector.broadcast %add3A_195 : f32 to vector<16xf32>
      %add3A_197 = arith.addf %sub3A, %add3A_196 : vector<16xf32>
      %bitcast_convert_type3A = tpu.bitcast %add3A_197 : vector<16xf32> -> vector<16xi32>
      %shift_right_arithmetic3A = arith.constant 1 : i32
      %shift_right_arithmetic3A_198 = vector.broadcast %shift_right_arithmetic3A : i32 to vector<16xi32>
      %shift_right_arithmetic3A_199 = arith.shrsi %bitcast_convert_type3A, %shift_right_arithmetic3A_198 : vector<16xi32>
      %sub3A_200 = arith.constant 1597463007 : i32
      %sub3A_201 = vector.broadcast %sub3A_200 : i32 to vector<16xi32>
      %sub3A_202 = arith.subi %sub3A_201, %shift_right_arithmetic3A_199 : vector<16xi32>
      %bitcast_convert_type3A_203 = tpu.bitcast %sub3A_202 : vector<16xi32> -> vector<16xf32>
      %mul3A_204 = arith.constant 5.000000e-01 : f32
      %mul3A_205 = vector.broadcast %mul3A_204 : f32 to vector<16xf32>
      %mul3A_206 = arith.mulf %mul3A_205, %add3A_197 : vector<16xf32>
      %mul3A_207 = arith.mulf %mul3A_206, %bitcast_convert_type3A_203 : vector<16xf32>
      %mul3A_208 = arith.mulf %mul3A_207, %bitcast_convert_type3A_203 : vector<16xf32>
      %sub3A_209 = arith.constant 1.500000e+00 : f32
      %sub3A_210 = vector.broadcast %sub3A_209 : f32 to vector<16xf32>
      %sub3A_211 = arith.subf %sub3A_210, %mul3A_208 : vector<16xf32>
      %mul3A_212 = arith.mulf %bitcast_convert_type3A_203, %sub3A_211 : vector<16xf32>
      %mul3A_213 = arith.constant 5.000000e-01 : f32
      %mul3A_214 = vector.broadcast %mul3A_213 : f32 to vector<16xf32>
      %mul3A_215 = arith.mulf %mul3A_214, %add3A_197 : vector<16xf32>
      %mul3A_216 = arith.mulf %mul3A_215, %mul3A_212 : vector<16xf32>
      %mul3A_217 = arith.mulf %mul3A_216, %mul3A_212 : vector<16xf32>
      %sub3A_218 = arith.constant 1.500000e+00 : f32
      %sub3A_219 = vector.broadcast %sub3A_218 : f32 to vector<16xf32>
      %sub3A_220 = arith.subf %sub3A_219, %mul3A_217 : vector<16xf32>
      %mul3A_221 = arith.mulf %mul3A_212, %sub3A_220 : vector<16xf32>
      %sub3A_222 = arith.subf %get3A_160, %mul3A_185 : vector<16xf32>
      %mul3A_223 = arith.mulf %get3A_5, %mul3A_221 : vector<16xf32>
      %mul3A_224 = arith.mulf %sub3A_222, %mul3A_223 : vector<16xf32>
      %add3A_225 = arith.addf %mul3A_224, %get3A_21 : vector<16xf32>
      %swap3A = arith.index_cast %add3A_157 : i32 to index
      %swap3A_226 = arith.constant 0 : index
      %swap3A_227 = tpu.vector_load %arg9[%swap3A, %swap3A_226] {strides = array<i32>} : memref<128x64xf32, #tpu.memory_space<vmem>>, vector<16xf32>,
      tpu.vector_store %arg9[%swap3A, %swap3A_226], %add3A_225 {strides = array<i32>} : memref<128x64xf32, #tpu.memory_space<vmem>>, vector<16xf32>,
      %sub3A_228 = arith.subf %get3A_163, %mul3A_185 : vector<16xf32>
      %mul3A_229 = arith.mulf %get3A_9, %mul3A_221 : vector<16xf32>
      %mul3A_230 = arith.mulf %sub3A_228, %mul3A_229 : vector<16xf32>
      %add3A_231 = arith.addf %mul3A_230, %get3A_25 : vector<16xf32>
      %swap3A_232 = arith.index_cast %add3A_157 : i32 to index
      %swap3A_233 = arith.constant 16 : index
      %swap3A_234 = tpu.vector_load %arg9[%swap3A_232, %swap3A_233] {strides = array<i32>} : memref<128x64xf32, #tpu.memory_space<vmem>>, vector<16xf32>,
      tpu.vector_store %arg9[%swap3A_232, %swap3A_233], %add3A_231 {strides = array<i32>} : memref<128x64xf32, #tpu.memory_space<vmem>>, vector<16xf32>,
      %sub3A_235 = arith.subf %get3A_166, %mul3A_185 : vector<16xf32>
      %mul3A_236 = arith.mulf %get3A_13, %mul3A_221 : vector<16xf32>
      %mul3A_237 = arith.mulf %sub3A_235, %mul3A_236 : vector<16xf32>
      %add3A_238 = arith.addf %mul3A_237, %get3A_29 : vector<16xf32>
      %swap3A_239 = arith.index_cast %add3A_157 : i32 to index
      %swap3A_240 = arith.constant 32 : index
      %swap3A_241 = tpu.vector_load %arg9[%swap3A_239, %swap3A_240] {strides = array<i32>} : memref<128x64xf32, #tpu.memory_space<vmem>>, vector<16xf32>,
      tpu.vector_store %arg9[%swap3A_239, %swap3A_240], %add3A_238 {strides = array<i32>} : memref<128x64xf32, #tpu.memory_space<vmem>>, vector<16xf32>,
      %sub3A_242 = arith.subf %get3A_169, %mul3A_185 : vector<16xf32>
      %mul3A_243 = arith.mulf %get3A_17, %mul3A_221 : vector<16xf32>
      %mul3A_244 = arith.mulf %sub3A_242, %mul3A_243 : vector<16xf32>
      %add3A_245 = arith.addf %mul3A_244, %get3A_33 : vector<16xf32>
      %swap3A_246 = arith.index_cast %add3A_157 : i32 to index
      %swap3A_247 = arith.constant 48 : index
      %swap3A_248 = tpu.vector_load %arg9[%swap3A_246, %swap3A_247] {strides = array<i32>} : memref<128x64xf32, #tpu.memory_space<vmem>>, vector<16xf32>,
      tpu.vector_store %arg9[%swap3A_246, %swap3A_247], %add3A_245 {strides = array<i32>} : memref<128x64xf32, #tpu.memory_space<vmem>>, vector<16xf32>,
      %mul3A_249 = arith.constant 4 : i32
      %mul3A_250 = arith.muli %mul3A_249, %scan3A_153 : i32
      %add3A_251 = arith.constant 1 : i32
      %add3A_252 = arith.addi %mul3A_250, %add3A_251 : i32
      %get3A_253 = arith.index_cast %add3A_252 : i32 to index
      %get3A_254 = arith.constant 0 : index
      %get3A_255 = tpu.vector_load %arg7[%get3A_253, %get3A_254] {strides = array<i32>} : memref<128x128xf32, #tpu.memory_space<vmem>>, vector<16xf32>,
      %get3A_256 = arith.index_cast %add3A_252 : i32 to index
      %get3A_257 = arith.constant 16 : index
      %get3A_258 = tpu.vector_load %arg7[%get3A_256, %get3A_257] {strides = array<i32>} : memref<128x128xf32, #tpu.memory_space<vmem>>, vector<16xf32>,
      %get3A_259 = arith.index_cast %add3A_252 : i32 to index
      %get3A_260 = arith.constant 32 : index
      %get3A_261 = tpu.vector_load %arg7[%get3A_259, %get3A_260] {strides = array<i32>} : memref<128x128xf32, #tpu.memory_space<vmem>>, vector<16xf32>,
      %get3A_262 = arith.index_cast %add3A_252 : i32 to index
      %get3A_263 = arith.constant 48 : index
      %get3A_264 = tpu.vector_load %arg7[%get3A_262, %get3A_263] {strides = array<i32>} : memref<128x128xf32, #tpu.memory_space<vmem>>, vector<16xf32>,
      %add3A_265 = arith.addf %get3A_255, %get3A_258 : vector<16xf32>
      %add3A_266 = arith.addf %get3A_261, %get3A_264 : vector<16xf32>
      %add3A_267 = arith.addf %add3A_265, %add3A_266 : vector<16xf32>
      %mul3A_268 = arith.mulf %get3A_255, %get3A_255 : vector<16xf32>
      %mul3A_269 = arith.mulf %get3A_258, %get3A_258 : vector<16xf32>
      %add3A_270 = arith.addf %mul3A_268, %mul3A_269 : vector<16xf32>
      %mul3A_271 = arith.mulf %get3A_261, %get3A_261 : vector<16xf32>
      %mul3A_272 = arith.mulf %get3A_264, %get3A_264 : vector<16xf32>
      %add3A_273 = arith.addf %mul3A_271, %mul3A_272 : vector<16xf32>
      %add3A_274 = arith.addf %add3A_270, %add3A_273 : vector<16xf32>
      %reduce_sum3A_275 = arith.constant true
      %reduce_sum3A_276 = vector.broadcast %reduce_sum3A_275 : i1 to vector<16xi1>
      %reduce_sum3A_277 = tpu.scan <sum>, %add3A_267 masked %reduce_sum3A_276 : vector<16xf32>, vector<16xi1> -> vector<16xf32>
      %reduce_sum3A_278 = vector.extract %reduce_sum3A_277[15] : f32 from vector<16xf32>
      %broadcast_in_dim3A_279 = vector.broadcast %reduce_sum3A_278 : f32 to vector<16xf32>
      %mul3A_280 = arith.constant 1.562500e-02 : f32
      %mul3A_281 = vector.broadcast %mul3A_280 : f32 to vector<16xf32>
      %mul3A_282 = arith.mulf %broadcast_in_dim3A_279, %mul3A_281 : vector<16xf32>
      %reduce_sum3A_283 = arith.constant true
      %reduce_sum3A_284 = vector.broadcast %reduce_sum3A_283 : i1 to vector<16xi1>
      %reduce_sum3A_285 = tpu.scan <sum>, %add3A_274 masked %reduce_sum3A_284 : vector<16xf32>, vector<16xi1> -> vector<16xf32>
      %reduce_sum3A_286 = vector.extract %reduce_sum3A_285[15] : f32 from vector<16xf32>
      %broadcast_in_dim3A_287 = vector.broadcast %reduce_sum3A_286 : f32 to vector<16xf32>
      %mul3A_288 = arith.constant 1.562500e-02 : f32
      %mul3A_289 = vector.broadcast %mul3A_288 : f32 to vector<16xf32>
      %mul3A_290 = arith.mulf %broadcast_in_dim3A_287, %mul3A_289 : vector<16xf32>
      %mul3A_291 = arith.mulf %mul3A_282, %mul3A_282 : vector<16xf32>
      %sub3A_292 = arith.subf %mul3A_290, %mul3A_291 : vector<16xf32>
      %add3A_293 = arith.constant 9.99999974E-6 : f32
      %add3A_294 = vector.broadcast %add3A_293 : f32 to vector<16xf32>
      %add3A_295 = arith.addf %sub3A_292, %add3A_294 : vector<16xf32>
      %bitcast_convert_type3A_296 = tpu.bitcast %add3A_295 : vector<16xf32> -> vector<16xi32>
      %shift_right_arithmetic3A_297 = arith.constant 1 : i32
      %shift_right_arithmetic3A_298 = vector.broadcast %shift_right_arithmetic3A_297 : i32 to vector<16xi32>
      %shift_right_arithmetic3A_299 = arith.shrsi %bitcast_convert_type3A_296, %shift_right_arithmetic3A_298 : vector<16xi32>
      %sub3A_300 = arith.constant 1597463007 : i32
      %sub3A_301 = vector.broadcast %sub3A_300 : i32 to vector<16xi32>
      %sub3A_302 = arith.subi %sub3A_301, %shift_right_arithmetic3A_299 : vector<16xi32>
      %bitcast_convert_type3A_303 = tpu.bitcast %sub3A_302 : vector<16xi32> -> vector<16xf32>
      %mul3A_304 = arith.constant 5.000000e-01 : f32
      %mul3A_305 = vector.broadcast %mul3A_304 : f32 to vector<16xf32>
      %mul3A_306 = arith.mulf %mul3A_305, %add3A_295 : vector<16xf32>
      %mul3A_307 = arith.mulf %mul3A_306, %bitcast_convert_type3A_303 : vector<16xf32>
      %mul3A_308 = arith.mulf %mul3A_307, %bitcast_convert_type3A_303 : vector<16xf32>
      %sub3A_309 = arith.constant 1.500000e+00 : f32
      %sub3A_310 = vector.broadcast %sub3A_309 : f32 to vector<16xf32>
      %sub3A_311 = arith.subf %sub3A_310, %mul3A_308 : vector<16xf32>
      %mul3A_312 = arith.mulf %bitcast_convert_type3A_303, %sub3A_311 : vector<16xf32>
      %mul3A_313 = arith.constant 5.000000e-01 : f32
      %mul3A_314 = vector.broadcast %mul3A_313 : f32 to vector<16xf32>
      %mul3A_315 = arith.mulf %mul3A_314, %add3A_295 : vector<16xf32>
      %mul3A_316 = arith.mulf %mul3A_315, %mul3A_312 : vector<16xf32>
      %mul3A_317 = arith.mulf %mul3A_316, %mul3A_312 : vector<16xf32>
      %sub3A_318 = arith.constant 1.500000e+00 : f32
      %sub3A_319 = vector.broadcast %sub3A_318 : f32 to vector<16xf32>
      %sub3A_320 = arith.subf %sub3A_319, %mul3A_317 : vector<16xf32>
      %mul3A_321 = arith.mulf %mul3A_312, %sub3A_320 : vector<16xf32>
      %sub3A_322 = arith.subf %get3A_255, %mul3A_282 : vector<16xf32>
      %mul3A_323 = arith.mulf %get3A_5, %mul3A_321 : vector<16xf32>
      %mul3A_324 = arith.mulf %sub3A_322, %mul3A_323 : vector<16xf32>
      %add3A_325 = arith.addf %mul3A_324, %get3A_21 : vector<16xf32>
      %swap3A_326 = arith.index_cast %add3A_252 : i32 to index
      %swap3A_327 = arith.constant 0 : index
      %swap3A_328 = tpu.vector_load %arg9[%swap3A_326, %swap3A_327] {strides = array<i32>} : memref<128x64xf32, #tpu.memory_space<vmem>>, vector<16xf32>,
      tpu.vector_store %arg9[%swap3A_326, %swap3A_327], %add3A_325 {strides = array<i32>} : memref<128x64xf32, #tpu.memory_space<vmem>>, vector<16xf32>,
      %sub3A_329 = arith.subf %get3A_258, %mul3A_282 : vector<16xf32>
      %mul3A_330 = arith.mulf %get3A_9, %mul3A_321 : vector<16xf32>
      %mul3A_331 = arith.mulf %sub3A_329, %mul3A_330 : vector<16xf32>
      %add3A_332 = arith.addf %mul3A_331, %get3A_25 : vector<16xf32>
      %swap3A_333 = arith.index_cast %add3A_252 : i32 to index
      %swap3A_334 = arith.constant 16 : index
      %swap3A_335 = tpu.vector_load %arg9[%swap3A_333, %swap3A_334] {strides = array<i32>} : memref<128x64xf32, #tpu.memory_space<vmem>>, vector<16xf32>,
      tpu.vector_store %arg9[%swap3A_333, %swap3A_334], %add3A_332 {strides = array<i32>} : memref<128x64xf32, #tpu.memory_space<vmem>>, vector<16xf32>,
      %sub3A_336 = arith.subf %get3A_261, %mul3A_282 : vector<16xf32>
      %mul3A_337 = arith.mulf %get3A_13, %mul3A_321 : vector<16xf32>
      %mul3A_338 = arith.mulf %sub3A_336, %mul3A_337 : vector<16xf32>
      %add3A_339 = arith.addf %mul3A_338, %get3A_29 : vector<16xf32>
      %swap3A_340 = arith.index_cast %add3A_252 : i32 to index
      %swap3A_341 = arith.constant 32 : index
      %swap3A_342 = tpu.vector_load %arg9[%swap3A_340, %swap3A_341] {strides = array<i32>} : memref<128x64xf32, #tpu.memory_space<vmem>>, vector<16xf32>,
      tpu.vector_store %arg9[%swap3A_340, %swap3A_341], %add3A_339 {strides = array<i32>} : memref<128x64xf32, #tpu.memory_space<vmem>>, vector<16xf32>,
      %sub3A_343 = arith.subf %get3A_264, %mul3A_282 : vector<16xf32>
      %mul3A_344 = arith.mulf %get3A_17, %mul3A_321 : vector<16xf32>
      %mul3A_345 = arith.mulf %sub3A_343, %mul3A_344 : vector<16xf32>
      %add3A_346 = arith.addf %mul3A_345, %get3A_33 : vector<16xf32>
      %swap3A_347 = arith.index_cast %add3A_252 : i32 to index
      %swap3A_348 = arith.constant 48 : index
      %swap3A_349 = tpu.vector_load %arg9[%swap3A_347, %swap3A_348] {strides = array<i32>} : memref<128x64xf32, #tpu.memory_space<vmem>>, vector<16xf32>,
      tpu.vector_store %arg9[%swap3A_347, %swap3A_348], %add3A_346 {strides = array<i32>} : memref<128x64xf32, #tpu.memory_space<vmem>>, vector<16xf32>,
      %mul3A_350 = arith.constant 4 : i32
      %mul3A_351 = arith.muli %mul3A_350, %scan3A_153 : i32
      %add3A_352 = arith.constant 2 : i32
      %add3A_353 = arith.addi %mul3A_351, %add3A_352 : i32
      %get3A_354 = arith.index_cast %add3A_353 : i32 to index
      %get3A_355 = arith.constant 0 : index
      %get3A_356 = tpu.vector_load %arg7[%get3A_354, %get3A_355] {strides = array<i32>} : memref<128x128xf32, #tpu.memory_space<vmem>>, vector<16xf32>,
      %get3A_357 = arith.index_cast %add3A_353 : i32 to index
      %get3A_358 = arith.constant 16 : index
      %get3A_359 = tpu.vector_load %arg7[%get3A_357, %get3A_358] {strides = array<i32>} : memref<128x128xf32, #tpu.memory_space<vmem>>, vector<16xf32>,
      %get3A_360 = arith.index_cast %add3A_353 : i32 to index
      %get3A_361 = arith.constant 32 : index
      %get3A_362 = tpu.vector_load %arg7[%get3A_360, %get3A_361] {strides = array<i32>} : memref<128x128xf32, #tpu.memory_space<vmem>>, vector<16xf32>,
      %get3A_363 = arith.index_cast %add3A_353 : i32 to index
      %get3A_364 = arith.constant 48 : index
      %get3A_365 = tpu.vector_load %arg7[%get3A_363, %get3A_364] {strides = array<i32>} : memref<128x128xf32, #tpu.memory_space<vmem>>, vector<16xf32>,
      %add3A_366 = arith.addf %get3A_356, %get3A_359 : vector<16xf32>
      %add3A_367 = arith.addf %get3A_362, %get3A_365 : vector<16xf32>
      %add3A_368 = arith.addf %add3A_366, %add3A_367 : vector<16xf32>
      %mul3A_369 = arith.mulf %get3A_356, %get3A_356 : vector<16xf32>
      %mul3A_370 = arith.mulf %get3A_359, %get3A_359 : vector<16xf32>
      %add3A_371 = arith.addf %mul3A_369, %mul3A_370 : vector<16xf32>
      %mul3A_372 = arith.mulf %get3A_362, %get3A_362 : vector<16xf32>
      %mul3A_373 = arith.mulf %get3A_365, %get3A_365 : vector<16xf32>
      %add3A_374 = arith.addf %mul3A_372, %mul3A_373 : vector<16xf32>
      %add3A_375 = arith.addf %add3A_371, %add3A_374 : vector<16xf32>
      %reduce_sum3A_376 = arith.constant true
      %reduce_sum3A_377 = vector.broadcast %reduce_sum3A_376 : i1 to vector<16xi1>
      %reduce_sum3A_378 = tpu.scan <sum>, %add3A_368 masked %reduce_sum3A_377 : vector<16xf32>, vector<16xi1> -> vector<16xf32>
      %reduce_sum3A_379 = vector.extract %reduce_sum3A_378[15] : f32 from vector<16xf32>
      %broadcast_in_dim3A_380 = vector.broadcast %reduce_sum3A_379 : f32 to vector<16xf32>
      %mul3A_381 = arith.constant 1.562500e-02 : f32
      %mul3A_382 = vector.broadcast %mul3A_381 : f32 to vector<16xf32>
      %mul3A_383 = arith.mulf %broadcast_in_dim3A_380, %mul3A_382 : vector<16xf32>
      %reduce_sum3A_384 = arith.constant true
      %reduce_sum3A_385 = vector.broadcast %reduce_sum3A_384 : i1 to vector<16xi1>
      %reduce_sum3A_386 = tpu.scan <sum>, %add3A_375 masked %reduce_sum3A_385 : vector<16xf32>, vector<16xi1> -> vector<16xf32>
      %reduce_sum3A_387 = vector.extract %reduce_sum3A_386[15] : f32 from vector<16xf32>
      %broadcast_in_dim3A_388 = vector.broadcast %reduce_sum3A_387 : f32 to vector<16xf32>
      %mul3A_389 = arith.constant 1.562500e-02 : f32
      %mul3A_390 = vector.broadcast %mul3A_389 : f32 to vector<16xf32>
      %mul3A_391 = arith.mulf %broadcast_in_dim3A_388, %mul3A_390 : vector<16xf32>
      %mul3A_392 = arith.mulf %mul3A_383, %mul3A_383 : vector<16xf32>
      %sub3A_393 = arith.subf %mul3A_391, %mul3A_392 : vector<16xf32>
      %add3A_394 = arith.constant 9.99999974E-6 : f32
      %add3A_395 = vector.broadcast %add3A_394 : f32 to vector<16xf32>
      %add3A_396 = arith.addf %sub3A_393, %add3A_395 : vector<16xf32>
      %bitcast_convert_type3A_397 = tpu.bitcast %add3A_396 : vector<16xf32> -> vector<16xi32>
      %shift_right_arithmetic3A_398 = arith.constant 1 : i32
      %shift_right_arithmetic3A_399 = vector.broadcast %shift_right_arithmetic3A_398 : i32 to vector<16xi32>
      %shift_right_arithmetic3A_400 = arith.shrsi %bitcast_convert_type3A_397, %shift_right_arithmetic3A_399 : vector<16xi32>
      %sub3A_401 = arith.constant 1597463007 : i32
      %sub3A_402 = vector.broadcast %sub3A_401 : i32 to vector<16xi32>
      %sub3A_403 = arith.subi %sub3A_402, %shift_right_arithmetic3A_400 : vector<16xi32>
      %bitcast_convert_type3A_404 = tpu.bitcast %sub3A_403 : vector<16xi32> -> vector<16xf32>
      %mul3A_405 = arith.constant 5.000000e-01 : f32
      %mul3A_406 = vector.broadcast %mul3A_405 : f32 to vector<16xf32>
      %mul3A_407 = arith.mulf %mul3A_406, %add3A_396 : vector<16xf32>
      %mul3A_408 = arith.mulf %mul3A_407, %bitcast_convert_type3A_404 : vector<16xf32>
      %mul3A_409 = arith.mulf %mul3A_408, %bitcast_convert_type3A_404 : vector<16xf32>
      %sub3A_410 = arith.constant 1.500000e+00 : f32
      %sub3A_411 = vector.broadcast %sub3A_410 : f32 to vector<16xf32>
      %sub3A_412 = arith.subf %sub3A_411, %mul3A_409 : vector<16xf32>
      %mul3A_413 = arith.mulf %bitcast_convert_type3A_404, %sub3A_412 : vector<16xf32>
      %mul3A_414 = arith.constant 5.000000e-01 : f32
      %mul3A_415 = vector.broadcast %mul3A_414 : f32 to vector<16xf32>
      %mul3A_416 = arith.mulf %mul3A_415, %add3A_396 : vector<16xf32>
      %mul3A_417 = arith.mulf %mul3A_416, %mul3A_413 : vector<16xf32>
      %mul3A_418 = arith.mulf %mul3A_417, %mul3A_413 : vector<16xf32>
      %sub3A_419 = arith.constant 1.500000e+00 : f32
      %sub3A_420 = vector.broadcast %sub3A_419 : f32 to vector<16xf32>
      %sub3A_421 = arith.subf %sub3A_420, %mul3A_418 : vector<16xf32>
      %mul3A_422 = arith.mulf %mul3A_413, %sub3A_421 : vector<16xf32>
      %sub3A_423 = arith.subf %get3A_356, %mul3A_383 : vector<16xf32>
      %mul3A_424 = arith.mulf %get3A_5, %mul3A_422 : vector<16xf32>
      %mul3A_425 = arith.mulf %sub3A_423, %mul3A_424 : vector<16xf32>
      %add3A_426 = arith.addf %mul3A_425, %get3A_21 : vector<16xf32>
      %swap3A_427 = arith.index_cast %add3A_353 : i32 to index
      %swap3A_428 = arith.constant 0 : index
      %swap3A_429 = tpu.vector_load %arg9[%swap3A_427, %swap3A_428] {strides = array<i32>} : memref<128x64xf32, #tpu.memory_space<vmem>>, vector<16xf32>,
      tpu.vector_store %arg9[%swap3A_427, %swap3A_428], %add3A_426 {strides = array<i32>} : memref<128x64xf32, #tpu.memory_space<vmem>>, vector<16xf32>,
      %sub3A_430 = arith.subf %get3A_359, %mul3A_383 : vector<16xf32>
      %mul3A_431 = arith.mulf %get3A_9, %mul3A_422 : vector<16xf32>
      %mul3A_432 = arith.mulf %sub3A_430, %mul3A_431 : vector<16xf32>
      %add3A_433 = arith.addf %mul3A_432, %get3A_25 : vector<16xf32>
      %swap3A_434 = arith.index_cast %add3A_353 : i32 to index
      %swap3A_435 = arith.constant 16 : index
      %swap3A_436 = tpu.vector_load %arg9[%swap3A_434, %swap3A_435] {strides = array<i32>} : memref<128x64xf32, #tpu.memory_space<vmem>>, vector<16xf32>,
      tpu.vector_store %arg9[%swap3A_434, %swap3A_435], %add3A_433 {strides = array<i32>} : memref<128x64xf32, #tpu.memory_space<vmem>>, vector<16xf32>,
      %sub3A_437 = arith.subf %get3A_362, %mul3A_383 : vector<16xf32>
      %mul3A_438 = arith.mulf %get3A_13, %mul3A_422 : vector<16xf32>
      %mul3A_439 = arith.mulf %sub3A_437, %mul3A_438 : vector<16xf32>
      %add3A_440 = arith.addf %mul3A_439, %get3A_29 : vector<16xf32>
      %swap3A_441 = arith.index_cast %add3A_353 : i32 to index
      %swap3A_442 = arith.constant 32 : index
      %swap3A_443 = tpu.vector_load %arg9[%swap3A_441, %swap3A_442] {strides = array<i32>} : memref<128x64xf32, #tpu.memory_space<vmem>>, vector<16xf32>,
      tpu.vector_store %arg9[%swap3A_441, %swap3A_442], %add3A_440 {strides = array<i32>} : memref<128x64xf32, #tpu.memory_space<vmem>>, vector<16xf32>,
      %sub3A_444 = arith.subf %get3A_365, %mul3A_383 : vector<16xf32>
      %mul3A_445 = arith.mulf %get3A_17, %mul3A_422 : vector<16xf32>
      %mul3A_446 = arith.mulf %sub3A_444, %mul3A_445 : vector<16xf32>
      %add3A_447 = arith.addf %mul3A_446, %get3A_33 : vector<16xf32>
      %swap3A_448 = arith.index_cast %add3A_353 : i32 to index
      %swap3A_449 = arith.constant 48 : index
      %swap3A_450 = tpu.vector_load %arg9[%swap3A_448, %swap3A_449] {strides = array<i32>} : memref<128x64xf32, #tpu.memory_space<vmem>>, vector<16xf32>,
      tpu.vector_store %arg9[%swap3A_448, %swap3A_449], %add3A_447 {strides = array<i32>} : memref<128x64xf32, #tpu.memory_space<vmem>>, vector<16xf32>,
      %mul3A_451 = arith.constant 4 : i32
      %mul3A_452 = arith.muli %mul3A_451, %scan3A_153 : i32
      %add3A_453 = arith.constant 3 : i32
      %add3A_454 = arith.addi %mul3A_452, %add3A_453 : i32
      %get3A_455 = arith.index_cast %add3A_454 : i32 to index
      %get3A_456 = arith.constant 0 : index
      %get3A_457 = tpu.vector_load %arg7[%get3A_455, %get3A_456] {strides = array<i32>} : memref<128x128xf32, #tpu.memory_space<vmem>>, vector<16xf32>,
      %get3A_458 = arith.index_cast %add3A_454 : i32 to index
      %get3A_459 = arith.constant 16 : index
      %get3A_460 = tpu.vector_load %arg7[%get3A_458, %get3A_459] {strides = array<i32>} : memref<128x128xf32, #tpu.memory_space<vmem>>, vector<16xf32>,
      %get3A_461 = arith.index_cast %add3A_454 : i32 to index
      %get3A_462 = arith.constant 32 : index
      %get3A_463 = tpu.vector_load %arg7[%get3A_461, %get3A_462] {strides = array<i32>} : memref<128x128xf32, #tpu.memory_space<vmem>>, vector<16xf32>,
      %get3A_464 = arith.index_cast %add3A_454 : i32 to index
      %get3A_465 = arith.constant 48 : index
      %get3A_466 = tpu.vector_load %arg7[%get3A_464, %get3A_465] {strides = array<i32>} : memref<128x128xf32, #tpu.memory_space<vmem>>, vector<16xf32>,
      %add3A_467 = arith.addf %get3A_457, %get3A_460 : vector<16xf32>
      %add3A_468 = arith.addf %get3A_463, %get3A_466 : vector<16xf32>
      %add3A_469 = arith.addf %add3A_467, %add3A_468 : vector<16xf32>
      %mul3A_470 = arith.mulf %get3A_457, %get3A_457 : vector<16xf32>
      %mul3A_471 = arith.mulf %get3A_460, %get3A_460 : vector<16xf32>
      %add3A_472 = arith.addf %mul3A_470, %mul3A_471 : vector<16xf32>
      %mul3A_473 = arith.mulf %get3A_463, %get3A_463 : vector<16xf32>
      %mul3A_474 = arith.mulf %get3A_466, %get3A_466 : vector<16xf32>
      %add3A_475 = arith.addf %mul3A_473, %mul3A_474 : vector<16xf32>
      %add3A_476 = arith.addf %add3A_472, %add3A_475 : vector<16xf32>
      %reduce_sum3A_477 = arith.constant true
      %reduce_sum3A_478 = vector.broadcast %reduce_sum3A_477 : i1 to vector<16xi1>
      %reduce_sum3A_479 = tpu.scan <sum>, %add3A_469 masked %reduce_sum3A_478 : vector<16xf32>, vector<16xi1> -> vector<16xf32>
      %reduce_sum3A_480 = vector.extract %reduce_sum3A_479[15] : f32 from vector<16xf32>
      %broadcast_in_dim3A_481 = vector.broadcast %reduce_sum3A_480 : f32 to vector<16xf32>
      %mul3A_482 = arith.constant 1.562500e-02 : f32
      %mul3A_483 = vector.broadcast %mul3A_482 : f32 to vector<16xf32>
      %mul3A_484 = arith.mulf %broadcast_in_dim3A_481, %mul3A_483 : vector<16xf32>
      %reduce_sum3A_485 = arith.constant true
      %reduce_sum3A_486 = vector.broadcast %reduce_sum3A_485 : i1 to vector<16xi1>
      %reduce_sum3A_487 = tpu.scan <sum>, %add3A_476 masked %reduce_sum3A_486 : vector<16xf32>, vector<16xi1> -> vector<16xf32>
      %reduce_sum3A_488 = vector.extract %reduce_sum3A_487[15] : f32 from vector<16xf32>
      %broadcast_in_dim3A_489 = vector.broadcast %reduce_sum3A_488 : f32 to vector<16xf32>
      %mul3A_490 = arith.constant 1.562500e-02 : f32
      %mul3A_491 = vector.broadcast %mul3A_490 : f32 to vector<16xf32>
      %mul3A_492 = arith.mulf %broadcast_in_dim3A_489, %mul3A_491 : vector<16xf32>
      %mul3A_493 = arith.mulf %mul3A_484, %mul3A_484 : vector<16xf32>
      %sub3A_494 = arith.subf %mul3A_492, %mul3A_493 : vector<16xf32>
      %add3A_495 = arith.constant 9.99999974E-6 : f32
      %add3A_496 = vector.broadcast %add3A_495 : f32 to vector<16xf32>
      %add3A_497 = arith.addf %sub3A_494, %add3A_496 : vector<16xf32>
      %bitcast_convert_type3A_498 = tpu.bitcast %add3A_497 : vector<16xf32> -> vector<16xi32>
      %shift_right_arithmetic3A_499 = arith.constant 1 : i32
      %shift_right_arithmetic3A_500 = vector.broadcast %shift_right_arithmetic3A_499 : i32 to vector<16xi32>
      %shift_right_arithmetic3A_501 = arith.shrsi %bitcast_convert_type3A_498, %shift_right_arithmetic3A_500 : vector<16xi32>
      %sub3A_502 = arith.constant 1597463007 : i32
      %sub3A_503 = vector.broadcast %sub3A_502 : i32 to vector<16xi32>
      %sub3A_504 = arith.subi %sub3A_503, %shift_right_arithmetic3A_501 : vector<16xi32>
      %bitcast_convert_type3A_505 = tpu.bitcast %sub3A_504 : vector<16xi32> -> vector<16xf32>
      %mul3A_506 = arith.constant 5.000000e-01 : f32
      %mul3A_507 = vector.broadcast %mul3A_506 : f32 to vector<16xf32>
      %mul3A_508 = arith.mulf %mul3A_507, %add3A_497 : vector<16xf32>
      %mul3A_509 = arith.mulf %mul3A_508, %bitcast_convert_type3A_505 : vector<16xf32>
      %mul3A_510 = arith.mulf %mul3A_509, %bitcast_convert_type3A_505 : vector<16xf32>
      %sub3A_511 = arith.constant 1.500000e+00 : f32
      %sub3A_512 = vector.broadcast %sub3A_511 : f32 to vector<16xf32>
      %sub3A_513 = arith.subf %sub3A_512, %mul3A_510 : vector<16xf32>
      %mul3A_514 = arith.mulf %bitcast_convert_type3A_505, %sub3A_513 : vector<16xf32>
      %mul3A_515 = arith.constant 5.000000e-01 : f32
      %mul3A_516 = vector.broadcast %mul3A_515 : f32 to vector<16xf32>
      %mul3A_517 = arith.mulf %mul3A_516, %add3A_497 : vector<16xf32>
      %mul3A_518 = arith.mulf %mul3A_517, %mul3A_514 : vector<16xf32>
      %mul3A_519 = arith.mulf %mul3A_518, %mul3A_514 : vector<16xf32>
      %sub3A_520 = arith.constant 1.500000e+00 : f32
      %sub3A_521 = vector.broadcast %sub3A_520 : f32 to vector<16xf32>
      %sub3A_522 = arith.subf %sub3A_521, %mul3A_519 : vector<16xf32>
      %mul3A_523 = arith.mulf %mul3A_514, %sub3A_522 : vector<16xf32>
      %sub3A_524 = arith.subf %get3A_457, %mul3A_484 : vector<16xf32>
      %mul3A_525 = arith.mulf %get3A_5, %mul3A_523 : vector<16xf32>
      %mul3A_526 = arith.mulf %sub3A_524, %mul3A_525 : vector<16xf32>
      %add3A_527 = arith.addf %mul3A_526, %get3A_21 : vector<16xf32>
      %swap3A_528 = arith.index_cast %add3A_454 : i32 to index
      %swap3A_529 = arith.constant 0 : index
      %swap3A_530 = tpu.vector_load %arg9[%swap3A_528, %swap3A_529] {strides = array<i32>} : memref<128x64xf32, #tpu.memory_space<vmem>>, vector<16xf32>,
      tpu.vector_store %arg9[%swap3A_528, %swap3A_529], %add3A_527 {strides = array<i32>} : memref<128x64xf32, #tpu.memory_space<vmem>>, vector<16xf32>,
      %sub3A_531 = arith.subf %get3A_460, %mul3A_484 : vector<16xf32>
      %mul3A_532 = arith.mulf %get3A_9, %mul3A_523 : vector<16xf32>
      %mul3A_533 = arith.mulf %sub3A_531, %mul3A_532 : vector<16xf32>
      %add3A_534 = arith.addf %mul3A_533, %get3A_25 : vector<16xf32>
      %swap3A_535 = arith.index_cast %add3A_454 : i32 to index
      %swap3A_536 = arith.constant 16 : index
      %swap3A_537 = tpu.vector_load %arg9[%swap3A_535, %swap3A_536] {strides = array<i32>} : memref<128x64xf32, #tpu.memory_space<vmem>>, vector<16xf32>,
      tpu.vector_store %arg9[%swap3A_535, %swap3A_536], %add3A_534 {strides = array<i32>} : memref<128x64xf32, #tpu.memory_space<vmem>>, vector<16xf32>,
      %sub3A_538 = arith.subf %get3A_463, %mul3A_484 : vector<16xf32>
      %mul3A_539 = arith.mulf %get3A_13, %mul3A_523 : vector<16xf32>
      %mul3A_540 = arith.mulf %sub3A_538, %mul3A_539 : vector<16xf32>
      %add3A_541 = arith.addf %mul3A_540, %get3A_29 : vector<16xf32>
      %swap3A_542 = arith.index_cast %add3A_454 : i32 to index
      %swap3A_543 = arith.constant 32 : index
      %swap3A_544 = tpu.vector_load %arg9[%swap3A_542, %swap3A_543] {strides = array<i32>} : memref<128x64xf32, #tpu.memory_space<vmem>>, vector<16xf32>,
      tpu.vector_store %arg9[%swap3A_542, %swap3A_543], %add3A_541 {strides = array<i32>} : memref<128x64xf32, #tpu.memory_space<vmem>>, vector<16xf32>,
      %sub3A_545 = arith.subf %get3A_466, %mul3A_484 : vector<16xf32>
      %mul3A_546 = arith.mulf %get3A_17, %mul3A_523 : vector<16xf32>
      %mul3A_547 = arith.mulf %sub3A_545, %mul3A_546 : vector<16xf32>
      %add3A_548 = arith.addf %mul3A_547, %get3A_33 : vector<16xf32>
      %swap3A_549 = arith.index_cast %add3A_454 : i32 to index
      %swap3A_550 = arith.constant 48 : index
      %swap3A_551 = tpu.vector_load %arg9[%swap3A_549, %swap3A_550] {strides = array<i32>} : memref<128x64xf32, #tpu.memory_space<vmem>>, vector<16xf32>,
      tpu.vector_store %arg9[%swap3A_549, %swap3A_550], %add3A_548 {strides = array<i32>} : memref<128x64xf32, #tpu.memory_space<vmem>>, vector<16xf32>,
    }
    %scan3A_116 = arith.constant 32 : i32
    %add3A_117 = arith.constant 25344 : i32
    %add3A_118 = arith.addi %mul3A_2, %add3A_117 : i32
    %dma_start3A_119 = arith.constant 0 : i32
    %dma_start3A_120 = tpu.memref_slice %arg5[%add3A_118, %dma_start3A_119] : memref<819200x64xf32, #tpu.memory_space<hbm>> -> memref<128x64xf32, #tpu.memory_space<hbm>>
    %dma_start3A_121 = arith.constant 0 : i32
    %dma_start3A_122 = tpu.memref_slice %arg5[%add3A_118, %dma_start3A_121] : memref<819200x64xf32, #tpu.memory_space<hbm>> -> memref<128x64xf32, #tpu.memory_space<hbm>>
    tpu.enqueue_dma source(%arg9 : memref<128x64xf32, #tpu.memory_space<vmem>>) target(%dma_start3A_122 : memref<128x64xf32, #tpu.memory_space<hbm>>) target_semaphore(%arg14 : memref<!tpu.dma_semaphore, #tpu.memory_space<semaphore_mem>>)
    %dma_wait3A_123 = arith.constant 0 : i32
    %dma_wait3A_124 = arith.constant 0 : i32
    %dma_wait3A_125 = tpu.memref_slice %arg3[%dma_wait3A_123, %dma_wait3A_124] : memref<100000x128xf32, #tpu.memory_space<hbm>> -> memref<128x128xf32, #tpu.memory_space<hbm>>
    %dma_wait3A_126 = arith.constant 0 : i32
    %dma_wait3A_127 = arith.constant 0 : i32
    %dma_wait3A_128 = tpu.memref_slice %arg3[%dma_wait3A_126, %dma_wait3A_127] : memref<100000x128xf32, #tpu.memory_space<hbm>> -> memref<128x128xf32, #tpu.memory_space<hbm>>
    tpu.wait_dma2 semaphore(%arg13 : memref<!tpu.dma_semaphore, #tpu.memory_space<semaphore_mem>>) src(%dma_wait3A_128 : memref<128x128xf32, #tpu.memory_space<hbm>>) dst(%arg8 : memref<128x128xf32, #tpu.memory_space<vmem>>)
    %dma_wait3A_129 = arith.constant 0 : i32
    %dma_wait3A_130 = tpu.memref_slice %arg5[%mul3A_2, %dma_wait3A_129] : memref<819200x64xf32, #tpu.memory_space<hbm>> -> memref<128x64xf32, #tpu.memory_space<hbm>>
    %dma_wait3A_131 = arith.constant 0 : i32
    %dma_wait3A_132 = tpu.memref_slice %arg5[%mul3A_2, %dma_wait3A_131] : memref<819200x64xf32, #tpu.memory_space<hbm>> -> memref<128x64xf32, #tpu.memory_space<hbm>>
    tpu.wait_dma2 semaphore(%arg15 : memref<!tpu.dma_semaphore, #tpu.memory_space<semaphore_mem>>) src(%arg10 : memref<128x64xf32, #tpu.memory_space<vmem>>) dst(%dma_wait3A_132 : memref<128x64xf32, #tpu.memory_space<hbm>>)
    %scan3A_133 = arith.constant 199 : i32
    %scan3A_134 = arith.constant 0 : i32
    %scan3A_135 = arith.constant 32 : i32
    %scan3A_136 = arith.addi %scan3A_134, %scan3A_135 : i32
    %scan3A_137 = arith.constant 1 : i32
    scf.for %scan3A_153 = %scan3A_134 to %scan3A_136 step %scan3A_137  : i32 {
      %mul3A_154 = arith.constant 4 : i32
      %mul3A_155 = arith.muli %mul3A_154, %scan3A_153 : i32
      %add3A_156 = arith.constant 0 : i32
      %add3A_157 = arith.addi %mul3A_155, %add3A_156 : i32
      %get3A_158 = arith.index_cast %add3A_157 : i32 to index
      %get3A_159 = arith.constant 0 : index
      %get3A_160 = tpu.vector_load %arg8[%get3A_158, %get3A_159] {strides = array<i32>} : memref<128x128xf32, #tpu.memory_space<vmem>>, vector<16xf32>,
      %get3A_161 = arith.index_cast %add3A_157 : i32 to index
      %get3A_162 = arith.constant 16 : index
      %get3A_163 = tpu.vector_load %arg8[%get3A_161, %get3A_162] {strides = array<i32>} : memref<128x128xf32, #tpu.memory_space<vmem>>, vector<16xf32>,
      %get3A_164 = arith.index_cast %add3A_157 : i32 to index
      %get3A_165 = arith.constant 32 : index
      %get3A_166 = tpu.vector_load %arg8[%get3A_164, %get3A_165] {strides = array<i32>} : memref<128x128xf32, #tpu.memory_space<vmem>>, vector<16xf32>,
      %get3A_167 = arith.index_cast %add3A_157 : i32 to index
      %get3A_168 = arith.constant 48 : index
      %get3A_169 = tpu.vector_load %arg8[%get3A_167, %get3A_168] {strides = array<i32>} : memref<128x128xf32, #tpu.memory_space<vmem>>, vector<16xf32>,
      %add3A_170 = arith.addf %get3A_160, %get3A_163 : vector<16xf32>
      %add3A_171 = arith.addf %get3A_166, %get3A_169 : vector<16xf32>
      %add3A_172 = arith.addf %add3A_170, %add3A_171 : vector<16xf32>
      %mul3A_173 = arith.mulf %get3A_160, %get3A_160 : vector<16xf32>
      %mul3A_174 = arith.mulf %get3A_163, %get3A_163 : vector<16xf32>
      %add3A_175 = arith.addf %mul3A_173, %mul3A_174 : vector<16xf32>
      %mul3A_176 = arith.mulf %get3A_166, %get3A_166 : vector<16xf32>
      %mul3A_177 = arith.mulf %get3A_169, %get3A_169 : vector<16xf32>
      %add3A_178 = arith.addf %mul3A_176, %mul3A_177 : vector<16xf32>
      %add3A_179 = arith.addf %add3A_175, %add3A_178 : vector<16xf32>
      %reduce_sum3A = arith.constant true
      %reduce_sum3A_180 = vector.broadcast %reduce_sum3A : i1 to vector<16xi1>
      %reduce_sum3A_181 = tpu.scan <sum>, %add3A_172 masked %reduce_sum3A_180 : vector<16xf32>, vector<16xi1> -> vector<16xf32>
      %reduce_sum3A_182 = vector.extract %reduce_sum3A_181[15] : f32 from vector<16xf32>
      %broadcast_in_dim3A = vector.broadcast %reduce_sum3A_182 : f32 to vector<16xf32>
      %mul3A_183 = arith.constant 1.562500e-02 : f32
      %mul3A_184 = vector.broadcast %mul3A_183 : f32 to vector<16xf32>
      %mul3A_185 = arith.mulf %broadcast_in_dim3A, %mul3A_184 : vector<16xf32>
      %reduce_sum3A_186 = arith.constant true
      %reduce_sum3A_187 = vector.broadcast %reduce_sum3A_186 : i1 to vector<16xi1>
      %reduce_sum3A_188 = tpu.scan <sum>, %add3A_179 masked %reduce_sum3A_187 : vector<16xf32>, vector<16xi1> -> vector<16xf32>
      %reduce_sum3A_189 = vector.extract %reduce_sum3A_188[15] : f32 from vector<16xf32>
      %broadcast_in_dim3A_190 = vector.broadcast %reduce_sum3A_189 : f32 to vector<16xf32>
      %mul3A_191 = arith.constant 1.562500e-02 : f32
      %mul3A_192 = vector.broadcast %mul3A_191 : f32 to vector<16xf32>
      %mul3A_193 = arith.mulf %broadcast_in_dim3A_190, %mul3A_192 : vector<16xf32>
      %mul3A_194 = arith.mulf %mul3A_185, %mul3A_185 : vector<16xf32>
      %sub3A = arith.subf %mul3A_193, %mul3A_194 : vector<16xf32>
      %add3A_195 = arith.constant 9.99999974E-6 : f32
      %add3A_196 = vector.broadcast %add3A_195 : f32 to vector<16xf32>
      %add3A_197 = arith.addf %sub3A, %add3A_196 : vector<16xf32>
      %bitcast_convert_type3A = tpu.bitcast %add3A_197 : vector<16xf32> -> vector<16xi32>
      %shift_right_arithmetic3A = arith.constant 1 : i32
      %shift_right_arithmetic3A_198 = vector.broadcast %shift_right_arithmetic3A : i32 to vector<16xi32>
      %shift_right_arithmetic3A_199 = arith.shrsi %bitcast_convert_type3A, %shift_right_arithmetic3A_198 : vector<16xi32>
      %sub3A_200 = arith.constant 1597463007 : i32
      %sub3A_201 = vector.broadcast %sub3A_200 : i32 to vector<16xi32>
      %sub3A_202 = arith.subi %sub3A_201, %shift_right_arithmetic3A_199 : vector<16xi32>
      %bitcast_convert_type3A_203 = tpu.bitcast %sub3A_202 : vector<16xi32> -> vector<16xf32>
      %mul3A_204 = arith.constant 5.000000e-01 : f32
      %mul3A_205 = vector.broadcast %mul3A_204 : f32 to vector<16xf32>
      %mul3A_206 = arith.mulf %mul3A_205, %add3A_197 : vector<16xf32>
      %mul3A_207 = arith.mulf %mul3A_206, %bitcast_convert_type3A_203 : vector<16xf32>
      %mul3A_208 = arith.mulf %mul3A_207, %bitcast_convert_type3A_203 : vector<16xf32>
      %sub3A_209 = arith.constant 1.500000e+00 : f32
      %sub3A_210 = vector.broadcast %sub3A_209 : f32 to vector<16xf32>
      %sub3A_211 = arith.subf %sub3A_210, %mul3A_208 : vector<16xf32>
      %mul3A_212 = arith.mulf %bitcast_convert_type3A_203, %sub3A_211 : vector<16xf32>
      %mul3A_213 = arith.constant 5.000000e-01 : f32
      %mul3A_214 = vector.broadcast %mul3A_213 : f32 to vector<16xf32>
      %mul3A_215 = arith.mulf %mul3A_214, %add3A_197 : vector<16xf32>
      %mul3A_216 = arith.mulf %mul3A_215, %mul3A_212 : vector<16xf32>
      %mul3A_217 = arith.mulf %mul3A_216, %mul3A_212 : vector<16xf32>
      %sub3A_218 = arith.constant 1.500000e+00 : f32
      %sub3A_219 = vector.broadcast %sub3A_218 : f32 to vector<16xf32>
      %sub3A_220 = arith.subf %sub3A_219, %mul3A_217 : vector<16xf32>
      %mul3A_221 = arith.mulf %mul3A_212, %sub3A_220 : vector<16xf32>
      %sub3A_222 = arith.subf %get3A_160, %mul3A_185 : vector<16xf32>
      %mul3A_223 = arith.mulf %get3A_5, %mul3A_221 : vector<16xf32>
      %mul3A_224 = arith.mulf %sub3A_222, %mul3A_223 : vector<16xf32>
      %add3A_225 = arith.addf %mul3A_224, %get3A_21 : vector<16xf32>
      %swap3A = arith.index_cast %add3A_157 : i32 to index
      %swap3A_226 = arith.constant 0 : index
      %swap3A_227 = tpu.vector_load %arg10[%swap3A, %swap3A_226] {strides = array<i32>} : memref<128x64xf32, #tpu.memory_space<vmem>>, vector<16xf32>,
      tpu.vector_store %arg10[%swap3A, %swap3A_226], %add3A_225 {strides = array<i32>} : memref<128x64xf32, #tpu.memory_space<vmem>>, vector<16xf32>,
      %sub3A_228 = arith.subf %get3A_163, %mul3A_185 : vector<16xf32>
      %mul3A_229 = arith.mulf %get3A_9, %mul3A_221 : vector<16xf32>
      %mul3A_230 = arith.mulf %sub3A_228, %mul3A_229 : vector<16xf32>
      %add3A_231 = arith.addf %mul3A_230, %get3A_25 : vector<16xf32>
      %swap3A_232 = arith.index_cast %add3A_157 : i32 to index
      %swap3A_233 = arith.constant 16 : index
      %swap3A_234 = tpu.vector_load %arg10[%swap3A_232, %swap3A_233] {strides = array<i32>} : memref<128x64xf32, #tpu.memory_space<vmem>>, vector<16xf32>,
      tpu.vector_store %arg10[%swap3A_232, %swap3A_233], %add3A_231 {strides = array<i32>} : memref<128x64xf32, #tpu.memory_space<vmem>>, vector<16xf32>,
      %sub3A_235 = arith.subf %get3A_166, %mul3A_185 : vector<16xf32>
      %mul3A_236 = arith.mulf %get3A_13, %mul3A_221 : vector<16xf32>
      %mul3A_237 = arith.mulf %sub3A_235, %mul3A_236 : vector<16xf32>
      %add3A_238 = arith.addf %mul3A_237, %get3A_29 : vector<16xf32>
      %swap3A_239 = arith.index_cast %add3A_157 : i32 to index
      %swap3A_240 = arith.constant 32 : index
      %swap3A_241 = tpu.vector_load %arg10[%swap3A_239, %swap3A_240] {strides = array<i32>} : memref<128x64xf32, #tpu.memory_space<vmem>>, vector<16xf32>,
      tpu.vector_store %arg10[%swap3A_239, %swap3A_240], %add3A_238 {strides = array<i32>} : memref<128x64xf32, #tpu.memory_space<vmem>>, vector<16xf32>,
      %sub3A_242 = arith.subf %get3A_169, %mul3A_185 : vector<16xf32>
      %mul3A_243 = arith.mulf %get3A_17, %mul3A_221 : vector<16xf32>
      %mul3A_244 = arith.mulf %sub3A_242, %mul3A_243 : vector<16xf32>
      %add3A_245 = arith.addf %mul3A_244, %get3A_33 : vector<16xf32>
      %swap3A_246 = arith.index_cast %add3A_157 : i32 to index
      %swap3A_247 = arith.constant 48 : index
      %swap3A_248 = tpu.vector_load %arg10[%swap3A_246, %swap3A_247] {strides = array<i32>} : memref<128x64xf32, #tpu.memory_space<vmem>>, vector<16xf32>,
      tpu.vector_store %arg10[%swap3A_246, %swap3A_247], %add3A_245 {strides = array<i32>} : memref<128x64xf32, #tpu.memory_space<vmem>>, vector<16xf32>,
      %mul3A_249 = arith.constant 4 : i32
      %mul3A_250 = arith.muli %mul3A_249, %scan3A_153 : i32
      %add3A_251 = arith.constant 1 : i32
      %add3A_252 = arith.addi %mul3A_250, %add3A_251 : i32
      %get3A_253 = arith.index_cast %add3A_252 : i32 to index
      %get3A_254 = arith.constant 0 : index
      %get3A_255 = tpu.vector_load %arg8[%get3A_253, %get3A_254] {strides = array<i32>} : memref<128x128xf32, #tpu.memory_space<vmem>>, vector<16xf32>,
      %get3A_256 = arith.index_cast %add3A_252 : i32 to index
      %get3A_257 = arith.constant 16 : index
      %get3A_258 = tpu.vector_load %arg8[%get3A_256, %get3A_257] {strides = array<i32>} : memref<128x128xf32, #tpu.memory_space<vmem>>, vector<16xf32>,
      %get3A_259 = arith.index_cast %add3A_252 : i32 to index
      %get3A_260 = arith.constant 32 : index
      %get3A_261 = tpu.vector_load %arg8[%get3A_259, %get3A_260] {strides = array<i32>} : memref<128x128xf32, #tpu.memory_space<vmem>>, vector<16xf32>,
      %get3A_262 = arith.index_cast %add3A_252 : i32 to index
      %get3A_263 = arith.constant 48 : index
      %get3A_264 = tpu.vector_load %arg8[%get3A_262, %get3A_263] {strides = array<i32>} : memref<128x128xf32, #tpu.memory_space<vmem>>, vector<16xf32>,
      %add3A_265 = arith.addf %get3A_255, %get3A_258 : vector<16xf32>
      %add3A_266 = arith.addf %get3A_261, %get3A_264 : vector<16xf32>
      %add3A_267 = arith.addf %add3A_265, %add3A_266 : vector<16xf32>
      %mul3A_268 = arith.mulf %get3A_255, %get3A_255 : vector<16xf32>
      %mul3A_269 = arith.mulf %get3A_258, %get3A_258 : vector<16xf32>
      %add3A_270 = arith.addf %mul3A_268, %mul3A_269 : vector<16xf32>
      %mul3A_271 = arith.mulf %get3A_261, %get3A_261 : vector<16xf32>
      %mul3A_272 = arith.mulf %get3A_264, %get3A_264 : vector<16xf32>
      %add3A_273 = arith.addf %mul3A_271, %mul3A_272 : vector<16xf32>
      %add3A_274 = arith.addf %add3A_270, %add3A_273 : vector<16xf32>
      %reduce_sum3A_275 = arith.constant true
      %reduce_sum3A_276 = vector.broadcast %reduce_sum3A_275 : i1 to vector<16xi1>
      %reduce_sum3A_277 = tpu.scan <sum>, %add3A_267 masked %reduce_sum3A_276 : vector<16xf32>, vector<16xi1> -> vector<16xf32>
      %reduce_sum3A_278 = vector.extract %reduce_sum3A_277[15] : f32 from vector<16xf32>
      %broadcast_in_dim3A_279 = vector.broadcast %reduce_sum3A_278 : f32 to vector<16xf32>
      %mul3A_280 = arith.constant 1.562500e-02 : f32
      %mul3A_281 = vector.broadcast %mul3A_280 : f32 to vector<16xf32>
      %mul3A_282 = arith.mulf %broadcast_in_dim3A_279, %mul3A_281 : vector<16xf32>
      %reduce_sum3A_283 = arith.constant true
      %reduce_sum3A_284 = vector.broadcast %reduce_sum3A_283 : i1 to vector<16xi1>
      %reduce_sum3A_285 = tpu.scan <sum>, %add3A_274 masked %reduce_sum3A_284 : vector<16xf32>, vector<16xi1> -> vector<16xf32>
      %reduce_sum3A_286 = vector.extract %reduce_sum3A_285[15] : f32 from vector<16xf32>
      %broadcast_in_dim3A_287 = vector.broadcast %reduce_sum3A_286 : f32 to vector<16xf32>
      %mul3A_288 = arith.constant 1.562500e-02 : f32
      %mul3A_289 = vector.broadcast %mul3A_288 : f32 to vector<16xf32>
      %mul3A_290 = arith.mulf %broadcast_in_dim3A_287, %mul3A_289 : vector<16xf32>
      %mul3A_291 = arith.mulf %mul3A_282, %mul3A_282 : vector<16xf32>
      %sub3A_292 = arith.subf %mul3A_290, %mul3A_291 : vector<16xf32>
      %add3A_293 = arith.constant 9.99999974E-6 : f32
      %add3A_294 = vector.broadcast %add3A_293 : f32 to vector<16xf32>
      %add3A_295 = arith.addf %sub3A_292, %add3A_294 : vector<16xf32>
      %bitcast_convert_type3A_296 = tpu.bitcast %add3A_295 : vector<16xf32> -> vector<16xi32>
      %shift_right_arithmetic3A_297 = arith.constant 1 : i32
      %shift_right_arithmetic3A_298 = vector.broadcast %shift_right_arithmetic3A_297 : i32 to vector<16xi32>
      %shift_right_arithmetic3A_299 = arith.shrsi %bitcast_convert_type3A_296, %shift_right_arithmetic3A_298 : vector<16xi32>
      %sub3A_300 = arith.constant 1597463007 : i32
      %sub3A_301 = vector.broadcast %sub3A_300 : i32 to vector<16xi32>
      %sub3A_302 = arith.subi %sub3A_301, %shift_right_arithmetic3A_299 : vector<16xi32>
      %bitcast_convert_type3A_303 = tpu.bitcast %sub3A_302 : vector<16xi32> -> vector<16xf32>
      %mul3A_304 = arith.constant 5.000000e-01 : f32
      %mul3A_305 = vector.broadcast %mul3A_304 : f32 to vector<16xf32>
      %mul3A_306 = arith.mulf %mul3A_305, %add3A_295 : vector<16xf32>
      %mul3A_307 = arith.mulf %mul3A_306, %bitcast_convert_type3A_303 : vector<16xf32>
      %mul3A_308 = arith.mulf %mul3A_307, %bitcast_convert_type3A_303 : vector<16xf32>
      %sub3A_309 = arith.constant 1.500000e+00 : f32
      %sub3A_310 = vector.broadcast %sub3A_309 : f32 to vector<16xf32>
      %sub3A_311 = arith.subf %sub3A_310, %mul3A_308 : vector<16xf32>
      %mul3A_312 = arith.mulf %bitcast_convert_type3A_303, %sub3A_311 : vector<16xf32>
      %mul3A_313 = arith.constant 5.000000e-01 : f32
      %mul3A_314 = vector.broadcast %mul3A_313 : f32 to vector<16xf32>
      %mul3A_315 = arith.mulf %mul3A_314, %add3A_295 : vector<16xf32>
      %mul3A_316 = arith.mulf %mul3A_315, %mul3A_312 : vector<16xf32>
      %mul3A_317 = arith.mulf %mul3A_316, %mul3A_312 : vector<16xf32>
      %sub3A_318 = arith.constant 1.500000e+00 : f32
      %sub3A_319 = vector.broadcast %sub3A_318 : f32 to vector<16xf32>
      %sub3A_320 = arith.subf %sub3A_319, %mul3A_317 : vector<16xf32>
      %mul3A_321 = arith.mulf %mul3A_312, %sub3A_320 : vector<16xf32>
      %sub3A_322 = arith.subf %get3A_255, %mul3A_282 : vector<16xf32>
      %mul3A_323 = arith.mulf %get3A_5, %mul3A_321 : vector<16xf32>
      %mul3A_324 = arith.mulf %sub3A_322, %mul3A_323 : vector<16xf32>
      %add3A_325 = arith.addf %mul3A_324, %get3A_21 : vector<16xf32>
      %swap3A_326 = arith.index_cast %add3A_252 : i32 to index
      %swap3A_327 = arith.constant 0 : index
      %swap3A_328 = tpu.vector_load %arg10[%swap3A_326, %swap3A_327] {strides = array<i32>} : memref<128x64xf32, #tpu.memory_space<vmem>>, vector<16xf32>,
      tpu.vector_store %arg10[%swap3A_326, %swap3A_327], %add3A_325 {strides = array<i32>} : memref<128x64xf32, #tpu.memory_space<vmem>>, vector<16xf32>,
      %sub3A_329 = arith.subf %get3A_258, %mul3A_282 : vector<16xf32>
      %mul3A_330 = arith.mulf %get3A_9, %mul3A_321 : vector<16xf32>
      %mul3A_331 = arith.mulf %sub3A_329, %mul3A_330 : vector<16xf32>
      %add3A_332 = arith.addf %mul3A_331, %get3A_25 : vector<16xf32>
      %swap3A_333 = arith.index_cast %add3A_252 : i32 to index
      %swap3A_334 = arith.constant 16 : index
      %swap3A_335 = tpu.vector_load %arg10[%swap3A_333, %swap3A_334] {strides = array<i32>} : memref<128x64xf32, #tpu.memory_space<vmem>>, vector<16xf32>,
      tpu.vector_store %arg10[%swap3A_333, %swap3A_334], %add3A_332 {strides = array<i32>} : memref<128x64xf32, #tpu.memory_space<vmem>>, vector<16xf32>,
      %sub3A_336 = arith.subf %get3A_261, %mul3A_282 : vector<16xf32>
      %mul3A_337 = arith.mulf %get3A_13, %mul3A_321 : vector<16xf32>
      %mul3A_338 = arith.mulf %sub3A_336, %mul3A_337 : vector<16xf32>
      %add3A_339 = arith.addf %mul3A_338, %get3A_29 : vector<16xf32>
      %swap3A_340 = arith.index_cast %add3A_252 : i32 to index
      %swap3A_341 = arith.constant 32 : index
      %swap3A_342 = tpu.vector_load %arg10[%swap3A_340, %swap3A_341] {strides = array<i32>} : memref<128x64xf32, #tpu.memory_space<vmem>>, vector<16xf32>,
      tpu.vector_store %arg10[%swap3A_340, %swap3A_341], %add3A_339 {strides = array<i32>} : memref<128x64xf32, #tpu.memory_space<vmem>>, vector<16xf32>,
      %sub3A_343 = arith.subf %get3A_264, %mul3A_282 : vector<16xf32>
      %mul3A_344 = arith.mulf %get3A_17, %mul3A_321 : vector<16xf32>
      %mul3A_345 = arith.mulf %sub3A_343, %mul3A_344 : vector<16xf32>
      %add3A_346 = arith.addf %mul3A_345, %get3A_33 : vector<16xf32>
      %swap3A_347 = arith.index_cast %add3A_252 : i32 to index
      %swap3A_348 = arith.constant 48 : index
      %swap3A_349 = tpu.vector_load %arg10[%swap3A_347, %swap3A_348] {strides = array<i32>} : memref<128x64xf32, #tpu.memory_space<vmem>>, vector<16xf32>,
      tpu.vector_store %arg10[%swap3A_347, %swap3A_348], %add3A_346 {strides = array<i32>} : memref<128x64xf32, #tpu.memory_space<vmem>>, vector<16xf32>,
      %mul3A_350 = arith.constant 4 : i32
      %mul3A_351 = arith.muli %mul3A_350, %scan3A_153 : i32
      %add3A_352 = arith.constant 2 : i32
      %add3A_353 = arith.addi %mul3A_351, %add3A_352 : i32
      %get3A_354 = arith.index_cast %add3A_353 : i32 to index
      %get3A_355 = arith.constant 0 : index
      %get3A_356 = tpu.vector_load %arg8[%get3A_354, %get3A_355] {strides = array<i32>} : memref<128x128xf32, #tpu.memory_space<vmem>>, vector<16xf32>,
      %get3A_357 = arith.index_cast %add3A_353 : i32 to index
      %get3A_358 = arith.constant 16 : index
      %get3A_359 = tpu.vector_load %arg8[%get3A_357, %get3A_358] {strides = array<i32>} : memref<128x128xf32, #tpu.memory_space<vmem>>, vector<16xf32>,
      %get3A_360 = arith.index_cast %add3A_353 : i32 to index
      %get3A_361 = arith.constant 32 : index
      %get3A_362 = tpu.vector_load %arg8[%get3A_360, %get3A_361] {strides = array<i32>} : memref<128x128xf32, #tpu.memory_space<vmem>>, vector<16xf32>,
      %get3A_363 = arith.index_cast %add3A_353 : i32 to index
      %get3A_364 = arith.constant 48 : index
      %get3A_365 = tpu.vector_load %arg8[%get3A_363, %get3A_364] {strides = array<i32>} : memref<128x128xf32, #tpu.memory_space<vmem>>, vector<16xf32>,
      %add3A_366 = arith.addf %get3A_356, %get3A_359 : vector<16xf32>
      %add3A_367 = arith.addf %get3A_362, %get3A_365 : vector<16xf32>
      %add3A_368 = arith.addf %add3A_366, %add3A_367 : vector<16xf32>
      %mul3A_369 = arith.mulf %get3A_356, %get3A_356 : vector<16xf32>
      %mul3A_370 = arith.mulf %get3A_359, %get3A_359 : vector<16xf32>
      %add3A_371 = arith.addf %mul3A_369, %mul3A_370 : vector<16xf32>
      %mul3A_372 = arith.mulf %get3A_362, %get3A_362 : vector<16xf32>
      %mul3A_373 = arith.mulf %get3A_365, %get3A_365 : vector<16xf32>
      %add3A_374 = arith.addf %mul3A_372, %mul3A_373 : vector<16xf32>
      %add3A_375 = arith.addf %add3A_371, %add3A_374 : vector<16xf32>
      %reduce_sum3A_376 = arith.constant true
      %reduce_sum3A_377 = vector.broadcast %reduce_sum3A_376 : i1 to vector<16xi1>
      %reduce_sum3A_378 = tpu.scan <sum>, %add3A_368 masked %reduce_sum3A_377 : vector<16xf32>, vector<16xi1> -> vector<16xf32>
      %reduce_sum3A_379 = vector.extract %reduce_sum3A_378[15] : f32 from vector<16xf32>
      %broadcast_in_dim3A_380 = vector.broadcast %reduce_sum3A_379 : f32 to vector<16xf32>
      %mul3A_381 = arith.constant 1.562500e-02 : f32
      %mul3A_382 = vector.broadcast %mul3A_381 : f32 to vector<16xf32>
      %mul3A_383 = arith.mulf %broadcast_in_dim3A_380, %mul3A_382 : vector<16xf32>
      %reduce_sum3A_384 = arith.constant true
      %reduce_sum3A_385 = vector.broadcast %reduce_sum3A_384 : i1 to vector<16xi1>
      %reduce_sum3A_386 = tpu.scan <sum>, %add3A_375 masked %reduce_sum3A_385 : vector<16xf32>, vector<16xi1> -> vector<16xf32>
      %reduce_sum3A_387 = vector.extract %reduce_sum3A_386[15] : f32 from vector<16xf32>
      %broadcast_in_dim3A_388 = vector.broadcast %reduce_sum3A_387 : f32 to vector<16xf32>
      %mul3A_389 = arith.constant 1.562500e-02 : f32
      %mul3A_390 = vector.broadcast %mul3A_389 : f32 to vector<16xf32>
      %mul3A_391 = arith.mulf %broadcast_in_dim3A_388, %mul3A_390 : vector<16xf32>
      %mul3A_392 = arith.mulf %mul3A_383, %mul3A_383 : vector<16xf32>
      %sub3A_393 = arith.subf %mul3A_391, %mul3A_392 : vector<16xf32>
      %add3A_394 = arith.constant 9.99999974E-6 : f32
      %add3A_395 = vector.broadcast %add3A_394 : f32 to vector<16xf32>
      %add3A_396 = arith.addf %sub3A_393, %add3A_395 : vector<16xf32>
      %bitcast_convert_type3A_397 = tpu.bitcast %add3A_396 : vector<16xf32> -> vector<16xi32>
      %shift_right_arithmetic3A_398 = arith.constant 1 : i32
      %shift_right_arithmetic3A_399 = vector.broadcast %shift_right_arithmetic3A_398 : i32 to vector<16xi32>
      %shift_right_arithmetic3A_400 = arith.shrsi %bitcast_convert_type3A_397, %shift_right_arithmetic3A_399 : vector<16xi32>
      %sub3A_401 = arith.constant 1597463007 : i32
      %sub3A_402 = vector.broadcast %sub3A_401 : i32 to vector<16xi32>
      %sub3A_403 = arith.subi %sub3A_402, %shift_right_arithmetic3A_400 : vector<16xi32>
      %bitcast_convert_type3A_404 = tpu.bitcast %sub3A_403 : vector<16xi32> -> vector<16xf32>
      %mul3A_405 = arith.constant 5.000000e-01 : f32
      %mul3A_406 = vector.broadcast %mul3A_405 : f32 to vector<16xf32>
      %mul3A_407 = arith.mulf %mul3A_406, %add3A_396 : vector<16xf32>
      %mul3A_408 = arith.mulf %mul3A_407, %bitcast_convert_type3A_404 : vector<16xf32>
      %mul3A_409 = arith.mulf %mul3A_408, %bitcast_convert_type3A_404 : vector<16xf32>
      %sub3A_410 = arith.constant 1.500000e+00 : f32
      %sub3A_411 = vector.broadcast %sub3A_410 : f32 to vector<16xf32>
      %sub3A_412 = arith.subf %sub3A_411, %mul3A_409 : vector<16xf32>
      %mul3A_413 = arith.mulf %bitcast_convert_type3A_404, %sub3A_412 : vector<16xf32>
      %mul3A_414 = arith.constant 5.000000e-01 : f32
      %mul3A_415 = vector.broadcast %mul3A_414 : f32 to vector<16xf32>
      %mul3A_416 = arith.mulf %mul3A_415, %add3A_396 : vector<16xf32>
      %mul3A_417 = arith.mulf %mul3A_416, %mul3A_413 : vector<16xf32>
      %mul3A_418 = arith.mulf %mul3A_417, %mul3A_413 : vector<16xf32>
      %sub3A_419 = arith.constant 1.500000e+00 : f32
      %sub3A_420 = vector.broadcast %sub3A_419 : f32 to vector<16xf32>
      %sub3A_421 = arith.subf %sub3A_420, %mul3A_418 : vector<16xf32>
      %mul3A_422 = arith.mulf %mul3A_413, %sub3A_421 : vector<16xf32>
      %sub3A_423 = arith.subf %get3A_356, %mul3A_383 : vector<16xf32>
      %mul3A_424 = arith.mulf %get3A_5, %mul3A_422 : vector<16xf32>
      %mul3A_425 = arith.mulf %sub3A_423, %mul3A_424 : vector<16xf32>
      %add3A_426 = arith.addf %mul3A_425, %get3A_21 : vector<16xf32>
      %swap3A_427 = arith.index_cast %add3A_353 : i32 to index
      %swap3A_428 = arith.constant 0 : index
      %swap3A_429 = tpu.vector_load %arg10[%swap3A_427, %swap3A_428] {strides = array<i32>} : memref<128x64xf32, #tpu.memory_space<vmem>>, vector<16xf32>,
      tpu.vector_store %arg10[%swap3A_427, %swap3A_428], %add3A_426 {strides = array<i32>} : memref<128x64xf32, #tpu.memory_space<vmem>>, vector<16xf32>,
      %sub3A_430 = arith.subf %get3A_359, %mul3A_383 : vector<16xf32>
      %mul3A_431 = arith.mulf %get3A_9, %mul3A_422 : vector<16xf32>
      %mul3A_432 = arith.mulf %sub3A_430, %mul3A_431 : vector<16xf32>
      %add3A_433 = arith.addf %mul3A_432, %get3A_25 : vector<16xf32>
      %swap3A_434 = arith.index_cast %add3A_353 : i32 to index
      %swap3A_435 = arith.constant 16 : index
      %swap3A_436 = tpu.vector_load %arg10[%swap3A_434, %swap3A_435] {strides = array<i32>} : memref<128x64xf32, #tpu.memory_space<vmem>>, vector<16xf32>,
      tpu.vector_store %arg10[%swap3A_434, %swap3A_435], %add3A_433 {strides = array<i32>} : memref<128x64xf32, #tpu.memory_space<vmem>>, vector<16xf32>,
      %sub3A_437 = arith.subf %get3A_362, %mul3A_383 : vector<16xf32>
      %mul3A_438 = arith.mulf %get3A_13, %mul3A_422 : vector<16xf32>
      %mul3A_439 = arith.mulf %sub3A_437, %mul3A_438 : vector<16xf32>
      %add3A_440 = arith.addf %mul3A_439, %get3A_29 : vector<16xf32>
      %swap3A_441 = arith.index_cast %add3A_353 : i32 to index
      %swap3A_442 = arith.constant 32 : index
      %swap3A_443 = tpu.vector_load %arg10[%swap3A_441, %swap3A_442] {strides = array<i32>} : memref<128x64xf32, #tpu.memory_space<vmem>>, vector<16xf32>,
      tpu.vector_store %arg10[%swap3A_441, %swap3A_442], %add3A_440 {strides = array<i32>} : memref<128x64xf32, #tpu.memory_space<vmem>>, vector<16xf32>,
      %sub3A_444 = arith.subf %get3A_365, %mul3A_383 : vector<16xf32>
      %mul3A_445 = arith.mulf %get3A_17, %mul3A_422 : vector<16xf32>
      %mul3A_446 = arith.mulf %sub3A_444, %mul3A_445 : vector<16xf32>
      %add3A_447 = arith.addf %mul3A_446, %get3A_33 : vector<16xf32>
      %swap3A_448 = arith.index_cast %add3A_353 : i32 to index
      %swap3A_449 = arith.constant 48 : index
      %swap3A_450 = tpu.vector_load %arg10[%swap3A_448, %swap3A_449] {strides = array<i32>} : memref<128x64xf32, #tpu.memory_space<vmem>>, vector<16xf32>,
      tpu.vector_store %arg10[%swap3A_448, %swap3A_449], %add3A_447 {strides = array<i32>} : memref<128x64xf32, #tpu.memory_space<vmem>>, vector<16xf32>,
      %mul3A_451 = arith.constant 4 : i32
      %mul3A_452 = arith.muli %mul3A_451, %scan3A_153 : i32
      %add3A_453 = arith.constant 3 : i32
      %add3A_454 = arith.addi %mul3A_452, %add3A_453 : i32
      %get3A_455 = arith.index_cast %add3A_454 : i32 to index
      %get3A_456 = arith.constant 0 : index
      %get3A_457 = tpu.vector_load %arg8[%get3A_455, %get3A_456] {strides = array<i32>} : memref<128x128xf32, #tpu.memory_space<vmem>>, vector<16xf32>,
      %get3A_458 = arith.index_cast %add3A_454 : i32 to index
      %get3A_459 = arith.constant 16 : index
      %get3A_460 = tpu.vector_load %arg8[%get3A_458, %get3A_459] {strides = array<i32>} : memref<128x128xf32, #tpu.memory_space<vmem>>, vector<16xf32>,
      %get3A_461 = arith.index_cast %add3A_454 : i32 to index
      %get3A_462 = arith.constant 32 : index
      %get3A_463 = tpu.vector_load %arg8[%get3A_461, %get3A_462] {strides = array<i32>} : memref<128x128xf32, #tpu.memory_space<vmem>>, vector<16xf32>,
      %get3A_464 = arith.index_cast %add3A_454 : i32 to index
      %get3A_465 = arith.constant 48 : index
      %get3A_466 = tpu.vector_load %arg8[%get3A_464, %get3A_465] {strides = array<i32>} : memref<128x128xf32, #tpu.memory_space<vmem>>, vector<16xf32>,
      %add3A_467 = arith.addf %get3A_457, %get3A_460 : vector<16xf32>
      %add3A_468 = arith.addf %get3A_463, %get3A_466 : vector<16xf32>
      %add3A_469 = arith.addf %add3A_467, %add3A_468 : vector<16xf32>
      %mul3A_470 = arith.mulf %get3A_457, %get3A_457 : vector<16xf32>
      %mul3A_471 = arith.mulf %get3A_460, %get3A_460 : vector<16xf32>
      %add3A_472 = arith.addf %mul3A_470, %mul3A_471 : vector<16xf32>
      %mul3A_473 = arith.mulf %get3A_463, %get3A_463 : vector<16xf32>
      %mul3A_474 = arith.mulf %get3A_466, %get3A_466 : vector<16xf32>
      %add3A_475 = arith.addf %mul3A_473, %mul3A_474 : vector<16xf32>
      %add3A_476 = arith.addf %add3A_472, %add3A_475 : vector<16xf32>
      %reduce_sum3A_477 = arith.constant true
      %reduce_sum3A_478 = vector.broadcast %reduce_sum3A_477 : i1 to vector<16xi1>
      %reduce_sum3A_479 = tpu.scan <sum>, %add3A_469 masked %reduce_sum3A_478 : vector<16xf32>, vector<16xi1> -> vector<16xf32>
      %reduce_sum3A_480 = vector.extract %reduce_sum3A_479[15] : f32 from vector<16xf32>
      %broadcast_in_dim3A_481 = vector.broadcast %reduce_sum3A_480 : f32 to vector<16xf32>
      %mul3A_482 = arith.constant 1.562500e-02 : f32
      %mul3A_483 = vector.broadcast %mul3A_482 : f32 to vector<16xf32>
      %mul3A_484 = arith.mulf %broadcast_in_dim3A_481, %mul3A_483 : vector<16xf32>
      %reduce_sum3A_485 = arith.constant true
      %reduce_sum3A_486 = vector.broadcast %reduce_sum3A_485 : i1 to vector<16xi1>
      %reduce_sum3A_487 = tpu.scan <sum>, %add3A_476 masked %reduce_sum3A_486 : vector<16xf32>, vector<16xi1> -> vector<16xf32>
      %reduce_sum3A_488 = vector.extract %reduce_sum3A_487[15] : f32 from vector<16xf32>
      %broadcast_in_dim3A_489 = vector.broadcast %reduce_sum3A_488 : f32 to vector<16xf32>
      %mul3A_490 = arith.constant 1.562500e-02 : f32
      %mul3A_491 = vector.broadcast %mul3A_490 : f32 to vector<16xf32>
      %mul3A_492 = arith.mulf %broadcast_in_dim3A_489, %mul3A_491 : vector<16xf32>
      %mul3A_493 = arith.mulf %mul3A_484, %mul3A_484 : vector<16xf32>
      %sub3A_494 = arith.subf %mul3A_492, %mul3A_493 : vector<16xf32>
      %add3A_495 = arith.constant 9.99999974E-6 : f32
      %add3A_496 = vector.broadcast %add3A_495 : f32 to vector<16xf32>
      %add3A_497 = arith.addf %sub3A_494, %add3A_496 : vector<16xf32>
      %bitcast_convert_type3A_498 = tpu.bitcast %add3A_497 : vector<16xf32> -> vector<16xi32>
      %shift_right_arithmetic3A_499 = arith.constant 1 : i32
      %shift_right_arithmetic3A_500 = vector.broadcast %shift_right_arithmetic3A_499 : i32 to vector<16xi32>
      %shift_right_arithmetic3A_501 = arith.shrsi %bitcast_convert_type3A_498, %shift_right_arithmetic3A_500 : vector<16xi32>
      %sub3A_502 = arith.constant 1597463007 : i32
      %sub3A_503 = vector.broadcast %sub3A_502 : i32 to vector<16xi32>
      %sub3A_504 = arith.subi %sub3A_503, %shift_right_arithmetic3A_501 : vector<16xi32>
      %bitcast_convert_type3A_505 = tpu.bitcast %sub3A_504 : vector<16xi32> -> vector<16xf32>
      %mul3A_506 = arith.constant 5.000000e-01 : f32
      %mul3A_507 = vector.broadcast %mul3A_506 : f32 to vector<16xf32>
      %mul3A_508 = arith.mulf %mul3A_507, %add3A_497 : vector<16xf32>
      %mul3A_509 = arith.mulf %mul3A_508, %bitcast_convert_type3A_505 : vector<16xf32>
      %mul3A_510 = arith.mulf %mul3A_509, %bitcast_convert_type3A_505 : vector<16xf32>
      %sub3A_511 = arith.constant 1.500000e+00 : f32
      %sub3A_512 = vector.broadcast %sub3A_511 : f32 to vector<16xf32>
      %sub3A_513 = arith.subf %sub3A_512, %mul3A_510 : vector<16xf32>
      %mul3A_514 = arith.mulf %bitcast_convert_type3A_505, %sub3A_513 : vector<16xf32>
      %mul3A_515 = arith.constant 5.000000e-01 : f32
      %mul3A_516 = vector.broadcast %mul3A_515 : f32 to vector<16xf32>
      %mul3A_517 = arith.mulf %mul3A_516, %add3A_497 : vector<16xf32>
      %mul3A_518 = arith.mulf %mul3A_517, %mul3A_514 : vector<16xf32>
      %mul3A_519 = arith.mulf %mul3A_518, %mul3A_514 : vector<16xf32>
      %sub3A_520 = arith.constant 1.500000e+00 : f32
      %sub3A_521 = vector.broadcast %sub3A_520 : f32 to vector<16xf32>
      %sub3A_522 = arith.subf %sub3A_521, %mul3A_519 : vector<16xf32>
      %mul3A_523 = arith.mulf %mul3A_514, %sub3A_522 : vector<16xf32>
      %sub3A_524 = arith.subf %get3A_457, %mul3A_484 : vector<16xf32>
      %mul3A_525 = arith.mulf %get3A_5, %mul3A_523 : vector<16xf32>
      %mul3A_526 = arith.mulf %sub3A_524, %mul3A_525 : vector<16xf32>
      %add3A_527 = arith.addf %mul3A_526, %get3A_21 : vector<16xf32>
      %swap3A_528 = arith.index_cast %add3A_454 : i32 to index
      %swap3A_529 = arith.constant 0 : index
      %swap3A_530 = tpu.vector_load %arg10[%swap3A_528, %swap3A_529] {strides = array<i32>} : memref<128x64xf32, #tpu.memory_space<vmem>>, vector<16xf32>,
      tpu.vector_store %arg10[%swap3A_528, %swap3A_529], %add3A_527 {strides = array<i32>} : memref<128x64xf32, #tpu.memory_space<vmem>>, vector<16xf32>,
      %sub3A_531 = arith.subf %get3A_460, %mul3A_484 : vector<16xf32>
      %mul3A_532 = arith.mulf %get3A_9, %mul3A_523 : vector<16xf32>
      %mul3A_533 = arith.mulf %sub3A_531, %mul3A_532 : vector<16xf32>
      %add3A_534 = arith.addf %mul3A_533, %get3A_25 : vector<16xf32>
      %swap3A_535 = arith.index_cast %add3A_454 : i32 to index
      %swap3A_536 = arith.constant 16 : index
      %swap3A_537 = tpu.vector_load %arg10[%swap3A_535, %swap3A_536] {strides = array<i32>} : memref<128x64xf32, #tpu.memory_space<vmem>>, vector<16xf32>,
      tpu.vector_store %arg10[%swap3A_535, %swap3A_536], %add3A_534 {strides = array<i32>} : memref<128x64xf32, #tpu.memory_space<vmem>>, vector<16xf32>,
      %sub3A_538 = arith.subf %get3A_463, %mul3A_484 : vector<16xf32>
      %mul3A_539 = arith.mulf %get3A_13, %mul3A_523 : vector<16xf32>
      %mul3A_540 = arith.mulf %sub3A_538, %mul3A_539 : vector<16xf32>
      %add3A_541 = arith.addf %mul3A_540, %get3A_29 : vector<16xf32>
      %swap3A_542 = arith.index_cast %add3A_454 : i32 to index
      %swap3A_543 = arith.constant 32 : index
      %swap3A_544 = tpu.vector_load %arg10[%swap3A_542, %swap3A_543] {strides = array<i32>} : memref<128x64xf32, #tpu.memory_space<vmem>>, vector<16xf32>,
      tpu.vector_store %arg10[%swap3A_542, %swap3A_543], %add3A_541 {strides = array<i32>} : memref<128x64xf32, #tpu.memory_space<vmem>>, vector<16xf32>,
      %sub3A_545 = arith.subf %get3A_466, %mul3A_484 : vector<16xf32>
      %mul3A_546 = arith.mulf %get3A_17, %mul3A_523 : vector<16xf32>
      %mul3A_547 = arith.mulf %sub3A_545, %mul3A_546 : vector<16xf32>
      %add3A_548 = arith.addf %mul3A_547, %get3A_33 : vector<16xf32>
      %swap3A_549 = arith.index_cast %add3A_454 : i32 to index
      %swap3A_550 = arith.constant 48 : index
      %swap3A_551 = tpu.vector_load %arg10[%swap3A_549, %swap3A_550] {strides = array<i32>} : memref<128x64xf32, #tpu.memory_space<vmem>>, vector<16xf32>,
      tpu.vector_store %arg10[%swap3A_549, %swap3A_550], %add3A_548 {strides = array<i32>} : memref<128x64xf32, #tpu.memory_space<vmem>>, vector<16xf32>,
    }
    %scan3A_138 = arith.constant 32 : i32
    %add3A_139 = arith.constant 25472 : i32
    %add3A_140 = arith.addi %mul3A_2, %add3A_139 : i32
    %dma_start3A_141 = arith.constant 0 : i32
    %dma_start3A_142 = tpu.memref_slice %arg5[%add3A_140, %dma_start3A_141] : memref<819200x64xf32, #tpu.memory_space<hbm>> -> memref<128x64xf32, #tpu.memory_space<hbm>>
    %dma_start3A_143 = arith.constant 0 : i32
    %dma_start3A_144 = tpu.memref_slice %arg5[%add3A_140, %dma_start3A_143] : memref<819200x64xf32, #tpu.memory_space<hbm>> -> memref<128x64xf32, #tpu.memory_space<hbm>>
    tpu.enqueue_dma source(%arg10 : memref<128x64xf32, #tpu.memory_space<vmem>>) target(%dma_start3A_144 : memref<128x64xf32, #tpu.memory_space<hbm>>) target_semaphore(%arg15 : memref<!tpu.dma_semaphore, #tpu.memory_space<semaphore_mem>>)
    %dma_wait3A_145 = arith.constant 0 : i32
    %dma_wait3A_146 = tpu.memref_slice %arg5[%mul3A_2, %dma_wait3A_145] : memref<819200x64xf32, #tpu.memory_space<hbm>> -> memref<128x64xf32, #tpu.memory_space<hbm>>
    %dma_wait3A_147 = arith.constant 0 : i32
    %dma_wait3A_148 = tpu.memref_slice %arg5[%mul3A_2, %dma_wait3A_147] : memref<819200x64xf32, #tpu.memory_space<hbm>> -> memref<128x64xf32, #tpu.memory_space<hbm>>
    tpu.wait_dma2 semaphore(%arg14 : memref<!tpu.dma_semaphore, #tpu.memory_space<semaphore_mem>>) src(%arg9 : memref<128x64xf32, #tpu.memory_space<vmem>>) dst(%dma_wait3A_148 : memref<128x64xf32, #tpu.memory_space<hbm>>)
    %dma_wait3A_149 = arith.constant 0 : i32
    %dma_wait3A_150 = tpu.memref_slice %arg5[%mul3A_2, %dma_wait3A_149] : memref<819200x64xf32, #tpu.memory_space<hbm>> -> memref<128x64xf32, #tpu.memory_space<hbm>>
    %dma_wait3A_151 = arith.constant 0 : i32
    %dma_wait3A_152 = tpu.memref_slice %arg5[%mul3A_2, %dma_wait3A_151] : memref<819200x64xf32, #tpu.memory_space<hbm>> -> memref<128x64xf32, #tpu.memory_space<hbm>>
    tpu.wait_dma2 semaphore(%arg15 : memref<!tpu.dma_semaphore, #tpu.memory_space<semaphore_mem>>) src(%arg10 : memref<128x64xf32, #tpu.memory_space<vmem>>) dst(%dma_wait3A_152 : memref<128x64xf32, #tpu.memory_space<hbm>>)
    return
  }
}

</mosaic_0001>

<sc_bundles>
// kernel: kernel.3.cloned.1.call-start
scs
__scs_entry_jumppad:
0x0: {  	(pc) =	sbr.rel $0x88, $3  }
0x1: {  	(tag) =	ssettag $0x0;
	lr =	simm.s32 $0x1  }
0x2: {  	[smem:$0x3F9C] =	sst lr;
	_ =	strace $0xD0000000  }
0x3: {  	_ = 	snop  }
0x4: {  	_ = 	snop  }
0x5: {  	_ = 	snop  }
0x6: {  	_ = 	snop  }
0x7: {  	_ = 	snop  }
__scs_overlays_trampoline_lowered:
0x8: {  	[smem:$0x3FAB] =	sst s0  }
0x9: {  	[smem:$0x3FAC] =	sst s1  }
0xa: {  	[smem:$0x3FAD] =	sst s2  }
0xb: {  	[smem:$0x3FAE] =	sst s3  }
0xc: {  	[smem:$0x3FAF] =	sst s4  }
0xd: {  	[smem:$0x3FB0] =	sst s5  }
0xe: {  	[smem:$0x3FB1] =	sst s6  }
0xf: {  	[smem:$0x3FB2] =	sst s7  }
0x10: {  	[smem:$0x3FB3] =	sst s8  }
0x11: {  	[smem:$0x3FB4] =	sst s9;
	s0 =	simm.s32 @!p0 $0x0  }
0x12: {  	s1 =	sld [smem:$0x3F9A];
	s0 =	simm.s32 @p0 $0x1  }
0x13: {  	[smem:$0x3FB5] =	sst s0;
	s0 =	simm.s32 @!p1 $0x0  }
0x14: {  	s2 =	sld [smem:$0x3F99];
	s0 =	simm.s32 @p1 $0x1  }
0x15: {  	[smem:$0x3FB6] =	sst s0;
	s0 =	simm.s32 @!p2 $0x0  }
0x16: {  	s3 =	sld [smem:$0x3FDB];
	s0 =	simm.s32 @p2 $0x1  }
0x17: {  	s4 =	simm.s32 $0x1BF5;
	[smem:$0x3FB8] =	sst s0  }
0x18: {  	s0 =	sld [smem:$0x3F9B];
	_ =	swait.ge [sflag:s4], $0x0  }
0x19: {  	s7 =	sld [smem:$0x3F9C]  }
0x1a: {  	s8 =	sadd.s32 $0xFFFFE003, lr  }
0x1b: {  	s9 =	sadd.s32 $0xFFFFFEF7, lr;
	s5 =	simm.s32 $0xFFFFFFFF;
	p2 =	slt.u32 s8, $0xFFFFF086  }
0x1c: {  	p1 =	slt.u32 s9, $0xF7A;
	s5 =	simm.s32 @!p2 $0x0  }
0x1d: {  	s5 =	simm.s32 @p1 $0x1;
	p0 =	seq.s32 s7, s2  }
0x1e: {  	s7 =	smul.u32 @!p0 $0xF7A, s2;
	p2 =	seq.s32 @!p0 s5, $0x0  }
0x1f: {  	s9 =	smul.u32 $0xF7A, s1;
	s8 =	simm.s32 @!p0 $0x1BF5;
	p2 =	por !p2, p0  }
0x20: {  	[sflag:s8] =	ssyncset.s32 @!p0 $0xFFFFF086;
	s6 =	sadd.s32 @!p0 s3, s7;
	s7 =	simm.s32 @!p0 $0x108  }
0x21: {  	s3 =	sadd.s32 s3, s9;
	s6 =	sadd.s32 @!p0 $0x88, s6;
	s7 =	simm.s32 @p2 $0x1082  }
0x22: {  	[simem:s7], [sflag:s8] =	dma.local @!p0 [hbm:s6], $0xF7A  }
0x23: {  	s9 =	sor.u32 $0xD0000000, s2;
	s6 =	simm.s32 $0x108;
	_ =	swait.ge @!p0 [sflag:s8], $0x0  }
0x24: {  	s3 =	sadd.s32 $0x88, s3;
	s6 =	simm.s32 @!p1 $0x1082;
	[sflag:s4] =	ssyncset.s32 $0xFFFFF086  }
0x25: {  	[simem:s6], [sflag:s4] =	dma.local [hbm:s3], $0xF7A  }
0x26: {  	[smem:$0x3F9C] =	sst s1;
	(tag) =	ssettag s2;
	_ =	strace s9  }
0x27: {  	s1 =	sld [smem:$0x3FAC]  }
0x28: {  	s2 =	sld [smem:$0x3FAD]  }
0x29: {  	s4 =	sld [smem:$0x3FAF]  }
0x2a: {  	p0 =	seq.s32 s5, $0x0;
	s5 =	sld [smem:$0x3FB0]  }
0x2b: {  	s6 =	sld [smem:$0x3FB1]  }
0x2c: {  	s7 =	sld [smem:$0x3FB2]  }
0x2d: {  	s3 =	simm.s32 $0x108;
	s8 =	sld [smem:$0x3FB3]  }
0x2e: {  	s3 =	simm.s32 @!p0 $0x1082;
	s9 =	sld [smem:$0x3FB4]  }
0x2f: {  	lr =	sadd.s32 s0, s3;
	s0 =	sld [smem:$0x3FAB]  }
0x30: {  	s3 =	sld [smem:$0x3FAE]  }
0x31: {  	[smem:$0x3FB7] =	sst s10  }
0x32: {  	s10 =	sld [smem:$0x3FB5];
	_ =	sdelay $0x3  }
0x33: {  	p0 =	seq.s32 s10, $0x1;
	s10 =	sld [smem:$0x3FB7];
	_ =	sdelay $0x3  }
0x34: {  	[smem:$0x3FB7] =	sst s10  }
0x35: {  	s10 =	sld [smem:$0x3FB6];
	_ =	sdelay $0x3  }
0x36: {  	p1 =	seq.s32 s10, $0x1;
	s10 =	sld [smem:$0x3FB7];
	_ =	sdelay $0x3  }
0x37: {  	[smem:$0x3FB7] =	sst s10  }
0x38: {  	s10 =	sld [smem:$0x3FB8]  }
0x39: {  	_ = 	snop;
	(pc) =	sbr.ind lr, $3  }
0x3a: {  	_ = 	snop  }
0x3b: {  	_ = 	snop  }
0x3c: {  	p2 =	seq.s32 s10, $0x1;
	s10 =	sld [smem:$0x3FB7]  }
0x3d: {  	_ =	shalt  }
0x3e: {  	_ =	shalt  }
0x3f: {  	_ =	shalt  }
0x40: {  	_ =	shalt  }
0x41: {  	_ =	shalt  }
0x42: {  	_ =	shalt  }
0x43: {  	_ =	shalt  }
0x44: {  	_ =	shalt  }
0x45: {  	_ =	shalt  }
0x46: {  	_ =	shalt  }
0x47: {  	_ =	shalt  }
0x48: {  	_ =	shalt  }
0x49: {  	_ =	shalt  }
0x4a: {  	_ =	shalt  }
0x4b: {  	_ =	shalt  }
0x4c: {  	_ =	shalt  }
0x4d: {  	_ =	shalt  }
0x4e: {  	_ =	shalt  }
0x4f: {  	_ =	shalt  }
0x50: {  	_ =	shalt  }
0x51: {  	_ =	shalt  }
0x52: {  	_ =	shalt  }
0x53: {  	_ =	shalt  }
0x54: {  	_ =	shalt  }
0x55: {  	_ =	shalt  }
0x56: {  	_ =	shalt  }
0x57: {  	_ =	shalt  }
0x58: {  	_ =	shalt  }
0x59: {  	_ =	shalt  }
0x5a: {  	_ =	shalt  }
0x5b: {  	_ =	shalt  }
0x5c: {  	_ =	shalt  }
0x5d: {  	_ =	shalt  }
0x5e: {  	_ =	shalt  }
0x5f: {  	_ =	shalt  }
0x60: {  	_ =	shalt  }
0x61: {  	_ =	shalt  }
0x62: {  	_ =	shalt  }
0x63: {  	_ =	shalt  }
0x64: {  	_ =	shalt  }
0x65: {  	_ =	shalt  }
0x66: {  	_ =	shalt  }
0x67: {  	_ =	shalt  }
0x68: {  	_ =	shalt  }
0x69: {  	_ =	shalt  }
0x6a: {  	_ =	shalt  }
0x6b: {  	_ =	shalt  }
0x6c: {  	_ =	shalt  }
0x6d: {  	_ =	shalt  }
0x6e: {  	_ =	shalt  }
0x6f: {  	_ =	shalt  }
0x70: {  	_ =	shalt  }
0x71: {  	_ =	shalt  }
0x72: {  	_ =	shalt  }
0x73: {  	_ =	shalt  }
0x74: {  	_ =	shalt  }
0x75: {  	_ =	shalt  }
0x76: {  	_ =	shalt  }
0x77: {  	_ =	shalt  }
0x78: {  	_ =	shalt  }
0x79: {  	_ =	shalt  }
0x7a: {  	_ =	shalt  }
0x7b: {  	_ =	shalt  }
0x7c: {  	_ =	shalt  }
0x7d: {  	_ =	shalt  }
0x7e: {  	_ =	shalt  }
0x7f: {  	_ =	shalt  }
0x80: {  	_ =	shalt  }
0x81: {  	_ =	shalt  }
0x82: {  	_ =	shalt  }
0x83: {  	_ =	shalt  }
0x84: {  	_ =	shalt  }
0x85: {  	_ =	shalt  }
0x86: {  	_ =	shalt  }
0x87: {  	_ =	shalt  }
.Lfunc_end0:
.L_simem_size_0:
called_computation.1_lowered:
.L_overlay_start_0:
0x88: {  	s2 =	sld [smem:$0x3FD9]  }
0x89: {  	s3 =	sld [smem:$0x3FFE];
	_ =	sdelay $0x1  }
0x8a: {  	s1 =	srdreg.scid  }
0x8b: {  	s0 =	sand.u32 $0x1, s1  }
0x8c: {  	s16 =	sshll.u32 s0, $0xA;
	s2 =	sadd.s32 s3, s2  }
0x8d: {  	s2 =	sadd.s32 s2, s16  }
0x8e: {  	[smem:$0x3FC3] =	sst s2  }
0x8f: {  	_ = 	snop  }
0x90: {  	(tm) =	ssettm $0x1  }
0x91: {  	s17 =	sld [smem:$0x3FFB];
	_ =	sdelay $0x3  }
0x92: {  	_ =	strace s17  }
0x93: {  	s2 =	sld [smem:$0x3FFC];
	_ =	sdelay $0x3  }
0x94: {  	_ =	strace s2  }
0x95: {  	s2 =	sld [smem:$0x3FFD];
	_ =	sdelay $0x3  }
0x96: {  	_ =	strace s2  }
0x97: {  	_ =	strace $0x8FFFFFFF  }
0x98: {  	s18 =	sld [smem:$0x3FDB];
	_ =	sdelay $0x1  }
0x99: {  	s19 =	simm.s32 $_scs_section_size  }
0x9a: {  	s4 =	simm.s32 $_size__tile_overlayer_lowered;
	s5 =	simm.s32 $_tile_overlayer_lowered  }
0x9b: {  	s22 =	simm.s32 $0x1BFF;
	s21 =	sshll.u32 s5, $0x1;
	s2 =	sadd.s32 s19, s18  }
0x9c: {  	s6 =	simm.s32 $0x0;
	s20 =	sshll.u32 s4, $0x1;
	s4 =	sadd.s32 s21, s2  }
0x9d: {  	[timem:s6], [sflag:s22] =	dma.local [hbm:s4], s20  }
0x9e: {  	_ =	swait.ge [sflag:s22], s20  }
0x9f: {  	s3 =	ssub.s32 $0x0, s20;
	[sflag:s22] =	ssyncset.done $0x0  }
0xa0: {  	[sflag:s22] =	ssyncadd.s32 s3;
	_ =	sdelay $0x1  }
0xa1: {  	s23 =	simm.s32 $0x1B8B  }
0xa2: {  	_ =	swait.ge [sflag:s23], $0x1  }
0xa3: {  	[sflag:s23] =	ssyncset.done $0x0  }
0xa4: {  	s25 =	simm.s32 $0x1B8E;
	s24 =	sld [smem:$0x3FFE];
	[sflag:s23] =	ssyncadd.s32 $0xFFFFFFFF  }
0xa5: {  	s26 =	simm.s32 $execute0_lowered;
	[smem:$0x3FD2] =	sst s25  }
0xa6: {  	s4 =	sshll.u32 s26, $0x1;
	_ =	strace $0x80000046;
	[dreg:$0x1] =	wrdreg $0xFFFFFFFF  }
0xa7: {  	s28 =	simm.s32 $_size_execute0_lowered;
	s2 =	sadd.s32 s2, s4;
	[dreg:$0x0] =	wrdreg $0x0  }
0xa8: {  	s4 =	sshll.u32 s28, $0x1;
	[dreg:$0x2] =	wrdreg s2  }
0xa9: {  	[dreg:$0x3] =	wrdreg s4  }
0xaa: {  	[dreg:$0x4] =	wrdreg $0xC0  }
0xab: {  	_ =	task [dreg:s6], $0x5FFFF  }
0xac: {  	[dreg:$0x1] =	wrdreg $0xFFFFFFFF  }
0xad: {  	[dreg:$0x0] =	wrdreg $0x60  }
0xae: {  	[dreg:$0x2] =	wrdreg s24  }
0xaf: {  	[dreg:$0x3] =	wrdreg $0x9  }
0xb0: {  	_ =	task.clear_ibuf [dreg:s6], $0x4FFFF;
	_ =	strace $0x90000046  }
0xb1: {  	s29 =	simm.s32 $0x9;
	_ =	strace $0x80000048  }
0xb2: {  	_ =	swait.ge [sflag:s29], $0x1  }
0xb3: {  	[sflag:s29] =	ssyncadd.s32 $0xFFFFFFFF  }
0xb4: {  	_ =	strace $0x90000048  }
0xb5: {  	_ =	sfence  }
0xb6: {  	s30 =	sld [smem:$0x0];
	_ =	sdelay $0x2  }
0xb7: {  	s31 =	sshll.u32 s1, $0xD;
	s1 =	sshrl.u32 s1, $0x2  }
0xb8: {  	s3 =	sand.u32 $0x4000, s31;
	s1 =	sadd.s32 s1, s30  }
0xb9: {  	s0 =	sor.u32 s3, s0;
	s1 =	sshll.u32 s1, $0x11  }
0xba: {  	s0 =	sor.u32 s1, s0  }
0xbb: {  	s0 =	sadd.s32 $0x8F2B, s0  }
0xbc: {  	[sflag:s0] =	ssyncadd.remote.s32 $0x1  }
0xbd: {  	_ =	sfence.sel $0xFFFF  }
0xbe: {  	[dreg:$0x0] =	wrdreg $0xFFFFFFFF;
	(pc) =	sbr.abs _section_cstart, $3  }
0xbf: {  	[dreg:$0x1] =	wrdreg $0xFFFFFFFF  }
0xc0: {  	_ =	task.clear_ibuf [dreg:s6], $0x2FFFF;
	_ =	strace $0x9FFFFFFF  }
0xc1: {  	(tm) =	ssettm $0x7FFFFFFF  }
tec
execute0_lowered:
.L_overlay_start_1:
0x0: {  	(tag) =	ssettag $0x1  }
0x1: {  	s0 =	srdreg.scid;
	s1 =	stileid.u32  }
0x2: {  	s6 =	rddreg [dreg:$0x0];
	s2 =	simm.s32 $0x0;
	s13 =	simm.s32 $0x5  }
0x3: {  	s14 =	simm.s32 $0x16400;
	s15 =	simm.s32 $0x80;
	s16 =	simm.s32 $0x6400  }
0x4: {  	s17 =	simm.s32 $0xA400;
	s18 =	simm.s32 $0x1;
	s19 =	simm.s32 $0xE400  }
0x5: {  	s20 =	simm.s32 $0x100;
	s21 =	simm.s32 $0x2;
	s22 =	simm.s32 $0x12400  }
0x6: {  	s23 =	simm.s32 $0x180;
	s0 =	sand.u32 $0x1, s0;
	s1 =	sshll.u32 s1, $0x1  }
0x7: {  	s24 =	simm.s32 $0x3;
	s25 =	simm.s32 $0x4;
	s1 =	sor.u32 s0, s1  }
0x8: {  	s26 =	simm.s32 $0x0;
	[smem:$0x7FF] =	sst s2;
	s3 =	smul.u32 $0xC80, s1  }
0x9: {  	s5 =	sadd.s32 $0x1A0A00, s6;
	s0 =	ssub.s32 $0x2, s0;
	s4 =	smul.u32 $0x320000, s1  }
0xa: {  	_ =	strace $0x80000047;
	s8 =	sshrl.u32 s0, $0x1;
	s1 =	smul.u32 $0x64000, s1  }
0xb: {  	s0 =	ssub.s32 s0, s8;
	s7 =	sadd.s32 s3, s6;
	s3 =	sadd.s32 $0x1A0C00, s6  }
0xc: {  	s6 =	sadd.s32 $0x327600, s6;
	s9 =	sshrl.u32 s4, $0x3;
	s12 =	smax.u32 s0, $0x1  }
0xd: {  	s7 =	sadd.s32 $0x1000, s7;
	s8 =	sadd.s32 s6, s1;
	s31 =	sadd.s32 s6, s9  }
0xe: {  	s9 =	sadd.s32 $0x800, s8;
	s10 =	sadd.s32 $0x63000, s31;
	s11 =	sadd.s32 $0x63800, s31  }
.LBB2_1:
0xf: {  	[tilespmem:s2], [sflag:$0x5] =	stream.linear.gather [hbm4b:s7+s2], $0x6400, $0x38;
	[tilespmem:$0x16480] =	vst v63  }
0x10: {  	_ =	swait.ge [sflag:s13], $0x6400  }
0x11: {  	[sflag:s13] =	ssyncset.done $0x0  }
0x12: {  	[sflag:s13] =	ssyncadd.s32 $0xFFFF9C00  }
0x13: {  	[tilespmem:s14], [sflag:$0x5] =	stream.linear.gather [hbm4b:s5+s2], $0x80, $0x38;
	[tilespmem:$0x16480] =	vst v63  }
0x14: {  	_ =	swait.ge [sflag:s13], $0x80  }
0x15: {  	[sflag:s13] =	ssyncset.done $0x0  }
0x16: {  	[sflag:s13] =	ssyncadd.s32 $0xFFFFFF80  }
0x17: {  	v7 =	vld [tilespmem:$0x16400]  }
0x18: {  	v6 =	vld [tilespmem:$0x16410]  }
0x19: {  	v5 =	vld [tilespmem:$0x16420]  }
0x1a: {  	v4 =	vld [tilespmem:$0x16430]  }
0x1b: {  	v3 =	vld [tilespmem:$0x16440]  }
0x1c: {  	v1 =	vld [tilespmem:$0x16450]  }
0x1d: {  	v2 =	vld [tilespmem:$0x16460]  }
0x1e: {  	v0 =	vld [tilespmem:$0x16470];
	[tilespmem:s16], [sflag:$0x1] =	stream.indirect.gather [hbm4b:s3+s15], $0x80, s2, s15, $0xb8  }
0x1f: {  	_ = 	snop  }
0x20: {  	[tilespmem:s17], [sflag:$0x2] =	stream.indirect.gather [hbm4b:s3+s15], $0x80, s15, s15, $0xb8;
	[tilespmem:$0x16480] =	vst v63  }
0x21: {  	_ =	swait.ge [sflag:s18], $0x4000  }
0x22: {  	[sflag:s18] =	ssyncset.done $0x0  }
0x23: {  	s29 =	simm.s32 $0x0;
	[sflag:s18] =	ssyncadd.s32 $0xFFFFC000  }
0x24: {  	v11 =	vld [tilespmem:s29+$0x6580]  }
0x25: {  	v13 =	vld [tilespmem:s29+$0x6590]  }
0x26: {  	v10 =	vld [tilespmem:s29+$0x65A0]  }
0x27: {  	v12 =	vld [tilespmem:s29+$0x65B0];
	_ =	sdelay $0x3  }
0x28: {  	v8 =	vadd.f32 v13, v11  }
0x29: {  	v9 =	vld [tilespmem:s29+$0x6400];
	v14 =	vadd.f32 v12, v10;
	v15 =	vmul.f32 v11, v11;
	v16 =	vmul.f32 v13, v13  }
0x2a: {  	v20 =	vld [tilespmem:s29+$0x6410];
	v17 =	vmul.f32 v10, v10;
	v18 =	vmul.f32 v12, v12  }
0x2b: {  	v21 =	vld [tilespmem:s29+$0x6420];
	v8 =	vadd.f32 v14, v8  }
0x2c: {  	v22 =	vld [tilespmem:s29+$0x6480];
	v15 =	vadd.f32 v16, v15;
	v16 =	vadd.f32 v18, v17  }
0x2d: {  	v23 =	vld [tilespmem:s29+$0x6490]  }
0x2e: {  	v14 =	vld [tilespmem:s29+$0x6430];
	(xrf2) =	vadd.scan.msk.f32 $0xffff, v8;
	v8 =	vadd.f32 v16, v15  }
0x2f: {  	v24 =	vld [tilespmem:s29+$0x64A0]  }
0x30: {  	v25 =	vld [tilespmem:s29+$0x64B0];
	(xrf2) =	vadd.scan.msk.f32 $0xffff, v8  }
0x31: {  	v26 =	vld [tilespmem:s29+$0x6500]  }
0x32: {  	v19 =	vld [tilespmem:s29+$0x6510];
	v15 =	vmul.f32 v20, v20  }
0x33: {  	v18 =	vld [tilespmem:s29+$0x6520];
	v16 =	vadd.f32 v20, v9;
	v8 =	vmul.f32 v9, v9;
	v27 =	vadd.f32 v14, v21  }
0x34: {  	v28 =	vmul.f32 v21, v21;
	v17 =	vld [tilespmem:s29+$0x6530];
	v29 =	vmul.f32 v14, v14  }
0x35: {  	v8 =	vadd.f32 v15, v8;
	v15 =	vmul.f32 v22, v22;
	v16 =	vadd.f32 v27, v16  }
0x36: {  	v27 =	vmul.f32 v23, v23;
	v28 =	vadd.f32 v29, v28;
	v29 =	vmul.f32 v24, v24  }
0x37: {  	v30 =	vadd.f32 v23, v22  }
0x38: {  	v31 =	vadd.f32 v25, v24;
	v15 =	vadd.f32 v27, v15;
	v27 =	vmul.f32 v25, v25;
	v32, _, _ =	vpop (xrf2)  }
0x39: {  	v33 =	vadd.f32 v19, v26;
	v34 =	vadd.f32 v17, v18;
	v32 =	vmul.f32 $1.562500000e-02, v32  }
0x3a: {  	v30 =	vadd.f32 v31, v30;
	v27 =	vadd.f32 v27, v29;
	v29, _, _ =	vpop (xrf2)  }
0x3b: {  	(xrf2) =	vadd.scan.msk.f32 $0xffff, v16;
	v16 =	vadd.f32 v34, v33;
	v29 =	vmul.f32 $1.562500000e-02, v29;
	v31 =	vmul.f32 v32, v32  }
0x3c: {  	v35 =	vmul.f32 v26, v26;
	v8 =	vadd.f32 v28, v8;
	v28 =	vmul.f32 v19, v19;
	(xrf2) =	vadd.scan.msk.f32 $0xffff, v30  }
0x3d: {  	v42 =	vmul.f32 v18, v18;
	v30 =	vmul.f32 v17, v17;
	(xrf2) =	vadd.scan.msk.f32 $0xffff, v16;
	v16 =	vsub.f32 v29, v31  }
0x3e: {  	v15 =	vadd.f32 v27, v15;
	v27 =	vadd.f32 v28, v35;
	(xrf2) =	vadd.scan.msk.f32 $0xffff, v8  }
0x3f: {  	v8 =	vadd.f32 v30, v42;
	v16 =	vadd.f32 $9.999999740e-06, v16  }
0x40: {  	(xrf2) =	vadd.scan.msk.f32 $0xffff, v15  }
0x41: {  	v8 =	vadd.f32 v8, v27;
	v15 =	vbroadcast v16, $0xF;
	_ =	sdelay $0x1  }
0x42: {  	(xrf2) =	vadd.scan.msk.f32 $0xffff, v8;
	v8 =	vshra.s32 v15, $0x1;
	v15 =	vmul.f32 $5.000000000e-01, v15  }
0x43: {  	v8 =	vsub.s32 $0x5F3759DF, v8  }
0x44: {  	v16, _, _ =	vpop (xrf2);
	v27 =	vmul.f32 v8, v15  }
0x45: {  	v28, _, _ =	vpop (xrf2)  }
0x46: {  	v16 =	vmul.f32 $1.562500000e-02, v16;
	v29, _, _ =	vpop (xrf2);
	v27 =	vmul.f32 v8, v27  }
0x47: {  	v32 =	vbroadcast v32, $0xF;
	v28 =	vmul.f32 $1.562500000e-02, v28;
	v31, _, _ =	vpop (xrf2)  }
0x48: {  	v30 =	vbroadcast v16, $0xF;
	v31 =	vmul.f32 $1.562500000e-02, v31;
	v27 =	vsub.f32 $1.500000000e+00, v27  }
0x49: {  	v16 =	vmul.f32 v16, v16;
	v43, _, _ =	vpop (xrf2);
	v44 =	vmul.f32 v28, v28  }
0x4a: {  	v12 =	vsub.f32 v12, v32;
	v33 =	vmul.f32 $1.562500000e-02, v43;
	v27 =	vmul.f32 v8, v27  }
0x4b: {  	v16 =	vsub.f32 v31, v16;
	v8 =	vsub.f32 v20, v30  }
0x4c: {  	v20 =	vmul.f32 $1.562500000e-02, v29;
	v29 =	vsub.f32 v33, v44;
	v31, _, _ =	vpop (xrf2);
	v45 =	vmul.f32 v27, v15  }
0x4d: {  	v9 =	vsub.f32 v9, v30;
	v16 =	vadd.f32 $9.999999740e-06, v16;
	v31 =	vmul.f32 $1.562500000e-02, v31  }
0x4e: {  	v46 =	vmul.f32 v20, v20;
	v29 =	vadd.f32 $9.999999740e-06, v29;
	v33 =	vmul.f32 v45, v27  }
0x4f: {  	v15 =	vsub.f32 v21, v30;
	v21 =	vbroadcast v16, $0xF;
	v16 =	vsub.f32 v14, v30  }
0x50: {  	v30 =	vbroadcast v20, $0xF;
	v20 =	vsub.f32 v31, v46;
	v31 =	vsub.f32 $1.500000000e+00, v33  }
0x51: {  	v28 =	vbroadcast v28, $0xF;
	v14 =	vbroadcast v29, $0xF;
	v29 =	vshra.s32 v21, $0x1  }
0x52: {  	v47 =	vmul.f32 $5.000000000e-01, v21;
	v29 =	vsub.s32 $0x5F3759DF, v29;
	v27 =	vmul.f32 v31, v27  }
0x53: {  	v48 =	vmul.f32 $5.000000000e-01, v14;
	v14 =	vshra.s32 v14, $0x1;
	v20 =	vadd.f32 $9.999999740e-06, v20  }
0x54: {  	v14 =	vsub.s32 $0x5F3759DF, v14;
	v31 =	vmul.f32 v29, v47;
	v36 =	vmul.f32 v27, v4  }
0x55: {  	v52 =	vsub.f32 v13, v32;
	v49 =	vmul.f32 v14, v48;
	v20 =	vbroadcast v20, $0xF  }
0x56: {  	v21 =	vsub.f32 v22, v28;
	v31 =	vmul.f32 v29, v31;
	v12 =	vmul.f32 v36, v12  }
0x57: {  	v22 =	vsub.f32 v23, v28;
	v23 =	vmul.f32 v14, v49;
	v50 =	vshra.s32 v20, $0x1  }
0x58: {  	v51 =	vmul.f32 $5.000000000e-01, v20;
	v20 =	vsub.f32 $1.500000000e+00, v31;
	v12 =	vadd.f32 v12, v0  }
0x59: {  	v10 =	vsub.f32 v10, v32;
	v31 =	vsub.s32 $0x5F3759DF, v50;
	v23 =	vsub.f32 $1.500000000e+00, v23  }
0x5a: {  	s28 =	simm.s32 $0x200;
	v35 =	vsub.f32 v24, v28;
	v24 =	vmul.f32 v31, v51;
	v29 =	vmul.f32 v29, v20;
	[tilespmem:s29+$0xE5B0] =	vst v12  }
0x5b: {  	v20 =	vsub.f32 v25, v28;
	v25 =	vmul.f32 v27, v7;
	v37 =	vmul.f32 v14, v23;
	v12 =	vld [tilespmem:s28+$0x6580]  }
0x5c: {  	v23 =	vsub.f32 v26, v30;
	v26 =	vmul.f32 v27, v6;
	v14 =	vmul.f32 v31, v24;
	v13 =	vld [tilespmem:s28+$0x6590]  }
0x5d: {  	v28 =	vsub.f32 v11, v32;
	v27 =	vmul.f32 v27, v5;
	v24 =	vmul.f32 v29, v47;
	v11 =	vld [tilespmem:s28+$0x65A0]  }
0x5e: {  	v34 =	vmul.f32 v37, v48;
	v38 =	vsub.f32 $1.500000000e+00, v14;
	v14 =	vld [tilespmem:s28+$0x65B0]  }
0x5f: {  	v10 =	vmul.f32 v27, v10;
	v27 =	vld [tilespmem:s28+$0x6400];
	v24 =	vmul.f32 v24, v29  }
0x60: {  	v32 =	vmul.f32 v25, v28;
	v33 =	vld [tilespmem:s28+$0x6410]  }
0x61: {  	v36 =	vld [tilespmem:s28+$0x6430];
	v25 =	vmul.f32 v34, v37;
	v31 =	vmul.f32 v31, v38;
	v24 =	vsub.f32 $1.500000000e+00, v24  }
0x62: {  	v28 =	vsub.f32 v19, v30;
	v19 =	vmul.f32 v26, v52;
	v26 =	vsub.f32 v18, v30;
	v43 =	vld [tilespmem:s28+$0x6490]  }
0x63: {  	v44 =	vld [tilespmem:s28+$0x64B0];
	v25 =	vsub.f32 $1.500000000e+00, v25;
	v18 =	vmul.f32 v31, v51;
	v29 =	vmul.f32 v24, v29  }
0x64: {  	v47 =	vld [tilespmem:s28+$0x6500];
	v24 =	vsub.f32 v17, v30;
	v17 =	vmul.f32 v12, v12;
	v53 =	vmul.f32 v13, v13  }
0x65: {  	v50 =	vld [tilespmem:s28+$0x6520];
	v54 =	vmul.f32 v11, v11;
	v39 =	vmul.f32 v14, v14  }
0x66: {  	v41 =	vld [tilespmem:s28+$0x6480];
	v40 =	vadd.f32 v13, v12;
	v37 =	vmul.f32 v25, v37;
	v56 =	vmul.f32 v27, v27  }
0x67: {  	v30 =	vld [tilespmem:s28+$0x6420];
	v42 =	vadd.f32 v14, v11;
	v57 =	vmul.f32 v33, v33;
	v48 =	vmul.f32 v36, v36  }
0x68: {  	v38 =	vld [tilespmem:s28+$0x64A0];
	v49 =	vmul.f32 v43, v43;
	v60 =	vmul.f32 v44, v44;
	v17 =	vadd.f32 v53, v17  }
0x69: {  	v18 =	vmul.f32 v18, v31;
	v25 =	vadd.f32 v39, v54;
	v55 =	vadd.f32 v42, v40  }
0x6a: {  	v32 =	vadd.f32 v32, v3;
	v61 =	vmul.f32 v47, v47;
	v63 =	vmul.f32 v50, v50  }
0x6b: {  	v34 =	vmul.f32 v29, v7;
	v18 =	vsub.f32 $1.500000000e+00, v18;
	v17 =	vadd.f32 v25, v17;
	(xrf2) =	vadd.scan.msk.f32 $0xffff, v55  }
0x6c: {  	v45 =	vmul.f32 v29, v6;
	v42 =	vld [tilespmem:s28+$0x6510];
	v25 =	vadd.f32 v33, v27;
	v46 =	vadd.f32 v36, v30  }
0x6d: {  	v51 =	vadd.f32 v43, v41;
	v59 =	vmul.f32 v38, v38;
	v58 =	vmul.f32 v30, v30;
	(xrf2) =	vadd.scan.msk.f32 $0xffff, v17  }
0x6e: {  	v18 =	vmul.f32 v18, v31;
	v31 =	vadd.f32 v44, v38;
	v46 =	vadd.f32 v46, v25  }
0x6f: {  	v40 =	vadd.f32 v57, v56;
	v55 =	vmul.f32 v37, v5;
	v9 =	vmul.f32 v34, v9;
	v25 =	vld [tilespmem:s28+$0x6530]  }
0x70: {  	v17 =	vmul.f32 v41, v41;
	v39 =	vadd.f32 v48, v58;
	v31 =	vadd.f32 v31, v51;
	(xrf2) =	vadd.scan.msk.f32 $0xffff, v46  }
0x71: {  	v62 =	vadd.f32 v42, v47;
	v52 =	vmul.f32 v42, v42;
	v48 =	vadd.f32 v60, v59  }
0x72: {  	v8 =	vmul.f32 v45, v8;
	v17 =	vadd.f32 v49, v17;
	v39 =	vadd.f32 v39, v40  }
0x73: {  	v46 =	vmul.f32 v29, v5;
	v29 =	vmul.f32 v29, v4;
	v40 =	vadd.f32 v52, v61  }
0x74: {  	v52 =	vmul.f32 v37, v6;
	(xrf2) =	vadd.scan.msk.f32 $0xffff, v31;
	v31 =	vmul.f32 v37, v7;
	v53 =	vadd.f32 v25, v50  }
0x75: {  	v37 =	vmul.f32 v37, v4;
	v17 =	vadd.f32 v48, v17;
	v54 =	vmul.f32 v25, v25;
	v59, _, _ =	vpop (xrf2)  }
0x76: {  	v48 =	vmul.f32 v18, v7;
	v51 =	vadd.f32 v53, v62;
	v53 =	vmul.f32 $1.562500000e-02, v59  }
0x77: {  	v15 =	vmul.f32 v46, v15;
	v34 =	vmul.f32 v52, v22;
	v49 =	vadd.f32 v54, v63;
	v56, _, _ =	vpop (xrf2)  }
0x78: {  	v46 =	vadd.f32 v10, v2;
	(xrf2) =	vadd.scan.msk.f32 $0xffff, v51;
	v60 =	vmul.f32 $1.562500000e-02, v56;
	v61 =	vmul.f32 v53, v53  }
0x79: {  	v52 =	vmul.f32 v55, v35;
	v51 =	vmul.f32 v18, v6;
	v40 =	vadd.f32 v49, v40;
	(xrf2) =	vadd.scan.msk.f32 $0xffff, v39  }
0x7a: {  	v49 =	vmul.f32 v18, v5;
	v56 =	vmul.f32 v18, v4;
	v18 =	vsub.f32 v60, v61;
	v62, _, _ =	vpop (xrf2)  }
0x7b: {  	v35 =	vadd.f32 v9, v3;
	v63 =	vmul.f32 v29, v16;
	v16 =	vmul.f32 $1.562500000e-02, v62  }
0x7c: {  	v31 =	vmul.f32 v31, v21;
	v55 =	vadd.f32 v15, v2;
	(xrf2) =	vadd.scan.msk.f32 $0xffff, v17;
	v18 =	vadd.f32 $9.999999740e-06, v18  }
0x7d: {  	v37 =	vmul.f32 v37, v20;
	v34 =	vadd.f32 v34, v1;
	v54 =	vadd.f32 v8, v1  }
0x7e: {  	v31 =	vadd.f32 v31, v3;
	v63 =	vadd.f32 v63, v0;
	v17 =	vbroadcast v18, $0xF  }
0x7f: {  	v39 =	vadd.f32 v19, v1;
	v10 =	vbroadcast v16, $0xF;
	v9 =	vmul.f32 v16, v16;
	v16, _, _ =	vpop (xrf2)  }
0x80: {  	(xrf2) =	vadd.scan.msk.f32 $0xffff, v40;
	v8 =	vmul.f32 $1.562500000e-02, v16;
	v15 =	vshra.s32 v17, $0x1;
	v57 =	vmul.f32 $5.000000000e-01, v17  }
0x81: {  	v19 =	vsub.f32 v30, v10;
	v20 =	vsub.f32 v36, v10;
	v29 =	vsub.s32 $0x5F3759DF, v15  }
0x82: {  	v16 =	vsub.f32 v27, v10;
	v18, _, _ =	vpop (xrf2);
	v27 =	vbroadcast v8, $0xF;
	v21 =	vmul.f32 v29, v57  }
0x83: {  	v17 =	vsub.f32 v33, v10;
	v15 =	vmul.f32 $1.562500000e-02, v18;
	v8 =	vmul.f32 v8, v8;
	v10, _, _ =	vpop (xrf2)  }
0x84: {  	v10 =	vmul.f32 $1.562500000e-02, v10;
	v18 =	vsub.f32 v41, v27;
	v30 =	vmul.f32 v29, v21  }
0x85: {  	v33 =	vbroadcast v15, $0xF;
	v21 =	vsub.f32 v43, v27;
	v22 =	vsub.f32 v38, v27  }
0x86: {  	v58 =	vmul.f32 v15, v15;
	v15 =	vsub.f32 v44, v27;
	v59, _, _ =	vpop (xrf2);
	v30 =	vsub.f32 $1.500000000e+00, v30  }
0x87: {  	v27 =	vmul.f32 v48, v23;
	v23 =	vsub.f32 v10, v9;
	v38 =	vmul.f32 $1.562500000e-02, v59  }
0x88: {  	v28 =	vmul.f32 v51, v28;
	v10 =	vsub.f32 v47, v33;
	v60 =	vmul.f32 v29, v30  }
0x89: {  	v23 =	vadd.f32 $9.999999740e-06, v23;
	v30 =	vsub.f32 v38, v8;
	v29 =	vmul.f32 v49, v26  }
0x8a: {  	v9 =	vsub.f32 v42, v33;
	v49 =	vbroadcast v53, $0xF;
	v61, _, _ =	vpop (xrf2);
	v26 =	vmul.f32 v60, v57  }
0x8b: {  	v23 =	vbroadcast v23, $0xF;
	v38 =	vmul.f32 $1.562500000e-02, v61;
	v62 =	vadd.f32 $9.999999740e-06, v30  }
0x8c: {  	v8 =	vsub.f32 v50, v33;
	v30 =	vmul.f32 v56, v24;
	v24 =	vmul.f32 v26, v60  }
0x8d: {  	v44 =	vshra.s32 v23, $0x1;
	v26 =	vsub.f32 v38, v58;
	v45 =	vbroadcast v62, $0xF  }
0x8e: {  	v23 =	vmul.f32 $5.000000000e-01, v23;
	v36 =	vsub.s32 $0x5F3759DF, v44;
	v24 =	vsub.f32 $1.500000000e+00, v24  }
0x8f: {  	[tilespmem:s29+$0xE580] =	vst v32;
	v26 =	vadd.f32 $9.999999740e-06, v26;
	v47 =	vshra.s32 v45, $0x1;
	v38 =	vmul.f32 $5.000000000e-01, v45  }
0x90: {  	[tilespmem:s29+$0xE5A0] =	vst v46;
	v50 =	vmul.f32 v36, v23;
	v48 =	vsub.s32 $0x5F3759DF, v47;
	v24 =	vmul.f32 v24, v60  }
0x91: {  	[tilespmem:s29+$0xE400] =	vst v35;
	v14 =	vsub.f32 v14, v49;
	v51 =	vmul.f32 v48, v38;
	v26 =	vbroadcast v26, $0xF  }
0x92: {  	[tilespmem:s29+$0xE410] =	vst v54;
	v40 =	vsub.f32 v11, v49;
	v54 =	vmul.f32 v36, v50;
	v53 =	vmul.f32 v24, v4  }
0x93: {  	[tilespmem:s29+$0xE420] =	vst v55;
	v41 =	vmul.f32 v48, v51;
	v55 =	vshra.s32 v26, $0x1;
	v32 =	vmul.f32 $5.000000000e-01, v26  }
0x94: {  	[tilespmem:s29+$0xE490] =	vst v34;
	v26 =	vsub.f32 $1.500000000e+00, v54;
	v56 =	vsub.s32 $0x5F3759DF, v55;
	v14 =	vmul.f32 v53, v14  }
0x95: {  	[tilespmem:s29+$0xE480] =	vst v31;
	v60 =	vsub.f32 v13, v49;
	v57 =	vsub.f32 $1.500000000e+00, v41;
	v31 =	vmul.f32 v56, v32  }
0x96: {  	[tilespmem:s29+$0xE430] =	vst v63;
	v58 =	vmul.f32 v24, v7;
	v34 =	vmul.f32 v36, v26;
	v59 =	vadd.f32 v14, v0  }
0x97: {  	[tilespmem:s29+$0xE590] =	vst v39;
	v14 =	vsub.f32 v25, v33;
	v35 =	vmul.f32 v48, v57;
	v25 =	vmul.f32 v56, v31  }
0x98: {  	s1 =	simm.s32 $0x400;
	v26 =	vmul.f32 v24, v6;
	v31 =	vsub.f32 v12, v49;
	v23 =	vmul.f32 v34, v23;
	[tilespmem:s28+$0xE5B0] =	vst v59  }
0x99: {  	v24 =	vmul.f32 v24, v5;
	v61 =	vmul.f32 v35, v38;
	v62 =	vsub.f32 $1.500000000e+00, v25;
	v12 =	vld [tilespmem:s1+$0x6580]  }
0x9a: {  	v63 =	vmul.f32 v23, v34;
	v25 =	vmul.f32 v58, v31;
	v31 =	vadd.f32 v52, v2;
	v13 =	vld [tilespmem:s1+$0x6590]  }
0x9b: {  	v38 =	vadd.f32 v37, v0;
	v11 =	vld [tilespmem:s1+$0x65A0];
	v36 =	vmul.f32 v61, v35;
	v33 =	vmul.f32 v56, v62  }
0x9c: {  	s30 =	simm.s32 $0x1800;
	v26 =	vmul.f32 v26, v60;
	v24 =	vmul.f32 v24, v40;
	v23 =	vld [tilespmem:s1+$0x65B0];
	v37 =	vsub.f32 $1.500000000e+00, v63;
	[tilespmem:s29+$0xE4A0] =	vst v31  }
.LBB2_2:
0x9d: {  	p0 =	sne.s32 s30, $0xF800;
	v31 =	vld [tilespmem:s1+$0x6400];
	v36 =	vsub.f32 $1.500000000e+00, v36;
	v39 =	vmul.f32 v33, v32;
	[tilespmem:s29+$0xE4B0] =	vst v38;
	v38 =	vadd.f32 v27, v3  }
0x9e: {  	v32 =	vld [tilespmem:s1+$0x6410];
	v40 =	vmul.f32 v37, v34;
	v34 =	vadd.f32 v28, v1;
	v37 =	vadd.f32 v29, v2  }
0x9f: {  	v27 =	vld [tilespmem:s1+$0x6420];
	v41 =	vmul.f32 v36, v35;
	v35 =	vmul.f32 v39, v33;
	[tilespmem:s29+$0xE500] =	vst v38;
	v36 =	vadd.f32 v30, v0  }
0xa0: {  	v38 =	vadd.f32 v13, v12;
	v28 =	vld [tilespmem:s1+$0x6430];
	v42 =	vmul.f32 v40, v7;
	v43 =	vmul.f32 v40, v6;
	[tilespmem:s29+$0xE510] =	vst v34  }
0xa1: {  	v44 =	vmul.f32 v12, v12;
	v45 =	vmul.f32 v13, v13;
	v29 =	vld [tilespmem:s1+$0x6480];
	v39 =	vadd.f32 v23, v11;
	[tilespmem:s29+$0xE520] =	vst v37  }
0xa2: {  	v37 =	vmul.f32 v11, v11;
	v46 =	vmul.f32 v23, v23;
	v47 =	vsub.f32 $1.500000000e+00, v35;
	v30 =	vld [tilespmem:s1+$0x6490];
	[tilespmem:s29+$0xE530] =	vst v36;
	s29 =	smov.u32 s28;
	s28 =	smov.u32 s1  }
0xa3: {  	v49 =	vmul.f32 v31, v31;
	v48 =	vadd.f32 v32, v31;
	v34 =	vld [tilespmem:s28+$0x64A0];
	v38 =	vadd.f32 v39, v38  }
0xa4: {  	v44 =	vadd.f32 v45, v44;
	v39 =	vmul.f32 v32, v32;
	v45 =	vadd.f32 v46, v37;
	v36 =	vld [tilespmem:s28+$0x64B0]  }
0xa5: {  	v50 =	vmul.f32 v27, v27;
	v46 =	vadd.f32 v28, v27;
	v51 =	vmul.f32 v28, v28;
	v35 =	vld [tilespmem:s28+$0x6500];
	(xrf2) =	vadd.scan.msk.f32 $0xffff, v38  }
0xa6: {  	v49 =	vadd.f32 v39, v49;
	v44 =	vadd.f32 v45, v44;
	v52 =	vmul.f32 v29, v29;
	v37 =	vld [tilespmem:s28+$0x6510]  }
0xa7: {  	v45 =	vadd.f32 v46, v48;
	v46 =	vadd.f32 v30, v29;
	v48 =	vmul.f32 v30, v30;
	v38 =	vld [tilespmem:s28+$0x6520]  }
0xa8: {  	v33 =	vmul.f32 v47, v33;
	v50 =	vadd.f32 v51, v50;
	v51 =	vmul.f32 v34, v34;
	v39 =	vld [tilespmem:s28+$0x6530];
	(xrf2) =	vadd.scan.msk.f32 $0xffff, v44  }
0xa9: {  	v44 =	vadd.f32 v36, v34;
	v47 =	vadd.f32 v48, v52;
	v48 =	vmul.f32 v36, v36  }
0xaa: {  	v49 =	vadd.f32 v50, v49;
	v52 =	vmul.f32 v40, v5;
	v50 =	vmul.f32 v35, v35  }
0xab: {  	v44 =	vadd.f32 v44, v46;
	v46 =	vadd.f32 v37, v35;
	v53 =	vmul.f32 v37, v37;
	(xrf2) =	vadd.scan.msk.f32 $0xffff, v45  }
0xac: {  	v40 =	vmul.f32 v40, v4;
	v45 =	vadd.f32 v48, v51;
	v48 =	vmul.f32 v38, v38  }
0xad: {  	v54 =	vadd.f32 v39, v38;
	v50 =	vadd.f32 v53, v50;
	v53 =	vmul.f32 v39, v39  }
0xae: {  	v45 =	vadd.f32 v45, v47;
	v47 =	vmul.f32 v41, v6;
	(xrf2) =	vadd.scan.msk.f32 $0xffff, v44;
	v44 =	vmul.f32 v41, v7  }
0xaf: {  	v46 =	vadd.f32 v54, v46;
	v48 =	vadd.f32 v53, v48;
	v51, _, _ =	vpop (xrf2);
	v53 =	vmul.f32 v41, v5  }
0xb0: {  	v25 =	vadd.f32 v25, v3;
	v41 =	vmul.f32 v41, v4;
	v54 =	vmul.f32 v33, v7  }
0xb1: {  	v48 =	vadd.f32 v48, v50;
	v50 =	vmul.f32 $1.562500000e-02, v51;
	(xrf2) =	vadd.scan.msk.f32 $0xffff, v46;
	v46 =	vmul.f32 v33, v6  }
0xb2: {  	v55 =	vmul.f32 v33, v5;
	v33 =	vmul.f32 v33, v4;
	v51, _, _ =	vpop (xrf2);
	[tilespmem:s29+$0xE580] =	vst v25;
	v25 =	vadd.f32 v26, v1  }
0xb3: {  	v24 =	vadd.f32 v24, v2;
	v56 =	vmul.f32 $1.562500000e-02, v51;
	v51 =	vmul.f32 v50, v50  }
0xb4: {  	v16 =	vmul.f32 v42, v16;
	v17 =	vmul.f32 v43, v17;
	(xrf2) =	vadd.scan.msk.f32 $0xffff, v49;
	[tilespmem:s29+$0xE590] =	vst v25  }
0xb5: {  	v19 =	vmul.f32 v52, v19;
	v40 =	vmul.f32 v40, v20;
	v25 =	vsub.f32 v56, v51;
	v26, _, _ =	vpop (xrf2);
	[tilespmem:s29+$0xE5A0] =	vst v24  }
0xb6: {  	v16 =	vadd.f32 v16, v3;
	v43 =	vmul.f32 $1.562500000e-02, v26;
	v26 =	vmul.f32 v44, v18  }
0xb7: {  	v24 =	vmul.f32 v53, v22;
	v18 =	vadd.f32 $9.999999740e-06, v25;
	(xrf2) =	vadd.scan.msk.f32 $0xffff, v45;
	v25 =	vmul.f32 v47, v21  }
0xb8: {  	v22 =	vadd.f32 v17, v1;
	v21 =	vbroadcast v43, $0xF;
	v42 =	vmul.f32 v43, v43;
	v20, _, _ =	vpop (xrf2);
	[tilespmem:s29+$0xE400] =	vst v16  }
0xb9: {  	v19 =	vadd.f32 v19, v2;
	v20 =	vmul.f32 $1.562500000e-02, v20;
	v43 =	vbroadcast v18, $0xF  }
0xba: {  	v16 =	vsub.f32 v31, v21;
	v17 =	vsub.f32 v32, v21;
	(xrf2) =	vadd.scan.msk.f32 $0xffff, v48;
	v31 =	vmul.f32 v41, v15  }
0xbb: {  	v32 =	vmul.f32 v20, v20;
	v15 =	vshra.s32 v43, $0x1;
	v41 =	vmul.f32 $5.000000000e-01, v43;
	v18, _, _ =	vpop (xrf2);
	[tilespmem:s29+$0xE410] =	vst v22  }
0xbc: {  	v43 =	vbroadcast v20, $0xF;
	v22 =	vmul.f32 $1.562500000e-02, v18;
	v44 =	vsub.s32 $0x5F3759DF, v15;
	[tilespmem:s29+$0xE420] =	vst v19  }
0xbd: {  	v20 =	vsub.f32 v28, v21;
	v19 =	vsub.f32 v27, v21;
	v15 =	vmul.f32 v44, v41  }
0xbe: {  	v18 =	vsub.f32 v29, v43;
	v29 =	vbroadcast v22, $0xF;
	v45 =	vmul.f32 v22, v22;
	v21, _, _ =	vpop (xrf2)  }
0xbf: {  	v28 =	vmul.f32 $1.562500000e-02, v21;
	v21 =	vsub.f32 v30, v43;
	v30 =	vmul.f32 v44, v15  }
0xc0: {  	v27 =	vmul.f32 v54, v10;
	v22 =	vsub.f32 v34, v43;
	v15 =	vsub.f32 v36, v43  }
0xc1: {  	v34 =	vsub.f32 v28, v42;
	v30 =	vsub.f32 $1.500000000e+00, v30;
	v10, _, _ =	vpop (xrf2);
	v28 =	vmul.f32 v46, v9  }
0xc2: {  	v9 =	vsub.f32 v37, v29;
	v42 =	vmul.f32 $1.562500000e-02, v10;
	v10 =	vsub.f32 v35, v29  }
0xc3: {  	v35 =	vsub.f32 v38, v29;
	v34 =	vadd.f32 $9.999999740e-06, v34;
	v37 =	vmul.f32 v44, v30  }
0xc4: {  	v30 =	vsub.f32 v42, v32;
	v32 =	vsub.f32 v39, v29;
	v36, _, _ =	vpop (xrf2);
	v29 =	vmul.f32 v55, v8  }
0xc5: {  	v39 =	vadd.f32 v40, v0;
	v8 =	vmovc v35;
	v36 =	vmul.f32 $1.562500000e-02, v36;
	v38 =	vmul.f32 v37, v41  }
0xc6: {  	v34 =	vbroadcast v34, $0xF;
	v35 =	vadd.f32 $9.999999740e-06, v30;
	v30 =	vmul.f32 v33, v14;
	v14 =	vmovc v32  }
0xc7: {  	v26 =	vadd.f32 v26, v3;
	v32 =	vsub.f32 v36, v45;
	v33 =	vmul.f32 v38, v37;
	[tilespmem:s29+$0xE430] =	vst v39  }
0xc8: {  	v36 =	vshra.s32 v34, $0x1;
	v38 =	vmul.f32 $5.000000000e-01, v34;
	v34 =	vbroadcast v35, $0xF  }
0xc9: {  	v35 =	vsub.s32 $0x5F3759DF, v36;
	v32 =	vadd.f32 $9.999999740e-06, v32;
	v33 =	vsub.f32 $1.500000000e+00, v33;
	[tilespmem:s29+$0xE480] =	vst v26  }
0xca: {  	v26 =	vmul.f32 v35, v38;
	v36 =	vshra.s32 v34, $0x1;
	v39 =	vmul.f32 $5.000000000e-01, v34  }
0xcb: {  	v40 =	vbroadcast v50, $0xF;
	v36 =	vsub.s32 $0x5F3759DF, v36;
	v33 =	vmul.f32 v33, v37  }
0xcc: {  	v25 =	vadd.f32 v25, v1;
	v32 =	vbroadcast v32, $0xF;
	v34 =	vmul.f32 v36, v39  }
0xcd: {  	v23 =	vsub.f32 v23, v40;
	v26 =	vmul.f32 v35, v26;
	v37 =	vmul.f32 v33, v4  }
0xce: {  	v41 =	vshra.s32 v32, $0x1;
	v32 =	vmul.f32 $5.000000000e-01, v32;
	v34 =	vmul.f32 v36, v34;
	[tilespmem:s29+$0xE490] =	vst v25  }
0xcf: {  	v25 =	vsub.f32 $1.500000000e+00, v26;
	v26 =	vsub.s32 $0x5F3759DF, v41;
	v23 =	vmul.f32 v37, v23  }
0xd0: {  	v42 =	vmul.f32 v33, v7;
	v41 =	vmul.f32 v26, v32;
	v37 =	vsub.f32 $1.500000000e+00, v34  }
0xd1: {  	v43 =	vmul.f32 v33, v6;
	v34 =	vmul.f32 v35, v25;
	v23 =	vadd.f32 v23, v0  }
0xd2: {  	v25 =	vmul.f32 v26, v41;
	v35 =	vmul.f32 v36, v37;
	v36 =	vsub.f32 v12, v40  }
.Ltmp0:
0xd3: {  	s1 =	sshra.s32 s30, $0x2;
	v44 =	vmul.f32 v33, v5;
	v41 =	vsub.f32 v13, v40;
	v37 =	vmul.f32 v34, v38;
	[tilespmem:s28+$0xE5B0] =	vst v23;
	(pc) =	sbr.rel @p0 .LBB2_2-.Ltmp0, $4  }
0xd4: {  	v33 =	vsub.f32 $1.500000000e+00, v25;
	v12 =	vld [tilespmem:s1+$0x6580];
	v23 =	vmul.f32 v35, v39;
	v39 =	vsub.f32 v11, v40  }
0xd5: {  	v37 =	vmul.f32 v37, v34;
	v25 =	vmul.f32 v42, v36;
	v40 =	vadd.f32 v24, v2;
	v13 =	vld [tilespmem:s1+$0x6590]  }
0xd6: {  	v38 =	vadd.f32 v31, v0;
	v33 =	vmul.f32 v26, v33;
	v11 =	vld [tilespmem:s1+$0x65A0];
	v36 =	vmul.f32 v23, v35  }
0xd7: {  	s30 =	sadd.s32 $0x800, s30;
	v26 =	vmul.f32 v43, v41;
	v37 =	vsub.f32 $1.500000000e+00, v37;
	v24 =	vmul.f32 v44, v39;
	v23 =	vld [tilespmem:s1+$0x65B0];
	[tilespmem:s29+$0xE4A0] =	vst v40  }
0xd8: {  	v27 =	vadd.f32 v27, v3;
	v28 =	vadd.f32 v28, v1  }
0xd9: {  	v31 =	vld [tilespmem:s1+$0x6400];
	[tilespmem:s29+$0xE4B0] =	vst v38;
	v32 =	vmul.f32 v33, v32;
	v29 =	vadd.f32 v29, v2;
	v30 =	vadd.f32 v30, v0  }
0xda: {  	v25 =	vadd.f32 v25, v3;
	v38 =	vld [tilespmem:s1+$0x6410];
	v51 =	vmul.f32 v12, v12;
	v26 =	vadd.f32 v26, v1  }
0xdb: {  	v39 =	vld [tilespmem:s1+$0x6420];
	v24 =	vadd.f32 v24, v2;
	[tilespmem:s29+$0xE500] =	vst v27;
	v27 =	vsub.f32 $1.500000000e+00, v36;
	v32 =	vmul.f32 v32, v33  }
0xdc: {  	v50 =	vadd.f32 v13, v12;
	v40 =	vmul.f32 v13, v13;
	v36 =	vld [tilespmem:s1+$0x6430];
	[tilespmem:s29+$0xE510] =	vst v28;
	v28 =	vmul.f32 v37, v34  }
0xdd: {  	v42 =	vmul.f32 v11, v11;
	v27 =	vmul.f32 v27, v35;
	v34 =	vld [tilespmem:s1+$0x6480];
	[tilespmem:s29+$0xE520] =	vst v29;
	v29 =	vadd.f32 v23, v11  }
0xde: {  	v43 =	vmul.f32 v23, v23;
	v32 =	vsub.f32 $1.500000000e+00, v32;
	v41 =	vld [tilespmem:s1+$0x6490];
	[tilespmem:s29+$0xE530] =	vst v30;
	v30 =	vmul.f32 v28, v7  }
0xdf: {  	v37 =	vadd.f32 v40, v51;
	v35 =	vmul.f32 v28, v6;
	v53 =	vmul.f32 v31, v31  }
0xe0: {  	v29 =	vadd.f32 v29, v50;
	v52 =	vadd.f32 v43, v42;
	v54 =	vmul.f32 v38, v38  }
0xe1: {  	v44 =	vadd.f32 v38, v31;
	v45 =	vld [tilespmem:s1+$0x64A0];
	v49 =	vmul.f32 v39, v39;
	v32 =	vmul.f32 v32, v33  }
0xe2: {  	v46 =	vld [tilespmem:s1+$0x64B0];
	v16 =	vmul.f32 v30, v16;
	v17 =	vmul.f32 v35, v17;
	(xrf2) =	vadd.scan.msk.f32 $0xffff, v29;
	v37 =	vadd.f32 v52, v37  }
0xe3: {  	v48 =	vld [tilespmem:s1+$0x6500];
	v47 =	vadd.f32 v36, v39;
	v50 =	vmul.f32 v36, v36;
	v52 =	vmul.f32 v28, v5  }
0xe4: {  	v29 =	vld [tilespmem:s1+$0x6510];
	v55 =	vadd.f32 v54, v53;
	v28 =	vmul.f32 v28, v4;
	v54 =	vmul.f32 v27, v7;
	(xrf2) =	vadd.scan.msk.f32 $0xffff, v37  }
0xe5: {  	v56 =	vmul.f32 v34, v34;
	v57 =	vadd.f32 v47, v44;
	v44 =	vld [tilespmem:s1+$0x6520];
	v51 =	vmul.f32 v41, v41  }
0xe6: {  	v49 =	vadd.f32 v50, v49;
	v50 =	vld [tilespmem:s1+$0x6530];
	v19 =	vmul.f32 v52, v19;
	v20 =	vmul.f32 v28, v20  }
0xe7: {  	v58 =	vadd.f32 v41, v34;
	v18 =	vmul.f32 v54, v18;
	v59 =	vmul.f32 v45, v45  }
0xe8: {  	v60 =	vadd.f32 v46, v45;
	v61 =	vmul.f32 v46, v46;
	v62 =	vmul.f32 v48, v48  }
0xe9: {  	v42 =	vadd.f32 v51, v56;
	v40 =	vadd.f32 v49, v55;
	v55 =	vmul.f32 v32, v7  }
0xea: {  	(xrf2) =	vadd.scan.msk.f32 $0xffff, v57;
	v56 =	vmul.f32 v32, v5;
	v33 =	vadd.f32 v60, v58;
	v63 =	vadd.f32 v29, v48  }
0xeb: {  	v57 =	vmul.f32 v29, v29;
	v37 =	vadd.f32 v61, v59;
	v53 =	vadd.f32 v50, v44  }
0xec: {  	v19 =	vadd.f32 v19, v2;
	v58 =	vmul.f32 v44, v44;
	v59 =	vmul.f32 v50, v50;
	v60, _, _ =	vpop (xrf2)  }
0xed: {  	(xrf2) =	vadd.scan.msk.f32 $0xffff, v33;
	v37 =	vadd.f32 v37, v42;
	v43 =	vadd.f32 v53, v63;
	v42 =	vmul.f32 $1.562500000e-02, v60  }
0xee: {  	v20 =	vadd.f32 v20, v0;
	v8 =	vmul.f32 v56, v8;
	v47 =	vadd.f32 v57, v62;
	v61, _, _ =	vpop (xrf2)  }
0xef: {  	v49 =	vadd.f32 v59, v58;
	(xrf2) =	vadd.scan.msk.f32 $0xffff, v43;
	v62 =	vmul.f32 $1.562500000e-02, v61;
	v63 =	vmul.f32 v42, v42  }
0xf0: {  	v18 =	vadd.f32 v18, v3;
	v33 =	vmul.f32 v27, v6;
	v53 =	vmul.f32 v27, v5;
	(xrf2) =	vadd.scan.msk.f32 $0xffff, v40  }
0xf1: {  	v27 =	vmul.f32 v27, v4;
	v47 =	vadd.f32 v49, v47;
	v30 =	vsub.f32 v62, v63  }
0xf2: {  	v8 =	vadd.f32 v8, v2;
	v21 =	vmul.f32 v33, v21;
	v43 =	vmul.f32 v32, v6;
	(xrf2) =	vadd.scan.msk.f32 $0xffff, v37  }
0xf3: {  	v32 =	vmul.f32 v32, v4;
	v22 =	vmul.f32 v53, v22;
	(xrf2) =	vadd.scan.msk.f32 $0xffff, v47;
	v30 =	vadd.f32 $9.999999740e-06, v30  }
0xf4: {  	v33 =	vadd.f32 v16, v3;
	v27 =	vmul.f32 v27, v15;
	v43 =	vmul.f32 v43, v9;
	v51, _, _ =	vpop (xrf2)  }
0xf5: {  	v21 =	vadd.f32 v21, v1;
	v28 =	vmul.f32 $1.562500000e-02, v51;
	v30 =	vbroadcast v30, $0xF  }
0xf6: {  	v37 =	vadd.f32 v17, v1;
	v42 =	vbroadcast v42, $0xF;
	v63 =	vmul.f32 v55, v10  }
0xf7: {  	v16 =	vbroadcast v28, $0xF;
	v57, _, _ =	vpop (xrf2);
	v15 =	vshra.s32 v30, $0x1;
	v30 =	vmul.f32 $5.000000000e-01, v30  }
0xf8: {  	v28 =	vmul.f32 v28, v28;
	v35 =	vmul.f32 $1.562500000e-02, v57;
	v60 =	vsub.s32 $0x5F3759DF, v15  }
0xf9: {  	v31 =	vsub.f32 v31, v16;
	v17 =	vsub.f32 v38, v16;
	v58, _, _ =	vpop (xrf2);
	v15 =	vmul.f32 v60, v30  }
0xfa: {  	v39 =	vsub.f32 v39, v16;
	v59 =	vbroadcast v35, $0xF;
	v38 =	vmul.f32 $1.562500000e-02, v58;
	v61, _, _ =	vpop (xrf2)  }
0xfb: {  	v36 =	vsub.f32 v36, v16;
	v49 =	vmul.f32 $1.562500000e-02, v61;
	v62 =	vmul.f32 v60, v15  }
0xfc: {  	v35 =	vmul.f32 v35, v35;
	v51, _, _ =	vpop (xrf2);
	v16 =	vbroadcast v38, $0xF;
	v15 =	vsub.f32 v46, v59  }
0xfd: {  	v52, _, _ =	vpop (xrf2);
	v10 =	vsub.f32 v49, v28;
	v46 =	vmul.f32 $1.562500000e-02, v51;
	v28 =	vsub.f32 $1.500000000e+00, v62  }
0xfe: {  	[tilespmem:s28+$0xE490] =	vst v21;
	v21 =	vadd.f32 v22, v2;
	v38 =	vmul.f32 v38, v38;
	v53 =	vmul.f32 $1.562500000e-02, v52  }
0xff: {  	v9 =	vsub.f32 v29, v16;
	v35 =	vsub.f32 v46, v35;
	v28 =	vmul.f32 v60, v28  }
0x100: {  	v14 =	vmul.f32 v32, v14;
	v29 =	vadd.f32 $9.999999740e-06, v10;
	v38 =	vsub.f32 v53, v38  }
0x101: {  	v23 =	vsub.f32 v23, v42;
	v35 =	vadd.f32 $9.999999740e-06, v35;
	v30 =	vmul.f32 v28, v30  }
0x102: {  	v12 =	vsub.f32 v12, v42;
	v29 =	vbroadcast v29, $0xF;
	v38 =	vadd.f32 $9.999999740e-06, v38  }
0x103: {  	v10 =	vsub.f32 v44, v16;
	v35 =	vbroadcast v35, $0xF;
	v30 =	vmul.f32 v30, v28  }
0x104: {  	v54 =	vshra.s32 v29, $0x1;
	v29 =	vmul.f32 $5.000000000e-01, v29;
	v38 =	vbroadcast v38, $0xF  }
0x105: {  	v55 =	vsub.s32 $0x5F3759DF, v54;
	v56 =	vshra.s32 v35, $0x1;
	v30 =	vsub.f32 $1.500000000e+00, v30  }
0x106: {  	v44 =	vmul.f32 v55, v29;
	v35 =	vmul.f32 $5.000000000e-01, v35;
	v46 =	vsub.s32 $0x5F3759DF, v56  }
0x107: {  	v28 =	vmul.f32 v30, v28;
	v30 =	vshra.s32 v38, $0x1;
	v38 =	vmul.f32 $5.000000000e-01, v38  }
0x108: {  	v57 =	vmul.f32 v46, v35;
	v44 =	vmul.f32 v55, v44;
	v30 =	vsub.s32 $0x5F3759DF, v30  }
0x109: {  	[tilespmem:s28+$0xE580] =	vst v25;
	v13 =	vsub.f32 v13, v42;
	v11 =	vsub.f32 v11, v42;
	v58 =	vmul.f32 v30, v38  }
0x10a: {  	[tilespmem:s28+$0xE590] =	vst v26;
	v26 =	vmul.f32 v46, v57;
	v44 =	vsub.f32 $1.500000000e+00, v44;
	v25 =	vmul.f32 v28, v4  }
0x10b: {  	[tilespmem:s28+$0xE5A0] =	vst v24;
	v14 =	vadd.f32 v14, v0;
	v34 =	vsub.f32 v34, v59;
	v24 =	vmul.f32 v30, v58  }
0x10c: {  	[tilespmem:s28+$0xE420] =	vst v19;
	v32 =	vmul.f32 v55, v44;
	v23 =	vmul.f32 v25, v23;
	v25 =	vsub.f32 $1.500000000e+00, v26  }
0x10d: {  	[tilespmem:s28+$0xE430] =	vst v20;
	v41 =	vsub.f32 v41, v59;
	v24 =	vsub.f32 $1.500000000e+00, v24  }
0x10e: {  	[tilespmem:s28+$0xE480] =	vst v18;
	v45 =	vsub.f32 v45, v59;
	v19 =	vmul.f32 v46, v25;
	v25 =	vmul.f32 v32, v29  }
0x10f: {  	[tilespmem:s28+$0xE400] =	vst v33;
	v59 =	vmul.f32 v28, v6;
	v23 =	vadd.f32 v23, v0;
	v24 =	vmul.f32 v30, v24  }
0x110: {  	[tilespmem:s28+$0xE410] =	vst v37;
	v48 =	vsub.f32 v48, v16;
	v18 =	vmul.f32 v19, v35;
	v25 =	vmul.f32 v25, v32  }
0x111: {  	v20 =	vmul.f32 v28, v5;
	v26 =	vmul.f32 v28, v7;
	[tilespmem:s1+$0xE5B0] =	vst v23;
	v23 =	vadd.f32 v27, v0  }
0x112: {  	v22 =	vmul.f32 v24, v38;
	v18 =	vmul.f32 v18, v19;
	v25 =	vsub.f32 $1.500000000e+00, v25  }
0x113: {  	v16 =	vsub.f32 v50, v16;
	v13 =	vmul.f32 v59, v13;
	v11 =	vmul.f32 v20, v11;
	[tilespmem:s28+$0xE4A0] =	vst v21  }
0x114: {  	[tilespmem:s28+$0xE4B0] =	vst v23;
	v22 =	vmul.f32 v22, v24;
	v18 =	vsub.f32 $1.500000000e+00, v18;
	v23 =	vmul.f32 v25, v32  }
0x115: {  	v12 =	vmul.f32 v26, v12;
	v21 =	vadd.f32 v63, v3;
	[tilespmem:s28+$0xE520] =	vst v8;
	v25 =	vadd.f32 v43, v1  }
0x116: {  	[tilespmem:s28+$0xE530] =	vst v14;
	v20 =	vsub.f32 $1.500000000e+00, v22;
	v18 =	vmul.f32 v18, v19;
	v19 =	vmul.f32 v23, v7  }
0x117: {  	v12 =	vadd.f32 v12, v3;
	[tilespmem:s28+$0xE500] =	vst v21;
	v21 =	vmul.f32 v23, v6;
	v14 =	vmul.f32 v23, v5  }
0x118: {  	v13 =	vadd.f32 v13, v1;
	[tilespmem:s28+$0xE510] =	vst v25;
	v8 =	vmul.f32 v20, v24;
	v19 =	vmul.f32 v19, v31  }
0x119: {  	v11 =	vadd.f32 v11, v2;
	[tilespmem:s1+$0xE580] =	vst v12;
	v20 =	vmul.f32 v23, v4;
	v12 =	vmul.f32 v21, v17  }
0x11a: {  	[tilespmem:s1+$0xE590] =	vst v13;
	v17 =	vmul.f32 v18, v7;
	v13 =	vmul.f32 v14, v39;
	v14 =	vadd.f32 v19, v3  }
0x11b: {  	[tilespmem:s1+$0xE5A0] =	vst v11;
	v19 =	vmul.f32 v18, v6;
	v20 =	vmul.f32 v20, v36;
	v11 =	vadd.f32 v12, v1  }
0x11c: {  	v12 =	vmul.f32 v18, v5;
	v17 =	vmul.f32 v17, v34;
	v13 =	vadd.f32 v13, v2;
	[tilespmem:s1+$0xE400] =	vst v14  }
0x11d: {  	v14 =	vmul.f32 v18, v4;
	v18 =	vmul.f32 v19, v41;
	[tilespmem:s1+$0xE410] =	vst v11;
	v11 =	vadd.f32 v20, v0  }
0x11e: {  	v19 =	vmul.f32 v8, v7;
	v12 =	vmul.f32 v12, v45;
	[tilespmem:s1+$0xE420] =	vst v13;
	v13 =	vadd.f32 v17, v3  }
0x11f: {  	v17 =	vmul.f32 v8, v6;
	v14 =	vmul.f32 v14, v15;
	[tilespmem:s1+$0xE430] =	vst v11;
	v11 =	vadd.f32 v18, v1  }
0x120: {  	v15 =	vmul.f32 v8, v5;
	v18 =	vmul.f32 v19, v48;
	[tilespmem:s1+$0xE480] =	vst v13;
	v12 =	vadd.f32 v12, v2  }
0x121: {  	v8 =	vmul.f32 v8, v4;
	v9 =	vmul.f32 v17, v9;
	[tilespmem:s1+$0xE490] =	vst v11;
	v11 =	vadd.f32 v14, v0  }
0x122: {  	v10 =	vmul.f32 v15, v10;
	[tilespmem:s1+$0xE4A0] =	vst v12;
	v12 =	vadd.f32 v18, v3  }
0x123: {  	v8 =	vmul.f32 v8, v16;
	v9 =	vadd.f32 v9, v1;
	[tilespmem:s1+$0xE4B0] =	vst v11  }
0x124: {  	v10 =	vadd.f32 v10, v2;
	[tilespmem:s1+$0xE500] =	vst v12  }
0x125: {  	v8 =	vadd.f32 v8, v0;
	[tilespmem:s1+$0xE510] =	vst v9  }
0x126: {  	[tilespmem:s1+$0xE520] =	vst v10  }
0x127: {  	s0 =	simm.s32 $0x0;
	[tilespmem:s1+$0xE530] =	vst v8  }
0x128: {  	[hbm4b:s8+s0] =	stream.linear.scatter [tilespmem:s19], [sflag:$0x3], $0x4000, $0x38;
	[tilespmem:$0x16480] =	vst v63  }
0x129: {  	_ = 	snop  }
0x12a: {  	[tilespmem:s16], [sflag:$0x1] =	stream.indirect.gather [hbm4b:s3+s15], $0x80, s20, s15, $0xb8;
	[tilespmem:$0x16480] =	vst v63  }
0x12b: {  	_ =	swait.ge [sflag:s21], $0x4000  }
0x12c: {  	[sflag:s21] =	ssyncset.done $0x0  }
0x12d: {  	s29 =	simm.s32 $0x0;
	[sflag:s21] =	ssyncadd.s32 $0xFFFFC000  }
0x12e: {  	v11 =	vld [tilespmem:s29+$0xA580]  }
0x12f: {  	v13 =	vld [tilespmem:s29+$0xA590]  }
0x130: {  	v10 =	vld [tilespmem:s29+$0xA5A0]  }
0x131: {  	v12 =	vld [tilespmem:s29+$0xA5B0];
	_ =	sdelay $0x3  }
0x132: {  	v8 =	vadd.f32 v13, v11  }
0x133: {  	v9 =	vld [tilespmem:s29+$0xA400];
	v14 =	vadd.f32 v12, v10;
	v15 =	vmul.f32 v11, v11;
	v16 =	vmul.f32 v13, v13  }
0x134: {  	v20 =	vld [tilespmem:s29+$0xA410];
	v17 =	vmul.f32 v10, v10;
	v18 =	vmul.f32 v12, v12  }
0x135: {  	v21 =	vld [tilespmem:s29+$0xA420];
	v8 =	vadd.f32 v14, v8  }
0x136: {  	v22 =	vld [tilespmem:s29+$0xA480];
	v15 =	vadd.f32 v16, v15;
	v16 =	vadd.f32 v18, v17  }
0x137: {  	v23 =	vld [tilespmem:s29+$0xA490]  }
0x138: {  	v14 =	vld [tilespmem:s29+$0xA430];
	(xrf2) =	vadd.scan.msk.f32 $0xffff, v8;
	v8 =	vadd.f32 v16, v15  }
0x139: {  	v24 =	vld [tilespmem:s29+$0xA4A0]  }
0x13a: {  	v25 =	vld [tilespmem:s29+$0xA4B0];
	(xrf2) =	vadd.scan.msk.f32 $0xffff, v8  }
0x13b: {  	v26 =	vld [tilespmem:s29+$0xA500]  }
0x13c: {  	v19 =	vld [tilespmem:s29+$0xA510];
	v15 =	vmul.f32 v20, v20  }
0x13d: {  	v18 =	vld [tilespmem:s29+$0xA520];
	v16 =	vadd.f32 v20, v9;
	v8 =	vmul.f32 v9, v9;
	v27 =	vadd.f32 v14, v21  }
0x13e: {  	v28 =	vmul.f32 v21, v21;
	v17 =	vld [tilespmem:s29+$0xA530];
	v29 =	vmul.f32 v14, v14  }
0x13f: {  	v8 =	vadd.f32 v15, v8;
	v15 =	vmul.f32 v22, v22;
	v16 =	vadd.f32 v27, v16  }
0x140: {  	v27 =	vmul.f32 v23, v23;
	v28 =	vadd.f32 v29, v28;
	v29 =	vmul.f32 v24, v24  }
0x141: {  	v30 =	vadd.f32 v23, v22  }
0x142: {  	v31 =	vadd.f32 v25, v24;
	v15 =	vadd.f32 v27, v15;
	v27 =	vmul.f32 v25, v25;
	v60, _, _ =	vpop (xrf2)  }
0x143: {  	v61 =	vadd.f32 v19, v26;
	v62 =	vadd.f32 v17, v18;
	v32 =	vmul.f32 $1.562500000e-02, v60  }
0x144: {  	v30 =	vadd.f32 v31, v30;
	v27 =	vadd.f32 v27, v29;
	v29, _, _ =	vpop (xrf2)  }
0x145: {  	(xrf2) =	vadd.scan.msk.f32 $0xffff, v16;
	v16 =	vadd.f32 v62, v61;
	v29 =	vmul.f32 $1.562500000e-02, v29;
	v31 =	vmul.f32 v32, v32  }
0x146: {  	v36 =	vmul.f32 v18, v18;
	v8 =	vadd.f32 v28, v8;
	(xrf2) =	vadd.scan.msk.f32 $0xffff, v30;
	v30 =	vmul.f32 v17, v17  }
0x147: {  	v63 =	vmul.f32 v26, v26;
	v28 =	vmul.f32 v19, v19;
	(xrf2) =	vadd.scan.msk.f32 $0xffff, v16;
	v16 =	vsub.f32 v29, v31  }
0x148: {  	(xrf2) =	vadd.scan.msk.f32 $0xffff, v8;
	v8 =	vadd.f32 v30, v36;
	v15 =	vadd.f32 v27, v15  }
0x149: {  	v27 =	vadd.f32 v28, v63;
	v16 =	vadd.f32 $9.999999740e-06, v16  }
0x14a: {  	(xrf2) =	vadd.scan.msk.f32 $0xffff, v15  }
0x14b: {  	v8 =	vadd.f32 v8, v27;
	v15 =	vbroadcast v16, $0xF;
	_ =	sdelay $0x1  }
0x14c: {  	(xrf2) =	vadd.scan.msk.f32 $0xffff, v8;
	v8 =	vshra.s32 v15, $0x1;
	v15 =	vmul.f32 $5.000000000e-01, v15  }
0x14d: {  	v8 =	vsub.s32 $0x5F3759DF, v8  }
0x14e: {  	v16, _, _ =	vpop (xrf2);
	v27 =	vmul.f32 v8, v15  }
0x14f: {  	v28, _, _ =	vpop (xrf2)  }
0x150: {  	v16 =	vmul.f32 $1.562500000e-02, v16;
	v29, _, _ =	vpop (xrf2);
	v27 =	vmul.f32 v8, v27  }
0x151: {  	v32 =	vbroadcast v32, $0xF;
	v28 =	vmul.f32 $1.562500000e-02, v28;
	v31, _, _ =	vpop (xrf2)  }
0x152: {  	v30 =	vbroadcast v16, $0xF;
	v31 =	vmul.f32 $1.562500000e-02, v31;
	v27 =	vsub.f32 $1.500000000e+00, v27  }
0x153: {  	v16 =	vmul.f32 v16, v16;
	v37, _, _ =	vpop (xrf2);
	v38 =	vmul.f32 v28, v28  }
0x154: {  	v12 =	vsub.f32 v12, v32;
	v33 =	vmul.f32 $1.562500000e-02, v37;
	v27 =	vmul.f32 v8, v27  }
0x155: {  	v16 =	vsub.f32 v31, v16;
	v8 =	vsub.f32 v20, v30  }
0x156: {  	v20 =	vmul.f32 $1.562500000e-02, v29;
	v29 =	vsub.f32 v33, v38;
	v31, _, _ =	vpop (xrf2);
	v39 =	vmul.f32 v27, v15  }
0x157: {  	v9 =	vsub.f32 v9, v30;
	v16 =	vadd.f32 $9.999999740e-06, v16;
	v31 =	vmul.f32 $1.562500000e-02, v31  }
0x158: {  	v40 =	vmul.f32 v20, v20;
	v29 =	vadd.f32 $9.999999740e-06, v29;
	v33 =	vmul.f32 v39, v27  }
0x159: {  	v15 =	vsub.f32 v21, v30;
	v21 =	vbroadcast v16, $0xF;
	v16 =	vsub.f32 v14, v30  }
0x15a: {  	v30 =	vbroadcast v20, $0xF;
	v20 =	vsub.f32 v31, v40;
	v31 =	vsub.f32 $1.500000000e+00, v33  }
0x15b: {  	v28 =	vbroadcast v28, $0xF;
	v14 =	vbroadcast v29, $0xF;
	v29 =	vshra.s32 v21, $0x1  }
0x15c: {  	v41 =	vmul.f32 $5.000000000e-01, v21;
	v29 =	vsub.s32 $0x5F3759DF, v29;
	v27 =	vmul.f32 v31, v27  }
0x15d: {  	v42 =	vmul.f32 $5.000000000e-01, v14;
	v14 =	vshra.s32 v14, $0x1;
	v20 =	vadd.f32 $9.999999740e-06, v20  }
0x15e: {  	v14 =	vsub.s32 $0x5F3759DF, v14;
	v31 =	vmul.f32 v29, v41;
	v44 =	vmul.f32 v27, v4  }
0x15f: {  	v48 =	vsub.f32 v13, v32;
	v43 =	vmul.f32 v14, v42;
	v20 =	vbroadcast v20, $0xF  }
0x160: {  	v21 =	vsub.f32 v22, v28;
	v31 =	vmul.f32 v29, v31;
	v12 =	vmul.f32 v44, v12  }
0x161: {  	v22 =	vsub.f32 v23, v28;
	v23 =	vmul.f32 v14, v43;
	v45 =	vshra.s32 v20, $0x1  }
0x162: {  	v46 =	vmul.f32 $5.000000000e-01, v20;
	v20 =	vsub.f32 $1.500000000e+00, v31;
	v12 =	vadd.f32 v12, v0  }
0x163: {  	v35 =	vsub.f32 v24, v28;
	v31 =	vsub.s32 $0x5F3759DF, v45;
	v23 =	vsub.f32 $1.500000000e+00, v23  }
0x164: {  	s28 =	simm.s32 $0x200;
	v24 =	vmul.f32 v31, v46;
	v29 =	vmul.f32 v29, v20;
	v20 =	vsub.f32 v25, v28;
	[tilespmem:s29+$0x125B0] =	vst v12  }
0x165: {  	v25 =	vmul.f32 v27, v7;
	v47 =	vmul.f32 v14, v23;
	v23 =	vsub.f32 v26, v30;
	v12 =	vld [tilespmem:s28+$0xA580]  }
0x166: {  	v26 =	vmul.f32 v27, v6;
	v28 =	vsub.f32 v11, v32;
	v14 =	vmul.f32 v31, v24;
	v13 =	vld [tilespmem:s28+$0xA590]  }
0x167: {  	v10 =	vsub.f32 v10, v32;
	v27 =	vmul.f32 v27, v5;
	v24 =	vmul.f32 v29, v41;
	v11 =	vld [tilespmem:s28+$0xA5A0]  }
0x168: {  	v34 =	vmul.f32 v47, v42;
	v32 =	vmul.f32 v25, v28;
	v49 =	vsub.f32 $1.500000000e+00, v14;
	v14 =	vld [tilespmem:s28+$0xA5B0]  }
0x169: {  	v10 =	vmul.f32 v27, v10;
	v27 =	vld [tilespmem:s28+$0xA400];
	v24 =	vmul.f32 v24, v29  }
0x16a: {  	v33 =	vld [tilespmem:s28+$0xA410];
	v25 =	vmul.f32 v34, v47;
	v31 =	vmul.f32 v31, v49  }
0x16b: {  	v28 =	vsub.f32 v19, v30;
	v19 =	vmul.f32 v26, v48;
	v36 =	vld [tilespmem:s28+$0xA430];
	v24 =	vsub.f32 $1.500000000e+00, v24  }
0x16c: {  	v26 =	vsub.f32 v18, v30;
	v43 =	vld [tilespmem:s28+$0xA490];
	v25 =	vsub.f32 $1.500000000e+00, v25;
	v18 =	vmul.f32 v31, v46  }
0x16d: {  	v38 =	vld [tilespmem:s28+$0xA4A0];
	v29 =	vmul.f32 v24, v29;
	v24 =	vsub.f32 v17, v30;
	v17 =	vmul.f32 v12, v12  }
0x16e: {  	v41 =	vld [tilespmem:s28+$0xA480];
	v32 =	vadd.f32 v32, v3;
	v50 =	vmul.f32 v13, v13;
	v51 =	vmul.f32 v11, v11  }
0x16f: {  	v44 =	vld [tilespmem:s28+$0xA4B0];
	v52 =	vmul.f32 v14, v14;
	v53 =	vadd.f32 v13, v12;
	v37 =	vmul.f32 v25, v47  }
0x170: {  	v30 =	vld [tilespmem:s28+$0xA420];
	v54 =	vadd.f32 v14, v11;
	v56 =	vmul.f32 v27, v27;
	v57 =	vmul.f32 v33, v33  }
0x171: {  	v60 =	vmul.f32 v36, v36;
	v61 =	vmul.f32 v43, v43;
	v17 =	vadd.f32 v50, v17  }
0x172: {  	v63 =	vmul.f32 v38, v38;
	v25 =	vadd.f32 v52, v51;
	v55 =	vadd.f32 v54, v53  }
0x173: {  	v62 =	vadd.f32 v43, v41;
	v18 =	vmul.f32 v18, v31;
	v34 =	vmul.f32 v29, v7  }
0x174: {  	v47 =	vld [tilespmem:s28+$0xA500];
	v45 =	vmul.f32 v29, v6;
	v40 =	vadd.f32 v57, v56;
	v17 =	vadd.f32 v25, v17;
	(xrf2) =	vadd.scan.msk.f32 $0xffff, v55  }
0x175: {  	v56 =	vmul.f32 v44, v44;
	v25 =	vadd.f32 v33, v27;
	v58 =	vadd.f32 v36, v30  }
0x176: {  	v42 =	vld [tilespmem:s28+$0xA510];
	v52 =	vmul.f32 v37, v6;
	v18 =	vsub.f32 $1.500000000e+00, v18;
	v55 =	vmul.f32 v37, v5;
	(xrf2) =	vadd.scan.msk.f32 $0xffff, v17  }
0x177: {  	v50 =	vld [tilespmem:s28+$0xA520];
	v9 =	vmul.f32 v34, v9;
	v8 =	vmul.f32 v45, v8;
	v46 =	vadd.f32 v58, v25  }
0x178: {  	v48 =	vadd.f32 v56, v63;
	v34 =	vmul.f32 v52, v22;
	v59 =	vmul.f32 v30, v30;
	v25 =	vld [tilespmem:s28+$0xA530]  }
0x179: {  	v18 =	vmul.f32 v18, v31;
	v31 =	vadd.f32 v44, v38;
	v57 =	vmul.f32 v47, v47;
	(xrf2) =	vadd.scan.msk.f32 $0xffff, v46  }
0x17a: {  	v17 =	vmul.f32 v41, v41;
	v52 =	vmul.f32 v55, v35;
	v39 =	vadd.f32 v60, v59  }
0x17b: {  	v31 =	vadd.f32 v31, v62;
	v58 =	vadd.f32 v42, v47;
	v59 =	vmul.f32 v42, v42  }
0x17c: {  	v49 =	vmul.f32 v50, v50;
	v56 =	vmul.f32 v18, v4;
	v17 =	vadd.f32 v61, v17  }
0x17d: {  	v39 =	vadd.f32 v39, v40;
	v46 =	vmul.f32 v29, v5;
	v60 =	vadd.f32 v25, v50  }
0x17e: {  	v29 =	vmul.f32 v29, v4;
	v40 =	vadd.f32 v59, v57;
	(xrf2) =	vadd.scan.msk.f32 $0xffff, v31;
	v31 =	vmul.f32 v37, v7;
	v62, _, _ =	vpop (xrf2)  }
0x17f: {  	v61 =	vmul.f32 v25, v25;
	v51 =	vadd.f32 v60, v58;
	v53 =	vmul.f32 $1.562500000e-02, v62  }
0x180: {  	v37 =	vmul.f32 v37, v4;
	v17 =	vadd.f32 v48, v17;
	v48 =	vmul.f32 v18, v7;
	v63, _, _ =	vpop (xrf2)  }
0x181: {  	v49 =	vadd.f32 v61, v49;
	(xrf2) =	vadd.scan.msk.f32 $0xffff, v51;
	v60 =	vmul.f32 $1.562500000e-02, v63;
	v61 =	vmul.f32 v53, v53  }
0x182: {  	v35 =	vadd.f32 v9, v3;
	v15 =	vmul.f32 v46, v15;
	v51 =	vmul.f32 v18, v6;
	(xrf2) =	vadd.scan.msk.f32 $0xffff, v39  }
0x183: {  	v40 =	vadd.f32 v49, v40;
	v49 =	vmul.f32 v18, v5;
	v18 =	vsub.f32 v60, v61;
	v62, _, _ =	vpop (xrf2)  }
0x184: {  	v54 =	vadd.f32 v8, v1;
	v63 =	vmul.f32 v29, v16;
	v16 =	vmul.f32 $1.562500000e-02, v62  }
0x185: {  	v34 =	vadd.f32 v34, v1;
	v31 =	vmul.f32 v31, v21;
	(xrf2) =	vadd.scan.msk.f32 $0xffff, v17;
	v18 =	vadd.f32 $9.999999740e-06, v18  }
0x186: {  	v46 =	vadd.f32 v10, v2;
	v37 =	vmul.f32 v37, v20;
	v55 =	vadd.f32 v15, v2  }
0x187: {  	v31 =	vadd.f32 v31, v3;
	v28 =	vmul.f32 v51, v28;
	v17 =	vbroadcast v18, $0xF  }
0x188: {  	v39 =	vadd.f32 v19, v1;
	v10 =	vbroadcast v16, $0xF;
	v9 =	vmul.f32 v16, v16;
	v16, _, _ =	vpop (xrf2)  }
0x189: {  	(xrf2) =	vadd.scan.msk.f32 $0xffff, v40;
	v8 =	vmul.f32 $1.562500000e-02, v16;
	v15 =	vshra.s32 v17, $0x1;
	v57 =	vmul.f32 $5.000000000e-01, v17  }
0x18a: {  	v19 =	vsub.f32 v30, v10;
	v20 =	vsub.f32 v36, v10;
	v29 =	vsub.s32 $0x5F3759DF, v15  }
0x18b: {  	v16 =	vsub.f32 v27, v10;
	v18, _, _ =	vpop (xrf2);
	v27 =	vbroadcast v8, $0xF;
	v21 =	vmul.f32 v29, v57  }
0x18c: {  	v17 =	vsub.f32 v33, v10;
	v15 =	vmul.f32 $1.562500000e-02, v18;
	v8 =	vmul.f32 v8, v8;
	v10, _, _ =	vpop (xrf2)  }
0x18d: {  	v10 =	vmul.f32 $1.562500000e-02, v10;
	v18 =	vsub.f32 v41, v27;
	v30 =	vmul.f32 v29, v21  }
0x18e: {  	v33 =	vbroadcast v15, $0xF;
	v21 =	vsub.f32 v43, v27;
	v22 =	vsub.f32 v38, v27  }
0x18f: {  	v58 =	vmul.f32 v15, v15;
	v15 =	vsub.f32 v44, v27;
	v59, _, _ =	vpop (xrf2);
	v30 =	vsub.f32 $1.500000000e+00, v30  }
0x190: {  	v27 =	vmul.f32 v48, v23;
	v23 =	vsub.f32 v10, v9;
	v38 =	vmul.f32 $1.562500000e-02, v59  }
0x191: {  	v63 =	vadd.f32 v63, v0;
	v10 =	vsub.f32 v47, v33;
	v60 =	vmul.f32 v29, v30  }
0x192: {  	v23 =	vadd.f32 $9.999999740e-06, v23;
	v30 =	vsub.f32 v38, v8;
	v29 =	vmul.f32 v49, v26  }
0x193: {  	v9 =	vsub.f32 v42, v33;
	v49 =	vbroadcast v53, $0xF;
	v61, _, _ =	vpop (xrf2);
	v26 =	vmul.f32 v60, v57  }
0x194: {  	v23 =	vbroadcast v23, $0xF;
	v38 =	vmul.f32 $1.562500000e-02, v61;
	v62 =	vadd.f32 $9.999999740e-06, v30  }
0x195: {  	v8 =	vsub.f32 v50, v33;
	v30 =	vmul.f32 v56, v24;
	v24 =	vmul.f32 v26, v60  }
0x196: {  	v44 =	vshra.s32 v23, $0x1;
	v26 =	vsub.f32 v38, v58;
	v45 =	vbroadcast v62, $0xF  }
0x197: {  	v23 =	vmul.f32 $5.000000000e-01, v23;
	v36 =	vsub.s32 $0x5F3759DF, v44;
	v24 =	vsub.f32 $1.500000000e+00, v24  }
0x198: {  	[tilespmem:s29+$0x12580] =	vst v32;
	v26 =	vadd.f32 $9.999999740e-06, v26;
	v47 =	vshra.s32 v45, $0x1;
	v38 =	vmul.f32 $5.000000000e-01, v45  }
0x199: {  	[tilespmem:s29+$0x12400] =	vst v35;
	v50 =	vmul.f32 v36, v23;
	v48 =	vsub.s32 $0x5F3759DF, v47;
	v24 =	vmul.f32 v24, v60  }
0x19a: {  	[tilespmem:s29+$0x12410] =	vst v54;
	v14 =	vsub.f32 v14, v49;
	v51 =	vmul.f32 v48, v38;
	v26 =	vbroadcast v26, $0xF  }
0x19b: {  	[tilespmem:s29+$0x12490] =	vst v34;
	v40 =	vsub.f32 v11, v49;
	v54 =	vmul.f32 v36, v50;
	v53 =	vmul.f32 v24, v4  }
0x19c: {  	[tilespmem:s29+$0x12420] =	vst v55;
	v41 =	vmul.f32 v48, v51;
	v55 =	vshra.s32 v26, $0x1;
	v32 =	vmul.f32 $5.000000000e-01, v26  }
0x19d: {  	[tilespmem:s29+$0x125A0] =	vst v46;
	v26 =	vsub.f32 $1.500000000e+00, v54;
	v56 =	vsub.s32 $0x5F3759DF, v55;
	v14 =	vmul.f32 v53, v14  }
0x19e: {  	[tilespmem:s29+$0x12480] =	vst v31;
	v60 =	vsub.f32 v13, v49;
	v57 =	vsub.f32 $1.500000000e+00, v41;
	v31 =	vmul.f32 v56, v32  }
0x19f: {  	[tilespmem:s29+$0x12590] =	vst v39;
	v58 =	vmul.f32 v24, v7;
	v34 =	vmul.f32 v36, v26;
	v59 =	vadd.f32 v14, v0  }
0x1a0: {  	[tilespmem:s29+$0x12430] =	vst v63;
	v14 =	vsub.f32 v25, v33;
	v35 =	vmul.f32 v48, v57;
	v25 =	vmul.f32 v56, v31  }
0x1a1: {  	s1 =	simm.s32 $0x400;
	v26 =	vmul.f32 v24, v6;
	v31 =	vsub.f32 v12, v49;
	v23 =	vmul.f32 v34, v23;
	[tilespmem:s28+$0x125B0] =	vst v59  }
0x1a2: {  	v24 =	vmul.f32 v24, v5;
	v61 =	vmul.f32 v35, v38;
	v62 =	vsub.f32 $1.500000000e+00, v25;
	v12 =	vld [tilespmem:s1+$0xA580]  }
0x1a3: {  	v63 =	vmul.f32 v23, v34;
	v25 =	vmul.f32 v58, v31;
	v31 =	vadd.f32 v52, v2;
	v13 =	vld [tilespmem:s1+$0xA590]  }
0x1a4: {  	v38 =	vadd.f32 v37, v0;
	v11 =	vld [tilespmem:s1+$0xA5A0];
	v36 =	vmul.f32 v61, v35;
	v33 =	vmul.f32 v56, v62  }
0x1a5: {  	s30 =	simm.s32 $0x1800;
	v26 =	vmul.f32 v26, v60;
	v24 =	vmul.f32 v24, v40;
	v23 =	vld [tilespmem:s1+$0xA5B0];
	v37 =	vsub.f32 $1.500000000e+00, v63;
	[tilespmem:s29+$0x124A0] =	vst v31  }
.LBB2_4:
0x1a6: {  	p0 =	sne.s32 s30, $0xF800;
	v31 =	vld [tilespmem:s1+$0xA400];
	v36 =	vsub.f32 $1.500000000e+00, v36;
	v39 =	vmul.f32 v33, v32;
	[tilespmem:s29+$0x124B0] =	vst v38;
	v38 =	vadd.f32 v27, v3  }
0x1a7: {  	v32 =	vld [tilespmem:s1+$0xA410];
	v40 =	vmul.f32 v37, v34;
	v34 =	vadd.f32 v28, v1;
	v37 =	vadd.f32 v29, v2  }
0x1a8: {  	v27 =	vld [tilespmem:s1+$0xA420];
	v41 =	vmul.f32 v36, v35;
	v35 =	vmul.f32 v39, v33;
	[tilespmem:s29+$0x12500] =	vst v38;
	v36 =	vadd.f32 v30, v0  }
0x1a9: {  	v38 =	vadd.f32 v13, v12;
	v28 =	vld [tilespmem:s1+$0xA430];
	v42 =	vmul.f32 v40, v7;
	v43 =	vmul.f32 v40, v6;
	[tilespmem:s29+$0x12510] =	vst v34  }
0x1aa: {  	v44 =	vmul.f32 v12, v12;
	v45 =	vmul.f32 v13, v13;
	v29 =	vld [tilespmem:s1+$0xA480];
	v39 =	vadd.f32 v23, v11;
	[tilespmem:s29+$0x12520] =	vst v37  }
0x1ab: {  	v37 =	vmul.f32 v11, v11;
	v46 =	vmul.f32 v23, v23;
	v47 =	vsub.f32 $1.500000000e+00, v35;
	v30 =	vld [tilespmem:s1+$0xA490];
	[tilespmem:s29+$0x12530] =	vst v36;
	s29 =	smov.u32 s28;
	s28 =	smov.u32 s1  }
0x1ac: {  	v49 =	vmul.f32 v31, v31;
	v48 =	vadd.f32 v32, v31;
	v34 =	vld [tilespmem:s28+$0xA4A0];
	v38 =	vadd.f32 v39, v38  }
0x1ad: {  	v44 =	vadd.f32 v45, v44;
	v39 =	vmul.f32 v32, v32;
	v45 =	vadd.f32 v46, v37;
	v36 =	vld [tilespmem:s28+$0xA4B0]  }
0x1ae: {  	v50 =	vmul.f32 v27, v27;
	v46 =	vadd.f32 v28, v27;
	v51 =	vmul.f32 v28, v28;
	v35 =	vld [tilespmem:s28+$0xA500];
	(xrf2) =	vadd.scan.msk.f32 $0xffff, v38  }
0x1af: {  	v49 =	vadd.f32 v39, v49;
	v44 =	vadd.f32 v45, v44;
	v52 =	vmul.f32 v29, v29;
	v37 =	vld [tilespmem:s28+$0xA510]  }
0x1b0: {  	v45 =	vadd.f32 v46, v48;
	v46 =	vadd.f32 v30, v29;
	v48 =	vmul.f32 v30, v30;
	v38 =	vld [tilespmem:s28+$0xA520]  }
0x1b1: {  	v33 =	vmul.f32 v47, v33;
	v50 =	vadd.f32 v51, v50;
	v51 =	vmul.f32 v34, v34;
	v39 =	vld [tilespmem:s28+$0xA530];
	(xrf2) =	vadd.scan.msk.f32 $0xffff, v44  }
0x1b2: {  	v44 =	vadd.f32 v36, v34;
	v47 =	vadd.f32 v48, v52;
	v48 =	vmul.f32 v36, v36  }
0x1b3: {  	v49 =	vadd.f32 v50, v49;
	v52 =	vmul.f32 v40, v5;
	v50 =	vmul.f32 v35, v35  }
0x1b4: {  	v44 =	vadd.f32 v44, v46;
	v46 =	vadd.f32 v37, v35;
	v53 =	vmul.f32 v37, v37;
	(xrf2) =	vadd.scan.msk.f32 $0xffff, v45  }
0x1b5: {  	v40 =	vmul.f32 v40, v4;
	v45 =	vadd.f32 v48, v51;
	v48 =	vmul.f32 v38, v38  }
0x1b6: {  	v54 =	vadd.f32 v39, v38;
	v50 =	vadd.f32 v53, v50;
	v53 =	vmul.f32 v39, v39  }
0x1b7: {  	v45 =	vadd.f32 v45, v47;
	v47 =	vmul.f32 v41, v6;
	(xrf2) =	vadd.scan.msk.f32 $0xffff, v44;
	v44 =	vmul.f32 v41, v7  }
0x1b8: {  	v46 =	vadd.f32 v54, v46;
	v48 =	vadd.f32 v53, v48;
	v51, _, _ =	vpop (xrf2);
	v53 =	vmul.f32 v41, v5  }
0x1b9: {  	v25 =	vadd.f32 v25, v3;
	v41 =	vmul.f32 v41, v4;
	v54 =	vmul.f32 v33, v7  }
0x1ba: {  	v48 =	vadd.f32 v48, v50;
	v50 =	vmul.f32 $1.562500000e-02, v51;
	(xrf2) =	vadd.scan.msk.f32 $0xffff, v46;
	v46 =	vmul.f32 v33, v6  }
0x1bb: {  	v55 =	vmul.f32 v33, v5;
	v33 =	vmul.f32 v33, v4;
	v51, _, _ =	vpop (xrf2);
	[tilespmem:s29+$0x12580] =	vst v25;
	v25 =	vadd.f32 v26, v1  }
0x1bc: {  	v24 =	vadd.f32 v24, v2;
	v56 =	vmul.f32 $1.562500000e-02, v51;
	v51 =	vmul.f32 v50, v50  }
0x1bd: {  	v16 =	vmul.f32 v42, v16;
	v17 =	vmul.f32 v43, v17;
	(xrf2) =	vadd.scan.msk.f32 $0xffff, v49;
	[tilespmem:s29+$0x12590] =	vst v25  }
0x1be: {  	v19 =	vmul.f32 v52, v19;
	v40 =	vmul.f32 v40, v20;
	v25 =	vsub.f32 v56, v51;
	v26, _, _ =	vpop (xrf2);
	[tilespmem:s29+$0x125A0] =	vst v24  }
0x1bf: {  	v16 =	vadd.f32 v16, v3;
	v43 =	vmul.f32 $1.562500000e-02, v26;
	v26 =	vmul.f32 v44, v18  }
0x1c0: {  	v24 =	vmul.f32 v53, v22;
	v18 =	vadd.f32 $9.999999740e-06, v25;
	(xrf2) =	vadd.scan.msk.f32 $0xffff, v45;
	v25 =	vmul.f32 v47, v21  }
0x1c1: {  	v22 =	vadd.f32 v17, v1;
	v21 =	vbroadcast v43, $0xF;
	v42 =	vmul.f32 v43, v43;
	v20, _, _ =	vpop (xrf2);
	[tilespmem:s29+$0x12400] =	vst v16  }
0x1c2: {  	v19 =	vadd.f32 v19, v2;
	v20 =	vmul.f32 $1.562500000e-02, v20;
	v43 =	vbroadcast v18, $0xF  }
0x1c3: {  	v16 =	vsub.f32 v31, v21;
	v17 =	vsub.f32 v32, v21;
	(xrf2) =	vadd.scan.msk.f32 $0xffff, v48;
	v31 =	vmul.f32 v41, v15  }
0x1c4: {  	v32 =	vmul.f32 v20, v20;
	v15 =	vshra.s32 v43, $0x1;
	v41 =	vmul.f32 $5.000000000e-01, v43;
	v18, _, _ =	vpop (xrf2);
	[tilespmem:s29+$0x12410] =	vst v22  }
0x1c5: {  	v43 =	vbroadcast v20, $0xF;
	v22 =	vmul.f32 $1.562500000e-02, v18;
	v44 =	vsub.s32 $0x5F3759DF, v15;
	[tilespmem:s29+$0x12420] =	vst v19  }
0x1c6: {  	v20 =	vsub.f32 v28, v21;
	v19 =	vsub.f32 v27, v21;
	v15 =	vmul.f32 v44, v41  }
0x1c7: {  	v18 =	vsub.f32 v29, v43;
	v29 =	vbroadcast v22, $0xF;
	v45 =	vmul.f32 v22, v22;
	v21, _, _ =	vpop (xrf2)  }
0x1c8: {  	v28 =	vmul.f32 $1.562500000e-02, v21;
	v21 =	vsub.f32 v30, v43;
	v30 =	vmul.f32 v44, v15  }
0x1c9: {  	v27 =	vmul.f32 v54, v10;
	v22 =	vsub.f32 v34, v43;
	v15 =	vsub.f32 v36, v43  }
0x1ca: {  	v34 =	vsub.f32 v28, v42;
	v30 =	vsub.f32 $1.500000000e+00, v30;
	v10, _, _ =	vpop (xrf2);
	v28 =	vmul.f32 v46, v9  }
0x1cb: {  	v9 =	vsub.f32 v37, v29;
	v42 =	vmul.f32 $1.562500000e-02, v10;
	v10 =	vsub.f32 v35, v29  }
0x1cc: {  	v35 =	vsub.f32 v38, v29;
	v34 =	vadd.f32 $9.999999740e-06, v34;
	v37 =	vmul.f32 v44, v30  }
0x1cd: {  	v30 =	vsub.f32 v42, v32;
	v32 =	vsub.f32 v39, v29;
	v36, _, _ =	vpop (xrf2);
	v29 =	vmul.f32 v55, v8  }
0x1ce: {  	v39 =	vadd.f32 v40, v0;
	v8 =	vmovc v35;
	v36 =	vmul.f32 $1.562500000e-02, v36;
	v38 =	vmul.f32 v37, v41  }
0x1cf: {  	v34 =	vbroadcast v34, $0xF;
	v35 =	vadd.f32 $9.999999740e-06, v30;
	v30 =	vmul.f32 v33, v14;
	v14 =	vmovc v32  }
0x1d0: {  	v26 =	vadd.f32 v26, v3;
	v32 =	vsub.f32 v36, v45;
	v33 =	vmul.f32 v38, v37;
	[tilespmem:s29+$0x12430] =	vst v39  }
0x1d1: {  	v36 =	vshra.s32 v34, $0x1;
	v38 =	vmul.f32 $5.000000000e-01, v34;
	v34 =	vbroadcast v35, $0xF  }
0x1d2: {  	v35 =	vsub.s32 $0x5F3759DF, v36;
	v32 =	vadd.f32 $9.999999740e-06, v32;
	v33 =	vsub.f32 $1.500000000e+00, v33;
	[tilespmem:s29+$0x12480] =	vst v26  }
0x1d3: {  	v26 =	vmul.f32 v35, v38;
	v36 =	vshra.s32 v34, $0x1;
	v39 =	vmul.f32 $5.000000000e-01, v34  }
0x1d4: {  	v40 =	vbroadcast v50, $0xF;
	v36 =	vsub.s32 $0x5F3759DF, v36;
	v33 =	vmul.f32 v33, v37  }
0x1d5: {  	v25 =	vadd.f32 v25, v1;
	v32 =	vbroadcast v32, $0xF;
	v34 =	vmul.f32 v36, v39  }
0x1d6: {  	v23 =	vsub.f32 v23, v40;
	v26 =	vmul.f32 v35, v26;
	v37 =	vmul.f32 v33, v4  }
0x1d7: {  	v41 =	vshra.s32 v32, $0x1;
	v32 =	vmul.f32 $5.000000000e-01, v32;
	v34 =	vmul.f32 v36, v34;
	[tilespmem:s29+$0x12490] =	vst v25  }
0x1d8: {  	v25 =	vsub.f32 $1.500000000e+00, v26;
	v26 =	vsub.s32 $0x5F3759DF, v41;
	v23 =	vmul.f32 v37, v23  }
0x1d9: {  	v42 =	vmul.f32 v33, v7;
	v41 =	vmul.f32 v26, v32;
	v37 =	vsub.f32 $1.500000000e+00, v34  }
0x1da: {  	v43 =	vmul.f32 v33, v6;
	v34 =	vmul.f32 v35, v25;
	v23 =	vadd.f32 v23, v0  }
0x1db: {  	v25 =	vmul.f32 v26, v41;
	v35 =	vmul.f32 v36, v37;
	v36 =	vsub.f32 v12, v40  }
.Ltmp1:
0x1dc: {  	s1 =	sshra.s32 s30, $0x2;
	v44 =	vmul.f32 v33, v5;
	v41 =	vsub.f32 v13, v40;
	v37 =	vmul.f32 v34, v38;
	[tilespmem:s28+$0x125B0] =	vst v23;
	(pc) =	sbr.rel @p0 .LBB2_4-.Ltmp1, $4  }
0x1dd: {  	v33 =	vsub.f32 $1.500000000e+00, v25;
	v12 =	vld [tilespmem:s1+$0xA580];
	v23 =	vmul.f32 v35, v39;
	v39 =	vsub.f32 v11, v40  }
0x1de: {  	v37 =	vmul.f32 v37, v34;
	v25 =	vmul.f32 v42, v36;
	v40 =	vadd.f32 v24, v2;
	v13 =	vld [tilespmem:s1+$0xA590]  }
0x1df: {  	v38 =	vadd.f32 v31, v0;
	v33 =	vmul.f32 v26, v33;
	v11 =	vld [tilespmem:s1+$0xA5A0];
	v36 =	vmul.f32 v23, v35  }
0x1e0: {  	s30 =	sadd.s32 $0x800, s30;
	v26 =	vmul.f32 v43, v41;
	v37 =	vsub.f32 $1.500000000e+00, v37;
	v24 =	vmul.f32 v44, v39;
	v23 =	vld [tilespmem:s1+$0xA5B0];
	[tilespmem:s29+$0x124A0] =	vst v40  }
0x1e1: {  	v27 =	vadd.f32 v27, v3;
	v28 =	vadd.f32 v28, v1  }
0x1e2: {  	v31 =	vld [tilespmem:s1+$0xA400];
	[tilespmem:s29+$0x124B0] =	vst v38;
	v48 =	vsub.f32 $1.500000000e+00, v36;
	v29 =	vadd.f32 v29, v2  }
0x1e3: {  	v32 =	vmul.f32 v33, v32;
	v30 =	vadd.f32 v30, v0;
	v25 =	vadd.f32 v25, v3;
	v38 =	vld [tilespmem:s1+$0xA410]  }
0x1e4: {  	v39 =	vld [tilespmem:s1+$0xA420];
	v51 =	vmul.f32 v12, v12;
	v26 =	vadd.f32 v26, v1;
	[tilespmem:s29+$0x12500] =	vst v27;
	v27 =	vmul.f32 v48, v35  }
0x1e5: {  	v32 =	vmul.f32 v32, v33;
	v49 =	vadd.f32 v13, v12;
	v36 =	vld [tilespmem:s1+$0xA430];
	[tilespmem:s29+$0x12510] =	vst v28;
	v28 =	vmul.f32 v37, v34  }
0x1e6: {  	v40 =	vmul.f32 v13, v13;
	v42 =	vmul.f32 v11, v11;
	v34 =	vld [tilespmem:s1+$0xA480];
	[tilespmem:s29+$0x12520] =	vst v29;
	v50 =	vadd.f32 v23, v11  }
0x1e7: {  	v43 =	vmul.f32 v23, v23;
	v32 =	vsub.f32 $1.500000000e+00, v32;
	v41 =	vld [tilespmem:s1+$0xA490];
	[tilespmem:s29+$0x12530] =	vst v30;
	v30 =	vmul.f32 v28, v7  }
0x1e8: {  	v37 =	vadd.f32 v40, v51;
	v35 =	vmul.f32 v28, v6;
	v53 =	vmul.f32 v31, v31  }
0x1e9: {  	v44 =	vadd.f32 v38, v31;
	v29 =	vadd.f32 v50, v49;
	v54 =	vmul.f32 v38, v38  }
0x1ea: {  	v45 =	vld [tilespmem:s1+$0xA4A0];
	v52 =	vadd.f32 v43, v42;
	v49 =	vmul.f32 v39, v39;
	v32 =	vmul.f32 v32, v33  }
0x1eb: {  	v46 =	vld [tilespmem:s1+$0xA4B0];
	v16 =	vmul.f32 v30, v16;
	v17 =	vmul.f32 v35, v17;
	v47 =	vadd.f32 v36, v39  }
0x1ec: {  	v48 =	vld [tilespmem:s1+$0xA500];
	v50 =	vmul.f32 v36, v36;
	(xrf2) =	vadd.scan.msk.f32 $0xffff, v29;
	v37 =	vadd.f32 v52, v37;
	v52 =	vmul.f32 v28, v5  }
0x1ed: {  	v29 =	vld [tilespmem:s1+$0xA510];
	v55 =	vadd.f32 v54, v53;
	v28 =	vmul.f32 v28, v4;
	v54 =	vmul.f32 v27, v7  }
0x1ee: {  	v56 =	vmul.f32 v34, v34;
	v57 =	vadd.f32 v47, v44;
	v44 =	vld [tilespmem:s1+$0xA520];
	v58 =	vadd.f32 v41, v34;
	(xrf2) =	vadd.scan.msk.f32 $0xffff, v37  }
0x1ef: {  	v51 =	vmul.f32 v41, v41;
	v49 =	vadd.f32 v50, v49;
	v50 =	vld [tilespmem:s1+$0xA530];
	v19 =	vmul.f32 v52, v19  }
0x1f0: {  	v20 =	vmul.f32 v28, v20;
	v18 =	vmul.f32 v54, v18;
	v60 =	vadd.f32 v46, v45  }
0x1f1: {  	v24 =	vadd.f32 v24, v2;
	v59 =	vmul.f32 v45, v45;
	v61 =	vmul.f32 v46, v46;
	(xrf2) =	vadd.scan.msk.f32 $0xffff, v57  }
0x1f2: {  	v62 =	vmul.f32 v48, v48;
	v42 =	vadd.f32 v51, v56;
	v33 =	vadd.f32 v60, v58  }
0x1f3: {  	v40 =	vadd.f32 v49, v55;
	v19 =	vadd.f32 v19, v2;
	v56 =	vmul.f32 v29, v29  }
0x1f4: {  	v55 =	vmul.f32 v32, v7;
	v63 =	vadd.f32 v29, v48;
	v53 =	vadd.f32 v50, v44;
	(xrf2) =	vadd.scan.msk.f32 $0xffff, v33  }
0x1f5: {  	v37 =	vadd.f32 v61, v59;
	v57 =	vmul.f32 v44, v44;
	v47 =	vadd.f32 v56, v62  }
0x1f6: {  	v58 =	vmul.f32 v50, v50;
	v33 =	vmul.f32 v27, v6;
	v43 =	vadd.f32 v53, v63;
	v59, _, _ =	vpop (xrf2)  }
0x1f7: {  	v37 =	vadd.f32 v37, v42;
	v56 =	vmul.f32 v32, v5;
	v42 =	vmul.f32 $1.562500000e-02, v59  }
0x1f8: {  	v20 =	vadd.f32 v20, v0;
	v53 =	vmul.f32 v27, v5;
	v27 =	vmul.f32 v27, v4;
	(xrf2) =	vadd.scan.msk.f32 $0xffff, v43;
	v60, _, _ =	vpop (xrf2)  }
0x1f9: {  	v18 =	vadd.f32 v18, v3;
	(xrf2) =	vadd.scan.msk.f32 $0xffff, v40;
	v61 =	vmul.f32 $1.562500000e-02, v60;
	v62 =	vmul.f32 v42, v42  }
0x1fa: {  	v49 =	vadd.f32 v58, v57;
	v21 =	vmul.f32 v33, v21;
	v33 =	vadd.f32 v16, v3  }
0x1fb: {  	v8 =	vmul.f32 v56, v8;
	v43 =	vmul.f32 v32, v6;
	v40, _, _ =	vpop (xrf2);
	(xrf2) =	vadd.scan.msk.f32 $0xffff, v37;
	v63 =	vsub.f32 v61, v62  }
0x1fc: {  	v32 =	vmul.f32 v32, v4;
	v47 =	vadd.f32 v49, v47;
	v22 =	vmul.f32 v53, v22  }
0x1fd: {  	v27 =	vmul.f32 v27, v15;
	v43 =	vmul.f32 v43, v9;
	v30 =	vadd.f32 $9.999999740e-06, v63  }
0x1fe: {  	v21 =	vadd.f32 v21, v1;
	v14 =	vmul.f32 v32, v14;
	v49 =	vmul.f32 $1.562500000e-02, v40;
	v52, _, _ =	vpop (xrf2);
	(xrf2) =	vadd.scan.msk.f32 $0xffff, v47  }
0x1ff: {  	v8 =	vadd.f32 v8, v2;
	v40 =	vmul.f32 v55, v10;
	v30 =	vbroadcast v30, $0xF  }
0x200: {  	v37 =	vadd.f32 v17, v1;
	v51 =	vbroadcast v49, $0xF;
	v35 =	vmul.f32 $1.562500000e-02, v52  }
0x201: {  	v28 =	vmul.f32 v49, v49;
	v53 =	vshra.s32 v30, $0x1;
	v30 =	vmul.f32 $5.000000000e-01, v30  }
0x202: {  	v31 =	vsub.f32 v31, v51;
	v57 =	vbroadcast v35, $0xF;
	v54, _, _ =	vpop (xrf2);
	v58 =	vsub.s32 $0x5F3759DF, v53  }
0x203: {  	v17 =	vsub.f32 v38, v51;
	v35 =	vmul.f32 v35, v35;
	v60, _, _ =	vpop (xrf2);
	v15 =	vmul.f32 v58, v30  }
0x204: {  	v39 =	vsub.f32 v39, v51;
	v38 =	vmul.f32 $1.562500000e-02, v54;
	v49 =	vmul.f32 $1.562500000e-02, v60  }
0x205: {  	v34 =	vsub.f32 v34, v57;
	v41 =	vsub.f32 v41, v57;
	v52, _, _ =	vpop (xrf2);
	v61 =	vmul.f32 v58, v15  }
0x206: {  	v15 =	vsub.f32 v46, v57;
	v62 =	vsub.f32 v49, v28;
	v46 =	vmul.f32 $1.562500000e-02, v52  }
0x207: {  	v45 =	vsub.f32 v45, v57;
	v59 =	vbroadcast v38, $0xF;
	v63 =	vsub.f32 $1.500000000e+00, v61  }
0x208: {  	v38 =	vmul.f32 v38, v38;
	v53 =	vadd.f32 $9.999999740e-06, v62;
	v54, _, _ =	vpop (xrf2);
	v35 =	vsub.f32 v46, v35  }
0x209: {  	v48 =	vsub.f32 v48, v59;
	v9 =	vsub.f32 v29, v59;
	v55 =	vmul.f32 $1.562500000e-02, v54  }
0x20a: {  	v28 =	vmul.f32 v58, v63;
	v29 =	vbroadcast v53, $0xF;
	v35 =	vadd.f32 $9.999999740e-06, v35  }
0x20b: {  	v42 =	vbroadcast v42, $0xF;
	v10 =	vsub.f32 v44, v59;
	v38 =	vsub.f32 v55, v38  }
0x20c: {  	v30 =	vmul.f32 v28, v30;
	v56 =	vshra.s32 v29, $0x1;
	v35 =	vbroadcast v35, $0xF  }
0x20d: {  	v29 =	vmul.f32 $5.000000000e-01, v29;
	v38 =	vadd.f32 $9.999999740e-06, v38;
	v57 =	vsub.s32 $0x5F3759DF, v56  }
0x20e: {  	v30 =	vmul.f32 v30, v28;
	v58 =	vshra.s32 v35, $0x1;
	v35 =	vmul.f32 $5.000000000e-01, v35  }
0x20f: {  	v44 =	vmul.f32 v57, v29;
	v38 =	vbroadcast v38, $0xF;
	v46 =	vsub.s32 $0x5F3759DF, v58  }
0x210: {  	v16 =	vsub.f32 v50, v59;
	v30 =	vsub.f32 $1.500000000e+00, v30;
	v60 =	vmul.f32 v46, v35  }
0x211: {  	v44 =	vmul.f32 v57, v44;
	v59 =	vshra.s32 v38, $0x1;
	v38 =	vmul.f32 $5.000000000e-01, v38  }
0x212: {  	[tilespmem:s28+$0x12580] =	vst v25;
	v36 =	vsub.f32 v36, v51;
	v28 =	vmul.f32 v30, v28;
	v30 =	vsub.s32 $0x5F3759DF, v59  }
0x213: {  	[tilespmem:s28+$0x12590] =	vst v26;
	v51 =	vmul.f32 v46, v60;
	v44 =	vsub.f32 $1.500000000e+00, v44;
	v63 =	vmul.f32 v30, v38  }
0x214: {  	[tilespmem:s28+$0x125A0] =	vst v24;
	v61 =	vsub.f32 v23, v42;
	v62 =	vmul.f32 v28, v4;
	v54 =	vmul.f32 v28, v7  }
0x215: {  	[tilespmem:s28+$0x12420] =	vst v19;
	v53 =	vsub.f32 $1.500000000e+00, v51;
	v32 =	vmul.f32 v57, v44;
	v55 =	vmul.f32 v28, v6  }
0x216: {  	[tilespmem:s28+$0x12430] =	vst v20;
	v59 =	vsub.f32 v13, v42;
	v52 =	vmul.f32 v30, v63;
	v23 =	vmul.f32 v62, v61  }
0x217: {  	[tilespmem:s28+$0x12480] =	vst v18;
	v57 =	vsub.f32 v12, v42;
	v56 =	vmul.f32 v46, v53;
	v58 =	vmul.f32 v32, v29  }
0x218: {  	[tilespmem:s28+$0x12400] =	vst v33;
	v60 =	vmul.f32 v28, v5;
	v63 =	vadd.f32 v22, v2;
	v24 =	vsub.f32 $1.500000000e+00, v52  }
0x219: {  	[tilespmem:s28+$0x12490] =	vst v21;
	v23 =	vadd.f32 v23, v0;
	v61 =	vmul.f32 v56, v35;
	v25 =	vmul.f32 v58, v32  }
0x21a: {  	[tilespmem:s28+$0x12410] =	vst v37;
	v62 =	vsub.f32 v11, v42;
	v12 =	vmul.f32 v54, v57;
	v24 =	vmul.f32 v30, v24  }
0x21b: {  	v29 =	vadd.f32 v27, v0;
	[tilespmem:s1+$0x125B0] =	vst v23;
	v18 =	vmul.f32 v61, v56;
	v25 =	vsub.f32 $1.500000000e+00, v25  }
0x21c: {  	v13 =	vmul.f32 v55, v59;
	v30 =	vadd.f32 v40, v3;
	v28 =	vmul.f32 v24, v38;
	[tilespmem:s28+$0x124A0] =	vst v63  }
0x21d: {  	v35 =	vadd.f32 v43, v1;
	[tilespmem:s28+$0x124B0] =	vst v29;
	v18 =	vsub.f32 $1.500000000e+00, v18;
	v33 =	vmul.f32 v25, v32  }
0x21e: {  	v14 =	vadd.f32 v14, v0;
	v11 =	vmul.f32 v60, v62;
	[tilespmem:s28+$0x12500] =	vst v30;
	v22 =	vmul.f32 v28, v24  }
0x21f: {  	v12 =	vadd.f32 v12, v3;
	[tilespmem:s28+$0x12510] =	vst v35;
	v18 =	vmul.f32 v18, v56;
	v38 =	vmul.f32 v33, v7  }
0x220: {  	v13 =	vadd.f32 v13, v1;
	[tilespmem:s28+$0x12520] =	vst v8;
	v40 =	vmul.f32 v33, v6;
	v42 =	vmul.f32 v33, v5  }
0x221: {  	v11 =	vadd.f32 v11, v2;
	[tilespmem:s28+$0x12530] =	vst v14;
	v43 =	vmul.f32 v33, v4;
	v19 =	vmul.f32 v38, v31  }
0x222: {  	[tilespmem:s1+$0x12580] =	vst v12;
	v37 =	vsub.f32 $1.500000000e+00, v22;
	v44 =	vmul.f32 v40, v17;
	v46 =	vmul.f32 v18, v7  }
0x223: {  	[tilespmem:s1+$0x12590] =	vst v13;
	v47 =	vmul.f32 v42, v39;
	v50 =	vmul.f32 v18, v6;
	v49 =	vadd.f32 v19, v3  }
0x224: {  	[tilespmem:s1+$0x125A0] =	vst v11;
	v20 =	vmul.f32 v43, v36;
	v52 =	vmul.f32 v18, v5;
	v51 =	vadd.f32 v44, v1  }
0x225: {  	v8 =	vmul.f32 v37, v24;
	v17 =	vmul.f32 v46, v34;
	v13 =	vadd.f32 v47, v2;
	[tilespmem:s1+$0x12400] =	vst v49  }
0x226: {  	v53 =	vmul.f32 v18, v4;
	v54 =	vmul.f32 v50, v41;
	v55 =	vadd.f32 v20, v0;
	[tilespmem:s1+$0x12410] =	vst v51  }
0x227: {  	v12 =	vmul.f32 v52, v45;
	v56 =	vmul.f32 v8, v7;
	[tilespmem:s1+$0x12420] =	vst v13;
	v57 =	vadd.f32 v17, v3  }
0x228: {  	v14 =	vmul.f32 v53, v15;
	v58 =	vmul.f32 v8, v6;
	[tilespmem:s1+$0x12430] =	vst v55;
	v59 =	vadd.f32 v54, v1  }
0x229: {  	v60 =	vmul.f32 v8, v5;
	v12 =	vadd.f32 v12, v2;
	v61 =	vmul.f32 v56, v48;
	[tilespmem:s1+$0x12480] =	vst v57  }
0x22a: {  	v8 =	vmul.f32 v8, v4;
	v62 =	vadd.f32 v14, v0;
	v9 =	vmul.f32 v58, v9;
	[tilespmem:s1+$0x12490] =	vst v59  }
0x22b: {  	v10 =	vmul.f32 v60, v10;
	[tilespmem:s1+$0x124A0] =	vst v12;
	v63 =	vadd.f32 v61, v3  }
0x22c: {  	v8 =	vmul.f32 v8, v16;
	[tilespmem:s1+$0x124B0] =	vst v62;
	v9 =	vadd.f32 v9, v1  }
0x22d: {  	v10 =	vadd.f32 v10, v2;
	[tilespmem:s1+$0x12500] =	vst v63  }
0x22e: {  	v8 =	vadd.f32 v8, v0;
	[tilespmem:s1+$0x12510] =	vst v9  }
0x22f: {  	[tilespmem:s1+$0x12520] =	vst v10  }
0x230: {  	[tilespmem:s1+$0x12530] =	vst v8  }
0x231: {  	[hbm4b:s9+s2] =	stream.linear.scatter [tilespmem:s22], [sflag:$0x4], $0x4000, $0x38;
	[tilespmem:$0x16480] =	vst v63  }
0x232: {  	s28 =	simm.s32 $0x1  }
0x233: {  	[tilespmem:s17], [sflag:$0x2] =	stream.indirect.gather [hbm4b:s3+s15], $0x80, s23, s15, $0xb8;
	[tilespmem:$0x16480] =	vst v63  }
.LBB2_6:
0x234: {  	_ =	swait.ge [sflag:s18], $0x4000  }
0x235: {  	[sflag:s18] =	ssyncset.done $0x0  }
0x236: {  	[sflag:s18] =	ssyncadd.s32 $0xFFFFC000  }
0x237: {  	_ =	swait.ge [sflag:s24], $0x4000  }
0x238: {  	[sflag:s24] =	ssyncset.done $0x0  }
0x239: {  	s30 =	simm.s32 $0x0;
	[sflag:s24] =	ssyncadd.s32 $0xFFFFC000  }
0x23a: {  	v11 =	vld [tilespmem:s30+$0x6580]  }
0x23b: {  	v13 =	vld [tilespmem:s30+$0x6590]  }
0x23c: {  	v10 =	vld [tilespmem:s30+$0x65A0]  }
0x23d: {  	v12 =	vld [tilespmem:s30+$0x65B0];
	_ =	sdelay $0x3  }
0x23e: {  	v8 =	vadd.f32 v13, v11  }
0x23f: {  	v9 =	vld [tilespmem:s30+$0x6400];
	v14 =	vadd.f32 v12, v10;
	v15 =	vmul.f32 v11, v11;
	v16 =	vmul.f32 v13, v13  }
0x240: {  	v20 =	vld [tilespmem:s30+$0x6410];
	v17 =	vmul.f32 v10, v10;
	v18 =	vmul.f32 v12, v12  }
0x241: {  	v21 =	vld [tilespmem:s30+$0x6420];
	v8 =	vadd.f32 v14, v8  }
0x242: {  	v22 =	vld [tilespmem:s30+$0x6480];
	v15 =	vadd.f32 v16, v15;
	v16 =	vadd.f32 v18, v17  }
0x243: {  	v23 =	vld [tilespmem:s30+$0x6490]  }
0x244: {  	v14 =	vld [tilespmem:s30+$0x6430];
	(xrf2) =	vadd.scan.msk.f32 $0xffff, v8;
	v8 =	vadd.f32 v16, v15  }
0x245: {  	v24 =	vld [tilespmem:s30+$0x64A0]  }
0x246: {  	v25 =	vld [tilespmem:s30+$0x64B0];
	(xrf2) =	vadd.scan.msk.f32 $0xffff, v8  }
0x247: {  	v26 =	vld [tilespmem:s30+$0x6500]  }
0x248: {  	v19 =	vld [tilespmem:s30+$0x6510];
	v15 =	vmul.f32 v20, v20  }
0x249: {  	v18 =	vld [tilespmem:s30+$0x6520];
	v16 =	vadd.f32 v20, v9;
	v8 =	vmul.f32 v9, v9;
	v27 =	vadd.f32 v14, v21  }
0x24a: {  	v28 =	vmul.f32 v21, v21;
	v17 =	vld [tilespmem:s30+$0x6530];
	v29 =	vmul.f32 v14, v14  }
0x24b: {  	v8 =	vadd.f32 v15, v8;
	v15 =	vmul.f32 v22, v22;
	v16 =	vadd.f32 v27, v16  }
0x24c: {  	v27 =	vmul.f32 v23, v23;
	v28 =	vadd.f32 v29, v28;
	v29 =	vmul.f32 v24, v24  }
0x24d: {  	v30 =	vadd.f32 v23, v22  }
0x24e: {  	v31 =	vadd.f32 v25, v24;
	v15 =	vadd.f32 v27, v15;
	v27 =	vmul.f32 v25, v25;
	v32, _, _ =	vpop (xrf2)  }
0x24f: {  	v33 =	vadd.f32 v19, v26;
	v34 =	vadd.f32 v17, v18;
	v32 =	vmul.f32 $1.562500000e-02, v32  }
0x250: {  	v30 =	vadd.f32 v31, v30;
	v27 =	vadd.f32 v27, v29;
	v29, _, _ =	vpop (xrf2)  }
0x251: {  	(xrf2) =	vadd.scan.msk.f32 $0xffff, v16;
	v16 =	vadd.f32 v34, v33;
	v29 =	vmul.f32 $1.562500000e-02, v29;
	v31 =	vmul.f32 v32, v32  }
0x252: {  	v35 =	vmul.f32 v26, v26;
	v8 =	vadd.f32 v28, v8;
	v28 =	vmul.f32 v19, v19;
	(xrf2) =	vadd.scan.msk.f32 $0xffff, v30  }
0x253: {  	v42 =	vmul.f32 v18, v18;
	v30 =	vmul.f32 v17, v17;
	(xrf2) =	vadd.scan.msk.f32 $0xffff, v16;
	v16 =	vsub.f32 v29, v31  }
0x254: {  	v15 =	vadd.f32 v27, v15;
	v27 =	vadd.f32 v28, v35;
	(xrf2) =	vadd.scan.msk.f32 $0xffff, v8  }
0x255: {  	v8 =	vadd.f32 v30, v42;
	v16 =	vadd.f32 $9.999999740e-06, v16  }
0x256: {  	(xrf2) =	vadd.scan.msk.f32 $0xffff, v15  }
0x257: {  	v8 =	vadd.f32 v8, v27;
	v15 =	vbroadcast v16, $0xF;
	_ =	sdelay $0x1  }
0x258: {  	(xrf2) =	vadd.scan.msk.f32 $0xffff, v8;
	v8 =	vshra.s32 v15, $0x1;
	v15 =	vmul.f32 $5.000000000e-01, v15  }
0x259: {  	v8 =	vsub.s32 $0x5F3759DF, v8  }
0x25a: {  	v16, _, _ =	vpop (xrf2);
	v27 =	vmul.f32 v8, v15  }
0x25b: {  	v28, _, _ =	vpop (xrf2)  }
0x25c: {  	v16 =	vmul.f32 $1.562500000e-02, v16;
	v29, _, _ =	vpop (xrf2);
	v27 =	vmul.f32 v8, v27  }
0x25d: {  	v32 =	vbroadcast v32, $0xF;
	v28 =	vmul.f32 $1.562500000e-02, v28;
	v31, _, _ =	vpop (xrf2)  }
0x25e: {  	v30 =	vbroadcast v16, $0xF;
	v31 =	vmul.f32 $1.562500000e-02, v31;
	v27 =	vsub.f32 $1.500000000e+00, v27  }
0x25f: {  	v16 =	vmul.f32 v16, v16;
	v43, _, _ =	vpop (xrf2);
	v44 =	vmul.f32 v28, v28  }
0x260: {  	v12 =	vsub.f32 v12, v32;
	v33 =	vmul.f32 $1.562500000e-02, v43;
	v27 =	vmul.f32 v8, v27  }
0x261: {  	v16 =	vsub.f32 v31, v16;
	v8 =	vsub.f32 v20, v30  }
0x262: {  	v20 =	vmul.f32 $1.562500000e-02, v29;
	v29 =	vsub.f32 v33, v44;
	v31, _, _ =	vpop (xrf2);
	v45 =	vmul.f32 v27, v15  }
0x263: {  	v9 =	vsub.f32 v9, v30;
	v16 =	vadd.f32 $9.999999740e-06, v16;
	v31 =	vmul.f32 $1.562500000e-02, v31  }
0x264: {  	v46 =	vmul.f32 v20, v20;
	v29 =	vadd.f32 $9.999999740e-06, v29;
	v33 =	vmul.f32 v45, v27  }
0x265: {  	v15 =	vsub.f32 v21, v30;
	v21 =	vbroadcast v16, $0xF;
	v16 =	vsub.f32 v14, v30  }
0x266: {  	v30 =	vbroadcast v20, $0xF;
	v20 =	vsub.f32 v31, v46;
	v31 =	vsub.f32 $1.500000000e+00, v33  }
0x267: {  	v28 =	vbroadcast v28, $0xF;
	v14 =	vbroadcast v29, $0xF;
	v29 =	vshra.s32 v21, $0x1  }
0x268: {  	v47 =	vmul.f32 $5.000000000e-01, v21;
	v29 =	vsub.s32 $0x5F3759DF, v29;
	v27 =	vmul.f32 v31, v27  }
0x269: {  	v48 =	vmul.f32 $5.000000000e-01, v14;
	v14 =	vshra.s32 v14, $0x1;
	v20 =	vadd.f32 $9.999999740e-06, v20  }
0x26a: {  	v14 =	vsub.s32 $0x5F3759DF, v14;
	v31 =	vmul.f32 v29, v47;
	v36 =	vmul.f32 v27, v4  }
0x26b: {  	v52 =	vsub.f32 v13, v32;
	v49 =	vmul.f32 v14, v48;
	v20 =	vbroadcast v20, $0xF  }
0x26c: {  	v21 =	vsub.f32 v22, v28;
	v31 =	vmul.f32 v29, v31;
	v12 =	vmul.f32 v36, v12  }
0x26d: {  	v22 =	vsub.f32 v23, v28;
	v23 =	vmul.f32 v14, v49;
	v50 =	vshra.s32 v20, $0x1  }
0x26e: {  	v51 =	vmul.f32 $5.000000000e-01, v20;
	v20 =	vsub.f32 $1.500000000e+00, v31;
	v12 =	vadd.f32 v12, v0  }
0x26f: {  	v10 =	vsub.f32 v10, v32;
	v31 =	vsub.s32 $0x5F3759DF, v50;
	v23 =	vsub.f32 $1.500000000e+00, v23  }
0x270: {  	s29 =	simm.s32 $0x200;
	v35 =	vsub.f32 v24, v28;
	v24 =	vmul.f32 v31, v51;
	v29 =	vmul.f32 v29, v20;
	[tilespmem:s30+$0xE5B0] =	vst v12  }
0x271: {  	v20 =	vsub.f32 v25, v28;
	v25 =	vmul.f32 v27, v7;
	v37 =	vmul.f32 v14, v23;
	v12 =	vld [tilespmem:s29+$0x6580]  }
0x272: {  	v23 =	vsub.f32 v26, v30;
	v26 =	vmul.f32 v27, v6;
	v14 =	vmul.f32 v31, v24;
	v13 =	vld [tilespmem:s29+$0x6590]  }
0x273: {  	v28 =	vsub.f32 v11, v32;
	v27 =	vmul.f32 v27, v5;
	v24 =	vmul.f32 v29, v47;
	v11 =	vld [tilespmem:s29+$0x65A0]  }
0x274: {  	v34 =	vmul.f32 v37, v48;
	v38 =	vsub.f32 $1.500000000e+00, v14;
	v14 =	vld [tilespmem:s29+$0x65B0]  }
0x275: {  	v10 =	vmul.f32 v27, v10;
	v27 =	vld [tilespmem:s29+$0x6400];
	v24 =	vmul.f32 v24, v29  }
0x276: {  	v32 =	vmul.f32 v25, v28;
	v33 =	vld [tilespmem:s29+$0x6410]  }
0x277: {  	v36 =	vld [tilespmem:s29+$0x6430];
	v25 =	vmul.f32 v34, v37;
	v31 =	vmul.f32 v31, v38;
	v24 =	vsub.f32 $1.500000000e+00, v24  }
0x278: {  	v28 =	vsub.f32 v19, v30;
	v19 =	vmul.f32 v26, v52;
	v26 =	vsub.f32 v18, v30;
	v43 =	vld [tilespmem:s29+$0x6490]  }
0x279: {  	v44 =	vld [tilespmem:s29+$0x64B0];
	v25 =	vsub.f32 $1.500000000e+00, v25;
	v18 =	vmul.f32 v31, v51;
	v29 =	vmul.f32 v24, v29  }
0x27a: {  	v47 =	vld [tilespmem:s29+$0x6500];
	v24 =	vsub.f32 v17, v30;
	v17 =	vmul.f32 v12, v12;
	v53 =	vmul.f32 v13, v13  }
0x27b: {  	v50 =	vld [tilespmem:s29+$0x6520];
	v54 =	vmul.f32 v11, v11;
	v39 =	vmul.f32 v14, v14  }
0x27c: {  	v41 =	vld [tilespmem:s29+$0x6480];
	v40 =	vadd.f32 v13, v12;
	v37 =	vmul.f32 v25, v37;
	v56 =	vmul.f32 v27, v27  }
0x27d: {  	v30 =	vld [tilespmem:s29+$0x6420];
	v42 =	vadd.f32 v14, v11;
	v57 =	vmul.f32 v33, v33;
	v48 =	vmul.f32 v36, v36  }
0x27e: {  	v38 =	vld [tilespmem:s29+$0x64A0];
	v49 =	vmul.f32 v43, v43;
	v60 =	vmul.f32 v44, v44;
	v17 =	vadd.f32 v53, v17  }
0x27f: {  	v18 =	vmul.f32 v18, v31;
	v25 =	vadd.f32 v39, v54;
	v55 =	vadd.f32 v42, v40  }
0x280: {  	v32 =	vadd.f32 v32, v3;
	v61 =	vmul.f32 v47, v47;
	v63 =	vmul.f32 v50, v50  }
0x281: {  	v34 =	vmul.f32 v29, v7;
	v18 =	vsub.f32 $1.500000000e+00, v18;
	v17 =	vadd.f32 v25, v17;
	(xrf2) =	vadd.scan.msk.f32 $0xffff, v55  }
0x282: {  	v45 =	vmul.f32 v29, v6;
	v42 =	vld [tilespmem:s29+$0x6510];
	v25 =	vadd.f32 v33, v27;
	v46 =	vadd.f32 v36, v30  }
0x283: {  	v51 =	vadd.f32 v43, v41;
	v59 =	vmul.f32 v38, v38;
	v58 =	vmul.f32 v30, v30;
	(xrf2) =	vadd.scan.msk.f32 $0xffff, v17  }
0x284: {  	v18 =	vmul.f32 v18, v31;
	v31 =	vadd.f32 v44, v38;
	v46 =	vadd.f32 v46, v25  }
0x285: {  	v40 =	vadd.f32 v57, v56;
	v55 =	vmul.f32 v37, v5;
	v9 =	vmul.f32 v34, v9;
	v25 =	vld [tilespmem:s29+$0x6530]  }
0x286: {  	v17 =	vmul.f32 v41, v41;
	v39 =	vadd.f32 v48, v58;
	v31 =	vadd.f32 v31, v51;
	(xrf2) =	vadd.scan.msk.f32 $0xffff, v46  }
0x287: {  	v62 =	vadd.f32 v42, v47;
	v52 =	vmul.f32 v42, v42;
	v48 =	vadd.f32 v60, v59  }
0x288: {  	v8 =	vmul.f32 v45, v8;
	v17 =	vadd.f32 v49, v17;
	v39 =	vadd.f32 v39, v40  }
0x289: {  	v46 =	vmul.f32 v29, v5;
	v29 =	vmul.f32 v29, v4;
	v40 =	vadd.f32 v52, v61  }
0x28a: {  	v52 =	vmul.f32 v37, v6;
	(xrf2) =	vadd.scan.msk.f32 $0xffff, v31;
	v31 =	vmul.f32 v37, v7;
	v53 =	vadd.f32 v25, v50  }
0x28b: {  	v37 =	vmul.f32 v37, v4;
	v17 =	vadd.f32 v48, v17;
	v54 =	vmul.f32 v25, v25;
	v59, _, _ =	vpop (xrf2)  }
0x28c: {  	v48 =	vmul.f32 v18, v7;
	v51 =	vadd.f32 v53, v62;
	v53 =	vmul.f32 $1.562500000e-02, v59  }
0x28d: {  	v15 =	vmul.f32 v46, v15;
	v34 =	vmul.f32 v52, v22;
	v49 =	vadd.f32 v54, v63;
	v56, _, _ =	vpop (xrf2)  }
0x28e: {  	v46 =	vadd.f32 v10, v2;
	(xrf2) =	vadd.scan.msk.f32 $0xffff, v51;
	v60 =	vmul.f32 $1.562500000e-02, v56;
	v61 =	vmul.f32 v53, v53  }
0x28f: {  	v52 =	vmul.f32 v55, v35;
	v51 =	vmul.f32 v18, v6;
	v40 =	vadd.f32 v49, v40;
	(xrf2) =	vadd.scan.msk.f32 $0xffff, v39  }
0x290: {  	v49 =	vmul.f32 v18, v5;
	v56 =	vmul.f32 v18, v4;
	v18 =	vsub.f32 v60, v61;
	v62, _, _ =	vpop (xrf2)  }
0x291: {  	v35 =	vadd.f32 v9, v3;
	v63 =	vmul.f32 v29, v16;
	v16 =	vmul.f32 $1.562500000e-02, v62  }
0x292: {  	v31 =	vmul.f32 v31, v21;
	v55 =	vadd.f32 v15, v2;
	(xrf2) =	vadd.scan.msk.f32 $0xffff, v17;
	v18 =	vadd.f32 $9.999999740e-06, v18  }
0x293: {  	v37 =	vmul.f32 v37, v20;
	v34 =	vadd.f32 v34, v1;
	v54 =	vadd.f32 v8, v1  }
0x294: {  	v31 =	vadd.f32 v31, v3;
	v63 =	vadd.f32 v63, v0;
	v17 =	vbroadcast v18, $0xF  }
0x295: {  	v39 =	vadd.f32 v19, v1;
	v10 =	vbroadcast v16, $0xF;
	v9 =	vmul.f32 v16, v16;
	v16, _, _ =	vpop (xrf2)  }
0x296: {  	(xrf2) =	vadd.scan.msk.f32 $0xffff, v40;
	v8 =	vmul.f32 $1.562500000e-02, v16;
	v15 =	vshra.s32 v17, $0x1;
	v57 =	vmul.f32 $5.000000000e-01, v17  }
0x297: {  	v19 =	vsub.f32 v30, v10;
	v20 =	vsub.f32 v36, v10;
	v29 =	vsub.s32 $0x5F3759DF, v15  }
0x298: {  	v16 =	vsub.f32 v27, v10;
	v18, _, _ =	vpop (xrf2);
	v27 =	vbroadcast v8, $0xF;
	v21 =	vmul.f32 v29, v57  }
0x299: {  	v17 =	vsub.f32 v33, v10;
	v15 =	vmul.f32 $1.562500000e-02, v18;
	v8 =	vmul.f32 v8, v8;
	v10, _, _ =	vpop (xrf2)  }
0x29a: {  	v10 =	vmul.f32 $1.562500000e-02, v10;
	v18 =	vsub.f32 v41, v27;
	v30 =	vmul.f32 v29, v21  }
0x29b: {  	v33 =	vbroadcast v15, $0xF;
	v21 =	vsub.f32 v43, v27;
	v22 =	vsub.f32 v38, v27  }
0x29c: {  	v58 =	vmul.f32 v15, v15;
	v15 =	vsub.f32 v44, v27;
	v59, _, _ =	vpop (xrf2);
	v30 =	vsub.f32 $1.500000000e+00, v30  }
0x29d: {  	v27 =	vmul.f32 v48, v23;
	v23 =	vsub.f32 v10, v9;
	v38 =	vmul.f32 $1.562500000e-02, v59  }
0x29e: {  	v28 =	vmul.f32 v51, v28;
	v10 =	vsub.f32 v47, v33;
	v60 =	vmul.f32 v29, v30  }
0x29f: {  	v23 =	vadd.f32 $9.999999740e-06, v23;
	v30 =	vsub.f32 v38, v8;
	v29 =	vmul.f32 v49, v26  }
0x2a0: {  	v9 =	vsub.f32 v42, v33;
	v49 =	vbroadcast v53, $0xF;
	v61, _, _ =	vpop (xrf2);
	v26 =	vmul.f32 v60, v57  }
0x2a1: {  	v23 =	vbroadcast v23, $0xF;
	v38 =	vmul.f32 $1.562500000e-02, v61;
	v62 =	vadd.f32 $9.999999740e-06, v30  }
0x2a2: {  	v8 =	vsub.f32 v50, v33;
	v30 =	vmul.f32 v56, v24;
	v24 =	vmul.f32 v26, v60  }
0x2a3: {  	v44 =	vshra.s32 v23, $0x1;
	v26 =	vsub.f32 v38, v58;
	v45 =	vbroadcast v62, $0xF  }
0x2a4: {  	v23 =	vmul.f32 $5.000000000e-01, v23;
	v36 =	vsub.s32 $0x5F3759DF, v44;
	v24 =	vsub.f32 $1.500000000e+00, v24  }
0x2a5: {  	[tilespmem:s30+$0xE580] =	vst v32;
	v26 =	vadd.f32 $9.999999740e-06, v26;
	v47 =	vshra.s32 v45, $0x1;
	v38 =	vmul.f32 $5.000000000e-01, v45  }
0x2a6: {  	[tilespmem:s30+$0xE5A0] =	vst v46;
	v50 =	vmul.f32 v36, v23;
	v48 =	vsub.s32 $0x5F3759DF, v47;
	v24 =	vmul.f32 v24, v60  }
0x2a7: {  	[tilespmem:s30+$0xE400] =	vst v35;
	v14 =	vsub.f32 v14, v49;
	v51 =	vmul.f32 v48, v38;
	v26 =	vbroadcast v26, $0xF  }
0x2a8: {  	[tilespmem:s30+$0xE410] =	vst v54;
	v40 =	vsub.f32 v11, v49;
	v54 =	vmul.f32 v36, v50;
	v53 =	vmul.f32 v24, v4  }
0x2a9: {  	[tilespmem:s30+$0xE420] =	vst v55;
	v41 =	vmul.f32 v48, v51;
	v55 =	vshra.s32 v26, $0x1;
	v32 =	vmul.f32 $5.000000000e-01, v26  }
0x2aa: {  	[tilespmem:s30+$0xE490] =	vst v34;
	v26 =	vsub.f32 $1.500000000e+00, v54;
	v56 =	vsub.s32 $0x5F3759DF, v55;
	v14 =	vmul.f32 v53, v14  }
0x2ab: {  	[tilespmem:s30+$0xE480] =	vst v31;
	v60 =	vsub.f32 v13, v49;
	v57 =	vsub.f32 $1.500000000e+00, v41;
	v31 =	vmul.f32 v56, v32  }
0x2ac: {  	[tilespmem:s30+$0xE430] =	vst v63;
	v58 =	vmul.f32 v24, v7;
	v34 =	vmul.f32 v36, v26;
	v59 =	vadd.f32 v14, v0  }
0x2ad: {  	[tilespmem:s30+$0xE590] =	vst v39;
	v14 =	vsub.f32 v25, v33;
	v35 =	vmul.f32 v48, v57;
	v25 =	vmul.f32 v56, v31  }
0x2ae: {  	s31 =	simm.s32 $0x400;
	v26 =	vmul.f32 v24, v6;
	v31 =	vsub.f32 v12, v49;
	v23 =	vmul.f32 v34, v23;
	[tilespmem:s29+$0xE5B0] =	vst v59  }
0x2af: {  	v24 =	vmul.f32 v24, v5;
	v61 =	vmul.f32 v35, v38;
	v62 =	vsub.f32 $1.500000000e+00, v25;
	v12 =	vld [tilespmem:s31+$0x6580]  }
0x2b0: {  	v63 =	vmul.f32 v23, v34;
	v25 =	vmul.f32 v58, v31;
	v31 =	vadd.f32 v52, v2;
	v13 =	vld [tilespmem:s31+$0x6590]  }
0x2b1: {  	v38 =	vadd.f32 v37, v0;
	v11 =	vld [tilespmem:s31+$0x65A0];
	v36 =	vmul.f32 v61, v35;
	v33 =	vmul.f32 v56, v62  }
0x2b2: {  	s1 =	simm.s32 $0x1800;
	v26 =	vmul.f32 v26, v60;
	v24 =	vmul.f32 v24, v40;
	v23 =	vld [tilespmem:s31+$0x65B0];
	v37 =	vsub.f32 $1.500000000e+00, v63;
	[tilespmem:s30+$0xE4A0] =	vst v31  }
.LBB2_7:
0x2b3: {  	p0 =	sne.s32 s1, $0xF800;
	v31 =	vld [tilespmem:s31+$0x6400];
	v36 =	vsub.f32 $1.500000000e+00, v36;
	v39 =	vmul.f32 v33, v32;
	[tilespmem:s30+$0xE4B0] =	vst v38;
	v38 =	vadd.f32 v27, v3  }
0x2b4: {  	v32 =	vld [tilespmem:s31+$0x6410];
	v40 =	vmul.f32 v37, v34;
	v34 =	vadd.f32 v28, v1;
	v37 =	vadd.f32 v29, v2  }
0x2b5: {  	v27 =	vld [tilespmem:s31+$0x6420];
	v41 =	vmul.f32 v36, v35;
	v35 =	vmul.f32 v39, v33;
	[tilespmem:s30+$0xE500] =	vst v38;
	v36 =	vadd.f32 v30, v0  }
0x2b6: {  	v38 =	vadd.f32 v13, v12;
	v28 =	vld [tilespmem:s31+$0x6430];
	v42 =	vmul.f32 v40, v7;
	v43 =	vmul.f32 v40, v6;
	[tilespmem:s30+$0xE510] =	vst v34  }
0x2b7: {  	v44 =	vmul.f32 v12, v12;
	v45 =	vmul.f32 v13, v13;
	v29 =	vld [tilespmem:s31+$0x6480];
	v39 =	vadd.f32 v23, v11;
	[tilespmem:s30+$0xE520] =	vst v37  }
0x2b8: {  	v37 =	vmul.f32 v11, v11;
	v46 =	vmul.f32 v23, v23;
	v47 =	vsub.f32 $1.500000000e+00, v35;
	v30 =	vld [tilespmem:s31+$0x6490];
	[tilespmem:s30+$0xE530] =	vst v36;
	s30 =	smov.u32 s29;
	s29 =	smov.u32 s31  }
0x2b9: {  	v49 =	vmul.f32 v31, v31;
	v48 =	vadd.f32 v32, v31;
	v34 =	vld [tilespmem:s29+$0x64A0];
	v38 =	vadd.f32 v39, v38  }
0x2ba: {  	v44 =	vadd.f32 v45, v44;
	v39 =	vmul.f32 v32, v32;
	v45 =	vadd.f32 v46, v37;
	v36 =	vld [tilespmem:s29+$0x64B0]  }
0x2bb: {  	v50 =	vmul.f32 v27, v27;
	v46 =	vadd.f32 v28, v27;
	v51 =	vmul.f32 v28, v28;
	v35 =	vld [tilespmem:s29+$0x6500];
	(xrf2) =	vadd.scan.msk.f32 $0xffff, v38  }
0x2bc: {  	v49 =	vadd.f32 v39, v49;
	v44 =	vadd.f32 v45, v44;
	v52 =	vmul.f32 v29, v29;
	v37 =	vld [tilespmem:s29+$0x6510]  }
0x2bd: {  	v45 =	vadd.f32 v46, v48;
	v46 =	vadd.f32 v30, v29;
	v48 =	vmul.f32 v30, v30;
	v38 =	vld [tilespmem:s29+$0x6520]  }
0x2be: {  	v33 =	vmul.f32 v47, v33;
	v50 =	vadd.f32 v51, v50;
	v51 =	vmul.f32 v34, v34;
	v39 =	vld [tilespmem:s29+$0x6530];
	(xrf2) =	vadd.scan.msk.f32 $0xffff, v44  }
0x2bf: {  	v44 =	vadd.f32 v36, v34;
	v47 =	vadd.f32 v48, v52;
	v48 =	vmul.f32 v36, v36  }
0x2c0: {  	v49 =	vadd.f32 v50, v49;
	v52 =	vmul.f32 v40, v5;
	v50 =	vmul.f32 v35, v35  }
0x2c1: {  	v44 =	vadd.f32 v44, v46;
	v46 =	vadd.f32 v37, v35;
	v53 =	vmul.f32 v37, v37;
	(xrf2) =	vadd.scan.msk.f32 $0xffff, v45  }
0x2c2: {  	v40 =	vmul.f32 v40, v4;
	v45 =	vadd.f32 v48, v51;
	v48 =	vmul.f32 v38, v38  }
0x2c3: {  	v54 =	vadd.f32 v39, v38;
	v50 =	vadd.f32 v53, v50;
	v53 =	vmul.f32 v39, v39  }
0x2c4: {  	v45 =	vadd.f32 v45, v47;
	v47 =	vmul.f32 v41, v6;
	(xrf2) =	vadd.scan.msk.f32 $0xffff, v44;
	v44 =	vmul.f32 v41, v7  }
0x2c5: {  	v46 =	vadd.f32 v54, v46;
	v48 =	vadd.f32 v53, v48;
	v51, _, _ =	vpop (xrf2);
	v53 =	vmul.f32 v41, v5  }
0x2c6: {  	v25 =	vadd.f32 v25, v3;
	v41 =	vmul.f32 v41, v4;
	v54 =	vmul.f32 v33, v7  }
0x2c7: {  	v48 =	vadd.f32 v48, v50;
	v50 =	vmul.f32 $1.562500000e-02, v51;
	(xrf2) =	vadd.scan.msk.f32 $0xffff, v46;
	v46 =	vmul.f32 v33, v6  }
0x2c8: {  	v55 =	vmul.f32 v33, v5;
	v33 =	vmul.f32 v33, v4;
	v51, _, _ =	vpop (xrf2);
	[tilespmem:s30+$0xE580] =	vst v25;
	v25 =	vadd.f32 v26, v1  }
0x2c9: {  	v24 =	vadd.f32 v24, v2;
	v56 =	vmul.f32 $1.562500000e-02, v51;
	v51 =	vmul.f32 v50, v50  }
0x2ca: {  	v16 =	vmul.f32 v42, v16;
	v17 =	vmul.f32 v43, v17;
	(xrf2) =	vadd.scan.msk.f32 $0xffff, v49;
	[tilespmem:s30+$0xE590] =	vst v25  }
0x2cb: {  	v19 =	vmul.f32 v52, v19;
	v40 =	vmul.f32 v40, v20;
	v25 =	vsub.f32 v56, v51;
	v26, _, _ =	vpop (xrf2);
	[tilespmem:s30+$0xE5A0] =	vst v24  }
0x2cc: {  	v16 =	vadd.f32 v16, v3;
	v43 =	vmul.f32 $1.562500000e-02, v26;
	v26 =	vmul.f32 v44, v18  }
0x2cd: {  	v24 =	vmul.f32 v53, v22;
	v18 =	vadd.f32 $9.999999740e-06, v25;
	(xrf2) =	vadd.scan.msk.f32 $0xffff, v45;
	v25 =	vmul.f32 v47, v21  }
0x2ce: {  	v22 =	vadd.f32 v17, v1;
	v21 =	vbroadcast v43, $0xF;
	v42 =	vmul.f32 v43, v43;
	v20, _, _ =	vpop (xrf2);
	[tilespmem:s30+$0xE400] =	vst v16  }
0x2cf: {  	v19 =	vadd.f32 v19, v2;
	v20 =	vmul.f32 $1.562500000e-02, v20;
	v43 =	vbroadcast v18, $0xF  }
0x2d0: {  	v16 =	vsub.f32 v31, v21;
	v17 =	vsub.f32 v32, v21;
	(xrf2) =	vadd.scan.msk.f32 $0xffff, v48;
	v31 =	vmul.f32 v41, v15  }
0x2d1: {  	v32 =	vmul.f32 v20, v20;
	v15 =	vshra.s32 v43, $0x1;
	v41 =	vmul.f32 $5.000000000e-01, v43;
	v18, _, _ =	vpop (xrf2);
	[tilespmem:s30+$0xE410] =	vst v22  }
0x2d2: {  	v43 =	vbroadcast v20, $0xF;
	v22 =	vmul.f32 $1.562500000e-02, v18;
	v44 =	vsub.s32 $0x5F3759DF, v15;
	[tilespmem:s30+$0xE420] =	vst v19  }
0x2d3: {  	v20 =	vsub.f32 v28, v21;
	v19 =	vsub.f32 v27, v21;
	v15 =	vmul.f32 v44, v41  }
0x2d4: {  	v18 =	vsub.f32 v29, v43;
	v29 =	vbroadcast v22, $0xF;
	v45 =	vmul.f32 v22, v22;
	v21, _, _ =	vpop (xrf2)  }
0x2d5: {  	v28 =	vmul.f32 $1.562500000e-02, v21;
	v21 =	vsub.f32 v30, v43;
	v30 =	vmul.f32 v44, v15  }
0x2d6: {  	v27 =	vmul.f32 v54, v10;
	v22 =	vsub.f32 v34, v43;
	v15 =	vsub.f32 v36, v43  }
0x2d7: {  	v34 =	vsub.f32 v28, v42;
	v30 =	vsub.f32 $1.500000000e+00, v30;
	v10, _, _ =	vpop (xrf2);
	v28 =	vmul.f32 v46, v9  }
0x2d8: {  	v9 =	vsub.f32 v37, v29;
	v42 =	vmul.f32 $1.562500000e-02, v10;
	v10 =	vsub.f32 v35, v29  }
0x2d9: {  	v35 =	vsub.f32 v38, v29;
	v34 =	vadd.f32 $9.999999740e-06, v34;
	v37 =	vmul.f32 v44, v30  }
0x2da: {  	v30 =	vsub.f32 v42, v32;
	v32 =	vsub.f32 v39, v29;
	v36, _, _ =	vpop (xrf2);
	v29 =	vmul.f32 v55, v8  }
0x2db: {  	v39 =	vadd.f32 v40, v0;
	v8 =	vmovc v35;
	v36 =	vmul.f32 $1.562500000e-02, v36;
	v38 =	vmul.f32 v37, v41  }
0x2dc: {  	v34 =	vbroadcast v34, $0xF;
	v35 =	vadd.f32 $9.999999740e-06, v30;
	v30 =	vmul.f32 v33, v14;
	v14 =	vmovc v32  }
0x2dd: {  	v26 =	vadd.f32 v26, v3;
	v32 =	vsub.f32 v36, v45;
	v33 =	vmul.f32 v38, v37;
	[tilespmem:s30+$0xE430] =	vst v39  }
0x2de: {  	v36 =	vshra.s32 v34, $0x1;
	v38 =	vmul.f32 $5.000000000e-01, v34;
	v34 =	vbroadcast v35, $0xF  }
0x2df: {  	v35 =	vsub.s32 $0x5F3759DF, v36;
	v32 =	vadd.f32 $9.999999740e-06, v32;
	v33 =	vsub.f32 $1.500000000e+00, v33;
	[tilespmem:s30+$0xE480] =	vst v26  }
0x2e0: {  	v26 =	vmul.f32 v35, v38;
	v36 =	vshra.s32 v34, $0x1;
	v39 =	vmul.f32 $5.000000000e-01, v34  }
0x2e1: {  	v40 =	vbroadcast v50, $0xF;
	v36 =	vsub.s32 $0x5F3759DF, v36;
	v33 =	vmul.f32 v33, v37  }
0x2e2: {  	v25 =	vadd.f32 v25, v1;
	v32 =	vbroadcast v32, $0xF;
	v34 =	vmul.f32 v36, v39  }
0x2e3: {  	v23 =	vsub.f32 v23, v40;
	v26 =	vmul.f32 v35, v26;
	v37 =	vmul.f32 v33, v4  }
0x2e4: {  	v41 =	vshra.s32 v32, $0x1;
	v32 =	vmul.f32 $5.000000000e-01, v32;
	v34 =	vmul.f32 v36, v34;
	[tilespmem:s30+$0xE490] =	vst v25  }
0x2e5: {  	v25 =	vsub.f32 $1.500000000e+00, v26;
	v26 =	vsub.s32 $0x5F3759DF, v41;
	v23 =	vmul.f32 v37, v23  }
0x2e6: {  	v42 =	vmul.f32 v33, v7;
	v41 =	vmul.f32 v26, v32;
	v37 =	vsub.f32 $1.500000000e+00, v34  }
0x2e7: {  	v43 =	vmul.f32 v33, v6;
	v34 =	vmul.f32 v35, v25;
	v23 =	vadd.f32 v23, v0  }
0x2e8: {  	v25 =	vmul.f32 v26, v41;
	v35 =	vmul.f32 v36, v37;
	v36 =	vsub.f32 v12, v40  }
.Ltmp2:
0x2e9: {  	s31 =	sshra.s32 s1, $0x2;
	v44 =	vmul.f32 v33, v5;
	v41 =	vsub.f32 v13, v40;
	v37 =	vmul.f32 v34, v38;
	[tilespmem:s29+$0xE5B0] =	vst v23;
	(pc) =	sbr.rel @p0 .LBB2_7-.Ltmp2, $4  }
0x2ea: {  	v33 =	vsub.f32 $1.500000000e+00, v25;
	v12 =	vld [tilespmem:s31+$0x6580];
	v23 =	vmul.f32 v35, v39;
	v39 =	vsub.f32 v11, v40  }
0x2eb: {  	v37 =	vmul.f32 v37, v34;
	v25 =	vmul.f32 v42, v36;
	v40 =	vadd.f32 v24, v2;
	v13 =	vld [tilespmem:s31+$0x6590]  }
0x2ec: {  	v38 =	vadd.f32 v31, v0;
	v33 =	vmul.f32 v26, v33;
	v11 =	vld [tilespmem:s31+$0x65A0];
	v36 =	vmul.f32 v23, v35  }
0x2ed: {  	s1 =	sadd.s32 $0x800, s1;
	v26 =	vmul.f32 v43, v41;
	v37 =	vsub.f32 $1.500000000e+00, v37;
	v24 =	vmul.f32 v44, v39;
	v23 =	vld [tilespmem:s31+$0x65B0];
	[tilespmem:s30+$0xE4A0] =	vst v40  }
0x2ee: {  	v27 =	vadd.f32 v27, v3;
	v28 =	vadd.f32 v28, v1  }
0x2ef: {  	v31 =	vld [tilespmem:s31+$0x6400];
	[tilespmem:s30+$0xE4B0] =	vst v38;
	v32 =	vmul.f32 v33, v32;
	v29 =	vadd.f32 v29, v2;
	v30 =	vadd.f32 v30, v0  }
0x2f0: {  	v25 =	vadd.f32 v25, v3;
	v38 =	vld [tilespmem:s31+$0x6410];
	v51 =	vmul.f32 v12, v12;
	v26 =	vadd.f32 v26, v1  }
0x2f1: {  	v39 =	vld [tilespmem:s31+$0x6420];
	v24 =	vadd.f32 v24, v2;
	[tilespmem:s30+$0xE500] =	vst v27;
	v27 =	vsub.f32 $1.500000000e+00, v36;
	v32 =	vmul.f32 v32, v33  }
0x2f2: {  	v50 =	vadd.f32 v13, v12;
	v40 =	vmul.f32 v13, v13;
	v36 =	vld [tilespmem:s31+$0x6430];
	[tilespmem:s30+$0xE510] =	vst v28;
	v28 =	vmul.f32 v37, v34  }
0x2f3: {  	v42 =	vmul.f32 v11, v11;
	v27 =	vmul.f32 v27, v35;
	v34 =	vld [tilespmem:s31+$0x6480];
	[tilespmem:s30+$0xE520] =	vst v29;
	v29 =	vadd.f32 v23, v11  }
0x2f4: {  	v43 =	vmul.f32 v23, v23;
	v32 =	vsub.f32 $1.500000000e+00, v32;
	v41 =	vld [tilespmem:s31+$0x6490];
	[tilespmem:s30+$0xE530] =	vst v30;
	v30 =	vmul.f32 v28, v7  }
0x2f5: {  	v37 =	vadd.f32 v40, v51;
	v35 =	vmul.f32 v28, v6;
	v53 =	vmul.f32 v31, v31  }
0x2f6: {  	v29 =	vadd.f32 v29, v50;
	v52 =	vadd.f32 v43, v42;
	v54 =	vmul.f32 v38, v38  }
0x2f7: {  	v44 =	vadd.f32 v38, v31;
	v45 =	vld [tilespmem:s31+$0x64A0];
	v49 =	vmul.f32 v39, v39;
	v32 =	vmul.f32 v32, v33  }
0x2f8: {  	v46 =	vld [tilespmem:s31+$0x64B0];
	v16 =	vmul.f32 v30, v16;
	v17 =	vmul.f32 v35, v17;
	(xrf2) =	vadd.scan.msk.f32 $0xffff, v29;
	v37 =	vadd.f32 v52, v37  }
0x2f9: {  	v48 =	vld [tilespmem:s31+$0x6500];
	v47 =	vadd.f32 v36, v39;
	v50 =	vmul.f32 v36, v36;
	v52 =	vmul.f32 v28, v5  }
0x2fa: {  	v29 =	vld [tilespmem:s31+$0x6510];
	v55 =	vadd.f32 v54, v53;
	v28 =	vmul.f32 v28, v4;
	v54 =	vmul.f32 v27, v7;
	(xrf2) =	vadd.scan.msk.f32 $0xffff, v37  }
0x2fb: {  	v56 =	vmul.f32 v34, v34;
	v57 =	vadd.f32 v47, v44;
	v44 =	vld [tilespmem:s31+$0x6520];
	v51 =	vmul.f32 v41, v41  }
0x2fc: {  	v49 =	vadd.f32 v50, v49;
	v50 =	vld [tilespmem:s31+$0x6530];
	v19 =	vmul.f32 v52, v19;
	v20 =	vmul.f32 v28, v20  }
0x2fd: {  	v58 =	vadd.f32 v41, v34;
	v18 =	vmul.f32 v54, v18;
	v59 =	vmul.f32 v45, v45  }
0x2fe: {  	v60 =	vadd.f32 v46, v45;
	v61 =	vmul.f32 v46, v46;
	v62 =	vmul.f32 v48, v48  }
0x2ff: {  	v42 =	vadd.f32 v51, v56;
	v40 =	vadd.f32 v49, v55;
	v55 =	vmul.f32 v32, v7  }
0x300: {  	(xrf2) =	vadd.scan.msk.f32 $0xffff, v57;
	v56 =	vmul.f32 v32, v5;
	v33 =	vadd.f32 v60, v58;
	v63 =	vadd.f32 v29, v48  }
0x301: {  	v57 =	vmul.f32 v29, v29;
	v37 =	vadd.f32 v61, v59;
	v53 =	vadd.f32 v50, v44  }
0x302: {  	v19 =	vadd.f32 v19, v2;
	v58 =	vmul.f32 v44, v44;
	v59 =	vmul.f32 v50, v50;
	v60, _, _ =	vpop (xrf2)  }
0x303: {  	(xrf2) =	vadd.scan.msk.f32 $0xffff, v33;
	v37 =	vadd.f32 v37, v42;
	v43 =	vadd.f32 v53, v63;
	v42 =	vmul.f32 $1.562500000e-02, v60  }
0x304: {  	v20 =	vadd.f32 v20, v0;
	v8 =	vmul.f32 v56, v8;
	v47 =	vadd.f32 v57, v62;
	v61, _, _ =	vpop (xrf2)  }
0x305: {  	v49 =	vadd.f32 v59, v58;
	(xrf2) =	vadd.scan.msk.f32 $0xffff, v43;
	v62 =	vmul.f32 $1.562500000e-02, v61;
	v63 =	vmul.f32 v42, v42  }
0x306: {  	v18 =	vadd.f32 v18, v3;
	v33 =	vmul.f32 v27, v6;
	v53 =	vmul.f32 v27, v5;
	(xrf2) =	vadd.scan.msk.f32 $0xffff, v40  }
0x307: {  	v27 =	vmul.f32 v27, v4;
	v47 =	vadd.f32 v49, v47;
	v30 =	vsub.f32 v62, v63  }
0x308: {  	v8 =	vadd.f32 v8, v2;
	v21 =	vmul.f32 v33, v21;
	v43 =	vmul.f32 v32, v6;
	(xrf2) =	vadd.scan.msk.f32 $0xffff, v37  }
0x309: {  	v32 =	vmul.f32 v32, v4;
	v22 =	vmul.f32 v53, v22;
	(xrf2) =	vadd.scan.msk.f32 $0xffff, v47;
	v30 =	vadd.f32 $9.999999740e-06, v30  }
0x30a: {  	v33 =	vadd.f32 v16, v3;
	v27 =	vmul.f32 v27, v15;
	v43 =	vmul.f32 v43, v9;
	v51, _, _ =	vpop (xrf2)  }
0x30b: {  	v21 =	vadd.f32 v21, v1;
	v28 =	vmul.f32 $1.562500000e-02, v51;
	v30 =	vbroadcast v30, $0xF  }
0x30c: {  	v37 =	vadd.f32 v17, v1;
	v42 =	vbroadcast v42, $0xF;
	v63 =	vmul.f32 v55, v10  }
0x30d: {  	v16 =	vbroadcast v28, $0xF;
	v57, _, _ =	vpop (xrf2);
	v15 =	vshra.s32 v30, $0x1;
	v30 =	vmul.f32 $5.000000000e-01, v30  }
0x30e: {  	v28 =	vmul.f32 v28, v28;
	v35 =	vmul.f32 $1.562500000e-02, v57;
	v60 =	vsub.s32 $0x5F3759DF, v15  }
0x30f: {  	v31 =	vsub.f32 v31, v16;
	v17 =	vsub.f32 v38, v16;
	v58, _, _ =	vpop (xrf2);
	v15 =	vmul.f32 v60, v30  }
0x310: {  	v39 =	vsub.f32 v39, v16;
	v59 =	vbroadcast v35, $0xF;
	v38 =	vmul.f32 $1.562500000e-02, v58;
	v61, _, _ =	vpop (xrf2)  }
0x311: {  	v36 =	vsub.f32 v36, v16;
	v49 =	vmul.f32 $1.562500000e-02, v61;
	v62 =	vmul.f32 v60, v15  }
0x312: {  	v35 =	vmul.f32 v35, v35;
	v51, _, _ =	vpop (xrf2);
	v16 =	vbroadcast v38, $0xF;
	v15 =	vsub.f32 v46, v59  }
0x313: {  	v52, _, _ =	vpop (xrf2);
	v10 =	vsub.f32 v49, v28;
	v46 =	vmul.f32 $1.562500000e-02, v51;
	v28 =	vsub.f32 $1.500000000e+00, v62  }
0x314: {  	[tilespmem:s29+$0xE490] =	vst v21;
	v21 =	vadd.f32 v22, v2;
	v38 =	vmul.f32 v38, v38;
	v53 =	vmul.f32 $1.562500000e-02, v52  }
0x315: {  	v9 =	vsub.f32 v29, v16;
	v35 =	vsub.f32 v46, v35;
	v28 =	vmul.f32 v60, v28  }
0x316: {  	v14 =	vmul.f32 v32, v14;
	v29 =	vadd.f32 $9.999999740e-06, v10;
	v38 =	vsub.f32 v53, v38  }
0x317: {  	v23 =	vsub.f32 v23, v42;
	v35 =	vadd.f32 $9.999999740e-06, v35;
	v30 =	vmul.f32 v28, v30  }
0x318: {  	v12 =	vsub.f32 v12, v42;
	v29 =	vbroadcast v29, $0xF;
	v38 =	vadd.f32 $9.999999740e-06, v38  }
0x319: {  	v10 =	vsub.f32 v44, v16;
	v35 =	vbroadcast v35, $0xF;
	v30 =	vmul.f32 v30, v28  }
0x31a: {  	v54 =	vshra.s32 v29, $0x1;
	v29 =	vmul.f32 $5.000000000e-01, v29;
	v38 =	vbroadcast v38, $0xF  }
0x31b: {  	v55 =	vsub.s32 $0x5F3759DF, v54;
	v56 =	vshra.s32 v35, $0x1;
	v30 =	vsub.f32 $1.500000000e+00, v30  }
0x31c: {  	v44 =	vmul.f32 v55, v29;
	v35 =	vmul.f32 $5.000000000e-01, v35;
	v46 =	vsub.s32 $0x5F3759DF, v56  }
0x31d: {  	v28 =	vmul.f32 v30, v28;
	v30 =	vshra.s32 v38, $0x1;
	v38 =	vmul.f32 $5.000000000e-01, v38  }
0x31e: {  	v57 =	vmul.f32 v46, v35;
	v44 =	vmul.f32 v55, v44;
	v30 =	vsub.s32 $0x5F3759DF, v30  }
0x31f: {  	[tilespmem:s29+$0xE580] =	vst v25;
	v13 =	vsub.f32 v13, v42;
	v11 =	vsub.f32 v11, v42;
	v58 =	vmul.f32 v30, v38  }
0x320: {  	[tilespmem:s29+$0xE590] =	vst v26;
	v26 =	vmul.f32 v46, v57;
	v44 =	vsub.f32 $1.500000000e+00, v44;
	v25 =	vmul.f32 v28, v4  }
0x321: {  	[tilespmem:s29+$0xE5A0] =	vst v24;
	v14 =	vadd.f32 v14, v0;
	v34 =	vsub.f32 v34, v59;
	v24 =	vmul.f32 v30, v58  }
0x322: {  	[tilespmem:s29+$0xE420] =	vst v19;
	v32 =	vmul.f32 v55, v44;
	v23 =	vmul.f32 v25, v23;
	v25 =	vsub.f32 $1.500000000e+00, v26  }
0x323: {  	[tilespmem:s29+$0xE430] =	vst v20;
	v41 =	vsub.f32 v41, v59;
	v24 =	vsub.f32 $1.500000000e+00, v24  }
0x324: {  	[tilespmem:s29+$0xE480] =	vst v18;
	v45 =	vsub.f32 v45, v59;
	v19 =	vmul.f32 v46, v25;
	v25 =	vmul.f32 v32, v29  }
0x325: {  	[tilespmem:s29+$0xE400] =	vst v33;
	v59 =	vmul.f32 v28, v6;
	v23 =	vadd.f32 v23, v0;
	v24 =	vmul.f32 v30, v24  }
0x326: {  	[tilespmem:s29+$0xE410] =	vst v37;
	v48 =	vsub.f32 v48, v16;
	v18 =	vmul.f32 v19, v35;
	v25 =	vmul.f32 v25, v32  }
0x327: {  	v20 =	vmul.f32 v28, v5;
	v26 =	vmul.f32 v28, v7;
	[tilespmem:s31+$0xE5B0] =	vst v23;
	v23 =	vadd.f32 v27, v0  }
0x328: {  	v22 =	vmul.f32 v24, v38;
	v18 =	vmul.f32 v18, v19;
	v25 =	vsub.f32 $1.500000000e+00, v25  }
0x329: {  	v16 =	vsub.f32 v50, v16;
	v13 =	vmul.f32 v59, v13;
	v11 =	vmul.f32 v20, v11;
	[tilespmem:s29+$0xE4A0] =	vst v21  }
0x32a: {  	[tilespmem:s29+$0xE4B0] =	vst v23;
	v22 =	vmul.f32 v22, v24;
	v18 =	vsub.f32 $1.500000000e+00, v18;
	v23 =	vmul.f32 v25, v32  }
0x32b: {  	v12 =	vmul.f32 v26, v12;
	v21 =	vadd.f32 v63, v3;
	[tilespmem:s29+$0xE520] =	vst v8;
	v25 =	vadd.f32 v43, v1  }
0x32c: {  	[tilespmem:s29+$0xE530] =	vst v14;
	v20 =	vsub.f32 $1.500000000e+00, v22;
	v18 =	vmul.f32 v18, v19;
	v19 =	vmul.f32 v23, v7  }
0x32d: {  	v12 =	vadd.f32 v12, v3;
	[tilespmem:s29+$0xE500] =	vst v21;
	v21 =	vmul.f32 v23, v6;
	v14 =	vmul.f32 v23, v5  }
0x32e: {  	v13 =	vadd.f32 v13, v1;
	[tilespmem:s29+$0xE510] =	vst v25;
	v8 =	vmul.f32 v20, v24;
	v19 =	vmul.f32 v19, v31  }
0x32f: {  	v11 =	vadd.f32 v11, v2;
	[tilespmem:s31+$0xE580] =	vst v12;
	v20 =	vmul.f32 v23, v4;
	v12 =	vmul.f32 v21, v17  }
0x330: {  	[tilespmem:s31+$0xE590] =	vst v13;
	v17 =	vmul.f32 v18, v7;
	v13 =	vmul.f32 v14, v39;
	v14 =	vadd.f32 v19, v3  }
0x331: {  	[tilespmem:s31+$0xE5A0] =	vst v11;
	v19 =	vmul.f32 v18, v6;
	v20 =	vmul.f32 v20, v36;
	v11 =	vadd.f32 v12, v1  }
0x332: {  	v12 =	vmul.f32 v18, v5;
	v17 =	vmul.f32 v17, v34;
	v13 =	vadd.f32 v13, v2;
	[tilespmem:s31+$0xE400] =	vst v14  }
0x333: {  	v14 =	vmul.f32 v18, v4;
	v18 =	vmul.f32 v19, v41;
	[tilespmem:s31+$0xE410] =	vst v11;
	v11 =	vadd.f32 v20, v0  }
0x334: {  	v19 =	vmul.f32 v8, v7;
	v12 =	vmul.f32 v12, v45;
	[tilespmem:s31+$0xE420] =	vst v13;
	v13 =	vadd.f32 v17, v3  }
0x335: {  	v17 =	vmul.f32 v8, v6;
	v14 =	vmul.f32 v14, v15;
	[tilespmem:s31+$0xE430] =	vst v11;
	v11 =	vadd.f32 v18, v1  }
0x336: {  	v15 =	vmul.f32 v8, v5;
	v18 =	vmul.f32 v19, v48;
	[tilespmem:s31+$0xE480] =	vst v13;
	v12 =	vadd.f32 v12, v2  }
0x337: {  	v8 =	vmul.f32 v8, v4;
	v9 =	vmul.f32 v17, v9;
	[tilespmem:s31+$0xE490] =	vst v11;
	v11 =	vadd.f32 v14, v0  }
0x338: {  	v10 =	vmul.f32 v15, v10;
	[tilespmem:s31+$0xE4A0] =	vst v12;
	v12 =	vadd.f32 v18, v3  }
0x339: {  	v8 =	vmul.f32 v8, v16;
	v9 =	vadd.f32 v9, v1;
	[tilespmem:s31+$0xE4B0] =	vst v11  }
0x33a: {  	s0 =	sshll.u32 s28, $0xF;
	v10 =	vadd.f32 v10, v2;
	[tilespmem:s31+$0xE500] =	vst v12  }
0x33b: {  	s0 =	sadd.s32 s4, s0;
	v8 =	vadd.f32 v8, v0;
	[tilespmem:s31+$0xE510] =	vst v9  }
0x33c: {  	s0 =	sshrl.u32 s0, $0x3;
	[tilespmem:s31+$0xE520] =	vst v10  }
0x33d: {  	s1 =	simm.s32 $0x0;
	s0 =	sadd.s32 s6, s0;
	[tilespmem:s31+$0xE530] =	vst v8  }
0x33e: {  	[hbm4b:s0+s1] =	stream.linear.scatter [tilespmem:s19], [sflag:$0x3], $0x4000, $0x38;
	[tilespmem:$0x16480] =	vst v63  }
0x33f: {  	s1 =	sshll.u32 s28, $0x8  }
0x340: {  	s29 =	sand.u32 $0x3FFFFF00, s1  }
0x341: {  	s0 =	sadd.s32 $0x100, s29  }
0x342: {  	[tilespmem:s16], [sflag:$0x1] =	stream.indirect.gather [hbm4b:s3+s15], $0x80, s0, s15, $0xb8;
	[tilespmem:$0x16480] =	vst v63  }
0x343: {  	_ =	swait.ge [sflag:s21], $0x4000  }
0x344: {  	[sflag:s21] =	ssyncset.done $0x0  }
0x345: {  	[sflag:s21] =	ssyncadd.s32 $0xFFFFC000  }
0x346: {  	_ =	swait.ge [sflag:s25], $0x4000  }
0x347: {  	[sflag:s25] =	ssyncset.done $0x0  }
0x348: {  	s31 =	simm.s32 $0x0;
	[sflag:s25] =	ssyncadd.s32 $0xFFFFC000  }
0x349: {  	v11 =	vld [tilespmem:s31+$0xA580]  }
0x34a: {  	v13 =	vld [tilespmem:s31+$0xA590]  }
0x34b: {  	v10 =	vld [tilespmem:s31+$0xA5A0]  }
0x34c: {  	v12 =	vld [tilespmem:s31+$0xA5B0];
	_ =	sdelay $0x3  }
0x34d: {  	v8 =	vadd.f32 v13, v11  }
0x34e: {  	v9 =	vld [tilespmem:s31+$0xA400];
	v14 =	vadd.f32 v12, v10;
	v15 =	vmul.f32 v11, v11;
	v16 =	vmul.f32 v13, v13  }
0x34f: {  	v20 =	vld [tilespmem:s31+$0xA410];
	v17 =	vmul.f32 v10, v10;
	v18 =	vmul.f32 v12, v12  }
0x350: {  	v21 =	vld [tilespmem:s31+$0xA420];
	v8 =	vadd.f32 v14, v8  }
0x351: {  	v22 =	vld [tilespmem:s31+$0xA480];
	v15 =	vadd.f32 v16, v15;
	v16 =	vadd.f32 v18, v17  }
0x352: {  	v23 =	vld [tilespmem:s31+$0xA490]  }
0x353: {  	v14 =	vld [tilespmem:s31+$0xA430];
	(xrf2) =	vadd.scan.msk.f32 $0xffff, v8;
	v8 =	vadd.f32 v16, v15  }
0x354: {  	v24 =	vld [tilespmem:s31+$0xA4A0]  }
0x355: {  	v25 =	vld [tilespmem:s31+$0xA4B0];
	(xrf2) =	vadd.scan.msk.f32 $0xffff, v8  }
0x356: {  	v26 =	vld [tilespmem:s31+$0xA500]  }
0x357: {  	v19 =	vld [tilespmem:s31+$0xA510];
	v15 =	vmul.f32 v20, v20  }
0x358: {  	v18 =	vld [tilespmem:s31+$0xA520];
	v16 =	vadd.f32 v20, v9;
	v8 =	vmul.f32 v9, v9;
	v27 =	vadd.f32 v14, v21  }
0x359: {  	v28 =	vmul.f32 v21, v21;
	v17 =	vld [tilespmem:s31+$0xA530];
	v29 =	vmul.f32 v14, v14  }
0x35a: {  	v8 =	vadd.f32 v15, v8;
	v15 =	vmul.f32 v22, v22;
	v16 =	vadd.f32 v27, v16  }
0x35b: {  	v27 =	vmul.f32 v23, v23;
	v28 =	vadd.f32 v29, v28;
	v29 =	vmul.f32 v24, v24  }
0x35c: {  	v30 =	vadd.f32 v23, v22  }
0x35d: {  	v31 =	vadd.f32 v25, v24;
	v15 =	vadd.f32 v27, v15;
	v27 =	vmul.f32 v25, v25;
	v60, _, _ =	vpop (xrf2)  }
0x35e: {  	v61 =	vadd.f32 v19, v26;
	v62 =	vadd.f32 v17, v18;
	v32 =	vmul.f32 $1.562500000e-02, v60  }
0x35f: {  	v30 =	vadd.f32 v31, v30;
	v27 =	vadd.f32 v27, v29;
	v29, _, _ =	vpop (xrf2)  }
0x360: {  	(xrf2) =	vadd.scan.msk.f32 $0xffff, v16;
	v16 =	vadd.f32 v62, v61;
	v29 =	vmul.f32 $1.562500000e-02, v29;
	v31 =	vmul.f32 v32, v32  }
0x361: {  	v36 =	vmul.f32 v18, v18;
	v8 =	vadd.f32 v28, v8;
	(xrf2) =	vadd.scan.msk.f32 $0xffff, v30;
	v30 =	vmul.f32 v17, v17  }
0x362: {  	v63 =	vmul.f32 v26, v26;
	v28 =	vmul.f32 v19, v19;
	(xrf2) =	vadd.scan.msk.f32 $0xffff, v16;
	v16 =	vsub.f32 v29, v31  }
0x363: {  	(xrf2) =	vadd.scan.msk.f32 $0xffff, v8;
	v8 =	vadd.f32 v30, v36;
	v15 =	vadd.f32 v27, v15  }
0x364: {  	v27 =	vadd.f32 v28, v63;
	v16 =	vadd.f32 $9.999999740e-06, v16  }
0x365: {  	(xrf2) =	vadd.scan.msk.f32 $0xffff, v15  }
0x366: {  	v8 =	vadd.f32 v8, v27;
	v15 =	vbroadcast v16, $0xF;
	_ =	sdelay $0x1  }
0x367: {  	(xrf2) =	vadd.scan.msk.f32 $0xffff, v8;
	v8 =	vshra.s32 v15, $0x1;
	v15 =	vmul.f32 $5.000000000e-01, v15  }
0x368: {  	v8 =	vsub.s32 $0x5F3759DF, v8  }
0x369: {  	v16, _, _ =	vpop (xrf2);
	v27 =	vmul.f32 v8, v15  }
0x36a: {  	v28, _, _ =	vpop (xrf2)  }
0x36b: {  	v16 =	vmul.f32 $1.562500000e-02, v16;
	v29, _, _ =	vpop (xrf2);
	v27 =	vmul.f32 v8, v27  }
0x36c: {  	v32 =	vbroadcast v32, $0xF;
	v28 =	vmul.f32 $1.562500000e-02, v28;
	v31, _, _ =	vpop (xrf2)  }
0x36d: {  	v30 =	vbroadcast v16, $0xF;
	v31 =	vmul.f32 $1.562500000e-02, v31;
	v27 =	vsub.f32 $1.500000000e+00, v27  }
0x36e: {  	v16 =	vmul.f32 v16, v16;
	v37, _, _ =	vpop (xrf2);
	v38 =	vmul.f32 v28, v28  }
0x36f: {  	v12 =	vsub.f32 v12, v32;
	v33 =	vmul.f32 $1.562500000e-02, v37;
	v27 =	vmul.f32 v8, v27  }
0x370: {  	v16 =	vsub.f32 v31, v16;
	v8 =	vsub.f32 v20, v30  }
0x371: {  	v20 =	vmul.f32 $1.562500000e-02, v29;
	v29 =	vsub.f32 v33, v38;
	v31, _, _ =	vpop (xrf2);
	v39 =	vmul.f32 v27, v15  }
0x372: {  	v9 =	vsub.f32 v9, v30;
	v16 =	vadd.f32 $9.999999740e-06, v16;
	v31 =	vmul.f32 $1.562500000e-02, v31  }
0x373: {  	v40 =	vmul.f32 v20, v20;
	v29 =	vadd.f32 $9.999999740e-06, v29;
	v33 =	vmul.f32 v39, v27  }
0x374: {  	v15 =	vsub.f32 v21, v30;
	v21 =	vbroadcast v16, $0xF;
	v16 =	vsub.f32 v14, v30  }
0x375: {  	v30 =	vbroadcast v20, $0xF;
	v20 =	vsub.f32 v31, v40;
	v31 =	vsub.f32 $1.500000000e+00, v33  }
0x376: {  	v28 =	vbroadcast v28, $0xF;
	v14 =	vbroadcast v29, $0xF;
	v29 =	vshra.s32 v21, $0x1  }
0x377: {  	v41 =	vmul.f32 $5.000000000e-01, v21;
	v29 =	vsub.s32 $0x5F3759DF, v29;
	v27 =	vmul.f32 v31, v27  }
0x378: {  	v42 =	vmul.f32 $5.000000000e-01, v14;
	v14 =	vshra.s32 v14, $0x1;
	v20 =	vadd.f32 $9.999999740e-06, v20  }
0x379: {  	v14 =	vsub.s32 $0x5F3759DF, v14;
	v31 =	vmul.f32 v29, v41;
	v44 =	vmul.f32 v27, v4  }
0x37a: {  	v48 =	vsub.f32 v13, v32;
	v43 =	vmul.f32 v14, v42;
	v20 =	vbroadcast v20, $0xF  }
0x37b: {  	v21 =	vsub.f32 v22, v28;
	v31 =	vmul.f32 v29, v31;
	v12 =	vmul.f32 v44, v12  }
0x37c: {  	v22 =	vsub.f32 v23, v28;
	v23 =	vmul.f32 v14, v43;
	v45 =	vshra.s32 v20, $0x1  }
0x37d: {  	v46 =	vmul.f32 $5.000000000e-01, v20;
	v20 =	vsub.f32 $1.500000000e+00, v31;
	v12 =	vadd.f32 v12, v0  }
0x37e: {  	v35 =	vsub.f32 v24, v28;
	v31 =	vsub.s32 $0x5F3759DF, v45;
	v23 =	vsub.f32 $1.500000000e+00, v23  }
0x37f: {  	s30 =	simm.s32 $0x200;
	v24 =	vmul.f32 v31, v46;
	v29 =	vmul.f32 v29, v20;
	v20 =	vsub.f32 v25, v28;
	[tilespmem:s31+$0x125B0] =	vst v12  }
0x380: {  	v25 =	vmul.f32 v27, v7;
	v47 =	vmul.f32 v14, v23;
	v23 =	vsub.f32 v26, v30;
	v12 =	vld [tilespmem:s30+$0xA580]  }
0x381: {  	v26 =	vmul.f32 v27, v6;
	v28 =	vsub.f32 v11, v32;
	v14 =	vmul.f32 v31, v24;
	v13 =	vld [tilespmem:s30+$0xA590]  }
0x382: {  	v10 =	vsub.f32 v10, v32;
	v27 =	vmul.f32 v27, v5;
	v24 =	vmul.f32 v29, v41;
	v11 =	vld [tilespmem:s30+$0xA5A0]  }
0x383: {  	v34 =	vmul.f32 v47, v42;
	v32 =	vmul.f32 v25, v28;
	v49 =	vsub.f32 $1.500000000e+00, v14;
	v14 =	vld [tilespmem:s30+$0xA5B0]  }
0x384: {  	v10 =	vmul.f32 v27, v10;
	v27 =	vld [tilespmem:s30+$0xA400];
	v24 =	vmul.f32 v24, v29  }
0x385: {  	v33 =	vld [tilespmem:s30+$0xA410];
	v25 =	vmul.f32 v34, v47;
	v31 =	vmul.f32 v31, v49  }
0x386: {  	v28 =	vsub.f32 v19, v30;
	v19 =	vmul.f32 v26, v48;
	v36 =	vld [tilespmem:s30+$0xA430];
	v24 =	vsub.f32 $1.500000000e+00, v24  }
0x387: {  	v26 =	vsub.f32 v18, v30;
	v43 =	vld [tilespmem:s30+$0xA490];
	v25 =	vsub.f32 $1.500000000e+00, v25;
	v18 =	vmul.f32 v31, v46  }
0x388: {  	v38 =	vld [tilespmem:s30+$0xA4A0];
	v29 =	vmul.f32 v24, v29;
	v24 =	vsub.f32 v17, v30;
	v17 =	vmul.f32 v12, v12  }
0x389: {  	v41 =	vld [tilespmem:s30+$0xA480];
	v32 =	vadd.f32 v32, v3;
	v50 =	vmul.f32 v13, v13;
	v51 =	vmul.f32 v11, v11  }
0x38a: {  	v44 =	vld [tilespmem:s30+$0xA4B0];
	v52 =	vmul.f32 v14, v14;
	v53 =	vadd.f32 v13, v12;
	v37 =	vmul.f32 v25, v47  }
0x38b: {  	v30 =	vld [tilespmem:s30+$0xA420];
	v54 =	vadd.f32 v14, v11;
	v56 =	vmul.f32 v27, v27;
	v57 =	vmul.f32 v33, v33  }
0x38c: {  	v60 =	vmul.f32 v36, v36;
	v61 =	vmul.f32 v43, v43;
	v17 =	vadd.f32 v50, v17  }
0x38d: {  	v63 =	vmul.f32 v38, v38;
	v25 =	vadd.f32 v52, v51;
	v55 =	vadd.f32 v54, v53  }
0x38e: {  	v62 =	vadd.f32 v43, v41;
	v18 =	vmul.f32 v18, v31;
	v34 =	vmul.f32 v29, v7  }
0x38f: {  	v47 =	vld [tilespmem:s30+$0xA500];
	v45 =	vmul.f32 v29, v6;
	v40 =	vadd.f32 v57, v56;
	v17 =	vadd.f32 v25, v17;
	(xrf2) =	vadd.scan.msk.f32 $0xffff, v55  }
0x390: {  	v56 =	vmul.f32 v44, v44;
	v25 =	vadd.f32 v33, v27;
	v58 =	vadd.f32 v36, v30  }
0x391: {  	v42 =	vld [tilespmem:s30+$0xA510];
	v52 =	vmul.f32 v37, v6;
	v18 =	vsub.f32 $1.500000000e+00, v18;
	v55 =	vmul.f32 v37, v5;
	(xrf2) =	vadd.scan.msk.f32 $0xffff, v17  }
0x392: {  	v50 =	vld [tilespmem:s30+$0xA520];
	v9 =	vmul.f32 v34, v9;
	v8 =	vmul.f32 v45, v8;
	v46 =	vadd.f32 v58, v25  }
0x393: {  	v48 =	vadd.f32 v56, v63;
	v34 =	vmul.f32 v52, v22;
	v59 =	vmul.f32 v30, v30;
	v25 =	vld [tilespmem:s30+$0xA530]  }
0x394: {  	v18 =	vmul.f32 v18, v31;
	v31 =	vadd.f32 v44, v38;
	v57 =	vmul.f32 v47, v47;
	(xrf2) =	vadd.scan.msk.f32 $0xffff, v46  }
0x395: {  	v17 =	vmul.f32 v41, v41;
	v52 =	vmul.f32 v55, v35;
	v39 =	vadd.f32 v60, v59  }
0x396: {  	v31 =	vadd.f32 v31, v62;
	v58 =	vadd.f32 v42, v47;
	v59 =	vmul.f32 v42, v42  }
0x397: {  	v49 =	vmul.f32 v50, v50;
	v56 =	vmul.f32 v18, v4;
	v17 =	vadd.f32 v61, v17  }
0x398: {  	v39 =	vadd.f32 v39, v40;
	v46 =	vmul.f32 v29, v5;
	v60 =	vadd.f32 v25, v50  }
0x399: {  	v29 =	vmul.f32 v29, v4;
	v40 =	vadd.f32 v59, v57;
	(xrf2) =	vadd.scan.msk.f32 $0xffff, v31;
	v31 =	vmul.f32 v37, v7;
	v62, _, _ =	vpop (xrf2)  }
0x39a: {  	v61 =	vmul.f32 v25, v25;
	v51 =	vadd.f32 v60, v58;
	v53 =	vmul.f32 $1.562500000e-02, v62  }
0x39b: {  	v37 =	vmul.f32 v37, v4;
	v17 =	vadd.f32 v48, v17;
	v48 =	vmul.f32 v18, v7;
	v63, _, _ =	vpop (xrf2)  }
0x39c: {  	v49 =	vadd.f32 v61, v49;
	(xrf2) =	vadd.scan.msk.f32 $0xffff, v51;
	v60 =	vmul.f32 $1.562500000e-02, v63;
	v61 =	vmul.f32 v53, v53  }
0x39d: {  	v35 =	vadd.f32 v9, v3;
	v15 =	vmul.f32 v46, v15;
	v51 =	vmul.f32 v18, v6;
	(xrf2) =	vadd.scan.msk.f32 $0xffff, v39  }
0x39e: {  	v40 =	vadd.f32 v49, v40;
	v49 =	vmul.f32 v18, v5;
	v18 =	vsub.f32 v60, v61;
	v62, _, _ =	vpop (xrf2)  }
0x39f: {  	v54 =	vadd.f32 v8, v1;
	v63 =	vmul.f32 v29, v16;
	v16 =	vmul.f32 $1.562500000e-02, v62  }
0x3a0: {  	v34 =	vadd.f32 v34, v1;
	v31 =	vmul.f32 v31, v21;
	(xrf2) =	vadd.scan.msk.f32 $0xffff, v17;
	v18 =	vadd.f32 $9.999999740e-06, v18  }
0x3a1: {  	v46 =	vadd.f32 v10, v2;
	v37 =	vmul.f32 v37, v20;
	v55 =	vadd.f32 v15, v2  }
0x3a2: {  	v31 =	vadd.f32 v31, v3;
	v28 =	vmul.f32 v51, v28;
	v17 =	vbroadcast v18, $0xF  }
0x3a3: {  	v39 =	vadd.f32 v19, v1;
	v10 =	vbroadcast v16, $0xF;
	v9 =	vmul.f32 v16, v16;
	v16, _, _ =	vpop (xrf2)  }
0x3a4: {  	(xrf2) =	vadd.scan.msk.f32 $0xffff, v40;
	v8 =	vmul.f32 $1.562500000e-02, v16;
	v15 =	vshra.s32 v17, $0x1;
	v57 =	vmul.f32 $5.000000000e-01, v17  }
0x3a5: {  	v19 =	vsub.f32 v30, v10;
	v20 =	vsub.f32 v36, v10;
	v29 =	vsub.s32 $0x5F3759DF, v15  }
0x3a6: {  	v16 =	vsub.f32 v27, v10;
	v18, _, _ =	vpop (xrf2);
	v27 =	vbroadcast v8, $0xF;
	v21 =	vmul.f32 v29, v57  }
0x3a7: {  	v17 =	vsub.f32 v33, v10;
	v15 =	vmul.f32 $1.562500000e-02, v18;
	v8 =	vmul.f32 v8, v8;
	v10, _, _ =	vpop (xrf2)  }
0x3a8: {  	v10 =	vmul.f32 $1.562500000e-02, v10;
	v18 =	vsub.f32 v41, v27;
	v30 =	vmul.f32 v29, v21  }
0x3a9: {  	v33 =	vbroadcast v15, $0xF;
	v21 =	vsub.f32 v43, v27;
	v22 =	vsub.f32 v38, v27  }
0x3aa: {  	v58 =	vmul.f32 v15, v15;
	v15 =	vsub.f32 v44, v27;
	v59, _, _ =	vpop (xrf2);
	v30 =	vsub.f32 $1.500000000e+00, v30  }
0x3ab: {  	v27 =	vmul.f32 v48, v23;
	v23 =	vsub.f32 v10, v9;
	v38 =	vmul.f32 $1.562500000e-02, v59  }
0x3ac: {  	v63 =	vadd.f32 v63, v0;
	v10 =	vsub.f32 v47, v33;
	v60 =	vmul.f32 v29, v30  }
0x3ad: {  	v23 =	vadd.f32 $9.999999740e-06, v23;
	v30 =	vsub.f32 v38, v8;
	v29 =	vmul.f32 v49, v26  }
0x3ae: {  	v9 =	vsub.f32 v42, v33;
	v49 =	vbroadcast v53, $0xF;
	v61, _, _ =	vpop (xrf2);
	v26 =	vmul.f32 v60, v57  }
0x3af: {  	v23 =	vbroadcast v23, $0xF;
	v38 =	vmul.f32 $1.562500000e-02, v61;
	v62 =	vadd.f32 $9.999999740e-06, v30  }
0x3b0: {  	v8 =	vsub.f32 v50, v33;
	v30 =	vmul.f32 v56, v24;
	v24 =	vmul.f32 v26, v60  }
0x3b1: {  	v44 =	vshra.s32 v23, $0x1;
	v26 =	vsub.f32 v38, v58;
	v45 =	vbroadcast v62, $0xF  }
0x3b2: {  	v23 =	vmul.f32 $5.000000000e-01, v23;
	v36 =	vsub.s32 $0x5F3759DF, v44;
	v24 =	vsub.f32 $1.500000000e+00, v24  }
0x3b3: {  	[tilespmem:s31+$0x12580] =	vst v32;
	v26 =	vadd.f32 $9.999999740e-06, v26;
	v47 =	vshra.s32 v45, $0x1;
	v38 =	vmul.f32 $5.000000000e-01, v45  }
0x3b4: {  	[tilespmem:s31+$0x12400] =	vst v35;
	v50 =	vmul.f32 v36, v23;
	v48 =	vsub.s32 $0x5F3759DF, v47;
	v24 =	vmul.f32 v24, v60  }
0x3b5: {  	[tilespmem:s31+$0x12410] =	vst v54;
	v14 =	vsub.f32 v14, v49;
	v51 =	vmul.f32 v48, v38;
	v26 =	vbroadcast v26, $0xF  }
0x3b6: {  	[tilespmem:s31+$0x12490] =	vst v34;
	v40 =	vsub.f32 v11, v49;
	v54 =	vmul.f32 v36, v50;
	v53 =	vmul.f32 v24, v4  }
0x3b7: {  	[tilespmem:s31+$0x12420] =	vst v55;
	v41 =	vmul.f32 v48, v51;
	v55 =	vshra.s32 v26, $0x1;
	v32 =	vmul.f32 $5.000000000e-01, v26  }
0x3b8: {  	[tilespmem:s31+$0x125A0] =	vst v46;
	v26 =	vsub.f32 $1.500000000e+00, v54;
	v56 =	vsub.s32 $0x5F3759DF, v55;
	v14 =	vmul.f32 v53, v14  }
0x3b9: {  	[tilespmem:s31+$0x12480] =	vst v31;
	v60 =	vsub.f32 v13, v49;
	v57 =	vsub.f32 $1.500000000e+00, v41;
	v31 =	vmul.f32 v56, v32  }
0x3ba: {  	[tilespmem:s31+$0x12590] =	vst v39;
	v58 =	vmul.f32 v24, v7;
	v34 =	vmul.f32 v36, v26;
	v59 =	vadd.f32 v14, v0  }
0x3bb: {  	[tilespmem:s31+$0x12430] =	vst v63;
	v14 =	vsub.f32 v25, v33;
	v35 =	vmul.f32 v48, v57;
	v25 =	vmul.f32 v56, v31  }
0x3bc: {  	s1 =	simm.s32 $0x400;
	v26 =	vmul.f32 v24, v6;
	v31 =	vsub.f32 v12, v49;
	v23 =	vmul.f32 v34, v23;
	[tilespmem:s30+$0x125B0] =	vst v59  }
0x3bd: {  	v24 =	vmul.f32 v24, v5;
	v61 =	vmul.f32 v35, v38;
	v62 =	vsub.f32 $1.500000000e+00, v25;
	v12 =	vld [tilespmem:s1+$0xA580]  }
0x3be: {  	v63 =	vmul.f32 v23, v34;
	v25 =	vmul.f32 v58, v31;
	v31 =	vadd.f32 v52, v2;
	v13 =	vld [tilespmem:s1+$0xA590]  }
0x3bf: {  	v38 =	vadd.f32 v37, v0;
	v11 =	vld [tilespmem:s1+$0xA5A0];
	v36 =	vmul.f32 v61, v35;
	v33 =	vmul.f32 v56, v62  }
0x3c0: {  	s0 =	simm.s32 $0x1800;
	v26 =	vmul.f32 v26, v60;
	v24 =	vmul.f32 v24, v40;
	v23 =	vld [tilespmem:s1+$0xA5B0];
	v37 =	vsub.f32 $1.500000000e+00, v63;
	[tilespmem:s31+$0x124A0] =	vst v31  }
.LBB2_9:
0x3c1: {  	p0 =	sne.s32 s0, $0xF800;
	v31 =	vld [tilespmem:s1+$0xA400];
	v36 =	vsub.f32 $1.500000000e+00, v36;
	v39 =	vmul.f32 v33, v32;
	[tilespmem:s31+$0x124B0] =	vst v38;
	v38 =	vadd.f32 v27, v3  }
0x3c2: {  	v32 =	vld [tilespmem:s1+$0xA410];
	v40 =	vmul.f32 v37, v34;
	v34 =	vadd.f32 v28, v1;
	v37 =	vadd.f32 v29, v2  }
0x3c3: {  	v27 =	vld [tilespmem:s1+$0xA420];
	v41 =	vmul.f32 v36, v35;
	v35 =	vmul.f32 v39, v33;
	[tilespmem:s31+$0x12500] =	vst v38;
	v36 =	vadd.f32 v30, v0  }
0x3c4: {  	v38 =	vadd.f32 v13, v12;
	v28 =	vld [tilespmem:s1+$0xA430];
	v42 =	vmul.f32 v40, v7;
	v43 =	vmul.f32 v40, v6;
	[tilespmem:s31+$0x12510] =	vst v34  }
0x3c5: {  	v44 =	vmul.f32 v12, v12;
	v45 =	vmul.f32 v13, v13;
	v29 =	vld [tilespmem:s1+$0xA480];
	v39 =	vadd.f32 v23, v11;
	[tilespmem:s31+$0x12520] =	vst v37  }
0x3c6: {  	v37 =	vmul.f32 v11, v11;
	v46 =	vmul.f32 v23, v23;
	v47 =	vsub.f32 $1.500000000e+00, v35;
	v30 =	vld [tilespmem:s1+$0xA490];
	[tilespmem:s31+$0x12530] =	vst v36;
	s31 =	smov.u32 s30;
	s30 =	smov.u32 s1  }
0x3c7: {  	v49 =	vmul.f32 v31, v31;
	v48 =	vadd.f32 v32, v31;
	v34 =	vld [tilespmem:s30+$0xA4A0];
	v38 =	vadd.f32 v39, v38  }
0x3c8: {  	v44 =	vadd.f32 v45, v44;
	v39 =	vmul.f32 v32, v32;
	v45 =	vadd.f32 v46, v37;
	v36 =	vld [tilespmem:s30+$0xA4B0]  }
0x3c9: {  	v50 =	vmul.f32 v27, v27;
	v46 =	vadd.f32 v28, v27;
	v51 =	vmul.f32 v28, v28;
	v35 =	vld [tilespmem:s30+$0xA500];
	(xrf2) =	vadd.scan.msk.f32 $0xffff, v38  }
0x3ca: {  	v49 =	vadd.f32 v39, v49;
	v44 =	vadd.f32 v45, v44;
	v52 =	vmul.f32 v29, v29;
	v37 =	vld [tilespmem:s30+$0xA510]  }
0x3cb: {  	v45 =	vadd.f32 v46, v48;
	v46 =	vadd.f32 v30, v29;
	v48 =	vmul.f32 v30, v30;
	v38 =	vld [tilespmem:s30+$0xA520]  }
0x3cc: {  	v33 =	vmul.f32 v47, v33;
	v50 =	vadd.f32 v51, v50;
	v51 =	vmul.f32 v34, v34;
	v39 =	vld [tilespmem:s30+$0xA530];
	(xrf2) =	vadd.scan.msk.f32 $0xffff, v44  }
0x3cd: {  	v44 =	vadd.f32 v36, v34;
	v47 =	vadd.f32 v48, v52;
	v48 =	vmul.f32 v36, v36  }
0x3ce: {  	v49 =	vadd.f32 v50, v49;
	v52 =	vmul.f32 v40, v5;
	v50 =	vmul.f32 v35, v35  }
0x3cf: {  	v44 =	vadd.f32 v44, v46;
	v46 =	vadd.f32 v37, v35;
	v53 =	vmul.f32 v37, v37;
	(xrf2) =	vadd.scan.msk.f32 $0xffff, v45  }
0x3d0: {  	v40 =	vmul.f32 v40, v4;
	v45 =	vadd.f32 v48, v51;
	v48 =	vmul.f32 v38, v38  }
0x3d1: {  	v54 =	vadd.f32 v39, v38;
	v50 =	vadd.f32 v53, v50;
	v53 =	vmul.f32 v39, v39  }
0x3d2: {  	v45 =	vadd.f32 v45, v47;
	v47 =	vmul.f32 v41, v6;
	(xrf2) =	vadd.scan.msk.f32 $0xffff, v44;
	v44 =	vmul.f32 v41, v7  }
0x3d3: {  	v46 =	vadd.f32 v54, v46;
	v48 =	vadd.f32 v53, v48;
	v51, _, _ =	vpop (xrf2);
	v53 =	vmul.f32 v41, v5  }
0x3d4: {  	v25 =	vadd.f32 v25, v3;
	v41 =	vmul.f32 v41, v4;
	v54 =	vmul.f32 v33, v7  }
0x3d5: {  	v48 =	vadd.f32 v48, v50;
	v50 =	vmul.f32 $1.562500000e-02, v51;
	(xrf2) =	vadd.scan.msk.f32 $0xffff, v46;
	v46 =	vmul.f32 v33, v6  }
0x3d6: {  	v55 =	vmul.f32 v33, v5;
	v33 =	vmul.f32 v33, v4;
	v51, _, _ =	vpop (xrf2);
	[tilespmem:s31+$0x12580] =	vst v25;
	v25 =	vadd.f32 v26, v1  }
0x3d7: {  	v24 =	vadd.f32 v24, v2;
	v56 =	vmul.f32 $1.562500000e-02, v51;
	v51 =	vmul.f32 v50, v50  }
0x3d8: {  	v16 =	vmul.f32 v42, v16;
	v17 =	vmul.f32 v43, v17;
	(xrf2) =	vadd.scan.msk.f32 $0xffff, v49;
	[tilespmem:s31+$0x12590] =	vst v25  }
0x3d9: {  	v19 =	vmul.f32 v52, v19;
	v40 =	vmul.f32 v40, v20;
	v25 =	vsub.f32 v56, v51;
	v26, _, _ =	vpop (xrf2);
	[tilespmem:s31+$0x125A0] =	vst v24  }
0x3da: {  	v16 =	vadd.f32 v16, v3;
	v43 =	vmul.f32 $1.562500000e-02, v26;
	v26 =	vmul.f32 v44, v18  }
0x3db: {  	v24 =	vmul.f32 v53, v22;
	v18 =	vadd.f32 $9.999999740e-06, v25;
	(xrf2) =	vadd.scan.msk.f32 $0xffff, v45;
	v25 =	vmul.f32 v47, v21  }
0x3dc: {  	v22 =	vadd.f32 v17, v1;
	v21 =	vbroadcast v43, $0xF;
	v42 =	vmul.f32 v43, v43;
	v20, _, _ =	vpop (xrf2);
	[tilespmem:s31+$0x12400] =	vst v16  }
0x3dd: {  	v19 =	vadd.f32 v19, v2;
	v20 =	vmul.f32 $1.562500000e-02, v20;
	v43 =	vbroadcast v18, $0xF  }
0x3de: {  	v16 =	vsub.f32 v31, v21;
	v17 =	vsub.f32 v32, v21;
	(xrf2) =	vadd.scan.msk.f32 $0xffff, v48;
	v31 =	vmul.f32 v41, v15  }
0x3df: {  	v32 =	vmul.f32 v20, v20;
	v15 =	vshra.s32 v43, $0x1;
	v41 =	vmul.f32 $5.000000000e-01, v43;
	v18, _, _ =	vpop (xrf2);
	[tilespmem:s31+$0x12410] =	vst v22  }
0x3e0: {  	v43 =	vbroadcast v20, $0xF;
	v22 =	vmul.f32 $1.562500000e-02, v18;
	v44 =	vsub.s32 $0x5F3759DF, v15;
	[tilespmem:s31+$0x12420] =	vst v19  }
0x3e1: {  	v20 =	vsub.f32 v28, v21;
	v19 =	vsub.f32 v27, v21;
	v15 =	vmul.f32 v44, v41  }
0x3e2: {  	v18 =	vsub.f32 v29, v43;
	v29 =	vbroadcast v22, $0xF;
	v45 =	vmul.f32 v22, v22;
	v21, _, _ =	vpop (xrf2)  }
0x3e3: {  	v28 =	vmul.f32 $1.562500000e-02, v21;
	v21 =	vsub.f32 v30, v43;
	v30 =	vmul.f32 v44, v15  }
0x3e4: {  	v27 =	vmul.f32 v54, v10;
	v22 =	vsub.f32 v34, v43;
	v15 =	vsub.f32 v36, v43  }
0x3e5: {  	v34 =	vsub.f32 v28, v42;
	v30 =	vsub.f32 $1.500000000e+00, v30;
	v10, _, _ =	vpop (xrf2);
	v28 =	vmul.f32 v46, v9  }
0x3e6: {  	v9 =	vsub.f32 v37, v29;
	v42 =	vmul.f32 $1.562500000e-02, v10;
	v10 =	vsub.f32 v35, v29  }
0x3e7: {  	v35 =	vsub.f32 v38, v29;
	v34 =	vadd.f32 $9.999999740e-06, v34;
	v37 =	vmul.f32 v44, v30  }
0x3e8: {  	v30 =	vsub.f32 v42, v32;
	v32 =	vsub.f32 v39, v29;
	v36, _, _ =	vpop (xrf2);
	v29 =	vmul.f32 v55, v8  }
0x3e9: {  	v39 =	vadd.f32 v40, v0;
	v8 =	vmovc v35;
	v36 =	vmul.f32 $1.562500000e-02, v36;
	v38 =	vmul.f32 v37, v41  }
0x3ea: {  	v34 =	vbroadcast v34, $0xF;
	v35 =	vadd.f32 $9.999999740e-06, v30;
	v30 =	vmul.f32 v33, v14;
	v14 =	vmovc v32  }
0x3eb: {  	v26 =	vadd.f32 v26, v3;
	v32 =	vsub.f32 v36, v45;
	v33 =	vmul.f32 v38, v37;
	[tilespmem:s31+$0x12430] =	vst v39  }
0x3ec: {  	v36 =	vshra.s32 v34, $0x1;
	v38 =	vmul.f32 $5.000000000e-01, v34;
	v34 =	vbroadcast v35, $0xF  }
0x3ed: {  	v35 =	vsub.s32 $0x5F3759DF, v36;
	v32 =	vadd.f32 $9.999999740e-06, v32;
	v33 =	vsub.f32 $1.500000000e+00, v33;
	[tilespmem:s31+$0x12480] =	vst v26  }
0x3ee: {  	v26 =	vmul.f32 v35, v38;
	v36 =	vshra.s32 v34, $0x1;
	v39 =	vmul.f32 $5.000000000e-01, v34  }
0x3ef: {  	v40 =	vbroadcast v50, $0xF;
	v36 =	vsub.s32 $0x5F3759DF, v36;
	v33 =	vmul.f32 v33, v37  }
0x3f0: {  	v25 =	vadd.f32 v25, v1;
	v32 =	vbroadcast v32, $0xF;
	v34 =	vmul.f32 v36, v39  }
0x3f1: {  	v23 =	vsub.f32 v23, v40;
	v26 =	vmul.f32 v35, v26;
	v37 =	vmul.f32 v33, v4  }
0x3f2: {  	v41 =	vshra.s32 v32, $0x1;
	v32 =	vmul.f32 $5.000000000e-01, v32;
	v34 =	vmul.f32 v36, v34;
	[tilespmem:s31+$0x12490] =	vst v25  }
0x3f3: {  	v25 =	vsub.f32 $1.500000000e+00, v26;
	v26 =	vsub.s32 $0x5F3759DF, v41;
	v23 =	vmul.f32 v37, v23  }
0x3f4: {  	v42 =	vmul.f32 v33, v7;
	v41 =	vmul.f32 v26, v32;
	v37 =	vsub.f32 $1.500000000e+00, v34  }
0x3f5: {  	v43 =	vmul.f32 v33, v6;
	v34 =	vmul.f32 v35, v25;
	v23 =	vadd.f32 v23, v0  }
0x3f6: {  	v25 =	vmul.f32 v26, v41;
	v35 =	vmul.f32 v36, v37;
	v36 =	vsub.f32 v12, v40  }
.Ltmp3:
0x3f7: {  	s1 =	sshra.s32 s0, $0x2;
	v44 =	vmul.f32 v33, v5;
	v41 =	vsub.f32 v13, v40;
	v37 =	vmul.f32 v34, v38;
	[tilespmem:s30+$0x125B0] =	vst v23;
	(pc) =	sbr.rel @p0 .LBB2_9-.Ltmp3, $4  }
0x3f8: {  	v33 =	vsub.f32 $1.500000000e+00, v25;
	v12 =	vld [tilespmem:s1+$0xA580];
	v23 =	vmul.f32 v35, v39;
	v39 =	vsub.f32 v11, v40  }
0x3f9: {  	v37 =	vmul.f32 v37, v34;
	v25 =	vmul.f32 v42, v36;
	v40 =	vadd.f32 v24, v2;
	v13 =	vld [tilespmem:s1+$0xA590]  }
0x3fa: {  	v38 =	vadd.f32 v31, v0;
	v33 =	vmul.f32 v26, v33;
	v11 =	vld [tilespmem:s1+$0xA5A0];
	v36 =	vmul.f32 v23, v35  }
0x3fb: {  	s0 =	sadd.s32 $0x800, s0;
	v26 =	vmul.f32 v43, v41;
	v37 =	vsub.f32 $1.500000000e+00, v37;
	v24 =	vmul.f32 v44, v39;
	v23 =	vld [tilespmem:s1+$0xA5B0];
	[tilespmem:s31+$0x124A0] =	vst v40  }
0x3fc: {  	v27 =	vadd.f32 v27, v3;
	v28 =	vadd.f32 v28, v1  }
0x3fd: {  	v31 =	vld [tilespmem:s1+$0xA400];
	[tilespmem:s31+$0x124B0] =	vst v38;
	v48 =	vsub.f32 $1.500000000e+00, v36;
	v29 =	vadd.f32 v29, v2  }
0x3fe: {  	v32 =	vmul.f32 v33, v32;
	v30 =	vadd.f32 v30, v0;
	v25 =	vadd.f32 v25, v3;
	v38 =	vld [tilespmem:s1+$0xA410]  }
0x3ff: {  	v39 =	vld [tilespmem:s1+$0xA420];
	v51 =	vmul.f32 v12, v12;
	v26 =	vadd.f32 v26, v1;
	[tilespmem:s31+$0x12500] =	vst v27;
	v27 =	vmul.f32 v48, v35  }
0x400: {  	v32 =	vmul.f32 v32, v33;
	v49 =	vadd.f32 v13, v12;
	v36 =	vld [tilespmem:s1+$0xA430];
	[tilespmem:s31+$0x12510] =	vst v28;
	v28 =	vmul.f32 v37, v34  }
0x401: {  	v40 =	vmul.f32 v13, v13;
	v42 =	vmul.f32 v11, v11;
	v34 =	vld [tilespmem:s1+$0xA480];
	[tilespmem:s31+$0x12520] =	vst v29;
	v50 =	vadd.f32 v23, v11  }
0x402: {  	v43 =	vmul.f32 v23, v23;
	v32 =	vsub.f32 $1.500000000e+00, v32;
	v41 =	vld [tilespmem:s1+$0xA490];
	[tilespmem:s31+$0x12530] =	vst v30;
	v30 =	vmul.f32 v28, v7  }
0x403: {  	v37 =	vadd.f32 v40, v51;
	v35 =	vmul.f32 v28, v6;
	v53 =	vmul.f32 v31, v31  }
0x404: {  	v44 =	vadd.f32 v38, v31;
	v29 =	vadd.f32 v50, v49;
	v54 =	vmul.f32 v38, v38  }
0x405: {  	v45 =	vld [tilespmem:s1+$0xA4A0];
	v52 =	vadd.f32 v43, v42;
	v49 =	vmul.f32 v39, v39;
	v32 =	vmul.f32 v32, v33  }
0x406: {  	v46 =	vld [tilespmem:s1+$0xA4B0];
	v16 =	vmul.f32 v30, v16;
	v17 =	vmul.f32 v35, v17;
	v47 =	vadd.f32 v36, v39  }
0x407: {  	v48 =	vld [tilespmem:s1+$0xA500];
	v50 =	vmul.f32 v36, v36;
	(xrf2) =	vadd.scan.msk.f32 $0xffff, v29;
	v37 =	vadd.f32 v52, v37;
	v52 =	vmul.f32 v28, v5  }
0x408: {  	v29 =	vld [tilespmem:s1+$0xA510];
	v55 =	vadd.f32 v54, v53;
	v28 =	vmul.f32 v28, v4;
	v54 =	vmul.f32 v27, v7  }
0x409: {  	v56 =	vmul.f32 v34, v34;
	v57 =	vadd.f32 v47, v44;
	v44 =	vld [tilespmem:s1+$0xA520];
	v58 =	vadd.f32 v41, v34;
	(xrf2) =	vadd.scan.msk.f32 $0xffff, v37  }
0x40a: {  	v51 =	vmul.f32 v41, v41;
	v49 =	vadd.f32 v50, v49;
	v50 =	vld [tilespmem:s1+$0xA530];
	v19 =	vmul.f32 v52, v19  }
0x40b: {  	v20 =	vmul.f32 v28, v20;
	v18 =	vmul.f32 v54, v18;
	v60 =	vadd.f32 v46, v45  }
0x40c: {  	v24 =	vadd.f32 v24, v2;
	v59 =	vmul.f32 v45, v45;
	v61 =	vmul.f32 v46, v46;
	(xrf2) =	vadd.scan.msk.f32 $0xffff, v57  }
0x40d: {  	v62 =	vmul.f32 v48, v48;
	v42 =	vadd.f32 v51, v56;
	v33 =	vadd.f32 v60, v58  }
0x40e: {  	v40 =	vadd.f32 v49, v55;
	v19 =	vadd.f32 v19, v2;
	v56 =	vmul.f32 v29, v29  }
0x40f: {  	v55 =	vmul.f32 v32, v7;
	v63 =	vadd.f32 v29, v48;
	v53 =	vadd.f32 v50, v44;
	(xrf2) =	vadd.scan.msk.f32 $0xffff, v33  }
0x410: {  	v37 =	vadd.f32 v61, v59;
	v57 =	vmul.f32 v44, v44;
	v47 =	vadd.f32 v56, v62  }
0x411: {  	v58 =	vmul.f32 v50, v50;
	v33 =	vmul.f32 v27, v6;
	v43 =	vadd.f32 v53, v63;
	v59, _, _ =	vpop (xrf2)  }
0x412: {  	v37 =	vadd.f32 v37, v42;
	v56 =	vmul.f32 v32, v5;
	v42 =	vmul.f32 $1.562500000e-02, v59  }
0x413: {  	v20 =	vadd.f32 v20, v0;
	v53 =	vmul.f32 v27, v5;
	v27 =	vmul.f32 v27, v4;
	(xrf2) =	vadd.scan.msk.f32 $0xffff, v43;
	v60, _, _ =	vpop (xrf2)  }
0x414: {  	v18 =	vadd.f32 v18, v3;
	(xrf2) =	vadd.scan.msk.f32 $0xffff, v40;
	v61 =	vmul.f32 $1.562500000e-02, v60;
	v62 =	vmul.f32 v42, v42  }
0x415: {  	v49 =	vadd.f32 v58, v57;
	v21 =	vmul.f32 v33, v21;
	v33 =	vadd.f32 v16, v3  }
0x416: {  	v8 =	vmul.f32 v56, v8;
	v43 =	vmul.f32 v32, v6;
	v40, _, _ =	vpop (xrf2);
	(xrf2) =	vadd.scan.msk.f32 $0xffff, v37;
	v63 =	vsub.f32 v61, v62  }
0x417: {  	v32 =	vmul.f32 v32, v4;
	v47 =	vadd.f32 v49, v47;
	v22 =	vmul.f32 v53, v22  }
0x418: {  	v27 =	vmul.f32 v27, v15;
	v43 =	vmul.f32 v43, v9;
	v30 =	vadd.f32 $9.999999740e-06, v63  }
0x419: {  	v21 =	vadd.f32 v21, v1;
	v14 =	vmul.f32 v32, v14;
	v49 =	vmul.f32 $1.562500000e-02, v40;
	v52, _, _ =	vpop (xrf2);
	(xrf2) =	vadd.scan.msk.f32 $0xffff, v47  }
0x41a: {  	v8 =	vadd.f32 v8, v2;
	v40 =	vmul.f32 v55, v10;
	v30 =	vbroadcast v30, $0xF  }
0x41b: {  	v37 =	vadd.f32 v17, v1;
	v51 =	vbroadcast v49, $0xF;
	v35 =	vmul.f32 $1.562500000e-02, v52  }
0x41c: {  	v28 =	vmul.f32 v49, v49;
	v53 =	vshra.s32 v30, $0x1;
	v30 =	vmul.f32 $5.000000000e-01, v30  }
0x41d: {  	v31 =	vsub.f32 v31, v51;
	v57 =	vbroadcast v35, $0xF;
	v54, _, _ =	vpop (xrf2);
	v58 =	vsub.s32 $0x5F3759DF, v53  }
0x41e: {  	v17 =	vsub.f32 v38, v51;
	v35 =	vmul.f32 v35, v35;
	v60, _, _ =	vpop (xrf2);
	v15 =	vmul.f32 v58, v30  }
0x41f: {  	v39 =	vsub.f32 v39, v51;
	v38 =	vmul.f32 $1.562500000e-02, v54;
	v49 =	vmul.f32 $1.562500000e-02, v60  }
0x420: {  	v34 =	vsub.f32 v34, v57;
	v41 =	vsub.f32 v41, v57;
	v52, _, _ =	vpop (xrf2);
	v61 =	vmul.f32 v58, v15  }
0x421: {  	v15 =	vsub.f32 v46, v57;
	v62 =	vsub.f32 v49, v28;
	v46 =	vmul.f32 $1.562500000e-02, v52  }
0x422: {  	v45 =	vsub.f32 v45, v57;
	v59 =	vbroadcast v38, $0xF;
	v63 =	vsub.f32 $1.500000000e+00, v61  }
0x423: {  	v38 =	vmul.f32 v38, v38;
	v53 =	vadd.f32 $9.999999740e-06, v62;
	v54, _, _ =	vpop (xrf2);
	v35 =	vsub.f32 v46, v35  }
0x424: {  	v48 =	vsub.f32 v48, v59;
	v9 =	vsub.f32 v29, v59;
	v55 =	vmul.f32 $1.562500000e-02, v54  }
0x425: {  	v28 =	vmul.f32 v58, v63;
	v29 =	vbroadcast v53, $0xF;
	v35 =	vadd.f32 $9.999999740e-06, v35  }
0x426: {  	v42 =	vbroadcast v42, $0xF;
	v10 =	vsub.f32 v44, v59;
	v38 =	vsub.f32 v55, v38  }
0x427: {  	v30 =	vmul.f32 v28, v30;
	v56 =	vshra.s32 v29, $0x1;
	v35 =	vbroadcast v35, $0xF  }
0x428: {  	v29 =	vmul.f32 $5.000000000e-01, v29;
	v38 =	vadd.f32 $9.999999740e-06, v38;
	v57 =	vsub.s32 $0x5F3759DF, v56  }
0x429: {  	v30 =	vmul.f32 v30, v28;
	v58 =	vshra.s32 v35, $0x1;
	v35 =	vmul.f32 $5.000000000e-01, v35  }
0x42a: {  	v44 =	vmul.f32 v57, v29;
	v38 =	vbroadcast v38, $0xF;
	v46 =	vsub.s32 $0x5F3759DF, v58  }
0x42b: {  	v16 =	vsub.f32 v50, v59;
	v30 =	vsub.f32 $1.500000000e+00, v30;
	v60 =	vmul.f32 v46, v35  }
0x42c: {  	v44 =	vmul.f32 v57, v44;
	v59 =	vshra.s32 v38, $0x1;
	v38 =	vmul.f32 $5.000000000e-01, v38  }
0x42d: {  	[tilespmem:s30+$0x12580] =	vst v25;
	v36 =	vsub.f32 v36, v51;
	v28 =	vmul.f32 v30, v28;
	v30 =	vsub.s32 $0x5F3759DF, v59  }
0x42e: {  	[tilespmem:s30+$0x12590] =	vst v26;
	v51 =	vmul.f32 v46, v60;
	v44 =	vsub.f32 $1.500000000e+00, v44;
	v63 =	vmul.f32 v30, v38  }
0x42f: {  	[tilespmem:s30+$0x125A0] =	vst v24;
	v61 =	vsub.f32 v23, v42;
	v62 =	vmul.f32 v28, v4;
	v54 =	vmul.f32 v28, v7  }
0x430: {  	[tilespmem:s30+$0x12420] =	vst v19;
	v53 =	vsub.f32 $1.500000000e+00, v51;
	v32 =	vmul.f32 v57, v44;
	v55 =	vmul.f32 v28, v6  }
0x431: {  	[tilespmem:s30+$0x12430] =	vst v20;
	v59 =	vsub.f32 v13, v42;
	v52 =	vmul.f32 v30, v63;
	v23 =	vmul.f32 v62, v61  }
0x432: {  	[tilespmem:s30+$0x12480] =	vst v18;
	v57 =	vsub.f32 v12, v42;
	v56 =	vmul.f32 v46, v53;
	v58 =	vmul.f32 v32, v29  }
0x433: {  	[tilespmem:s30+$0x12400] =	vst v33;
	v60 =	vmul.f32 v28, v5;
	v63 =	vadd.f32 v22, v2;
	v24 =	vsub.f32 $1.500000000e+00, v52  }
0x434: {  	[tilespmem:s30+$0x12490] =	vst v21;
	v23 =	vadd.f32 v23, v0;
	v61 =	vmul.f32 v56, v35;
	v25 =	vmul.f32 v58, v32  }
0x435: {  	[tilespmem:s30+$0x12410] =	vst v37;
	v62 =	vsub.f32 v11, v42;
	v12 =	vmul.f32 v54, v57;
	v24 =	vmul.f32 v30, v24  }
0x436: {  	v29 =	vadd.f32 v27, v0;
	[tilespmem:s1+$0x125B0] =	vst v23;
	v18 =	vmul.f32 v61, v56;
	v25 =	vsub.f32 $1.500000000e+00, v25  }
0x437: {  	v13 =	vmul.f32 v55, v59;
	v30 =	vadd.f32 v40, v3;
	v28 =	vmul.f32 v24, v38;
	[tilespmem:s30+$0x124A0] =	vst v63  }
0x438: {  	v35 =	vadd.f32 v43, v1;
	[tilespmem:s30+$0x124B0] =	vst v29;
	v18 =	vsub.f32 $1.500000000e+00, v18;
	v33 =	vmul.f32 v25, v32  }
0x439: {  	v14 =	vadd.f32 v14, v0;
	v11 =	vmul.f32 v60, v62;
	[tilespmem:s30+$0x12500] =	vst v30;
	v22 =	vmul.f32 v28, v24  }
0x43a: {  	v12 =	vadd.f32 v12, v3;
	[tilespmem:s30+$0x12510] =	vst v35;
	v18 =	vmul.f32 v18, v56;
	v38 =	vmul.f32 v33, v7  }
0x43b: {  	v13 =	vadd.f32 v13, v1;
	[tilespmem:s30+$0x12520] =	vst v8;
	v40 =	vmul.f32 v33, v6;
	v42 =	vmul.f32 v33, v5  }
0x43c: {  	v11 =	vadd.f32 v11, v2;
	[tilespmem:s30+$0x12530] =	vst v14;
	v43 =	vmul.f32 v33, v4;
	v19 =	vmul.f32 v38, v31  }
0x43d: {  	[tilespmem:s1+$0x12580] =	vst v12;
	v37 =	vsub.f32 $1.500000000e+00, v22;
	v44 =	vmul.f32 v40, v17;
	v46 =	vmul.f32 v18, v7  }
0x43e: {  	[tilespmem:s1+$0x12590] =	vst v13;
	v47 =	vmul.f32 v42, v39;
	v50 =	vmul.f32 v18, v6;
	v49 =	vadd.f32 v19, v3  }
0x43f: {  	[tilespmem:s1+$0x125A0] =	vst v11;
	v20 =	vmul.f32 v43, v36;
	v52 =	vmul.f32 v18, v5;
	v51 =	vadd.f32 v44, v1  }
0x440: {  	v8 =	vmul.f32 v37, v24;
	v17 =	vmul.f32 v46, v34;
	v13 =	vadd.f32 v47, v2;
	[tilespmem:s1+$0x12400] =	vst v49  }
0x441: {  	v53 =	vmul.f32 v18, v4;
	v54 =	vmul.f32 v50, v41;
	v55 =	vadd.f32 v20, v0;
	[tilespmem:s1+$0x12410] =	vst v51  }
0x442: {  	v12 =	vmul.f32 v52, v45;
	v56 =	vmul.f32 v8, v7;
	[tilespmem:s1+$0x12420] =	vst v13;
	v57 =	vadd.f32 v17, v3  }
0x443: {  	v14 =	vmul.f32 v53, v15;
	v58 =	vmul.f32 v8, v6;
	[tilespmem:s1+$0x12430] =	vst v55;
	v59 =	vadd.f32 v54, v1  }
0x444: {  	v60 =	vmul.f32 v8, v5;
	v12 =	vadd.f32 v12, v2;
	v61 =	vmul.f32 v56, v48;
	[tilespmem:s1+$0x12480] =	vst v57  }
0x445: {  	v8 =	vmul.f32 v8, v4;
	v62 =	vadd.f32 v14, v0;
	v9 =	vmul.f32 v58, v9;
	[tilespmem:s1+$0x12490] =	vst v59  }
0x446: {  	v10 =	vmul.f32 v60, v10;
	[tilespmem:s1+$0x124A0] =	vst v12;
	v63 =	vadd.f32 v61, v3  }
0x447: {  	v8 =	vmul.f32 v8, v16;
	[tilespmem:s1+$0x124B0] =	vst v62;
	v9 =	vadd.f32 v9, v1  }
0x448: {  	s0 =	sshll.u32 s28, $0xC;
	s28 =	sadd.s32 $0x1, s28;
	v10 =	vadd.f32 v10, v2;
	[tilespmem:s1+$0x12500] =	vst v63  }
0x449: {  	p0 =	sne.s32 s28, $0x63;
	v8 =	vadd.f32 v8, v0;
	[tilespmem:s1+$0x12510] =	vst v9  }
.Ltmp4:
0x44a: {  	[tilespmem:s1+$0x12520] =	vst v10;
	(pc) =	sbr.rel @p0 .LBB2_6-.Ltmp4, $4  }
0x44b: {  	s0 =	sadd.s32 s9, s0;
	[tilespmem:s1+$0x12530] =	vst v8  }
0x44c: {  	[hbm4b:s0+s2] =	stream.linear.scatter [tilespmem:s22], [sflag:$0x4], $0x4000, $0x38;
	[tilespmem:$0x16480] =	vst v63  }
0x44d: {  	s31 =	sadd.s32 $0x180, s29  }
0x44e: {  	[tilespmem:s17], [sflag:$0x2] =	stream.indirect.gather [hbm4b:s3+s15], $0x80, s31, s15, $0xb8;
	[tilespmem:$0x16480] =	vst v63  }
0x44f: {  	_ =	swait.ge [sflag:s18], $0x4000  }
0x450: {  	[sflag:s18] =	ssyncset.done $0x0  }
0x451: {  	[sflag:s18] =	ssyncadd.s32 $0xFFFFC000  }
0x452: {  	_ =	swait.ge [sflag:s24], $0x4000  }
0x453: {  	[sflag:s24] =	ssyncset.done $0x0  }
0x454: {  	s29 =	simm.s32 $0x0;
	[sflag:s24] =	ssyncadd.s32 $0xFFFFC000  }
0x455: {  	v11 =	vld [tilespmem:s29+$0x6580]  }
0x456: {  	v13 =	vld [tilespmem:s29+$0x6590]  }
0x457: {  	v10 =	vld [tilespmem:s29+$0x65A0]  }
0x458: {  	v12 =	vld [tilespmem:s29+$0x65B0];
	_ =	sdelay $0x3  }
0x459: {  	v8 =	vadd.f32 v13, v11  }
0x45a: {  	v9 =	vld [tilespmem:s29+$0x6400];
	v14 =	vadd.f32 v12, v10;
	v15 =	vmul.f32 v11, v11;
	v16 =	vmul.f32 v13, v13  }
0x45b: {  	v20 =	vld [tilespmem:s29+$0x6410];
	v17 =	vmul.f32 v10, v10;
	v18 =	vmul.f32 v12, v12  }
0x45c: {  	v21 =	vld [tilespmem:s29+$0x6420];
	v8 =	vadd.f32 v14, v8  }
0x45d: {  	v22 =	vld [tilespmem:s29+$0x6480];
	v15 =	vadd.f32 v16, v15;
	v16 =	vadd.f32 v18, v17  }
0x45e: {  	v23 =	vld [tilespmem:s29+$0x6490]  }
0x45f: {  	v14 =	vld [tilespmem:s29+$0x6430];
	(xrf2) =	vadd.scan.msk.f32 $0xffff, v8;
	v8 =	vadd.f32 v16, v15  }
0x460: {  	v24 =	vld [tilespmem:s29+$0x64A0]  }
0x461: {  	v25 =	vld [tilespmem:s29+$0x64B0];
	(xrf2) =	vadd.scan.msk.f32 $0xffff, v8  }
0x462: {  	v26 =	vld [tilespmem:s29+$0x6500]  }
0x463: {  	v19 =	vld [tilespmem:s29+$0x6510];
	v15 =	vmul.f32 v20, v20  }
0x464: {  	v18 =	vld [tilespmem:s29+$0x6520];
	v16 =	vadd.f32 v20, v9;
	v8 =	vmul.f32 v9, v9;
	v27 =	vadd.f32 v14, v21  }
0x465: {  	v28 =	vmul.f32 v21, v21;
	v17 =	vld [tilespmem:s29+$0x6530];
	v29 =	vmul.f32 v14, v14  }
0x466: {  	v8 =	vadd.f32 v15, v8;
	v15 =	vmul.f32 v22, v22;
	v16 =	vadd.f32 v27, v16  }
0x467: {  	v27 =	vmul.f32 v23, v23;
	v28 =	vadd.f32 v29, v28;
	v29 =	vmul.f32 v24, v24  }
0x468: {  	v30 =	vadd.f32 v23, v22  }
0x469: {  	v31 =	vadd.f32 v25, v24;
	v15 =	vadd.f32 v27, v15;
	v27 =	vmul.f32 v25, v25;
	v32, _, _ =	vpop (xrf2)  }
0x46a: {  	v33 =	vadd.f32 v19, v26;
	v34 =	vadd.f32 v17, v18;
	v32 =	vmul.f32 $1.562500000e-02, v32  }
0x46b: {  	v30 =	vadd.f32 v31, v30;
	v27 =	vadd.f32 v27, v29;
	v29, _, _ =	vpop (xrf2)  }
0x46c: {  	(xrf2) =	vadd.scan.msk.f32 $0xffff, v16;
	v16 =	vadd.f32 v34, v33;
	v29 =	vmul.f32 $1.562500000e-02, v29;
	v31 =	vmul.f32 v32, v32  }
0x46d: {  	v35 =	vmul.f32 v26, v26;
	v8 =	vadd.f32 v28, v8;
	v28 =	vmul.f32 v19, v19;
	(xrf2) =	vadd.scan.msk.f32 $0xffff, v30  }
0x46e: {  	v42 =	vmul.f32 v18, v18;
	v30 =	vmul.f32 v17, v17;
	(xrf2) =	vadd.scan.msk.f32 $0xffff, v16;
	v16 =	vsub.f32 v29, v31  }
0x46f: {  	v15 =	vadd.f32 v27, v15;
	v27 =	vadd.f32 v28, v35;
	(xrf2) =	vadd.scan.msk.f32 $0xffff, v8  }
0x470: {  	v8 =	vadd.f32 v30, v42;
	v16 =	vadd.f32 $9.999999740e-06, v16  }
0x471: {  	(xrf2) =	vadd.scan.msk.f32 $0xffff, v15  }
0x472: {  	v8 =	vadd.f32 v8, v27;
	v15 =	vbroadcast v16, $0xF;
	_ =	sdelay $0x1  }
0x473: {  	(xrf2) =	vadd.scan.msk.f32 $0xffff, v8;
	v8 =	vshra.s32 v15, $0x1;
	v15 =	vmul.f32 $5.000000000e-01, v15  }
0x474: {  	v8 =	vsub.s32 $0x5F3759DF, v8  }
0x475: {  	v16, _, _ =	vpop (xrf2);
	v27 =	vmul.f32 v8, v15  }
0x476: {  	v28, _, _ =	vpop (xrf2)  }
0x477: {  	v16 =	vmul.f32 $1.562500000e-02, v16;
	v29, _, _ =	vpop (xrf2);
	v27 =	vmul.f32 v8, v27  }
0x478: {  	v32 =	vbroadcast v32, $0xF;
	v28 =	vmul.f32 $1.562500000e-02, v28;
	v31, _, _ =	vpop (xrf2)  }
0x479: {  	v30 =	vbroadcast v16, $0xF;
	v31 =	vmul.f32 $1.562500000e-02, v31;
	v27 =	vsub.f32 $1.500000000e+00, v27  }
0x47a: {  	v16 =	vmul.f32 v16, v16;
	v43, _, _ =	vpop (xrf2);
	v44 =	vmul.f32 v28, v28  }
0x47b: {  	v12 =	vsub.f32 v12, v32;
	v33 =	vmul.f32 $1.562500000e-02, v43;
	v27 =	vmul.f32 v8, v27  }
0x47c: {  	v16 =	vsub.f32 v31, v16;
	v8 =	vsub.f32 v20, v30  }
0x47d: {  	v20 =	vmul.f32 $1.562500000e-02, v29;
	v29 =	vsub.f32 v33, v44;
	v31, _, _ =	vpop (xrf2);
	v45 =	vmul.f32 v27, v15  }
0x47e: {  	v9 =	vsub.f32 v9, v30;
	v16 =	vadd.f32 $9.999999740e-06, v16;
	v31 =	vmul.f32 $1.562500000e-02, v31  }
0x47f: {  	v46 =	vmul.f32 v20, v20;
	v29 =	vadd.f32 $9.999999740e-06, v29;
	v33 =	vmul.f32 v45, v27  }
0x480: {  	v15 =	vsub.f32 v21, v30;
	v21 =	vbroadcast v16, $0xF;
	v16 =	vsub.f32 v14, v30  }
0x481: {  	v30 =	vbroadcast v20, $0xF;
	v20 =	vsub.f32 v31, v46;
	v31 =	vsub.f32 $1.500000000e+00, v33  }
0x482: {  	v28 =	vbroadcast v28, $0xF;
	v14 =	vbroadcast v29, $0xF;
	v29 =	vshra.s32 v21, $0x1  }
0x483: {  	v47 =	vmul.f32 $5.000000000e-01, v21;
	v29 =	vsub.s32 $0x5F3759DF, v29;
	v27 =	vmul.f32 v31, v27  }
0x484: {  	v48 =	vmul.f32 $5.000000000e-01, v14;
	v14 =	vshra.s32 v14, $0x1;
	v20 =	vadd.f32 $9.999999740e-06, v20  }
0x485: {  	v14 =	vsub.s32 $0x5F3759DF, v14;
	v31 =	vmul.f32 v29, v47;
	v36 =	vmul.f32 v27, v4  }
0x486: {  	v52 =	vsub.f32 v13, v32;
	v49 =	vmul.f32 v14, v48;
	v20 =	vbroadcast v20, $0xF  }
0x487: {  	v21 =	vsub.f32 v22, v28;
	v31 =	vmul.f32 v29, v31;
	v12 =	vmul.f32 v36, v12  }
0x488: {  	v22 =	vsub.f32 v23, v28;
	v23 =	vmul.f32 v14, v49;
	v50 =	vshra.s32 v20, $0x1  }
0x489: {  	v51 =	vmul.f32 $5.000000000e-01, v20;
	v20 =	vsub.f32 $1.500000000e+00, v31;
	v12 =	vadd.f32 v12, v0  }
0x48a: {  	v10 =	vsub.f32 v10, v32;
	v31 =	vsub.s32 $0x5F3759DF, v50;
	v23 =	vsub.f32 $1.500000000e+00, v23  }
0x48b: {  	s28 =	simm.s32 $0x200;
	v35 =	vsub.f32 v24, v28;
	v24 =	vmul.f32 v31, v51;
	v29 =	vmul.f32 v29, v20;
	[tilespmem:s29+$0xE5B0] =	vst v12  }
0x48c: {  	v20 =	vsub.f32 v25, v28;
	v25 =	vmul.f32 v27, v7;
	v37 =	vmul.f32 v14, v23;
	v12 =	vld [tilespmem:s28+$0x6580]  }
0x48d: {  	v23 =	vsub.f32 v26, v30;
	v26 =	vmul.f32 v27, v6;
	v14 =	vmul.f32 v31, v24;
	v13 =	vld [tilespmem:s28+$0x6590]  }
0x48e: {  	v28 =	vsub.f32 v11, v32;
	v27 =	vmul.f32 v27, v5;
	v24 =	vmul.f32 v29, v47;
	v11 =	vld [tilespmem:s28+$0x65A0]  }
0x48f: {  	v34 =	vmul.f32 v37, v48;
	v38 =	vsub.f32 $1.500000000e+00, v14;
	v14 =	vld [tilespmem:s28+$0x65B0]  }
0x490: {  	v10 =	vmul.f32 v27, v10;
	v27 =	vld [tilespmem:s28+$0x6400];
	v24 =	vmul.f32 v24, v29  }
0x491: {  	v32 =	vmul.f32 v25, v28;
	v33 =	vld [tilespmem:s28+$0x6410]  }
0x492: {  	v36 =	vld [tilespmem:s28+$0x6430];
	v25 =	vmul.f32 v34, v37;
	v31 =	vmul.f32 v31, v38;
	v24 =	vsub.f32 $1.500000000e+00, v24  }
0x493: {  	v28 =	vsub.f32 v19, v30;
	v19 =	vmul.f32 v26, v52;
	v26 =	vsub.f32 v18, v30;
	v43 =	vld [tilespmem:s28+$0x6490]  }
0x494: {  	v44 =	vld [tilespmem:s28+$0x64B0];
	v25 =	vsub.f32 $1.500000000e+00, v25;
	v18 =	vmul.f32 v31, v51;
	v29 =	vmul.f32 v24, v29  }
0x495: {  	v47 =	vld [tilespmem:s28+$0x6500];
	v24 =	vsub.f32 v17, v30;
	v17 =	vmul.f32 v12, v12;
	v53 =	vmul.f32 v13, v13  }
0x496: {  	v50 =	vld [tilespmem:s28+$0x6520];
	v54 =	vmul.f32 v11, v11;
	v39 =	vmul.f32 v14, v14  }
0x497: {  	v41 =	vld [tilespmem:s28+$0x6480];
	v40 =	vadd.f32 v13, v12;
	v37 =	vmul.f32 v25, v37;
	v56 =	vmul.f32 v27, v27  }
0x498: {  	v30 =	vld [tilespmem:s28+$0x6420];
	v42 =	vadd.f32 v14, v11;
	v57 =	vmul.f32 v33, v33;
	v48 =	vmul.f32 v36, v36  }
0x499: {  	v38 =	vld [tilespmem:s28+$0x64A0];
	v49 =	vmul.f32 v43, v43;
	v60 =	vmul.f32 v44, v44;
	v17 =	vadd.f32 v53, v17  }
0x49a: {  	v18 =	vmul.f32 v18, v31;
	v25 =	vadd.f32 v39, v54;
	v55 =	vadd.f32 v42, v40  }
0x49b: {  	v32 =	vadd.f32 v32, v3;
	v61 =	vmul.f32 v47, v47;
	v63 =	vmul.f32 v50, v50  }
0x49c: {  	v34 =	vmul.f32 v29, v7;
	v18 =	vsub.f32 $1.500000000e+00, v18;
	v17 =	vadd.f32 v25, v17;
	(xrf2) =	vadd.scan.msk.f32 $0xffff, v55  }
0x49d: {  	v45 =	vmul.f32 v29, v6;
	v42 =	vld [tilespmem:s28+$0x6510];
	v25 =	vadd.f32 v33, v27;
	v46 =	vadd.f32 v36, v30  }
0x49e: {  	v51 =	vadd.f32 v43, v41;
	v59 =	vmul.f32 v38, v38;
	v58 =	vmul.f32 v30, v30;
	(xrf2) =	vadd.scan.msk.f32 $0xffff, v17  }
0x49f: {  	v18 =	vmul.f32 v18, v31;
	v31 =	vadd.f32 v44, v38;
	v46 =	vadd.f32 v46, v25  }
0x4a0: {  	v40 =	vadd.f32 v57, v56;
	v55 =	vmul.f32 v37, v5;
	v9 =	vmul.f32 v34, v9;
	v25 =	vld [tilespmem:s28+$0x6530]  }
0x4a1: {  	v17 =	vmul.f32 v41, v41;
	v39 =	vadd.f32 v48, v58;
	v31 =	vadd.f32 v31, v51;
	(xrf2) =	vadd.scan.msk.f32 $0xffff, v46  }
0x4a2: {  	v62 =	vadd.f32 v42, v47;
	v52 =	vmul.f32 v42, v42;
	v48 =	vadd.f32 v60, v59  }
0x4a3: {  	v8 =	vmul.f32 v45, v8;
	v17 =	vadd.f32 v49, v17;
	v39 =	vadd.f32 v39, v40  }
0x4a4: {  	v46 =	vmul.f32 v29, v5;
	v29 =	vmul.f32 v29, v4;
	v40 =	vadd.f32 v52, v61  }
0x4a5: {  	v52 =	vmul.f32 v37, v6;
	(xrf2) =	vadd.scan.msk.f32 $0xffff, v31;
	v31 =	vmul.f32 v37, v7;
	v53 =	vadd.f32 v25, v50  }
0x4a6: {  	v37 =	vmul.f32 v37, v4;
	v17 =	vadd.f32 v48, v17;
	v54 =	vmul.f32 v25, v25;
	v59, _, _ =	vpop (xrf2)  }
0x4a7: {  	v48 =	vmul.f32 v18, v7;
	v51 =	vadd.f32 v53, v62;
	v53 =	vmul.f32 $1.562500000e-02, v59  }
0x4a8: {  	v15 =	vmul.f32 v46, v15;
	v34 =	vmul.f32 v52, v22;
	v49 =	vadd.f32 v54, v63;
	v56, _, _ =	vpop (xrf2)  }
0x4a9: {  	v46 =	vadd.f32 v10, v2;
	(xrf2) =	vadd.scan.msk.f32 $0xffff, v51;
	v60 =	vmul.f32 $1.562500000e-02, v56;
	v61 =	vmul.f32 v53, v53  }
0x4aa: {  	v52 =	vmul.f32 v55, v35;
	v51 =	vmul.f32 v18, v6;
	v40 =	vadd.f32 v49, v40;
	(xrf2) =	vadd.scan.msk.f32 $0xffff, v39  }
0x4ab: {  	v49 =	vmul.f32 v18, v5;
	v56 =	vmul.f32 v18, v4;
	v18 =	vsub.f32 v60, v61;
	v62, _, _ =	vpop (xrf2)  }
0x4ac: {  	v35 =	vadd.f32 v9, v3;
	v63 =	vmul.f32 v29, v16;
	v16 =	vmul.f32 $1.562500000e-02, v62  }
0x4ad: {  	v31 =	vmul.f32 v31, v21;
	v55 =	vadd.f32 v15, v2;
	(xrf2) =	vadd.scan.msk.f32 $0xffff, v17;
	v18 =	vadd.f32 $9.999999740e-06, v18  }
0x4ae: {  	v37 =	vmul.f32 v37, v20;
	v34 =	vadd.f32 v34, v1;
	v54 =	vadd.f32 v8, v1  }
0x4af: {  	v31 =	vadd.f32 v31, v3;
	v63 =	vadd.f32 v63, v0;
	v17 =	vbroadcast v18, $0xF  }
0x4b0: {  	v39 =	vadd.f32 v19, v1;
	v10 =	vbroadcast v16, $0xF;
	v9 =	vmul.f32 v16, v16;
	v16, _, _ =	vpop (xrf2)  }
0x4b1: {  	(xrf2) =	vadd.scan.msk.f32 $0xffff, v40;
	v8 =	vmul.f32 $1.562500000e-02, v16;
	v15 =	vshra.s32 v17, $0x1;
	v57 =	vmul.f32 $5.000000000e-01, v17  }
0x4b2: {  	v19 =	vsub.f32 v30, v10;
	v20 =	vsub.f32 v36, v10;
	v29 =	vsub.s32 $0x5F3759DF, v15  }
0x4b3: {  	v16 =	vsub.f32 v27, v10;
	v18, _, _ =	vpop (xrf2);
	v27 =	vbroadcast v8, $0xF;
	v21 =	vmul.f32 v29, v57  }
0x4b4: {  	v17 =	vsub.f32 v33, v10;
	v15 =	vmul.f32 $1.562500000e-02, v18;
	v8 =	vmul.f32 v8, v8;
	v10, _, _ =	vpop (xrf2)  }
0x4b5: {  	v10 =	vmul.f32 $1.562500000e-02, v10;
	v18 =	vsub.f32 v41, v27;
	v30 =	vmul.f32 v29, v21  }
0x4b6: {  	v33 =	vbroadcast v15, $0xF;
	v21 =	vsub.f32 v43, v27;
	v22 =	vsub.f32 v38, v27  }
0x4b7: {  	v58 =	vmul.f32 v15, v15;
	v15 =	vsub.f32 v44, v27;
	v59, _, _ =	vpop (xrf2);
	v30 =	vsub.f32 $1.500000000e+00, v30  }
0x4b8: {  	v27 =	vmul.f32 v48, v23;
	v23 =	vsub.f32 v10, v9;
	v38 =	vmul.f32 $1.562500000e-02, v59  }
0x4b9: {  	v28 =	vmul.f32 v51, v28;
	v10 =	vsub.f32 v47, v33;
	v60 =	vmul.f32 v29, v30  }
0x4ba: {  	v23 =	vadd.f32 $9.999999740e-06, v23;
	v30 =	vsub.f32 v38, v8;
	v29 =	vmul.f32 v49, v26  }
0x4bb: {  	v9 =	vsub.f32 v42, v33;
	v49 =	vbroadcast v53, $0xF;
	v61, _, _ =	vpop (xrf2);
	v26 =	vmul.f32 v60, v57  }
0x4bc: {  	v23 =	vbroadcast v23, $0xF;
	v38 =	vmul.f32 $1.562500000e-02, v61;
	v62 =	vadd.f32 $9.999999740e-06, v30  }
0x4bd: {  	v8 =	vsub.f32 v50, v33;
	v30 =	vmul.f32 v56, v24;
	v24 =	vmul.f32 v26, v60  }
0x4be: {  	v44 =	vshra.s32 v23, $0x1;
	v26 =	vsub.f32 v38, v58;
	v45 =	vbroadcast v62, $0xF  }
0x4bf: {  	v23 =	vmul.f32 $5.000000000e-01, v23;
	v36 =	vsub.s32 $0x5F3759DF, v44;
	v24 =	vsub.f32 $1.500000000e+00, v24  }
0x4c0: {  	[tilespmem:s29+$0xE580] =	vst v32;
	v26 =	vadd.f32 $9.999999740e-06, v26;
	v47 =	vshra.s32 v45, $0x1;
	v38 =	vmul.f32 $5.000000000e-01, v45  }
0x4c1: {  	[tilespmem:s29+$0xE5A0] =	vst v46;
	v50 =	vmul.f32 v36, v23;
	v48 =	vsub.s32 $0x5F3759DF, v47;
	v24 =	vmul.f32 v24, v60  }
0x4c2: {  	[tilespmem:s29+$0xE400] =	vst v35;
	v14 =	vsub.f32 v14, v49;
	v51 =	vmul.f32 v48, v38;
	v26 =	vbroadcast v26, $0xF  }
0x4c3: {  	[tilespmem:s29+$0xE410] =	vst v54;
	v40 =	vsub.f32 v11, v49;
	v54 =	vmul.f32 v36, v50;
	v53 =	vmul.f32 v24, v4  }
0x4c4: {  	[tilespmem:s29+$0xE420] =	vst v55;
	v41 =	vmul.f32 v48, v51;
	v55 =	vshra.s32 v26, $0x1;
	v32 =	vmul.f32 $5.000000000e-01, v26  }
0x4c5: {  	[tilespmem:s29+$0xE490] =	vst v34;
	v26 =	vsub.f32 $1.500000000e+00, v54;
	v56 =	vsub.s32 $0x5F3759DF, v55;
	v14 =	vmul.f32 v53, v14  }
0x4c6: {  	[tilespmem:s29+$0xE480] =	vst v31;
	v60 =	vsub.f32 v13, v49;
	v57 =	vsub.f32 $1.500000000e+00, v41;
	v31 =	vmul.f32 v56, v32  }
0x4c7: {  	[tilespmem:s29+$0xE430] =	vst v63;
	v58 =	vmul.f32 v24, v7;
	v34 =	vmul.f32 v36, v26;
	v59 =	vadd.f32 v14, v0  }
0x4c8: {  	[tilespmem:s29+$0xE590] =	vst v39;
	v14 =	vsub.f32 v25, v33;
	v35 =	vmul.f32 v48, v57;
	v25 =	vmul.f32 v56, v31  }
0x4c9: {  	s1 =	simm.s32 $0x400;
	v26 =	vmul.f32 v24, v6;
	v31 =	vsub.f32 v12, v49;
	v23 =	vmul.f32 v34, v23;
	[tilespmem:s28+$0xE5B0] =	vst v59  }
0x4ca: {  	v24 =	vmul.f32 v24, v5;
	v61 =	vmul.f32 v35, v38;
	v62 =	vsub.f32 $1.500000000e+00, v25;
	v12 =	vld [tilespmem:s1+$0x6580]  }
0x4cb: {  	v63 =	vmul.f32 v23, v34;
	v25 =	vmul.f32 v58, v31;
	v31 =	vadd.f32 v52, v2;
	v13 =	vld [tilespmem:s1+$0x6590]  }
0x4cc: {  	v38 =	vadd.f32 v37, v0;
	v11 =	vld [tilespmem:s1+$0x65A0];
	v36 =	vmul.f32 v61, v35;
	v33 =	vmul.f32 v56, v62  }
0x4cd: {  	s0 =	simm.s32 $0x1800;
	v26 =	vmul.f32 v26, v60;
	v24 =	vmul.f32 v24, v40;
	v23 =	vld [tilespmem:s1+$0x65B0];
	v37 =	vsub.f32 $1.500000000e+00, v63;
	[tilespmem:s29+$0xE4A0] =	vst v31  }
.LBB2_12:
0x4ce: {  	p0 =	sne.s32 s0, $0xF800;
	v31 =	vld [tilespmem:s1+$0x6400];
	v36 =	vsub.f32 $1.500000000e+00, v36;
	v39 =	vmul.f32 v33, v32;
	[tilespmem:s29+$0xE4B0] =	vst v38;
	v38 =	vadd.f32 v27, v3  }
0x4cf: {  	v32 =	vld [tilespmem:s1+$0x6410];
	v40 =	vmul.f32 v37, v34;
	v34 =	vadd.f32 v28, v1;
	v37 =	vadd.f32 v29, v2  }
0x4d0: {  	v27 =	vld [tilespmem:s1+$0x6420];
	v41 =	vmul.f32 v36, v35;
	v35 =	vmul.f32 v39, v33;
	[tilespmem:s29+$0xE500] =	vst v38;
	v36 =	vadd.f32 v30, v0  }
0x4d1: {  	v38 =	vadd.f32 v13, v12;
	v28 =	vld [tilespmem:s1+$0x6430];
	v42 =	vmul.f32 v40, v7;
	v43 =	vmul.f32 v40, v6;
	[tilespmem:s29+$0xE510] =	vst v34  }
0x4d2: {  	v44 =	vmul.f32 v12, v12;
	v45 =	vmul.f32 v13, v13;
	v29 =	vld [tilespmem:s1+$0x6480];
	v39 =	vadd.f32 v23, v11;
	[tilespmem:s29+$0xE520] =	vst v37  }
0x4d3: {  	v37 =	vmul.f32 v11, v11;
	v46 =	vmul.f32 v23, v23;
	v47 =	vsub.f32 $1.500000000e+00, v35;
	v30 =	vld [tilespmem:s1+$0x6490];
	[tilespmem:s29+$0xE530] =	vst v36;
	s29 =	smov.u32 s28;
	s28 =	smov.u32 s1  }
0x4d4: {  	v49 =	vmul.f32 v31, v31;
	v48 =	vadd.f32 v32, v31;
	v34 =	vld [tilespmem:s28+$0x64A0];
	v38 =	vadd.f32 v39, v38  }
0x4d5: {  	v44 =	vadd.f32 v45, v44;
	v39 =	vmul.f32 v32, v32;
	v45 =	vadd.f32 v46, v37;
	v36 =	vld [tilespmem:s28+$0x64B0]  }
0x4d6: {  	v50 =	vmul.f32 v27, v27;
	v46 =	vadd.f32 v28, v27;
	v51 =	vmul.f32 v28, v28;
	v35 =	vld [tilespmem:s28+$0x6500];
	(xrf2) =	vadd.scan.msk.f32 $0xffff, v38  }
0x4d7: {  	v49 =	vadd.f32 v39, v49;
	v44 =	vadd.f32 v45, v44;
	v52 =	vmul.f32 v29, v29;
	v37 =	vld [tilespmem:s28+$0x6510]  }
0x4d8: {  	v45 =	vadd.f32 v46, v48;
	v46 =	vadd.f32 v30, v29;
	v48 =	vmul.f32 v30, v30;
	v38 =	vld [tilespmem:s28+$0x6520]  }
0x4d9: {  	v33 =	vmul.f32 v47, v33;
	v50 =	vadd.f32 v51, v50;
	v51 =	vmul.f32 v34, v34;
	v39 =	vld [tilespmem:s28+$0x6530];
	(xrf2) =	vadd.scan.msk.f32 $0xffff, v44  }
0x4da: {  	v44 =	vadd.f32 v36, v34;
	v47 =	vadd.f32 v48, v52;
	v48 =	vmul.f32 v36, v36  }
0x4db: {  	v49 =	vadd.f32 v50, v49;
	v52 =	vmul.f32 v40, v5;
	v50 =	vmul.f32 v35, v35  }
0x4dc: {  	v44 =	vadd.f32 v44, v46;
	v46 =	vadd.f32 v37, v35;
	v53 =	vmul.f32 v37, v37;
	(xrf2) =	vadd.scan.msk.f32 $0xffff, v45  }
0x4dd: {  	v40 =	vmul.f32 v40, v4;
	v45 =	vadd.f32 v48, v51;
	v48 =	vmul.f32 v38, v38  }
0x4de: {  	v54 =	vadd.f32 v39, v38;
	v50 =	vadd.f32 v53, v50;
	v53 =	vmul.f32 v39, v39  }
0x4df: {  	v45 =	vadd.f32 v45, v47;
	v47 =	vmul.f32 v41, v6;
	(xrf2) =	vadd.scan.msk.f32 $0xffff, v44;
	v44 =	vmul.f32 v41, v7  }
0x4e0: {  	v46 =	vadd.f32 v54, v46;
	v48 =	vadd.f32 v53, v48;
	v51, _, _ =	vpop (xrf2);
	v53 =	vmul.f32 v41, v5  }
0x4e1: {  	v25 =	vadd.f32 v25, v3;
	v41 =	vmul.f32 v41, v4;
	v54 =	vmul.f32 v33, v7  }
0x4e2: {  	v48 =	vadd.f32 v48, v50;
	v50 =	vmul.f32 $1.562500000e-02, v51;
	(xrf2) =	vadd.scan.msk.f32 $0xffff, v46;
	v46 =	vmul.f32 v33, v6  }
0x4e3: {  	v55 =	vmul.f32 v33, v5;
	v33 =	vmul.f32 v33, v4;
	v51, _, _ =	vpop (xrf2);
	[tilespmem:s29+$0xE580] =	vst v25;
	v25 =	vadd.f32 v26, v1  }
0x4e4: {  	v24 =	vadd.f32 v24, v2;
	v56 =	vmul.f32 $1.562500000e-02, v51;
	v51 =	vmul.f32 v50, v50  }
0x4e5: {  	v16 =	vmul.f32 v42, v16;
	v17 =	vmul.f32 v43, v17;
	(xrf2) =	vadd.scan.msk.f32 $0xffff, v49;
	[tilespmem:s29+$0xE590] =	vst v25  }
0x4e6: {  	v19 =	vmul.f32 v52, v19;
	v40 =	vmul.f32 v40, v20;
	v25 =	vsub.f32 v56, v51;
	v26, _, _ =	vpop (xrf2);
	[tilespmem:s29+$0xE5A0] =	vst v24  }
0x4e7: {  	v16 =	vadd.f32 v16, v3;
	v43 =	vmul.f32 $1.562500000e-02, v26;
	v26 =	vmul.f32 v44, v18  }
0x4e8: {  	v24 =	vmul.f32 v53, v22;
	v18 =	vadd.f32 $9.999999740e-06, v25;
	(xrf2) =	vadd.scan.msk.f32 $0xffff, v45;
	v25 =	vmul.f32 v47, v21  }
0x4e9: {  	v22 =	vadd.f32 v17, v1;
	v21 =	vbroadcast v43, $0xF;
	v42 =	vmul.f32 v43, v43;
	v20, _, _ =	vpop (xrf2);
	[tilespmem:s29+$0xE400] =	vst v16  }
0x4ea: {  	v19 =	vadd.f32 v19, v2;
	v20 =	vmul.f32 $1.562500000e-02, v20;
	v43 =	vbroadcast v18, $0xF  }
0x4eb: {  	v16 =	vsub.f32 v31, v21;
	v17 =	vsub.f32 v32, v21;
	(xrf2) =	vadd.scan.msk.f32 $0xffff, v48;
	v31 =	vmul.f32 v41, v15  }
0x4ec: {  	v32 =	vmul.f32 v20, v20;
	v15 =	vshra.s32 v43, $0x1;
	v41 =	vmul.f32 $5.000000000e-01, v43;
	v18, _, _ =	vpop (xrf2);
	[tilespmem:s29+$0xE410] =	vst v22  }
0x4ed: {  	v43 =	vbroadcast v20, $0xF;
	v22 =	vmul.f32 $1.562500000e-02, v18;
	v44 =	vsub.s32 $0x5F3759DF, v15;
	[tilespmem:s29+$0xE420] =	vst v19  }
0x4ee: {  	v20 =	vsub.f32 v28, v21;
	v19 =	vsub.f32 v27, v21;
	v15 =	vmul.f32 v44, v41  }
0x4ef: {  	v18 =	vsub.f32 v29, v43;
	v29 =	vbroadcast v22, $0xF;
	v45 =	vmul.f32 v22, v22;
	v21, _, _ =	vpop (xrf2)  }
0x4f0: {  	v28 =	vmul.f32 $1.562500000e-02, v21;
	v21 =	vsub.f32 v30, v43;
	v30 =	vmul.f32 v44, v15  }
0x4f1: {  	v27 =	vmul.f32 v54, v10;
	v22 =	vsub.f32 v34, v43;
	v15 =	vsub.f32 v36, v43  }
0x4f2: {  	v34 =	vsub.f32 v28, v42;
	v30 =	vsub.f32 $1.500000000e+00, v30;
	v10, _, _ =	vpop (xrf2);
	v28 =	vmul.f32 v46, v9  }
0x4f3: {  	v9 =	vsub.f32 v37, v29;
	v42 =	vmul.f32 $1.562500000e-02, v10;
	v10 =	vsub.f32 v35, v29  }
0x4f4: {  	v35 =	vsub.f32 v38, v29;
	v34 =	vadd.f32 $9.999999740e-06, v34;
	v37 =	vmul.f32 v44, v30  }
0x4f5: {  	v30 =	vsub.f32 v42, v32;
	v32 =	vsub.f32 v39, v29;
	v36, _, _ =	vpop (xrf2);
	v29 =	vmul.f32 v55, v8  }
0x4f6: {  	v39 =	vadd.f32 v40, v0;
	v8 =	vmovc v35;
	v36 =	vmul.f32 $1.562500000e-02, v36;
	v38 =	vmul.f32 v37, v41  }
0x4f7: {  	v34 =	vbroadcast v34, $0xF;
	v35 =	vadd.f32 $9.999999740e-06, v30;
	v30 =	vmul.f32 v33, v14;
	v14 =	vmovc v32  }
0x4f8: {  	v26 =	vadd.f32 v26, v3;
	v32 =	vsub.f32 v36, v45;
	v33 =	vmul.f32 v38, v37;
	[tilespmem:s29+$0xE430] =	vst v39  }
0x4f9: {  	v36 =	vshra.s32 v34, $0x1;
	v38 =	vmul.f32 $5.000000000e-01, v34;
	v34 =	vbroadcast v35, $0xF  }
0x4fa: {  	v35 =	vsub.s32 $0x5F3759DF, v36;
	v32 =	vadd.f32 $9.999999740e-06, v32;
	v33 =	vsub.f32 $1.500000000e+00, v33;
	[tilespmem:s29+$0xE480] =	vst v26  }
0x4fb: {  	v26 =	vmul.f32 v35, v38;
	v36 =	vshra.s32 v34, $0x1;
	v39 =	vmul.f32 $5.000000000e-01, v34  }
0x4fc: {  	v40 =	vbroadcast v50, $0xF;
	v36 =	vsub.s32 $0x5F3759DF, v36;
	v33 =	vmul.f32 v33, v37  }
0x4fd: {  	v25 =	vadd.f32 v25, v1;
	v32 =	vbroadcast v32, $0xF;
	v34 =	vmul.f32 v36, v39  }
0x4fe: {  	v23 =	vsub.f32 v23, v40;
	v26 =	vmul.f32 v35, v26;
	v37 =	vmul.f32 v33, v4  }
0x4ff: {  	v41 =	vshra.s32 v32, $0x1;
	v32 =	vmul.f32 $5.000000000e-01, v32;
	v34 =	vmul.f32 v36, v34;
	[tilespmem:s29+$0xE490] =	vst v25  }
0x500: {  	v25 =	vsub.f32 $1.500000000e+00, v26;
	v26 =	vsub.s32 $0x5F3759DF, v41;
	v23 =	vmul.f32 v37, v23  }
0x501: {  	v42 =	vmul.f32 v33, v7;
	v41 =	vmul.f32 v26, v32;
	v37 =	vsub.f32 $1.500000000e+00, v34  }
0x502: {  	v43 =	vmul.f32 v33, v6;
	v34 =	vmul.f32 v35, v25;
	v23 =	vadd.f32 v23, v0  }
0x503: {  	v25 =	vmul.f32 v26, v41;
	v35 =	vmul.f32 v36, v37;
	v36 =	vsub.f32 v12, v40  }
.Ltmp5:
0x504: {  	s1 =	sshra.s32 s0, $0x2;
	v44 =	vmul.f32 v33, v5;
	v41 =	vsub.f32 v13, v40;
	v37 =	vmul.f32 v34, v38;
	[tilespmem:s28+$0xE5B0] =	vst v23;
	(pc) =	sbr.rel @p0 .LBB2_12-.Ltmp5, $4  }
0x505: {  	v33 =	vsub.f32 $1.500000000e+00, v25;
	v12 =	vld [tilespmem:s1+$0x6580];
	v23 =	vmul.f32 v35, v39;
	v39 =	vsub.f32 v11, v40  }
0x506: {  	v37 =	vmul.f32 v37, v34;
	v25 =	vmul.f32 v42, v36;
	v40 =	vadd.f32 v24, v2;
	v13 =	vld [tilespmem:s1+$0x6590]  }
0x507: {  	v38 =	vadd.f32 v31, v0;
	v33 =	vmul.f32 v26, v33;
	v11 =	vld [tilespmem:s1+$0x65A0];
	v36 =	vmul.f32 v23, v35  }
0x508: {  	s0 =	sadd.s32 $0x800, s0;
	v26 =	vmul.f32 v43, v41;
	v37 =	vsub.f32 $1.500000000e+00, v37;
	v24 =	vmul.f32 v44, v39;
	v23 =	vld [tilespmem:s1+$0x65B0];
	[tilespmem:s29+$0xE4A0] =	vst v40  }
0x509: {  	v27 =	vadd.f32 v27, v3;
	v28 =	vadd.f32 v28, v1  }
0x50a: {  	v31 =	vld [tilespmem:s1+$0x6400];
	[tilespmem:s29+$0xE4B0] =	vst v38;
	v32 =	vmul.f32 v33, v32;
	v29 =	vadd.f32 v29, v2;
	v30 =	vadd.f32 v30, v0  }
0x50b: {  	v25 =	vadd.f32 v25, v3;
	v38 =	vld [tilespmem:s1+$0x6410];
	v51 =	vmul.f32 v12, v12;
	v26 =	vadd.f32 v26, v1  }
0x50c: {  	v39 =	vld [tilespmem:s1+$0x6420];
	v24 =	vadd.f32 v24, v2;
	[tilespmem:s29+$0xE500] =	vst v27;
	v27 =	vsub.f32 $1.500000000e+00, v36;
	v32 =	vmul.f32 v32, v33  }
0x50d: {  	v50 =	vadd.f32 v13, v12;
	v40 =	vmul.f32 v13, v13;
	v36 =	vld [tilespmem:s1+$0x6430];
	[tilespmem:s29+$0xE510] =	vst v28;
	v28 =	vmul.f32 v37, v34  }
0x50e: {  	v42 =	vmul.f32 v11, v11;
	v27 =	vmul.f32 v27, v35;
	v34 =	vld [tilespmem:s1+$0x6480];
	[tilespmem:s29+$0xE520] =	vst v29;
	v29 =	vadd.f32 v23, v11  }
0x50f: {  	v43 =	vmul.f32 v23, v23;
	v32 =	vsub.f32 $1.500000000e+00, v32;
	v41 =	vld [tilespmem:s1+$0x6490];
	[tilespmem:s29+$0xE530] =	vst v30;
	v30 =	vmul.f32 v28, v7  }
0x510: {  	v37 =	vadd.f32 v40, v51;
	v35 =	vmul.f32 v28, v6;
	v53 =	vmul.f32 v31, v31  }
0x511: {  	v29 =	vadd.f32 v29, v50;
	v52 =	vadd.f32 v43, v42;
	v54 =	vmul.f32 v38, v38  }
0x512: {  	v44 =	vadd.f32 v38, v31;
	v45 =	vld [tilespmem:s1+$0x64A0];
	v49 =	vmul.f32 v39, v39;
	v32 =	vmul.f32 v32, v33  }
0x513: {  	v46 =	vld [tilespmem:s1+$0x64B0];
	v16 =	vmul.f32 v30, v16;
	v17 =	vmul.f32 v35, v17;
	(xrf2) =	vadd.scan.msk.f32 $0xffff, v29;
	v37 =	vadd.f32 v52, v37  }
0x514: {  	v48 =	vld [tilespmem:s1+$0x6500];
	v47 =	vadd.f32 v36, v39;
	v50 =	vmul.f32 v36, v36;
	v52 =	vmul.f32 v28, v5  }
0x515: {  	v29 =	vld [tilespmem:s1+$0x6510];
	v55 =	vadd.f32 v54, v53;
	v28 =	vmul.f32 v28, v4;
	v54 =	vmul.f32 v27, v7;
	(xrf2) =	vadd.scan.msk.f32 $0xffff, v37  }
0x516: {  	v56 =	vmul.f32 v34, v34;
	v57 =	vadd.f32 v47, v44;
	v44 =	vld [tilespmem:s1+$0x6520];
	v51 =	vmul.f32 v41, v41  }
0x517: {  	v49 =	vadd.f32 v50, v49;
	v50 =	vld [tilespmem:s1+$0x6530];
	v19 =	vmul.f32 v52, v19;
	v20 =	vmul.f32 v28, v20  }
0x518: {  	v58 =	vadd.f32 v41, v34;
	v18 =	vmul.f32 v54, v18;
	v59 =	vmul.f32 v45, v45  }
0x519: {  	v60 =	vadd.f32 v46, v45;
	v61 =	vmul.f32 v46, v46;
	v62 =	vmul.f32 v48, v48  }
0x51a: {  	v42 =	vadd.f32 v51, v56;
	v40 =	vadd.f32 v49, v55;
	v55 =	vmul.f32 v32, v7  }
0x51b: {  	(xrf2) =	vadd.scan.msk.f32 $0xffff, v57;
	v56 =	vmul.f32 v32, v5;
	v33 =	vadd.f32 v60, v58;
	v63 =	vadd.f32 v29, v48  }
0x51c: {  	v57 =	vmul.f32 v29, v29;
	v37 =	vadd.f32 v61, v59;
	v53 =	vadd.f32 v50, v44  }
0x51d: {  	v19 =	vadd.f32 v19, v2;
	v58 =	vmul.f32 v44, v44;
	v59 =	vmul.f32 v50, v50;
	v60, _, _ =	vpop (xrf2)  }
0x51e: {  	(xrf2) =	vadd.scan.msk.f32 $0xffff, v33;
	v37 =	vadd.f32 v37, v42;
	v43 =	vadd.f32 v53, v63;
	v42 =	vmul.f32 $1.562500000e-02, v60  }
0x51f: {  	v20 =	vadd.f32 v20, v0;
	v8 =	vmul.f32 v56, v8;
	v47 =	vadd.f32 v57, v62;
	v61, _, _ =	vpop (xrf2)  }
0x520: {  	v49 =	vadd.f32 v59, v58;
	(xrf2) =	vadd.scan.msk.f32 $0xffff, v43;
	v62 =	vmul.f32 $1.562500000e-02, v61;
	v63 =	vmul.f32 v42, v42  }
0x521: {  	v18 =	vadd.f32 v18, v3;
	v33 =	vmul.f32 v27, v6;
	v53 =	vmul.f32 v27, v5;
	(xrf2) =	vadd.scan.msk.f32 $0xffff, v40  }
0x522: {  	v27 =	vmul.f32 v27, v4;
	v47 =	vadd.f32 v49, v47;
	v30 =	vsub.f32 v62, v63  }
0x523: {  	v8 =	vadd.f32 v8, v2;
	v21 =	vmul.f32 v33, v21;
	v43 =	vmul.f32 v32, v6;
	(xrf2) =	vadd.scan.msk.f32 $0xffff, v37  }
0x524: {  	v32 =	vmul.f32 v32, v4;
	v22 =	vmul.f32 v53, v22;
	(xrf2) =	vadd.scan.msk.f32 $0xffff, v47;
	v30 =	vadd.f32 $9.999999740e-06, v30  }
0x525: {  	v33 =	vadd.f32 v16, v3;
	v27 =	vmul.f32 v27, v15;
	v43 =	vmul.f32 v43, v9;
	v51, _, _ =	vpop (xrf2)  }
0x526: {  	v21 =	vadd.f32 v21, v1;
	v28 =	vmul.f32 $1.562500000e-02, v51;
	v30 =	vbroadcast v30, $0xF  }
0x527: {  	v37 =	vadd.f32 v17, v1;
	v42 =	vbroadcast v42, $0xF;
	v63 =	vmul.f32 v55, v10  }
0x528: {  	v16 =	vbroadcast v28, $0xF;
	v57, _, _ =	vpop (xrf2);
	v15 =	vshra.s32 v30, $0x1;
	v30 =	vmul.f32 $5.000000000e-01, v30  }
0x529: {  	v28 =	vmul.f32 v28, v28;
	v35 =	vmul.f32 $1.562500000e-02, v57;
	v60 =	vsub.s32 $0x5F3759DF, v15  }
0x52a: {  	v31 =	vsub.f32 v31, v16;
	v17 =	vsub.f32 v38, v16;
	v58, _, _ =	vpop (xrf2);
	v15 =	vmul.f32 v60, v30  }
0x52b: {  	v39 =	vsub.f32 v39, v16;
	v59 =	vbroadcast v35, $0xF;
	v38 =	vmul.f32 $1.562500000e-02, v58;
	v61, _, _ =	vpop (xrf2)  }
0x52c: {  	v36 =	vsub.f32 v36, v16;
	v49 =	vmul.f32 $1.562500000e-02, v61;
	v62 =	vmul.f32 v60, v15  }
0x52d: {  	v35 =	vmul.f32 v35, v35;
	v51, _, _ =	vpop (xrf2);
	v16 =	vbroadcast v38, $0xF;
	v15 =	vsub.f32 v46, v59  }
0x52e: {  	v52, _, _ =	vpop (xrf2);
	v10 =	vsub.f32 v49, v28;
	v46 =	vmul.f32 $1.562500000e-02, v51;
	v28 =	vsub.f32 $1.500000000e+00, v62  }
0x52f: {  	[tilespmem:s28+$0xE490] =	vst v21;
	v21 =	vadd.f32 v22, v2;
	v38 =	vmul.f32 v38, v38;
	v53 =	vmul.f32 $1.562500000e-02, v52  }
0x530: {  	v9 =	vsub.f32 v29, v16;
	v35 =	vsub.f32 v46, v35;
	v28 =	vmul.f32 v60, v28  }
0x531: {  	v14 =	vmul.f32 v32, v14;
	v29 =	vadd.f32 $9.999999740e-06, v10;
	v38 =	vsub.f32 v53, v38  }
0x532: {  	v23 =	vsub.f32 v23, v42;
	v35 =	vadd.f32 $9.999999740e-06, v35;
	v30 =	vmul.f32 v28, v30  }
0x533: {  	v12 =	vsub.f32 v12, v42;
	v29 =	vbroadcast v29, $0xF;
	v38 =	vadd.f32 $9.999999740e-06, v38  }
0x534: {  	v10 =	vsub.f32 v44, v16;
	v35 =	vbroadcast v35, $0xF;
	v30 =	vmul.f32 v30, v28  }
0x535: {  	v54 =	vshra.s32 v29, $0x1;
	v29 =	vmul.f32 $5.000000000e-01, v29;
	v38 =	vbroadcast v38, $0xF  }
0x536: {  	v55 =	vsub.s32 $0x5F3759DF, v54;
	v56 =	vshra.s32 v35, $0x1;
	v30 =	vsub.f32 $1.500000000e+00, v30  }
0x537: {  	v44 =	vmul.f32 v55, v29;
	v35 =	vmul.f32 $5.000000000e-01, v35;
	v46 =	vsub.s32 $0x5F3759DF, v56  }
0x538: {  	v28 =	vmul.f32 v30, v28;
	v30 =	vshra.s32 v38, $0x1;
	v38 =	vmul.f32 $5.000000000e-01, v38  }
0x539: {  	v57 =	vmul.f32 v46, v35;
	v44 =	vmul.f32 v55, v44;
	v30 =	vsub.s32 $0x5F3759DF, v30  }
0x53a: {  	[tilespmem:s28+$0xE580] =	vst v25;
	v13 =	vsub.f32 v13, v42;
	v11 =	vsub.f32 v11, v42;
	v58 =	vmul.f32 v30, v38  }
0x53b: {  	[tilespmem:s28+$0xE590] =	vst v26;
	v26 =	vmul.f32 v46, v57;
	v44 =	vsub.f32 $1.500000000e+00, v44;
	v25 =	vmul.f32 v28, v4  }
0x53c: {  	[tilespmem:s28+$0xE5A0] =	vst v24;
	v14 =	vadd.f32 v14, v0;
	v34 =	vsub.f32 v34, v59;
	v24 =	vmul.f32 v30, v58  }
0x53d: {  	[tilespmem:s28+$0xE420] =	vst v19;
	v32 =	vmul.f32 v55, v44;
	v23 =	vmul.f32 v25, v23;
	v25 =	vsub.f32 $1.500000000e+00, v26  }
0x53e: {  	[tilespmem:s28+$0xE430] =	vst v20;
	v41 =	vsub.f32 v41, v59;
	v24 =	vsub.f32 $1.500000000e+00, v24  }
0x53f: {  	[tilespmem:s28+$0xE480] =	vst v18;
	v45 =	vsub.f32 v45, v59;
	v19 =	vmul.f32 v46, v25;
	v25 =	vmul.f32 v32, v29  }
0x540: {  	[tilespmem:s28+$0xE400] =	vst v33;
	v59 =	vmul.f32 v28, v6;
	v23 =	vadd.f32 v23, v0;
	v24 =	vmul.f32 v30, v24  }
0x541: {  	[tilespmem:s28+$0xE410] =	vst v37;
	v48 =	vsub.f32 v48, v16;
	v18 =	vmul.f32 v19, v35;
	v25 =	vmul.f32 v25, v32  }
0x542: {  	v20 =	vmul.f32 v28, v5;
	v26 =	vmul.f32 v28, v7;
	[tilespmem:s1+$0xE5B0] =	vst v23;
	v23 =	vadd.f32 v27, v0  }
0x543: {  	v22 =	vmul.f32 v24, v38;
	v18 =	vmul.f32 v18, v19;
	v25 =	vsub.f32 $1.500000000e+00, v25  }
0x544: {  	v16 =	vsub.f32 v50, v16;
	v13 =	vmul.f32 v59, v13;
	v11 =	vmul.f32 v20, v11;
	[tilespmem:s28+$0xE4A0] =	vst v21  }
0x545: {  	[tilespmem:s28+$0xE4B0] =	vst v23;
	v22 =	vmul.f32 v22, v24;
	v18 =	vsub.f32 $1.500000000e+00, v18;
	v23 =	vmul.f32 v25, v32  }
0x546: {  	v12 =	vmul.f32 v26, v12;
	v21 =	vadd.f32 v63, v3;
	[tilespmem:s28+$0xE520] =	vst v8;
	v25 =	vadd.f32 v43, v1  }
0x547: {  	[tilespmem:s28+$0xE530] =	vst v14;
	v20 =	vsub.f32 $1.500000000e+00, v22;
	v18 =	vmul.f32 v18, v19;
	v19 =	vmul.f32 v23, v7  }
0x548: {  	v12 =	vadd.f32 v12, v3;
	[tilespmem:s28+$0xE500] =	vst v21;
	v21 =	vmul.f32 v23, v6;
	v14 =	vmul.f32 v23, v5  }
0x549: {  	v13 =	vadd.f32 v13, v1;
	[tilespmem:s28+$0xE510] =	vst v25;
	v8 =	vmul.f32 v20, v24;
	v19 =	vmul.f32 v19, v31  }
0x54a: {  	v11 =	vadd.f32 v11, v2;
	[tilespmem:s1+$0xE580] =	vst v12;
	v20 =	vmul.f32 v23, v4;
	v12 =	vmul.f32 v21, v17  }
0x54b: {  	[tilespmem:s1+$0xE590] =	vst v13;
	v17 =	vmul.f32 v18, v7;
	v13 =	vmul.f32 v14, v39;
	v14 =	vadd.f32 v19, v3  }
0x54c: {  	[tilespmem:s1+$0xE5A0] =	vst v11;
	v19 =	vmul.f32 v18, v6;
	v20 =	vmul.f32 v20, v36;
	v11 =	vadd.f32 v12, v1  }
0x54d: {  	v12 =	vmul.f32 v18, v5;
	v17 =	vmul.f32 v17, v34;
	v13 =	vadd.f32 v13, v2;
	[tilespmem:s1+$0xE400] =	vst v14  }
0x54e: {  	v14 =	vmul.f32 v18, v4;
	v18 =	vmul.f32 v19, v41;
	[tilespmem:s1+$0xE410] =	vst v11;
	v11 =	vadd.f32 v20, v0  }
0x54f: {  	v19 =	vmul.f32 v8, v7;
	v12 =	vmul.f32 v12, v45;
	[tilespmem:s1+$0xE420] =	vst v13;
	v13 =	vadd.f32 v17, v3  }
0x550: {  	v17 =	vmul.f32 v8, v6;
	v14 =	vmul.f32 v14, v15;
	[tilespmem:s1+$0xE430] =	vst v11;
	v11 =	vadd.f32 v18, v1  }
0x551: {  	v15 =	vmul.f32 v8, v5;
	v18 =	vmul.f32 v19, v48;
	[tilespmem:s1+$0xE480] =	vst v13;
	v12 =	vadd.f32 v12, v2  }
0x552: {  	v8 =	vmul.f32 v8, v4;
	v9 =	vmul.f32 v17, v9;
	[tilespmem:s1+$0xE490] =	vst v11;
	v11 =	vadd.f32 v14, v0  }
0x553: {  	v10 =	vmul.f32 v15, v10;
	[tilespmem:s1+$0xE4A0] =	vst v12;
	v12 =	vadd.f32 v18, v3  }
0x554: {  	v8 =	vmul.f32 v8, v16;
	v9 =	vadd.f32 v9, v1;
	[tilespmem:s1+$0xE4B0] =	vst v11  }
0x555: {  	v10 =	vadd.f32 v10, v2;
	[tilespmem:s1+$0xE500] =	vst v12  }
0x556: {  	v8 =	vadd.f32 v8, v0;
	[tilespmem:s1+$0xE510] =	vst v9  }
0x557: {  	[tilespmem:s1+$0xE520] =	vst v10  }
0x558: {  	s0 =	simm.s32 $0x0;
	[tilespmem:s1+$0xE530] =	vst v8  }
0x559: {  	[hbm4b:s10+s0] =	stream.linear.scatter [tilespmem:s19], [sflag:$0x3], $0x4000, $0x38;
	[tilespmem:$0x16480] =	vst v63  }
0x55a: {  	_ =	swait.ge [sflag:s21], $0x4000  }
0x55b: {  	[sflag:s21] =	ssyncset.done $0x0  }
0x55c: {  	[sflag:s21] =	ssyncadd.s32 $0xFFFFC000  }
0x55d: {  	_ =	swait.ge [sflag:s25], $0x4000  }
0x55e: {  	[sflag:s25] =	ssyncset.done $0x0  }
0x55f: {  	s29 =	simm.s32 $0x0;
	[sflag:s25] =	ssyncadd.s32 $0xFFFFC000  }
0x560: {  	v11 =	vld [tilespmem:s29+$0xA580]  }
0x561: {  	v13 =	vld [tilespmem:s29+$0xA590]  }
0x562: {  	v10 =	vld [tilespmem:s29+$0xA5A0]  }
0x563: {  	v12 =	vld [tilespmem:s29+$0xA5B0];
	_ =	sdelay $0x3  }
0x564: {  	v8 =	vadd.f32 v13, v11  }
0x565: {  	v9 =	vld [tilespmem:s29+$0xA400];
	v14 =	vadd.f32 v12, v10;
	v15 =	vmul.f32 v11, v11;
	v16 =	vmul.f32 v13, v13  }
0x566: {  	v20 =	vld [tilespmem:s29+$0xA410];
	v17 =	vmul.f32 v10, v10;
	v18 =	vmul.f32 v12, v12  }
0x567: {  	v21 =	vld [tilespmem:s29+$0xA420];
	v8 =	vadd.f32 v14, v8  }
0x568: {  	v22 =	vld [tilespmem:s29+$0xA480];
	v15 =	vadd.f32 v16, v15;
	v16 =	vadd.f32 v18, v17  }
0x569: {  	v23 =	vld [tilespmem:s29+$0xA490]  }
0x56a: {  	v14 =	vld [tilespmem:s29+$0xA430];
	(xrf2) =	vadd.scan.msk.f32 $0xffff, v8;
	v8 =	vadd.f32 v16, v15  }
0x56b: {  	v24 =	vld [tilespmem:s29+$0xA4A0]  }
0x56c: {  	v25 =	vld [tilespmem:s29+$0xA4B0];
	(xrf2) =	vadd.scan.msk.f32 $0xffff, v8  }
0x56d: {  	v26 =	vld [tilespmem:s29+$0xA500]  }
0x56e: {  	v19 =	vld [tilespmem:s29+$0xA510];
	v15 =	vmul.f32 v20, v20  }
0x56f: {  	v18 =	vld [tilespmem:s29+$0xA520];
	v16 =	vadd.f32 v20, v9;
	v8 =	vmul.f32 v9, v9;
	v27 =	vadd.f32 v14, v21  }
0x570: {  	v28 =	vmul.f32 v21, v21;
	v17 =	vld [tilespmem:s29+$0xA530];
	v29 =	vmul.f32 v14, v14  }
0x571: {  	v8 =	vadd.f32 v15, v8;
	v15 =	vmul.f32 v22, v22;
	v16 =	vadd.f32 v27, v16  }
0x572: {  	v27 =	vmul.f32 v23, v23;
	v28 =	vadd.f32 v29, v28;
	v29 =	vmul.f32 v24, v24  }
0x573: {  	v30 =	vadd.f32 v23, v22  }
0x574: {  	v31 =	vadd.f32 v25, v24;
	v15 =	vadd.f32 v27, v15;
	v27 =	vmul.f32 v25, v25;
	v60, _, _ =	vpop (xrf2)  }
0x575: {  	v61 =	vadd.f32 v19, v26;
	v62 =	vadd.f32 v17, v18;
	v32 =	vmul.f32 $1.562500000e-02, v60  }
0x576: {  	v30 =	vadd.f32 v31, v30;
	v27 =	vadd.f32 v27, v29;
	v29, _, _ =	vpop (xrf2)  }
0x577: {  	(xrf2) =	vadd.scan.msk.f32 $0xffff, v16;
	v16 =	vadd.f32 v62, v61;
	v29 =	vmul.f32 $1.562500000e-02, v29;
	v31 =	vmul.f32 v32, v32  }
0x578: {  	v36 =	vmul.f32 v18, v18;
	v8 =	vadd.f32 v28, v8;
	(xrf2) =	vadd.scan.msk.f32 $0xffff, v30;
	v30 =	vmul.f32 v17, v17  }
0x579: {  	v63 =	vmul.f32 v26, v26;
	v28 =	vmul.f32 v19, v19;
	(xrf2) =	vadd.scan.msk.f32 $0xffff, v16;
	v16 =	vsub.f32 v29, v31  }
0x57a: {  	(xrf2) =	vadd.scan.msk.f32 $0xffff, v8;
	v8 =	vadd.f32 v30, v36;
	v15 =	vadd.f32 v27, v15  }
0x57b: {  	v27 =	vadd.f32 v28, v63;
	v16 =	vadd.f32 $9.999999740e-06, v16  }
0x57c: {  	(xrf2) =	vadd.scan.msk.f32 $0xffff, v15  }
0x57d: {  	v8 =	vadd.f32 v8, v27;
	v15 =	vbroadcast v16, $0xF;
	_ =	sdelay $0x1  }
0x57e: {  	(xrf2) =	vadd.scan.msk.f32 $0xffff, v8;
	v8 =	vshra.s32 v15, $0x1;
	v15 =	vmul.f32 $5.000000000e-01, v15  }
0x57f: {  	v8 =	vsub.s32 $0x5F3759DF, v8  }
0x580: {  	v16, _, _ =	vpop (xrf2);
	v27 =	vmul.f32 v8, v15  }
0x581: {  	v28, _, _ =	vpop (xrf2)  }
0x582: {  	v16 =	vmul.f32 $1.562500000e-02, v16;
	v29, _, _ =	vpop (xrf2);
	v27 =	vmul.f32 v8, v27  }
0x583: {  	v32 =	vbroadcast v32, $0xF;
	v28 =	vmul.f32 $1.562500000e-02, v28;
	v31, _, _ =	vpop (xrf2)  }
0x584: {  	v30 =	vbroadcast v16, $0xF;
	v31 =	vmul.f32 $1.562500000e-02, v31;
	v27 =	vsub.f32 $1.500000000e+00, v27  }
0x585: {  	v16 =	vmul.f32 v16, v16;
	v37, _, _ =	vpop (xrf2);
	v38 =	vmul.f32 v28, v28  }
0x586: {  	v12 =	vsub.f32 v12, v32;
	v33 =	vmul.f32 $1.562500000e-02, v37;
	v27 =	vmul.f32 v8, v27  }
0x587: {  	v16 =	vsub.f32 v31, v16;
	v8 =	vsub.f32 v20, v30  }
0x588: {  	v20 =	vmul.f32 $1.562500000e-02, v29;
	v29 =	vsub.f32 v33, v38;
	v31, _, _ =	vpop (xrf2);
	v39 =	vmul.f32 v27, v15  }
0x589: {  	v9 =	vsub.f32 v9, v30;
	v16 =	vadd.f32 $9.999999740e-06, v16;
	v31 =	vmul.f32 $1.562500000e-02, v31  }
0x58a: {  	v40 =	vmul.f32 v20, v20;
	v29 =	vadd.f32 $9.999999740e-06, v29;
	v33 =	vmul.f32 v39, v27  }
0x58b: {  	v15 =	vsub.f32 v21, v30;
	v21 =	vbroadcast v16, $0xF;
	v16 =	vsub.f32 v14, v30  }
0x58c: {  	v30 =	vbroadcast v20, $0xF;
	v20 =	vsub.f32 v31, v40;
	v31 =	vsub.f32 $1.500000000e+00, v33  }
0x58d: {  	v28 =	vbroadcast v28, $0xF;
	v14 =	vbroadcast v29, $0xF;
	v29 =	vshra.s32 v21, $0x1  }
0x58e: {  	v41 =	vmul.f32 $5.000000000e-01, v21;
	v29 =	vsub.s32 $0x5F3759DF, v29;
	v27 =	vmul.f32 v31, v27  }
0x58f: {  	v42 =	vmul.f32 $5.000000000e-01, v14;
	v14 =	vshra.s32 v14, $0x1;
	v20 =	vadd.f32 $9.999999740e-06, v20  }
0x590: {  	v14 =	vsub.s32 $0x5F3759DF, v14;
	v31 =	vmul.f32 v29, v41;
	v44 =	vmul.f32 v27, v4  }
0x591: {  	v48 =	vsub.f32 v13, v32;
	v43 =	vmul.f32 v14, v42;
	v20 =	vbroadcast v20, $0xF  }
0x592: {  	v21 =	vsub.f32 v22, v28;
	v31 =	vmul.f32 v29, v31;
	v12 =	vmul.f32 v44, v12  }
0x593: {  	v22 =	vsub.f32 v23, v28;
	v23 =	vmul.f32 v14, v43;
	v45 =	vshra.s32 v20, $0x1  }
0x594: {  	v46 =	vmul.f32 $5.000000000e-01, v20;
	v20 =	vsub.f32 $1.500000000e+00, v31;
	v12 =	vadd.f32 v12, v0  }
0x595: {  	v35 =	vsub.f32 v24, v28;
	v31 =	vsub.s32 $0x5F3759DF, v45;
	v23 =	vsub.f32 $1.500000000e+00, v23  }
0x596: {  	s28 =	simm.s32 $0x200;
	v24 =	vmul.f32 v31, v46;
	v29 =	vmul.f32 v29, v20;
	v20 =	vsub.f32 v25, v28;
	[tilespmem:s29+$0x125B0] =	vst v12  }
0x597: {  	v25 =	vmul.f32 v27, v7;
	v47 =	vmul.f32 v14, v23;
	v23 =	vsub.f32 v26, v30;
	v12 =	vld [tilespmem:s28+$0xA580]  }
0x598: {  	v26 =	vmul.f32 v27, v6;
	v28 =	vsub.f32 v11, v32;
	v14 =	vmul.f32 v31, v24;
	v13 =	vld [tilespmem:s28+$0xA590]  }
0x599: {  	v10 =	vsub.f32 v10, v32;
	v27 =	vmul.f32 v27, v5;
	v24 =	vmul.f32 v29, v41;
	v11 =	vld [tilespmem:s28+$0xA5A0]  }
0x59a: {  	v34 =	vmul.f32 v47, v42;
	v32 =	vmul.f32 v25, v28;
	v49 =	vsub.f32 $1.500000000e+00, v14;
	v14 =	vld [tilespmem:s28+$0xA5B0]  }
0x59b: {  	v10 =	vmul.f32 v27, v10;
	v27 =	vld [tilespmem:s28+$0xA400];
	v24 =	vmul.f32 v24, v29  }
0x59c: {  	v33 =	vld [tilespmem:s28+$0xA410];
	v25 =	vmul.f32 v34, v47;
	v31 =	vmul.f32 v31, v49  }
0x59d: {  	v28 =	vsub.f32 v19, v30;
	v19 =	vmul.f32 v26, v48;
	v36 =	vld [tilespmem:s28+$0xA430];
	v24 =	vsub.f32 $1.500000000e+00, v24  }
0x59e: {  	v26 =	vsub.f32 v18, v30;
	v43 =	vld [tilespmem:s28+$0xA490];
	v25 =	vsub.f32 $1.500000000e+00, v25;
	v18 =	vmul.f32 v31, v46  }
0x59f: {  	v38 =	vld [tilespmem:s28+$0xA4A0];
	v29 =	vmul.f32 v24, v29;
	v24 =	vsub.f32 v17, v30;
	v17 =	vmul.f32 v12, v12  }
0x5a0: {  	v41 =	vld [tilespmem:s28+$0xA480];
	v32 =	vadd.f32 v32, v3;
	v50 =	vmul.f32 v13, v13;
	v51 =	vmul.f32 v11, v11  }
0x5a1: {  	v44 =	vld [tilespmem:s28+$0xA4B0];
	v52 =	vmul.f32 v14, v14;
	v53 =	vadd.f32 v13, v12;
	v37 =	vmul.f32 v25, v47  }
0x5a2: {  	v30 =	vld [tilespmem:s28+$0xA420];
	v54 =	vadd.f32 v14, v11;
	v56 =	vmul.f32 v27, v27;
	v57 =	vmul.f32 v33, v33  }
0x5a3: {  	v60 =	vmul.f32 v36, v36;
	v61 =	vmul.f32 v43, v43;
	v17 =	vadd.f32 v50, v17  }
0x5a4: {  	v63 =	vmul.f32 v38, v38;
	v25 =	vadd.f32 v52, v51;
	v55 =	vadd.f32 v54, v53  }
0x5a5: {  	v62 =	vadd.f32 v43, v41;
	v18 =	vmul.f32 v18, v31;
	v34 =	vmul.f32 v29, v7  }
0x5a6: {  	v47 =	vld [tilespmem:s28+$0xA500];
	v45 =	vmul.f32 v29, v6;
	v40 =	vadd.f32 v57, v56;
	v17 =	vadd.f32 v25, v17;
	(xrf2) =	vadd.scan.msk.f32 $0xffff, v55  }
0x5a7: {  	v56 =	vmul.f32 v44, v44;
	v25 =	vadd.f32 v33, v27;
	v58 =	vadd.f32 v36, v30  }
0x5a8: {  	v42 =	vld [tilespmem:s28+$0xA510];
	v52 =	vmul.f32 v37, v6;
	v18 =	vsub.f32 $1.500000000e+00, v18;
	v55 =	vmul.f32 v37, v5;
	(xrf2) =	vadd.scan.msk.f32 $0xffff, v17  }
0x5a9: {  	v50 =	vld [tilespmem:s28+$0xA520];
	v9 =	vmul.f32 v34, v9;
	v8 =	vmul.f32 v45, v8;
	v46 =	vadd.f32 v58, v25  }
0x5aa: {  	v48 =	vadd.f32 v56, v63;
	v34 =	vmul.f32 v52, v22;
	v59 =	vmul.f32 v30, v30;
	v25 =	vld [tilespmem:s28+$0xA530]  }
0x5ab: {  	v18 =	vmul.f32 v18, v31;
	v31 =	vadd.f32 v44, v38;
	v57 =	vmul.f32 v47, v47;
	(xrf2) =	vadd.scan.msk.f32 $0xffff, v46  }
0x5ac: {  	v17 =	vmul.f32 v41, v41;
	v52 =	vmul.f32 v55, v35;
	v39 =	vadd.f32 v60, v59  }
0x5ad: {  	v31 =	vadd.f32 v31, v62;
	v58 =	vadd.f32 v42, v47;
	v59 =	vmul.f32 v42, v42  }
0x5ae: {  	v49 =	vmul.f32 v50, v50;
	v56 =	vmul.f32 v18, v4;
	v17 =	vadd.f32 v61, v17  }
0x5af: {  	v39 =	vadd.f32 v39, v40;
	v46 =	vmul.f32 v29, v5;
	v60 =	vadd.f32 v25, v50  }
0x5b0: {  	v29 =	vmul.f32 v29, v4;
	v40 =	vadd.f32 v59, v57;
	(xrf2) =	vadd.scan.msk.f32 $0xffff, v31;
	v31 =	vmul.f32 v37, v7;
	v62, _, _ =	vpop (xrf2)  }
0x5b1: {  	v61 =	vmul.f32 v25, v25;
	v51 =	vadd.f32 v60, v58;
	v53 =	vmul.f32 $1.562500000e-02, v62  }
0x5b2: {  	v37 =	vmul.f32 v37, v4;
	v17 =	vadd.f32 v48, v17;
	v48 =	vmul.f32 v18, v7;
	v63, _, _ =	vpop (xrf2)  }
0x5b3: {  	v49 =	vadd.f32 v61, v49;
	(xrf2) =	vadd.scan.msk.f32 $0xffff, v51;
	v60 =	vmul.f32 $1.562500000e-02, v63;
	v61 =	vmul.f32 v53, v53  }
0x5b4: {  	v35 =	vadd.f32 v9, v3;
	v15 =	vmul.f32 v46, v15;
	v51 =	vmul.f32 v18, v6;
	(xrf2) =	vadd.scan.msk.f32 $0xffff, v39  }
0x5b5: {  	v40 =	vadd.f32 v49, v40;
	v49 =	vmul.f32 v18, v5;
	v18 =	vsub.f32 v60, v61;
	v62, _, _ =	vpop (xrf2)  }
0x5b6: {  	v54 =	vadd.f32 v8, v1;
	v63 =	vmul.f32 v29, v16;
	v16 =	vmul.f32 $1.562500000e-02, v62  }
0x5b7: {  	v34 =	vadd.f32 v34, v1;
	v31 =	vmul.f32 v31, v21;
	(xrf2) =	vadd.scan.msk.f32 $0xffff, v17;
	v18 =	vadd.f32 $9.999999740e-06, v18  }
0x5b8: {  	v46 =	vadd.f32 v10, v2;
	v37 =	vmul.f32 v37, v20;
	v55 =	vadd.f32 v15, v2  }
0x5b9: {  	v31 =	vadd.f32 v31, v3;
	v28 =	vmul.f32 v51, v28;
	v17 =	vbroadcast v18, $0xF  }
0x5ba: {  	v39 =	vadd.f32 v19, v1;
	v10 =	vbroadcast v16, $0xF;
	v9 =	vmul.f32 v16, v16;
	v16, _, _ =	vpop (xrf2)  }
0x5bb: {  	(xrf2) =	vadd.scan.msk.f32 $0xffff, v40;
	v8 =	vmul.f32 $1.562500000e-02, v16;
	v15 =	vshra.s32 v17, $0x1;
	v57 =	vmul.f32 $5.000000000e-01, v17  }
0x5bc: {  	v19 =	vsub.f32 v30, v10;
	v20 =	vsub.f32 v36, v10;
	v29 =	vsub.s32 $0x5F3759DF, v15  }
0x5bd: {  	v16 =	vsub.f32 v27, v10;
	v18, _, _ =	vpop (xrf2);
	v27 =	vbroadcast v8, $0xF;
	v21 =	vmul.f32 v29, v57  }
0x5be: {  	v17 =	vsub.f32 v33, v10;
	v15 =	vmul.f32 $1.562500000e-02, v18;
	v8 =	vmul.f32 v8, v8;
	v10, _, _ =	vpop (xrf2)  }
0x5bf: {  	v10 =	vmul.f32 $1.562500000e-02, v10;
	v18 =	vsub.f32 v41, v27;
	v30 =	vmul.f32 v29, v21  }
0x5c0: {  	v33 =	vbroadcast v15, $0xF;
	v21 =	vsub.f32 v43, v27;
	v22 =	vsub.f32 v38, v27  }
0x5c1: {  	v58 =	vmul.f32 v15, v15;
	v15 =	vsub.f32 v44, v27;
	v59, _, _ =	vpop (xrf2);
	v30 =	vsub.f32 $1.500000000e+00, v30  }
0x5c2: {  	v27 =	vmul.f32 v48, v23;
	v23 =	vsub.f32 v10, v9;
	v38 =	vmul.f32 $1.562500000e-02, v59  }
0x5c3: {  	v63 =	vadd.f32 v63, v0;
	v10 =	vsub.f32 v47, v33;
	v60 =	vmul.f32 v29, v30  }
0x5c4: {  	v23 =	vadd.f32 $9.999999740e-06, v23;
	v30 =	vsub.f32 v38, v8;
	v29 =	vmul.f32 v49, v26  }
0x5c5: {  	v9 =	vsub.f32 v42, v33;
	v49 =	vbroadcast v53, $0xF;
	v61, _, _ =	vpop (xrf2);
	v26 =	vmul.f32 v60, v57  }
0x5c6: {  	v23 =	vbroadcast v23, $0xF;
	v38 =	vmul.f32 $1.562500000e-02, v61;
	v62 =	vadd.f32 $9.999999740e-06, v30  }
0x5c7: {  	v8 =	vsub.f32 v50, v33;
	v30 =	vmul.f32 v56, v24;
	v24 =	vmul.f32 v26, v60  }
0x5c8: {  	v44 =	vshra.s32 v23, $0x1;
	v26 =	vsub.f32 v38, v58;
	v45 =	vbroadcast v62, $0xF  }
0x5c9: {  	v23 =	vmul.f32 $5.000000000e-01, v23;
	v36 =	vsub.s32 $0x5F3759DF, v44;
	v24 =	vsub.f32 $1.500000000e+00, v24  }
0x5ca: {  	[tilespmem:s29+$0x12580] =	vst v32;
	v26 =	vadd.f32 $9.999999740e-06, v26;
	v47 =	vshra.s32 v45, $0x1;
	v38 =	vmul.f32 $5.000000000e-01, v45  }
0x5cb: {  	[tilespmem:s29+$0x12400] =	vst v35;
	v50 =	vmul.f32 v36, v23;
	v48 =	vsub.s32 $0x5F3759DF, v47;
	v24 =	vmul.f32 v24, v60  }
0x5cc: {  	[tilespmem:s29+$0x12410] =	vst v54;
	v14 =	vsub.f32 v14, v49;
	v51 =	vmul.f32 v48, v38;
	v26 =	vbroadcast v26, $0xF  }
0x5cd: {  	[tilespmem:s29+$0x12490] =	vst v34;
	v40 =	vsub.f32 v11, v49;
	v54 =	vmul.f32 v36, v50;
	v53 =	vmul.f32 v24, v4  }
0x5ce: {  	[tilespmem:s29+$0x12420] =	vst v55;
	v41 =	vmul.f32 v48, v51;
	v55 =	vshra.s32 v26, $0x1;
	v32 =	vmul.f32 $5.000000000e-01, v26  }
0x5cf: {  	[tilespmem:s29+$0x125A0] =	vst v46;
	v26 =	vsub.f32 $1.500000000e+00, v54;
	v56 =	vsub.s32 $0x5F3759DF, v55;
	v14 =	vmul.f32 v53, v14  }
0x5d0: {  	[tilespmem:s29+$0x12480] =	vst v31;
	v60 =	vsub.f32 v13, v49;
	v57 =	vsub.f32 $1.500000000e+00, v41;
	v31 =	vmul.f32 v56, v32  }
0x5d1: {  	[tilespmem:s29+$0x12590] =	vst v39;
	v58 =	vmul.f32 v24, v7;
	v34 =	vmul.f32 v36, v26;
	v59 =	vadd.f32 v14, v0  }
0x5d2: {  	[tilespmem:s29+$0x12430] =	vst v63;
	v14 =	vsub.f32 v25, v33;
	v35 =	vmul.f32 v48, v57;
	v25 =	vmul.f32 v56, v31  }
0x5d3: {  	s1 =	simm.s32 $0x400;
	v26 =	vmul.f32 v24, v6;
	v31 =	vsub.f32 v12, v49;
	v23 =	vmul.f32 v34, v23;
	[tilespmem:s28+$0x125B0] =	vst v59  }
0x5d4: {  	v24 =	vmul.f32 v24, v5;
	v61 =	vmul.f32 v35, v38;
	v62 =	vsub.f32 $1.500000000e+00, v25;
	v12 =	vld [tilespmem:s1+$0xA580]  }
0x5d5: {  	v63 =	vmul.f32 v23, v34;
	v25 =	vmul.f32 v58, v31;
	v31 =	vadd.f32 v52, v2;
	v13 =	vld [tilespmem:s1+$0xA590]  }
0x5d6: {  	v38 =	vadd.f32 v37, v0;
	v11 =	vld [tilespmem:s1+$0xA5A0];
	v36 =	vmul.f32 v61, v35;
	v33 =	vmul.f32 v56, v62  }
0x5d7: {  	s0 =	simm.s32 $0x1800;
	v26 =	vmul.f32 v26, v60;
	v24 =	vmul.f32 v24, v40;
	v23 =	vld [tilespmem:s1+$0xA5B0];
	v37 =	vsub.f32 $1.500000000e+00, v63;
	[tilespmem:s29+$0x124A0] =	vst v31  }
.LBB2_14:
0x5d8: {  	p0 =	sne.s32 s0, $0xF800;
	v31 =	vld [tilespmem:s1+$0xA400];
	v36 =	vsub.f32 $1.500000000e+00, v36;
	v39 =	vmul.f32 v33, v32;
	[tilespmem:s29+$0x124B0] =	vst v38;
	v38 =	vadd.f32 v27, v3  }
0x5d9: {  	v32 =	vld [tilespmem:s1+$0xA410];
	v40 =	vmul.f32 v37, v34;
	v34 =	vadd.f32 v28, v1;
	v37 =	vadd.f32 v29, v2  }
0x5da: {  	v27 =	vld [tilespmem:s1+$0xA420];
	v41 =	vmul.f32 v36, v35;
	v35 =	vmul.f32 v39, v33;
	[tilespmem:s29+$0x12500] =	vst v38;
	v36 =	vadd.f32 v30, v0  }
0x5db: {  	v38 =	vadd.f32 v13, v12;
	v28 =	vld [tilespmem:s1+$0xA430];
	v42 =	vmul.f32 v40, v7;
	v43 =	vmul.f32 v40, v6;
	[tilespmem:s29+$0x12510] =	vst v34  }
0x5dc: {  	v44 =	vmul.f32 v12, v12;
	v45 =	vmul.f32 v13, v13;
	v29 =	vld [tilespmem:s1+$0xA480];
	v39 =	vadd.f32 v23, v11;
	[tilespmem:s29+$0x12520] =	vst v37  }
0x5dd: {  	v37 =	vmul.f32 v11, v11;
	v46 =	vmul.f32 v23, v23;
	v47 =	vsub.f32 $1.500000000e+00, v35;
	v30 =	vld [tilespmem:s1+$0xA490];
	[tilespmem:s29+$0x12530] =	vst v36;
	s29 =	smov.u32 s28;
	s28 =	smov.u32 s1  }
0x5de: {  	v49 =	vmul.f32 v31, v31;
	v48 =	vadd.f32 v32, v31;
	v34 =	vld [tilespmem:s28+$0xA4A0];
	v38 =	vadd.f32 v39, v38  }
0x5df: {  	v44 =	vadd.f32 v45, v44;
	v39 =	vmul.f32 v32, v32;
	v45 =	vadd.f32 v46, v37;
	v36 =	vld [tilespmem:s28+$0xA4B0]  }
0x5e0: {  	v50 =	vmul.f32 v27, v27;
	v46 =	vadd.f32 v28, v27;
	v51 =	vmul.f32 v28, v28;
	v35 =	vld [tilespmem:s28+$0xA500];
	(xrf2) =	vadd.scan.msk.f32 $0xffff, v38  }
0x5e1: {  	v49 =	vadd.f32 v39, v49;
	v44 =	vadd.f32 v45, v44;
	v52 =	vmul.f32 v29, v29;
	v37 =	vld [tilespmem:s28+$0xA510]  }
0x5e2: {  	v45 =	vadd.f32 v46, v48;
	v46 =	vadd.f32 v30, v29;
	v48 =	vmul.f32 v30, v30;
	v38 =	vld [tilespmem:s28+$0xA520]  }
0x5e3: {  	v33 =	vmul.f32 v47, v33;
	v50 =	vadd.f32 v51, v50;
	v51 =	vmul.f32 v34, v34;
	v39 =	vld [tilespmem:s28+$0xA530];
	(xrf2) =	vadd.scan.msk.f32 $0xffff, v44  }
0x5e4: {  	v44 =	vadd.f32 v36, v34;
	v47 =	vadd.f32 v48, v52;
	v48 =	vmul.f32 v36, v36  }
0x5e5: {  	v49 =	vadd.f32 v50, v49;
	v52 =	vmul.f32 v40, v5;
	v50 =	vmul.f32 v35, v35  }
0x5e6: {  	v44 =	vadd.f32 v44, v46;
	v46 =	vadd.f32 v37, v35;
	v53 =	vmul.f32 v37, v37;
	(xrf2) =	vadd.scan.msk.f32 $0xffff, v45  }
0x5e7: {  	v40 =	vmul.f32 v40, v4;
	v45 =	vadd.f32 v48, v51;
	v48 =	vmul.f32 v38, v38  }
0x5e8: {  	v54 =	vadd.f32 v39, v38;
	v50 =	vadd.f32 v53, v50;
	v53 =	vmul.f32 v39, v39  }
0x5e9: {  	v45 =	vadd.f32 v45, v47;
	v47 =	vmul.f32 v41, v6;
	(xrf2) =	vadd.scan.msk.f32 $0xffff, v44;
	v44 =	vmul.f32 v41, v7  }
0x5ea: {  	v46 =	vadd.f32 v54, v46;
	v48 =	vadd.f32 v53, v48;
	v51, _, _ =	vpop (xrf2);
	v53 =	vmul.f32 v41, v5  }
0x5eb: {  	v25 =	vadd.f32 v25, v3;
	v41 =	vmul.f32 v41, v4;
	v54 =	vmul.f32 v33, v7  }
0x5ec: {  	v48 =	vadd.f32 v48, v50;
	v50 =	vmul.f32 $1.562500000e-02, v51;
	(xrf2) =	vadd.scan.msk.f32 $0xffff, v46;
	v46 =	vmul.f32 v33, v6  }
0x5ed: {  	v55 =	vmul.f32 v33, v5;
	v33 =	vmul.f32 v33, v4;
	v51, _, _ =	vpop (xrf2);
	[tilespmem:s29+$0x12580] =	vst v25;
	v25 =	vadd.f32 v26, v1  }
0x5ee: {  	v24 =	vadd.f32 v24, v2;
	v56 =	vmul.f32 $1.562500000e-02, v51;
	v51 =	vmul.f32 v50, v50  }
0x5ef: {  	v16 =	vmul.f32 v42, v16;
	v17 =	vmul.f32 v43, v17;
	(xrf2) =	vadd.scan.msk.f32 $0xffff, v49;
	[tilespmem:s29+$0x12590] =	vst v25  }
0x5f0: {  	v19 =	vmul.f32 v52, v19;
	v40 =	vmul.f32 v40, v20;
	v25 =	vsub.f32 v56, v51;
	v26, _, _ =	vpop (xrf2);
	[tilespmem:s29+$0x125A0] =	vst v24  }
0x5f1: {  	v16 =	vadd.f32 v16, v3;
	v43 =	vmul.f32 $1.562500000e-02, v26;
	v26 =	vmul.f32 v44, v18  }
0x5f2: {  	v24 =	vmul.f32 v53, v22;
	v18 =	vadd.f32 $9.999999740e-06, v25;
	(xrf2) =	vadd.scan.msk.f32 $0xffff, v45;
	v25 =	vmul.f32 v47, v21  }
0x5f3: {  	v22 =	vadd.f32 v17, v1;
	v21 =	vbroadcast v43, $0xF;
	v42 =	vmul.f32 v43, v43;
	v20, _, _ =	vpop (xrf2);
	[tilespmem:s29+$0x12400] =	vst v16  }
0x5f4: {  	v19 =	vadd.f32 v19, v2;
	v20 =	vmul.f32 $1.562500000e-02, v20;
	v43 =	vbroadcast v18, $0xF  }
0x5f5: {  	v16 =	vsub.f32 v31, v21;
	v17 =	vsub.f32 v32, v21;
	(xrf2) =	vadd.scan.msk.f32 $0xffff, v48;
	v31 =	vmul.f32 v41, v15  }
0x5f6: {  	v32 =	vmul.f32 v20, v20;
	v15 =	vshra.s32 v43, $0x1;
	v41 =	vmul.f32 $5.000000000e-01, v43;
	v18, _, _ =	vpop (xrf2);
	[tilespmem:s29+$0x12410] =	vst v22  }
0x5f7: {  	v43 =	vbroadcast v20, $0xF;
	v22 =	vmul.f32 $1.562500000e-02, v18;
	v44 =	vsub.s32 $0x5F3759DF, v15;
	[tilespmem:s29+$0x12420] =	vst v19  }
0x5f8: {  	v20 =	vsub.f32 v28, v21;
	v19 =	vsub.f32 v27, v21;
	v15 =	vmul.f32 v44, v41  }
0x5f9: {  	v18 =	vsub.f32 v29, v43;
	v29 =	vbroadcast v22, $0xF;
	v45 =	vmul.f32 v22, v22;
	v21, _, _ =	vpop (xrf2)  }
0x5fa: {  	v28 =	vmul.f32 $1.562500000e-02, v21;
	v21 =	vsub.f32 v30, v43;
	v30 =	vmul.f32 v44, v15  }
0x5fb: {  	v27 =	vmul.f32 v54, v10;
	v22 =	vsub.f32 v34, v43;
	v15 =	vsub.f32 v36, v43  }
0x5fc: {  	v34 =	vsub.f32 v28, v42;
	v30 =	vsub.f32 $1.500000000e+00, v30;
	v10, _, _ =	vpop (xrf2);
	v28 =	vmul.f32 v46, v9  }
0x5fd: {  	v9 =	vsub.f32 v37, v29;
	v42 =	vmul.f32 $1.562500000e-02, v10;
	v10 =	vsub.f32 v35, v29  }
0x5fe: {  	v35 =	vsub.f32 v38, v29;
	v34 =	vadd.f32 $9.999999740e-06, v34;
	v37 =	vmul.f32 v44, v30  }
0x5ff: {  	v30 =	vsub.f32 v42, v32;
	v32 =	vsub.f32 v39, v29;
	v36, _, _ =	vpop (xrf2);
	v29 =	vmul.f32 v55, v8  }
0x600: {  	v39 =	vadd.f32 v40, v0;
	v8 =	vmovc v35;
	v36 =	vmul.f32 $1.562500000e-02, v36;
	v38 =	vmul.f32 v37, v41  }
0x601: {  	v34 =	vbroadcast v34, $0xF;
	v35 =	vadd.f32 $9.999999740e-06, v30;
	v30 =	vmul.f32 v33, v14;
	v14 =	vmovc v32  }
0x602: {  	v26 =	vadd.f32 v26, v3;
	v32 =	vsub.f32 v36, v45;
	v33 =	vmul.f32 v38, v37;
	[tilespmem:s29+$0x12430] =	vst v39  }
0x603: {  	v36 =	vshra.s32 v34, $0x1;
	v38 =	vmul.f32 $5.000000000e-01, v34;
	v34 =	vbroadcast v35, $0xF  }
0x604: {  	v35 =	vsub.s32 $0x5F3759DF, v36;
	v32 =	vadd.f32 $9.999999740e-06, v32;
	v33 =	vsub.f32 $1.500000000e+00, v33;
	[tilespmem:s29+$0x12480] =	vst v26  }
0x605: {  	v26 =	vmul.f32 v35, v38;
	v36 =	vshra.s32 v34, $0x1;
	v39 =	vmul.f32 $5.000000000e-01, v34  }
0x606: {  	v40 =	vbroadcast v50, $0xF;
	v36 =	vsub.s32 $0x5F3759DF, v36;
	v33 =	vmul.f32 v33, v37  }
0x607: {  	v25 =	vadd.f32 v25, v1;
	v32 =	vbroadcast v32, $0xF;
	v34 =	vmul.f32 v36, v39  }
0x608: {  	v23 =	vsub.f32 v23, v40;
	v26 =	vmul.f32 v35, v26;
	v37 =	vmul.f32 v33, v4  }
0x609: {  	v41 =	vshra.s32 v32, $0x1;
	v32 =	vmul.f32 $5.000000000e-01, v32;
	v34 =	vmul.f32 v36, v34;
	[tilespmem:s29+$0x12490] =	vst v25  }
0x60a: {  	v25 =	vsub.f32 $1.500000000e+00, v26;
	v26 =	vsub.s32 $0x5F3759DF, v41;
	v23 =	vmul.f32 v37, v23  }
0x60b: {  	v42 =	vmul.f32 v33, v7;
	v41 =	vmul.f32 v26, v32;
	v37 =	vsub.f32 $1.500000000e+00, v34  }
0x60c: {  	v43 =	vmul.f32 v33, v6;
	v34 =	vmul.f32 v35, v25;
	v23 =	vadd.f32 v23, v0  }
0x60d: {  	v25 =	vmul.f32 v26, v41;
	v35 =	vmul.f32 v36, v37;
	v36 =	vsub.f32 v12, v40  }
.Ltmp6:
0x60e: {  	s1 =	sshra.s32 s0, $0x2;
	v44 =	vmul.f32 v33, v5;
	v41 =	vsub.f32 v13, v40;
	v37 =	vmul.f32 v34, v38;
	[tilespmem:s28+$0x125B0] =	vst v23;
	(pc) =	sbr.rel @p0 .LBB2_14-.Ltmp6, $4  }
0x60f: {  	v33 =	vsub.f32 $1.500000000e+00, v25;
	v12 =	vld [tilespmem:s1+$0xA580];
	v23 =	vmul.f32 v35, v39;
	v39 =	vsub.f32 v11, v40  }
0x610: {  	v37 =	vmul.f32 v37, v34;
	v25 =	vmul.f32 v42, v36;
	v40 =	vadd.f32 v24, v2;
	v13 =	vld [tilespmem:s1+$0xA590]  }
0x611: {  	v38 =	vadd.f32 v31, v0;
	v33 =	vmul.f32 v26, v33;
	v11 =	vld [tilespmem:s1+$0xA5A0];
	v36 =	vmul.f32 v23, v35  }
0x612: {  	s0 =	sadd.s32 $0x800, s0;
	v26 =	vmul.f32 v43, v41;
	v37 =	vsub.f32 $1.500000000e+00, v37;
	v24 =	vmul.f32 v44, v39;
	v23 =	vld [tilespmem:s1+$0xA5B0];
	[tilespmem:s29+$0x124A0] =	vst v40  }
0x613: {  	v27 =	vadd.f32 v27, v3;
	v28 =	vadd.f32 v28, v1  }
0x614: {  	v31 =	vld [tilespmem:s1+$0xA400];
	[tilespmem:s29+$0x124B0] =	vst v38;
	v48 =	vsub.f32 $1.500000000e+00, v36;
	v29 =	vadd.f32 v29, v2  }
0x615: {  	v32 =	vmul.f32 v33, v32;
	v30 =	vadd.f32 v30, v0;
	v25 =	vadd.f32 v25, v3;
	v38 =	vld [tilespmem:s1+$0xA410]  }
0x616: {  	v39 =	vld [tilespmem:s1+$0xA420];
	v51 =	vmul.f32 v12, v12;
	v26 =	vadd.f32 v26, v1;
	[tilespmem:s29+$0x12500] =	vst v27;
	v27 =	vmul.f32 v48, v35  }
0x617: {  	v32 =	vmul.f32 v32, v33;
	v49 =	vadd.f32 v13, v12;
	v36 =	vld [tilespmem:s1+$0xA430];
	[tilespmem:s29+$0x12510] =	vst v28;
	v28 =	vmul.f32 v37, v34  }
0x618: {  	v40 =	vmul.f32 v13, v13;
	v42 =	vmul.f32 v11, v11;
	v34 =	vld [tilespmem:s1+$0xA480];
	[tilespmem:s29+$0x12520] =	vst v29;
	v50 =	vadd.f32 v23, v11  }
0x619: {  	v43 =	vmul.f32 v23, v23;
	v32 =	vsub.f32 $1.500000000e+00, v32;
	v41 =	vld [tilespmem:s1+$0xA490];
	[tilespmem:s29+$0x12530] =	vst v30;
	v30 =	vmul.f32 v28, v7  }
0x61a: {  	v37 =	vadd.f32 v40, v51;
	v35 =	vmul.f32 v28, v6;
	v53 =	vmul.f32 v31, v31  }
0x61b: {  	v44 =	vadd.f32 v38, v31;
	v29 =	vadd.f32 v50, v49;
	v54 =	vmul.f32 v38, v38  }
0x61c: {  	v45 =	vld [tilespmem:s1+$0xA4A0];
	v52 =	vadd.f32 v43, v42;
	v49 =	vmul.f32 v39, v39;
	v32 =	vmul.f32 v32, v33  }
0x61d: {  	v46 =	vld [tilespmem:s1+$0xA4B0];
	v16 =	vmul.f32 v30, v16;
	v17 =	vmul.f32 v35, v17;
	v47 =	vadd.f32 v36, v39  }
0x61e: {  	v48 =	vld [tilespmem:s1+$0xA500];
	v50 =	vmul.f32 v36, v36;
	(xrf2) =	vadd.scan.msk.f32 $0xffff, v29;
	v37 =	vadd.f32 v52, v37;
	v52 =	vmul.f32 v28, v5  }
0x61f: {  	v29 =	vld [tilespmem:s1+$0xA510];
	v55 =	vadd.f32 v54, v53;
	v28 =	vmul.f32 v28, v4;
	v54 =	vmul.f32 v27, v7  }
0x620: {  	v56 =	vmul.f32 v34, v34;
	v57 =	vadd.f32 v47, v44;
	v44 =	vld [tilespmem:s1+$0xA520];
	v58 =	vadd.f32 v41, v34;
	(xrf2) =	vadd.scan.msk.f32 $0xffff, v37  }
0x621: {  	v51 =	vmul.f32 v41, v41;
	v49 =	vadd.f32 v50, v49;
	v50 =	vld [tilespmem:s1+$0xA530];
	v19 =	vmul.f32 v52, v19  }
0x622: {  	v20 =	vmul.f32 v28, v20;
	v18 =	vmul.f32 v54, v18;
	v60 =	vadd.f32 v46, v45  }
0x623: {  	v24 =	vadd.f32 v24, v2;
	v59 =	vmul.f32 v45, v45;
	v61 =	vmul.f32 v46, v46;
	(xrf2) =	vadd.scan.msk.f32 $0xffff, v57  }
0x624: {  	v62 =	vmul.f32 v48, v48;
	v42 =	vadd.f32 v51, v56;
	v33 =	vadd.f32 v60, v58  }
0x625: {  	v40 =	vadd.f32 v49, v55;
	v19 =	vadd.f32 v19, v2;
	v56 =	vmul.f32 v29, v29  }
0x626: {  	v55 =	vmul.f32 v32, v7;
	v63 =	vadd.f32 v29, v48;
	v53 =	vadd.f32 v50, v44;
	(xrf2) =	vadd.scan.msk.f32 $0xffff, v33  }
0x627: {  	v37 =	vadd.f32 v61, v59;
	v57 =	vmul.f32 v44, v44;
	v47 =	vadd.f32 v56, v62  }
0x628: {  	v58 =	vmul.f32 v50, v50;
	v33 =	vmul.f32 v27, v6;
	v43 =	vadd.f32 v53, v63;
	v59, _, _ =	vpop (xrf2)  }
0x629: {  	v37 =	vadd.f32 v37, v42;
	v56 =	vmul.f32 v32, v5;
	v42 =	vmul.f32 $1.562500000e-02, v59  }
0x62a: {  	v20 =	vadd.f32 v20, v0;
	v53 =	vmul.f32 v27, v5;
	v27 =	vmul.f32 v27, v4;
	(xrf2) =	vadd.scan.msk.f32 $0xffff, v43;
	v60, _, _ =	vpop (xrf2)  }
0x62b: {  	v18 =	vadd.f32 v18, v3;
	(xrf2) =	vadd.scan.msk.f32 $0xffff, v40;
	v61 =	vmul.f32 $1.562500000e-02, v60;
	v62 =	vmul.f32 v42, v42  }
0x62c: {  	v49 =	vadd.f32 v58, v57;
	v21 =	vmul.f32 v33, v21;
	v33 =	vadd.f32 v16, v3  }
0x62d: {  	v8 =	vmul.f32 v56, v8;
	v43 =	vmul.f32 v32, v6;
	v40, _, _ =	vpop (xrf2);
	(xrf2) =	vadd.scan.msk.f32 $0xffff, v37;
	v63 =	vsub.f32 v61, v62  }
0x62e: {  	v32 =	vmul.f32 v32, v4;
	v47 =	vadd.f32 v49, v47;
	v22 =	vmul.f32 v53, v22  }
0x62f: {  	v27 =	vmul.f32 v27, v15;
	v49 =	vmul.f32 $1.562500000e-02, v40;
	v30 =	vadd.f32 $9.999999740e-06, v63  }
0x630: {  	v21 =	vadd.f32 v21, v1;
	v43 =	vmul.f32 v43, v9;
	v14 =	vmul.f32 v32, v14;
	v52, _, _ =	vpop (xrf2);
	(xrf2) =	vadd.scan.msk.f32 $0xffff, v47  }
0x631: {  	v8 =	vadd.f32 v8, v2;
	v51 =	vbroadcast v49, $0xF;
	v30 =	vbroadcast v30, $0xF  }
0x632: {  	v37 =	vadd.f32 v17, v1;
	v28 =	vmul.f32 v49, v49;
	v35 =	vmul.f32 $1.562500000e-02, v52  }
0x633: {  	v31 =	vsub.f32 v31, v51;
	v53 =	vshra.s32 v30, $0x1;
	v30 =	vmul.f32 $5.000000000e-01, v30  }
0x634: {  	v17 =	vsub.f32 v38, v51;
	v57 =	vbroadcast v35, $0xF;
	v54, _, _ =	vpop (xrf2);
	v58 =	vsub.s32 $0x5F3759DF, v53  }
0x635: {  	v39 =	vsub.f32 v39, v51;
	v35 =	vmul.f32 v35, v35;
	v60, _, _ =	vpop (xrf2);
	v15 =	vmul.f32 v58, v30  }
0x636: {  	v36 =	vsub.f32 v36, v51;
	v38 =	vmul.f32 $1.562500000e-02, v54;
	v49 =	vmul.f32 $1.562500000e-02, v60  }
0x637: {  	v34 =	vsub.f32 v34, v57;
	v41 =	vsub.f32 v41, v57;
	v51, _, _ =	vpop (xrf2);
	v61 =	vmul.f32 v58, v15  }
0x638: {  	v15 =	vsub.f32 v46, v57;
	v62 =	vsub.f32 v49, v28;
	v46 =	vmul.f32 $1.562500000e-02, v51  }
0x639: {  	v45 =	vsub.f32 v45, v57;
	v59 =	vbroadcast v38, $0xF;
	v63 =	vsub.f32 $1.500000000e+00, v61  }
0x63a: {  	v38 =	vmul.f32 v38, v38;
	v52 =	vadd.f32 $9.999999740e-06, v62;
	v53, _, _ =	vpop (xrf2);
	v35 =	vsub.f32 v46, v35  }
0x63b: {  	v48 =	vsub.f32 v48, v59;
	v9 =	vsub.f32 v29, v59;
	v54 =	vmul.f32 $1.562500000e-02, v53  }
0x63c: {  	v28 =	vmul.f32 v58, v63;
	v29 =	vbroadcast v52, $0xF;
	v35 =	vadd.f32 $9.999999740e-06, v35  }
0x63d: {  	v40 =	vmul.f32 v55, v10;
	v10 =	vsub.f32 v44, v59;
	v38 =	vsub.f32 v54, v38  }
0x63e: {  	v30 =	vmul.f32 v28, v30;
	v55 =	vshra.s32 v29, $0x1;
	v35 =	vbroadcast v35, $0xF  }
0x63f: {  	v29 =	vmul.f32 $5.000000000e-01, v29;
	v38 =	vadd.f32 $9.999999740e-06, v38;
	v56 =	vsub.s32 $0x5F3759DF, v55  }
0x640: {  	v30 =	vmul.f32 v30, v28;
	v57 =	vshra.s32 v35, $0x1;
	v35 =	vmul.f32 $5.000000000e-01, v35  }
0x641: {  	v44 =	vmul.f32 v56, v29;
	v38 =	vbroadcast v38, $0xF;
	v46 =	vsub.s32 $0x5F3759DF, v57  }
0x642: {  	v16 =	vsub.f32 v50, v59;
	v30 =	vsub.f32 $1.500000000e+00, v30;
	v59 =	vmul.f32 v46, v35  }
0x643: {  	v44 =	vmul.f32 v56, v44;
	v58 =	vshra.s32 v38, $0x1;
	v38 =	vmul.f32 $5.000000000e-01, v38  }
0x644: {  	[tilespmem:s28+$0x12580] =	vst v25;
	v42 =	vbroadcast v42, $0xF;
	v28 =	vmul.f32 v30, v28;
	v30 =	vsub.s32 $0x5F3759DF, v58  }
0x645: {  	[tilespmem:s28+$0x12590] =	vst v26;
	v63 =	vmul.f32 v46, v59;
	v44 =	vsub.f32 $1.500000000e+00, v44;
	v62 =	vmul.f32 v30, v38  }
0x646: {  	[tilespmem:s28+$0x125A0] =	vst v24;
	v60 =	vsub.f32 v23, v42;
	v61 =	vmul.f32 v28, v4;
	v51 =	vmul.f32 v28, v7  }
0x647: {  	[tilespmem:s28+$0x12420] =	vst v19;
	v50 =	vsub.f32 $1.500000000e+00, v63;
	v32 =	vmul.f32 v56, v44;
	v52 =	vmul.f32 v28, v6  }
0x648: {  	[tilespmem:s28+$0x12430] =	vst v20;
	v54 =	vsub.f32 v12, v42;
	v49 =	vmul.f32 v30, v62;
	v23 =	vmul.f32 v61, v60  }
0x649: {  	[tilespmem:s28+$0x12480] =	vst v18;
	v59 =	vsub.f32 v11, v42;
	v53 =	vmul.f32 v46, v50;
	v55 =	vmul.f32 v32, v29  }
0x64a: {  	[tilespmem:s28+$0x12400] =	vst v33;
	v56 =	vsub.f32 v13, v42;
	v57 =	vmul.f32 v28, v5;
	v24 =	vsub.f32 $1.500000000e+00, v49  }
0x64b: {  	[tilespmem:s28+$0x12490] =	vst v21;
	v23 =	vadd.f32 v23, v0;
	v58 =	vmul.f32 v53, v35;
	v25 =	vmul.f32 v55, v32  }
0x64c: {  	[tilespmem:s28+$0x12410] =	vst v37;
	v62 =	vadd.f32 v27, v0;
	v60 =	vadd.f32 v22, v2;
	v24 =	vmul.f32 v30, v24  }
0x64d: {  	v12 =	vmul.f32 v51, v54;
	[tilespmem:s1+$0x125B0] =	vst v23;
	v18 =	vmul.f32 v58, v53;
	v25 =	vsub.f32 $1.500000000e+00, v25  }
0x64e: {  	v63 =	vadd.f32 v40, v3;
	v13 =	vmul.f32 v52, v56;
	v61 =	vmul.f32 v24, v38;
	[tilespmem:s28+$0x124A0] =	vst v60  }
0x64f: {  	v29 =	vadd.f32 v43, v1;
	[tilespmem:s28+$0x124B0] =	vst v62;
	v18 =	vsub.f32 $1.500000000e+00, v18;
	v28 =	vmul.f32 v25, v32  }
0x650: {  	v14 =	vadd.f32 v14, v0;
	v11 =	vmul.f32 v57, v59;
	[tilespmem:s28+$0x12500] =	vst v63;
	v22 =	vmul.f32 v61, v24  }
0x651: {  	v12 =	vadd.f32 v12, v3;
	[tilespmem:s28+$0x12510] =	vst v29;
	v18 =	vmul.f32 v18, v53;
	v32 =	vmul.f32 v28, v7  }
0x652: {  	v13 =	vadd.f32 v13, v1;
	[tilespmem:s28+$0x12520] =	vst v8;
	v33 =	vmul.f32 v28, v6;
	v37 =	vmul.f32 v28, v5  }
0x653: {  	v11 =	vadd.f32 v11, v2;
	[tilespmem:s28+$0x12530] =	vst v14;
	v38 =	vmul.f32 v28, v4;
	v19 =	vmul.f32 v32, v31  }
0x654: {  	[tilespmem:s1+$0x12580] =	vst v12;
	v30 =	vsub.f32 $1.500000000e+00, v22;
	v40 =	vmul.f32 v33, v17;
	v42 =	vmul.f32 v18, v7  }
0x655: {  	[tilespmem:s1+$0x12590] =	vst v13;
	v43 =	vmul.f32 v37, v39;
	v46 =	vmul.f32 v18, v6;
	v44 =	vadd.f32 v19, v3  }
0x656: {  	[tilespmem:s1+$0x125A0] =	vst v11;
	v20 =	vmul.f32 v38, v36;
	v49 =	vmul.f32 v18, v5;
	v47 =	vadd.f32 v40, v1  }
0x657: {  	v35 =	vmul.f32 v30, v24;
	v17 =	vmul.f32 v42, v34;
	v13 =	vadd.f32 v43, v2;
	[tilespmem:s1+$0x12400] =	vst v44  }
0x658: {  	v50 =	vmul.f32 v18, v4;
	v51 =	vmul.f32 v46, v41;
	v52 =	vadd.f32 v20, v0;
	[tilespmem:s1+$0x12410] =	vst v47  }
0x659: {  	v12 =	vmul.f32 v49, v45;
	v53 =	vmul.f32 v35, v7;
	[tilespmem:s1+$0x12420] =	vst v13;
	v54 =	vadd.f32 v17, v3  }
0x65a: {  	v14 =	vmul.f32 v50, v15;
	v55 =	vmul.f32 v35, v6;
	[tilespmem:s1+$0x12430] =	vst v52;
	v56 =	vadd.f32 v51, v1  }
0x65b: {  	v57 =	vmul.f32 v35, v5;
	v12 =	vadd.f32 v12, v2;
	v7 =	vmul.f32 v53, v48;
	[tilespmem:s1+$0x12480] =	vst v54  }
0x65c: {  	v58 =	vmul.f32 v35, v4;
	v59 =	vadd.f32 v14, v0;
	v6 =	vmul.f32 v55, v9;
	[tilespmem:s1+$0x12490] =	vst v56  }
0x65d: {  	v5 =	vmul.f32 v57, v10;
	[tilespmem:s1+$0x124A0] =	vst v12;
	v60 =	vadd.f32 v7, v3  }
0x65e: {  	v4 =	vmul.f32 v58, v16;
	[tilespmem:s1+$0x124B0] =	vst v59;
	v61 =	vadd.f32 v6, v1  }
0x65f: {  	v62 =	vadd.f32 v5, v2;
	[tilespmem:s1+$0x12500] =	vst v60  }
0x660: {  	v63 =	vadd.f32 v4, v0;
	[tilespmem:s1+$0x12510] =	vst v61  }
0x661: {  	[tilespmem:s1+$0x12520] =	vst v62  }
0x662: {  	s26 =	sadd.s32 $0x1, s26;
	[tilespmem:s1+$0x12530] =	vst v63  }
0x663: {  	[hbm4b:s11+s2] =	stream.linear.scatter [tilespmem:s22], [sflag:$0x4], $0x4000, $0x38;
	[tilespmem:$0x16480] =	vst v63  }
0x664: {  	p0 =	sne.s32 s26, s12;
	_ =	swait.ge [sflag:s24], $0x4000  }
.Ltmp7:
0x665: {  	[sflag:s24] =	ssyncset.done $0x0;
	(pc) =	sbr.rel @p0 .LBB2_1-.Ltmp7, $4  }
0x666: {  	[sflag:s24] =	ssyncadd.s32 $0xFFFFC000  }
0x667: {  	_ =	swait.ge [sflag:s25], $0x4000  }
0x668: {  	[sflag:s25] =	ssyncset.done $0x0  }
0x669: {  	[sflag:s25] =	ssyncadd.s32 $0xFFFFC000  }
0x66a: {  	_ =	sfence.sel $0x180000  }
0x66b: {  	[bflag:$0x0] =	sbarrier.arrive $0xFFFF  }
0x66c: {  	_ =	strace $0x90000047  }
0x66d: {  	s0 =	stileid.u32;
	[bflag:$0x2] =	sbarrier.arrive $0xFFFF  }
0x66e: {  	p0 =	sne.s32 s0, $0x0;
	s0 =	rddreg [dreg:$0x1]  }
0x66f: {  	s0 =	sadd.s32 @!p0 $0x100000, s0  }
0x670: {  	[sflag:s0] =	ssyncadd.tile.s32 @!p0 $0x1;
	_ =	shalt  }
.Lfunc_end2:
_tile_overlayer_lowered:
.L_overlay_start_2:
0x671: {  	(tag) =	ssettag $0x2  }
0x672: {  	s0 =	rddreg [dreg:$0x0];
	s2 =	stileid.u32  }
0x673: {  	s1 =	rddreg [dreg:$0x1];
	p0 =	sne.s32 s2, $0x0  }
0x674: {  	s3 =	rddreg [dreg:$0x2];
	[bflag:$0x3] =	sbarrier.arrive $0xFFFF;
	s2 =	simm.s32 @!p0 $0x1C05  }
0x675: {  	[timem:s3], [sflag:s2] =	dma.local @!p0 [hbm:s0], s1  }
0x676: {  	s0 =	simm.s32 @!p0 $0x5  }
0x677: {  	_ =	swait.ge @!p0 [sflag:s0], s1  }
0x678: {  	s1 =	ssub.s32 @!p0 $0x0, s1;
	[sflag:s0] =	ssyncset.done @!p0 $0x0  }
0x679: {  	[sflag:s0] =	ssyncadd.s32 @!p0 s1  }
0x67a: {  	[bflag:$0x3] =	sbarrier.arrive $0xFFFF  }
0x67b: {  	_ =	shalt  }

// kernel: sparse-core-data-format-call.cloned.1.call-start
scs
called_computation_lowered:
.L_overlay_start_0:
0x0: {  	s2 =	sld [smem:$0x3FD9]  }
0x1: {  	s3 =	sld [smem:$0x3FFE];
	_ =	sdelay $0x1  }
0x2: {  	s1 =	srdreg.scid  }
0x3: {  	s0 =	sand.u32 $0x1, s1  }
0x4: {  	s18 =	sshll.u32 s0, $0xA;
	s2 =	sadd.s32 s3, s2  }
0x5: {  	s2 =	sadd.s32 s2, s18  }
0x6: {  	[smem:$0x3FC3] =	sst s2  }
0x7: {  	_ = 	snop  }
0x8: {  	s2 =	sld [smem:$0x3FD0];
	(tm) =	ssettm $0x1  }
0x9: {  	s19 =	sld [smem:$0x3FFB];
	_ =	sdelay $0x3  }
0xa: {  	_ =	strace s19  }
0xb: {  	s3 =	sld [smem:$0x3FFC];
	_ =	sdelay $0x3  }
0xc: {  	_ =	strace s3  }
0xd: {  	s3 =	sld [smem:$0x3FFD];
	_ =	sdelay $0x3  }
0xe: {  	_ =	strace s3  }
0xf: {  	_ =	strace $0x8FFFFFFF  }
0x10: {  	s20 =	sld [smem:$0x3FDB];
	_ =	sdelay $0x1  }
0x11: {  	s4 =	simm.s32 $_scs_section_size  }
0x12: {  	s5 =	simm.s32 $_size__tile_overlayer_lowered;
	s6 =	simm.s32 $_tile_overlayer_lowered  }
0x13: {  	s23 =	simm.s32 $0x1BFF;
	s22 =	sshll.u32 s6, $0x1;
	s3 =	sadd.s32 s4, s20  }
0x14: {  	s7 =	simm.s32 $0x0;
	s21 =	sshll.u32 s5, $0x1;
	s5 =	sadd.s32 s22, s3  }
0x15: {  	[timem:s7], [sflag:s23] =	dma.local [hbm:s5], s21  }
0x16: {  	_ =	swait.ge [sflag:s23], s21  }
0x17: {  	s4 =	ssub.s32 $0x0, s21;
	[sflag:s23] =	ssyncset.done $0x0  }
0x18: {  	[sflag:s23] =	ssyncadd.s32 s4;
	_ =	sdelay $0x1  }
0x19: {  	s24 =	simm.s32 $0x1B8B  }
0x1a: {  	_ =	swait.ge [sflag:s24], $0x1  }
0x1b: {  	[sflag:s24] =	ssyncset.done $0x0  }
0x1c: {  	s26 =	simm.s32 $0x1B8E;
	s25 =	sld [smem:$0x3FFE];
	[sflag:s24] =	ssyncadd.s32 $0xFFFFFFFF  }
0x1d: {  	s27 =	simm.s32 $execute0_lowered;
	[smem:$0x3FD2] =	sst s26  }
0x1e: {  	s5 =	sshll.u32 s27, $0x1;
	_ =	strace $0x80000049;
	[dreg:$0x1] =	wrdreg $0xFFFFFFFF  }
0x1f: {  	s28 =	simm.s32 $_size_execute0_lowered;
	s3 =	sadd.s32 s3, s5;
	[dreg:$0x0] =	wrdreg $0x0  }
0x20: {  	s5 =	sshll.u32 s28, $0x1;
	[dreg:$0x2] =	wrdreg s3  }
0x21: {  	[dreg:$0x3] =	wrdreg s5  }
0x22: {  	[dreg:$0x4] =	wrdreg $0xC0  }
0x23: {  	_ =	task [dreg:s7], $0x5FFFF  }
0x24: {  	[dreg:$0x1] =	wrdreg $0xFFFFFFFF  }
0x25: {  	[dreg:$0x0] =	wrdreg $0x60  }
0x26: {  	[dreg:$0x2] =	wrdreg s25  }
0x27: {  	[dreg:$0x3] =	wrdreg s2  }
0x28: {  	[dreg:$0x4] =	wrdreg $0x9  }
0x29: {  	_ =	task.clear_ibuf [dreg:s7], $0x5FFFF;
	_ =	strace $0x90000049  }
0x2a: {  	s29 =	simm.s32 $0x9;
	_ =	strace $0x8000004B  }
0x2b: {  	_ =	swait.ge [sflag:s29], $0x1  }
0x2c: {  	[sflag:s29] =	ssyncadd.s32 $0xFFFFFFFF  }
0x2d: {  	_ =	strace $0x9000004B  }
0x2e: {  	_ =	sfence  }
0x2f: {  	s30 =	sld [smem:$0x0];
	_ =	sdelay $0x2  }
0x30: {  	s31 =	sshll.u32 s1, $0xD;
	s1 =	sshrl.u32 s1, $0x2  }
0x31: {  	s3 =	sand.u32 $0x4000, s31;
	s1 =	sadd.s32 s1, s30  }
0x32: {  	s0 =	sor.u32 s3, s0;
	s1 =	sshll.u32 s1, $0x11  }
0x33: {  	s0 =	sor.u32 s1, s0  }
0x34: {  	s0 =	sadd.s32 $0x8F2B, s0  }
0x35: {  	[sflag:s0] =	ssyncadd.remote.s32 $0x1  }
0x36: {  	_ =	sfence.sel $0xFFFF  }
0x37: {  	[dreg:$0x0] =	wrdreg $0xFFFFFFFF;
	(pc) =	sbr.abs _section_cstart, $3  }
0x38: {  	[dreg:$0x1] =	wrdreg $0xFFFFFFFF  }
0x39: {  	_ =	task.clear_ibuf [dreg:s7], $0x2FFFF;
	_ =	strace $0x9FFFFFFF  }
0x3a: {  	(tm) =	ssettm $0x7FFFFFFF  }
0x3b: {  	_ =	shalt  }
tec
execute0_lowered:
.L_overlay_start_1:
0x0: {  	(tag) =	ssettag $0x1  }
0x1: {  	s0 =	srdreg.scid  }
0x2: {  	s1 =	sshll.u32 s0, $0x4  }
0x3: {  	s0 =	stileid.u32;
	s1 =	sand.u32 $0x10, s1  }
0x4: {  	s1 =	sor.u32 s0, s1  }
0x5: {  	s6 =	rddreg [dreg:$0x0];
	s4 =	simm.s32 $0x1;
	s2 =	sshll.u32 s1, $0x7  }
0x6: {  	s7 =	simm.s32 $0x2;
	s12 =	simm.s32 $0x0;
	s1 =	ssub.s32 $0x1000, s2  }
0x7: {  	s8 =	simm.s32 $0x8000;
	s13 =	simm.s32 $0x0;
	s3 =	sand.u32 $0xF80, s1  }
0x8: {  	s9 =	simm.s32 $0x0;
	s5 =	sshrl.u32 s1, $0xC;
	p0 =	sne.s32 s3, $0x0  }
.Ltmp0:
0x9: {  	s1 =	rddreg [dreg:$0x2];
	s4 =	simm.s32 @!p0 $0x0;
	(pc) =	sbr.rel .LBB1_1-.Ltmp0, $4  }
0xa: {  	s11 =	simm.s32 $0x0;
	s3 =	rddreg [dreg:$0x1];
	s5 =	sadd.s32 s4, s5  }
0xb: {  	_ =	strace $0x8000004A;
	s4 =	simm.s32 $0x1;
	s5 =	smul.u32 $0xC8, s5  }
0xc: {  	s6 =	sadd.s32 $0x327600, s6;
	s10 =	smov.u32 s2;
	[sflag:s4] =	ssyncpa.u1 $0x0  }
0xd: {  	p0 =	por $0x0, $0x0;
	[sflag:s7] =	ssyncpa.u1 $0x0;
	s7 =	sor.u32 $0x1, s5  }
.LBB1_4:
0xe: {  	s16 =	sshll.u32 s13, $0x3;
	s17 =	sand.u32 $0x78, s13  }
0xf: {  	s30 =	sand.u32 $0x7E00, s13;
	s12 =	sshll.u32 s12, $0xF;
	s16 =	sand.u32 $0xC00, s16  }
0x10: {  	[tilespmem:s15+$0x810 ss:$0x81] =	vst.msk $0xffff, v2;
	s31 =	sand.u32 $0x7, s13;
	s16 =	sor.u32 s17, s16;
	s17 =	sadd.s32 s3, s30  }
0x11: {  	[tilespmem:s15+$0x1020 ss:$0x81] =	vst.msk $0xffff, v0;
	s13 =	sshll.u32 s31, $0x12;
	s12 =	sadd.s32 s12, s17;
	s16 =	sshrl.u32 s16, $0x3  }
0x12: {  	[tilespmem:s15+$0x0 ss:$0x81] =	vst.msk $0xffff, v1;
	s13 =	sor.u32 $0x400, s13;
	s12 =	sadd.s32 s16, s12  }
0x13: {  	[hbm4b:s12+s13] =	stream.strided.scatter [tilespmem:s14], [sflag:$0x2], $0x2000, s8, s13, $0x20;
	[tilespmem:$0x8080] =	vst v63  }
.LBB1_5:
0x14: {  	s14 =	sadd.s32 $0x1, s9  }
0x15: {  	s12 =	sadd.s32 $0x1000, s10;
	s16 =	smov.u32 s10;
	p2 =	sgt.s32 s14, $0xC7  }
0x16: {  	s16 =	smov.u32 @p2 s12  }
0x17: {  	s14 =	simm.s32 @p2 $0x0;
	p2 =	sgt.s32 s16, $0xFFF  }
0x18: {  	s16 =	smov.u32 @p2 s2;
	p2 =	sne.s32 s11, s7  }
.Ltmp1:
0x19: {  	p1 =	slt.u32 s11, $0x2;
	(pc) =	sbr.rel @!p2 .LBB1_6-.Ltmp1, $4  }
0x1a: {  	s15 =	simm.s32 @!p1 $0x2  }
0x1b: {  	s13 =	smov.u32 s10;
	p0 =	por !p0, !p0;
	_ =	swait.ge @!p1 [sflag:s15], $0x2000  }
0x1c: {  	s12 =	smov.u32 s9;
	[sflag:s15] =	ssyncset.done @!p1 $0x0;
	s9 =	smov.u32 s14  }
0x1d: {  	s11 =	sadd.s32 $0x1, s11;
	[sflag:s15] =	ssyncadd.s32 @!p1 $0xFFFFE000;
	s10 =	smov.u32 s16  }
.LBB1_1:
0x1e: {  	p1 =	sge.u32 s11, s5  }
0x1f: {  	s14 =	sand.u32 @!p1 $0x1FFFFFF, s9  }
0x20: {  	s15 =	smulhi.u32 @!p1 $0x147AE15, s14;
	_ =	sdelay $0x1  }
0x21: {  	s15 =	smul.u32 @!p1 $0xC8, s15  }
0x22: {  	s16 =	sxor.u32 @!p1 $0xFFFFFFFF, s11;
	s17 =	smul.u32 @!p1 $0xC80, s10  }
0x23: {  	s31 =	sadd.s32 $0xFFFFFFFF, s11;
	s16 =	sshll.u32 @!p1 s16, $0xD;
	s14 =	ssub.s32 @!p1 s14, s15  }
0x24: {  	s15 =	sand.u32 @!p1 $0x2000, s16;
	s16 =	sadd.s32 @!p1 s6, s17;
	s14 =	sshll.u32 @!p1 s14, $0x4  }
0x25: {  	s17 =	simm.s32 @!p1 $0x6400;
	s14 =	sadd.s32 @!p1 s14, s16;
	s16 =	simm.s32 @!p1 $0x40  }
0x26: {  	[tilespmem:s15], [sflag:$0x1] =	stream.strided.gather @!p1 [hbm4b:s14+s16], $0x2000, s17, s16, $0x38;
	[tilespmem:$0x8080] =	vst v63  }
0x27: {  	p1 =	sge.u32 s31, s5  }
.Ltmp2:
0x28: {  	_ = 	snop;
	(pc) =	sbr.rel @p1 .LBB1_5-.Ltmp2, $1  }
0x29: {  	_ =	sdelay $0x3  }
0x2a: {  	s14 =	simm.s32 $0x1  }
0x2b: {  	_ =	swait.ge [sflag:s4], $0x2000;
	s14 =	simm.s32 @!p0 $0x0  }
0x2c: {  	[sflag:s4] =	ssyncset.done $0x0;
	s15 =	sshll.u32 s14, $0xD  }
0x2d: {  	[sflag:s4] =	ssyncadd.s32 $0xFFFFE000;
	s18 =	sor.u32 $0x20, s15  }
0x2e: {  	s14 =	smul.u32 $0x8100, s14;
	v3 =	vld [tilespmem:s18+$0x10]  }
0x2f: {  	s30 =	sand.u32 $0x1, s11;
	v2 =	vld [tilespmem:s18+$0xFFFFFFF0]  }
0x30: {  	s15 =	smul.u32 $0x8100, s30;
	s14 =	sshrl.u32 s14, $0x2;
	v0 =	vld [tilespmem:s18+$0x0]  }
0x31: {  	v1 =	vld [tilespmem:s18+$0xFFFFFFE0];
	s16 =	sor.u32 $0x4000, s14  }
0x32: {  	s31 =	sshrl.u32 s15, $0x2;
	s15 =	sadd.s32 $0x0, s16  }
0x33: {  	s17 =	simm.s32 $0x4;
	s18 =	sadd.s32 $0x40, s18;
	s14 =	sor.u32 $0x4000, s31;
	[tilespmem:s15+$0x1830 ss:$0x81] =	vst.msk $0xffff, v3  }
.LBB1_3:
0x34: {  	v3 =	vld [tilespmem:s18+$0x10];
	p1 =	sne.s32 s17, $0x1FC;
	[tilespmem:s15+$0x810 ss:$0x81] =	vst.msk $0xffff, v2;
	s19 =	smov.u32 s17;
	s17 =	sadd.s32 $0x4, s17  }
.Ltmp3:
0x35: {  	v2 =	vld [tilespmem:s18+$0xFFFFFFF0];
	[tilespmem:s15+$0x1020 ss:$0x81] =	vst.msk $0xffff, v0;
	(pc) =	sbr.rel @p1 .LBB1_3-.Ltmp3, $4  }
0x36: {  	v0 =	vld [tilespmem:s18+$0x0];
	[tilespmem:s15+$0x0 ss:$0x81] =	vst.msk $0xffff, v1  }
0x37: {  	s15 =	sshra.s32 s19, $0x2;
	v1 =	vld [tilespmem:s18+$0xFFFFFFE0]  }
0x38: {  	s15 =	sadd.s32 s15, s16  }
0x39: {  	s18 =	sadd.s32 $0x40, s18;
	[tilespmem:s15+$0x1830 ss:$0x81] =	vst.msk $0xffff, v3  }
.Ltmp4:
0x3a: {  	_ = 	snop;
	(pc) =	sbr.rel .LBB1_4-.Ltmp4, $1  }
0x3b: {  	_ =	sdelay $0x3  }
.LBB1_6:
0x3c: {  	_ =	sfence.sel $0x180000  }
0x3d: {  	s2 =	simm.s32 $0x1;
	[bflag:$0x0] =	sbarrier.arrive $0xFFFF  }
0x3e: {  	s31 =	simm.s32 $0x2;
	[sflag:s2] =	ssyncpa.u1 $0x1  }
0x3f: {  	[sflag:s31] =	ssyncpa.u1 $0x1  }
0x40: {  	p0 =	sne.s32 s0, $0x0;
	_ =	strace $0x9000004A  }
0x41: {  	s0 =	sadd.s32 @!p0 $0x100000, s1;
	[bflag:$0x2] =	sbarrier.arrive $0xFFFF  }
0x42: {  	[sflag:s0] =	ssyncadd.tile.s32 @!p0 $0x1;
	_ =	shalt  }
.Lfunc_end1:
_tile_overlayer_lowered:
.L_overlay_start_2:
0x43: {  	(tag) =	ssettag $0x2  }
0x44: {  	s0 =	rddreg [dreg:$0x0];
	s2 =	stileid.u32  }
0x45: {  	s1 =	rddreg [dreg:$0x1];
	p0 =	sne.s32 s2, $0x0  }
0x46: {  	s3 =	rddreg [dreg:$0x2];
	[bflag:$0x3] =	sbarrier.arrive $0xFFFF;
	s2 =	simm.s32 @!p0 $0x1C01  }
0x47: {  	[timem:s3], [sflag:s2] =	dma.local @!p0 [hbm:s0], s1  }
0x48: {  	s0 =	simm.s32 @!p0 $0x1  }
0x49: {  	_ =	swait.ge @!p0 [sflag:s0], s1  }
0x4a: {  	s1 =	ssub.s32 @!p0 $0x0, s1;
	[sflag:s0] =	ssyncset.done @!p0 $0x0  }
0x4b: {  	[sflag:s0] =	ssyncadd.s32 @!p0 s1  }
0x4c: {  	[bflag:$0x3] =	sbarrier.arrive $0xFFFF  }
0x4d: {  	_ =	shalt  }

</sc_bundles>
